<compile_context>
chip_gen: v7x
topology: tpu7x:2x2x1
jax: 0.10.2.dev20260603
libtpu: 0.0.44.dev20260713+nightly
codegen_flags: <defaults>
</compile_context>

<pallas_src>
import jax
import jax.numpy as jnp
from jax import lax
from jax.experimental import pallas as pl
from jax.experimental.pallas import tpu as pltpu
from jax.experimental.pallas import tpu_sc as plsc
import functools

L = 16
NC, NS = 2, 16
NW = NC * NS
NBIS = 30
G = 16
CAP = 1024


def _tree_max(vs):
    vs = list(vs)
    while len(vs) > 1:
        nxt = [jnp.maximum(vs[i], vs[i + 1]) for i in range(0, len(vs) - 1, 2)]
        if len(vs) % 2:
            nxt.append(vs[-1])
        vs = nxt
    return vs[0]


def _sparsegen_rows(nrows, dim):
    rpw = nrows // NW
    nchunk = dim // L
    ngrp = nchunk // G
    mesh = plsc.VectorSubcoreMesh(core_axis_name="c", subcore_axis_name="s")

    @functools.partial(
        pl.kernel,
        out_type=jax.ShapeDtypeStruct((nrows, dim), jnp.float32),
        mesh=mesh,
        compiler_params=pltpu.CompilerParams(needs_layout_passes=False),
        scratch_types=[
            pltpu.VMEM((dim,), jnp.float32),
            pltpu.VMEM((dim,), jnp.float32),
            pltpu.VMEM((dim,), jnp.float32),
            pltpu.VMEM((ngrp * L,), jnp.float32),
            pltpu.VMEM(((ngrp // G) * L,), jnp.float32),
            pltpu.VMEM((CAP + L,), jnp.float32),
            pltpu.VMEM((CAP + L,), jnp.int32),
            pltpu.VMEM((CAP + L,), jnp.int32),
            pltpu.SemaphoreType.DMA,
            pltpu.SemaphoreType.DMA,
            pltpu.SemaphoreType.DMA,
        ],
    )
    def k(x_hbm, out_hbm, xz0, xz1, outb, gm, gm2, candz, candi0, candi1,
          in_sem0, in_sem1, out_sem):
        wid = lax.axis_index("s") * NC + lax.axis_index("c")
        zeros = jnp.zeros((L,), jnp.float32)
        iota = lax.iota(jnp.int32, L)
        xzs = [xz0, xz1]
        candis = [candi0, candi1]
        in_sems = [in_sem0, in_sem1]

        def in_copy(r, buf):
            return pltpu.make_async_copy(x_hbm.at[wid * rpw + r], buf,
                                         in_sems[r % 2])

        def out_copy(r):
            return pltpu.make_async_copy(outb, out_hbm.at[wid * rpw + r],
                                         out_sem)

        in_copy(0, xz0).start()

        @plsc.parallel_loop(0, nchunk, unroll=8)
        def _zout(i):
            outb[pl.ds(i * L, L)] = zeros

        def bisect(buf, ncc, lo0, hi0):

            def bis(t, c):
                lo, hi = c
                mid = 0.5 * (lo + hi)

                def sw(i, acc):
                    z = buf[pl.ds(i * L, L)]
                    return acc + jnp.maximum(z - mid, 0.0)

                f = jnp.sum(lax.fori_loop(0, ncc, sw, zeros)) - 1.0
                pred = f >= 0.0
                return (jnp.where(pred, mid, lo), jnp.where(pred, hi, mid))

            lo, _hi = lax.fori_loop(0, NBIS, bis, (lo0, hi0))

            def rsw(i, c):
                s, kk = c
                z = buf[pl.ds(i * L, L)]
                m2 = z > lo
                return (s + jnp.where(m2, z, 0.0),
                        kk + jnp.where(m2, 1.0, 0.0))

            s, kk = lax.fori_loop(0, ncc, rsw, (zeros, zeros))
            return ((jnp.full((L,), jnp.sum(s), jnp.float32) - 1.0)
                    / jnp.full((L,), jnp.sum(kk), jnp.float32))

        prev_normal = None

        for r in range(rpw):
            xz = xzs[r % 2]
            candi = candis[r % 2]
            if r + 1 < rpw:
                in_copy(r + 1, xzs[(r + 1) % 2]).start()
            in_copy(r, xz).wait()

            @plsc.parallel_loop(0, ngrp, unroll=2, carry=jnp.full(
                (L,), -3.0e38, jnp.float32))
            def m(g, mc):
                base = g * (G * L)
                xs = [xz[pl.ds(base + c * L, L)] for c in range(G)]
                gmax = _tree_max(xs)
                gm[pl.ds(g * L, L)] = gmax
                return jnp.maximum(mc, gmax)

            xmax = jnp.max(m)
            zv = jnp.exp(jnp.full((L,), xmax, jnp.float32))
            zmax = zv[0]
            lo0 = zmax - 1.0
            uv = 1.0 / (zv - 1.0)
            xthr = jnp.where(zmax > 1.0,
                             xmax - uv[0] - (jnp.abs(xmax) + 1.0) * 1e-6,
                             -3.0e38)

            @plsc.parallel_loop(0, ngrp // G)
            def _gm2(j):
                vs = [gm[pl.ds((j * G + t) * L, L)] for t in range(G)]
                gm2[pl.ds(j * L, L)] = _tree_max(vs)

            if prev_normal is not None:
                p_norm, p_ncand, p_candi, p_r = prev_normal
                out_copy(p_r).wait()

                @pl.when(p_norm)
                def _():
                    p_ncc = lax.shift_right_logical(p_ncand + (L - 1), 4)

                    def zf(i, _):
                        base = i * L
                        mv = (base + iota) < p_ncand
                        plsc.store_scatter(
                            outb, [p_candi[pl.ds(base, L)]], zeros, mask=mv)
                        return 0

                    lax.fori_loop(0, p_ncc, zf, 0)

                @pl.when(jnp.logical_not(p_norm))
                def _():
                    @plsc.parallel_loop(0, nchunk, unroll=8)
                    def _rz(i):
                        outb[pl.ds(i * L, L)] = zeros

            def b2_grp(g, off):
                hot = jnp.any(gm[pl.ds(g * L, L)] > xthr)

                def hot_fn(off):
                    def chunk_fn(c, off):
                        ci = g * G + c
                        xv = xz[pl.ds(ci * L, L)]
                        mk = xv > xthr

                        @pl.when(off <= CAP)
                        def _():
                            plsc.store_compressed(
                                candz.at[pl.ds(off, L)], jnp.exp(xv), mask=mk)
                            plsc.store_compressed(
                                candi.at[pl.ds(off, L)], ci * L + iota,
                                mask=mk)

                        cnt = plsc.all_reduce_population_count(mk)
                        return off + cnt[0]

                    return lax.fori_loop(0, G, chunk_fn, off)

                return lax.cond(hot, hot_fn, lambda o: o, off)

            def b2_super(j, off):
                hot2 = jnp.any(gm2[pl.ds(j * L, L)] > xthr)
                return lax.cond(
                    hot2,
                    lambda o: lax.fori_loop(
                        0, G, lambda t, oo: b2_grp(j * G + t, oo), o),
                    lambda o: o, off)

            ncand = lax.fori_loop(0, ngrp // G, b2_super, jnp.int32(0))
            normal = ncand <= CAP

            @pl.when(normal)
            def _():
                candz[pl.ds(ncand, L)] = jnp.full((L,), lo0, jnp.float32)

            ncc = lax.shift_right_logical(ncand + (L - 1), 4)

            def sort_solve():
                zv = candz[pl.ds(0, L)]
                zv = jnp.where(iota < ncand, zv, -3.0e38)
                zs, _ = plsc.sort_key_val(zv, zv, descending=True)
                cs = plsc.cumsum(zs)
                kv = (iota + 1).astype(jnp.float32)
                chk = (1.0 + kv * zs) > cs
                kz = plsc.all_reduce_population_count(chk).astype(jnp.float32)
                tausum = jnp.sum(jnp.where(chk, zs, 0.0))
                return (jnp.full((L,), tausum, jnp.float32) - 1.0) / kz

            def fallback_solve():
                @plsc.parallel_loop(0, nchunk, unroll=4)
                def _ex(i):
                    xz[pl.ds(i * L, L)] = jnp.exp(xz[pl.ds(i * L, L)])

                return bisect(xz, nchunk, lo0, zmax)

            tau = lax.cond(
                ncand <= L,
                sort_solve,
                lambda: lax.cond(
                    normal,
                    lambda: bisect(candz, ncc, lo0, zmax),
                    fallback_solve))

            def c_normal():
                def cf(i, _):
                    base = i * L
                    z = candz[pl.ds(base, L)]
                    pc = jnp.maximum(z - tau, 0.0)
                    mv = (base + iota) < ncand
                    plsc.store_scatter(
                        outb, [candi[pl.ds(base, L)]], pc, mask=mv)
                    return 0

                lax.fori_loop(0, ncc, cf, 0)

            def c_fallback():
                @plsc.parallel_loop(0, nchunk, unroll=8)
                def _cd(i):
                    z = xz[pl.ds(i * L, L)]
                    outb[pl.ds(i * L, L)] = jnp.maximum(z - tau, 0.0)

            lax.cond(normal, c_normal, c_fallback)
            out_copy(r).start()
            prev_normal = (normal, ncand, candi, r)

        out_copy(rpw - 1).wait()

    return k


def kernel(input):
    nrows, dim = input.shape
    return _sparsegen_rows(nrows, dim)(input)

# --- scband reference (transcript-rebuilt; emitter-appended) ---
"""Pipeline reference for scband-sparsegen-exp-61856118997453 (READ-ONLY COPY).

The authoritative reference and input builder live on the scoring server;
editing this copy changes nothing except your own understanding.
"""

import jax, jax.numpy as jnp
import numpy as np

LAM = 0.0
EC = 1.0
NORMALIZED = True

def setup_inputs(seed: int = 0) -> dict:
    key = jax.random.key(seed)
    x = jax.random.normal(key, (128, 32768), dtype=jnp.float32)
    return {"input": x}

def reference(input):
    bs, dim = input.shape
    z = jnp.exp(EC * input)
    # sort descending along dim 1
    z_sorted = jnp.sort(z, axis=1)[:, ::-1]
    z_cumsum = jnp.cumsum(z_sorted, axis=1)
    k = jnp.arange(1, dim + 1, dtype=z.dtype)[None, :]
    z_check = (1.0 - LAM + k * z_sorted) > z_cumsum
    zc = z_check.astype(z.dtype)
    k_z = jnp.sum(zc, axis=1)
    tausum = jnp.sum(zc * z_sorted, axis=1)
    tau_z = (tausum - 1.0 + LAM) / k_z
    prob = jnp.maximum(z - tau_z[:, None], 0.0)
    if NORMALIZED:
        prob = prob / (1.0 - LAM)
    return prob

if __name__ == "__main__":
    import jax
    _d = setup_inputs()
    print(jax.jit(kernel)(*tuple(_d.values())))

</pallas_src>

<mosaic_0001>
#map = affine_map<(d0, d1) -> (0, 0)>
module attributes {stable_mosaic.version = 14 : i64} {
  func.func @k(%arg0: i32, %arg1: i32, %arg2: memref<128x32768xf32, #tpu.memory_space<hbm>>, %arg3: memref<128x32768xf32, #tpu.memory_space<hbm>>, %arg4: memref<32768xf32, #tpu.memory_space<vmem>>, %arg5: memref<32768xf32, #tpu.memory_space<vmem>>, %arg6: memref<32768xf32, #tpu.memory_space<vmem>>, %arg7: memref<2048xf32, #tpu.memory_space<vmem>>, %arg8: memref<128xf32, #tpu.memory_space<vmem>>, %arg9: memref<1040xf32, #tpu.memory_space<vmem>>, %arg10: memref<1040xi32, #tpu.memory_space<vmem>>, %arg11: memref<1040xi32, #tpu.memory_space<vmem>>, %arg12: memref<!tpu.dma_semaphore, #tpu.memory_space<semaphore_mem>>, %arg13: memref<!tpu.dma_semaphore, #tpu.memory_space<semaphore_mem>>, %arg14: memref<!tpu.dma_semaphore, #tpu.memory_space<semaphore_mem>>) attributes {dimension_semantics = [#tpu.dimension_semantics<core_parallel>, #tpu.dimension_semantics<subcore_parallel>], iteration_bounds = array<i64: 2, 16>, scalar_prefetch = 0 : i64, scratch_operands = 11 : i64, tpu.core_type = #tpu.core_type<sc_vector_subcore>, window_params = [{transform_indices = #map}, {transform_indices = #map}]} {
    %mul3A = arith.constant 2 : i32
    %mul3A_0 = arith.muli %arg1, %mul3A : i32
    %add3A = arith.addi %mul3A_0, %arg0 : i32
    %broadcast_in_dim3A = arith.constant 0.000000e+00 : f32
    %broadcast_in_dim3A_1 = vector.broadcast %broadcast_in_dim3A : f32 to vector<16xf32>
    %iota3A = tpu.iota {dimensions = array<i32: 0>} : vector<16xi32>
    %mul3A_2 = arith.constant 4 : i32
    %mul3A_3 = arith.muli %add3A, %mul3A_2 : i32
    %add3A_4 = arith.constant 0 : i32
    %add3A_5 = arith.addi %mul3A_3, %add3A_4 : i32
    %dma_start3A = arith.constant 0 : i32
    %dma_start3A_6 = tpu.memref_slice %arg2[%add3A_5, %dma_start3A] : memref<128x32768xf32, #tpu.memory_space<hbm>> -> memref<1x32768xf32, #tpu.memory_space<hbm>>
    %dma_start3A_7 = tpu.memref_squeeze %dma_start3A_6 : memref<1x32768xf32, #tpu.memory_space<hbm>> -> memref<32768xf32, #tpu.memory_space<hbm>>
    %dma_start3A_8 = arith.constant 0 : i32
    %dma_start3A_9 = tpu.memref_slice %arg2[%add3A_5, %dma_start3A_8] : memref<128x32768xf32, #tpu.memory_space<hbm>> -> memref<1x32768xf32, #tpu.memory_space<hbm>>
    %dma_start3A_10 = tpu.memref_squeeze %dma_start3A_9 : memref<1x32768xf32, #tpu.memory_space<hbm>> -> memref<32768xf32, #tpu.memory_space<hbm>>
    tpu.enqueue_dma source(%dma_start3A_10 : memref<32768xf32, #tpu.memory_space<hbm>>) target(%arg4 : memref<32768xf32, #tpu.memory_space<vmem>>) target_semaphore(%arg12 : memref<!tpu.dma_semaphore, #tpu.memory_space<semaphore_mem>>)
    %parallel_loop3A = arith.constant 0 : i32
    %parallel_loop3A_11 = arith.constant 2048 : i32
    %parallel_loop3A_12 = arith.constant 1 : i32
    scf.for %parallel_loop3A_422 = %parallel_loop3A to %parallel_loop3A_11 step %parallel_loop3A_12  : i32 {
      %parallel_loop3A_423 = arith.constant 16 : i32
      %parallel_loop3A_424 = arith.muli %parallel_loop3A_422, %parallel_loop3A_423 : i32
      %parallel_loop3A_425 = arith.index_cast %parallel_loop3A_424 : i32 to index
      %parallel_loop3A_426 = tpu.vector_load %arg6[%parallel_loop3A_425] {strides = array<i32>} : memref<32768xf32, #tpu.memory_space<vmem>>, vector<16xf32>,
      tpu.vector_store %arg6[%parallel_loop3A_425], %broadcast_in_dim3A_1 {strides = array<i32>} : memref<32768xf32, #tpu.memory_space<vmem>>, vector<16xf32>,
    } {sc.loop_unroll_factor = 8 : i64, sc.parallel_access}
    %mul3A_13 = arith.constant 4 : i32
    %mul3A_14 = arith.muli %add3A, %mul3A_13 : i32
    %add3A_15 = arith.constant 1 : i32
    %add3A_16 = arith.addi %mul3A_14, %add3A_15 : i32
    %dma_start3A_17 = arith.constant 0 : i32
    %dma_start3A_18 = tpu.memref_slice %arg2[%add3A_16, %dma_start3A_17] : memref<128x32768xf32, #tpu.memory_space<hbm>> -> memref<1x32768xf32, #tpu.memory_space<hbm>>
    %dma_start3A_19 = tpu.memref_squeeze %dma_start3A_18 : memref<1x32768xf32, #tpu.memory_space<hbm>> -> memref<32768xf32, #tpu.memory_space<hbm>>
    %dma_start3A_20 = arith.constant 0 : i32
    %dma_start3A_21 = tpu.memref_slice %arg2[%add3A_16, %dma_start3A_20] : memref<128x32768xf32, #tpu.memory_space<hbm>> -> memref<1x32768xf32, #tpu.memory_space<hbm>>
    %dma_start3A_22 = tpu.memref_squeeze %dma_start3A_21 : memref<1x32768xf32, #tpu.memory_space<hbm>> -> memref<32768xf32, #tpu.memory_space<hbm>>
    tpu.enqueue_dma source(%dma_start3A_22 : memref<32768xf32, #tpu.memory_space<hbm>>) target(%arg5 : memref<32768xf32, #tpu.memory_space<vmem>>) target_semaphore(%arg13 : memref<!tpu.dma_semaphore, #tpu.memory_space<semaphore_mem>>)
    %mul3A_23 = arith.constant 4 : i32
    %mul3A_24 = arith.muli %add3A, %mul3A_23 : i32
    %add3A_25 = arith.constant 0 : i32
    %add3A_26 = arith.addi %mul3A_24, %add3A_25 : i32
    %dma_wait3A = arith.constant 0 : i32
    %dma_wait3A_27 = tpu.memref_slice %arg2[%add3A_26, %dma_wait3A] : memref<128x32768xf32, #tpu.memory_space<hbm>> -> memref<1x32768xf32, #tpu.memory_space<hbm>>
    %dma_wait3A_28 = tpu.memref_squeeze %dma_wait3A_27 : memref<1x32768xf32, #tpu.memory_space<hbm>> -> memref<32768xf32, #tpu.memory_space<hbm>>
    %dma_wait3A_29 = arith.constant 0 : i32
    %dma_wait3A_30 = tpu.memref_slice %arg2[%add3A_26, %dma_wait3A_29] : memref<128x32768xf32, #tpu.memory_space<hbm>> -> memref<1x32768xf32, #tpu.memory_space<hbm>>
    %dma_wait3A_31 = tpu.memref_squeeze %dma_wait3A_30 : memref<1x32768xf32, #tpu.memory_space<hbm>> -> memref<32768xf32, #tpu.memory_space<hbm>>
    tpu.wait_dma2 semaphore(%arg12 : memref<!tpu.dma_semaphore, #tpu.memory_space<semaphore_mem>>) src(%dma_wait3A_31 : memref<32768xf32, #tpu.memory_space<hbm>>) dst(%arg4 : memref<32768xf32, #tpu.memory_space<vmem>>)
    %broadcast_in_dim3A_32 = arith.constant -3.000000e+38 : f32
    %broadcast_in_dim3A_33 = vector.broadcast %broadcast_in_dim3A_32 : f32 to vector<16xf32>
    %parallel_loop3A_34 = arith.constant 0 : i32
    %parallel_loop3A_35 = arith.constant 128 : i32
    %parallel_loop3A_36 = arith.constant 1 : i32
    %parallel_loop3A_37 = scf.for %parallel_loop3A_422 = %parallel_loop3A_34 to %parallel_loop3A_35 step %parallel_loop3A_36 iter_args(%parallel_loop3A_423 = %broadcast_in_dim3A_33) -> (vector<16xf32>)  : i32 {
      %parallel_loop3A_424 = arith.constant 256 : i32
      %parallel_loop3A_425 = arith.muli %parallel_loop3A_422, %parallel_loop3A_424 : i32
      %parallel_loop3A_426 = arith.constant 0 : i32
      %parallel_loop3A_427 = arith.addi %parallel_loop3A_425, %parallel_loop3A_426 : i32
      %parallel_loop3A_428 = arith.index_cast %parallel_loop3A_427 : i32 to index
      %parallel_loop3A_429 = tpu.vector_load %arg4[%parallel_loop3A_428] {strides = array<i32>} : memref<32768xf32, #tpu.memory_space<vmem>>, vector<16xf32>,
      %parallel_loop3A_430 = arith.constant 16 : i32
      %parallel_loop3A_431 = arith.addi %parallel_loop3A_425, %parallel_loop3A_430 : i32
      %parallel_loop3A_432 = arith.index_cast %parallel_loop3A_431 : i32 to index
      %parallel_loop3A_433 = tpu.vector_load %arg4[%parallel_loop3A_432] {strides = array<i32>} : memref<32768xf32, #tpu.memory_space<vmem>>, vector<16xf32>,
      %parallel_loop3A_434 = arith.constant 32 : i32
      %parallel_loop3A_435 = arith.addi %parallel_loop3A_425, %parallel_loop3A_434 : i32
      %parallel_loop3A_436 = arith.index_cast %parallel_loop3A_435 : i32 to index
      %parallel_loop3A_437 = tpu.vector_load %arg4[%parallel_loop3A_436] {strides = array<i32>} : memref<32768xf32, #tpu.memory_space<vmem>>, vector<16xf32>,
      %parallel_loop3A_438 = arith.constant 48 : i32
      %parallel_loop3A_439 = arith.addi %parallel_loop3A_425, %parallel_loop3A_438 : i32
      %parallel_loop3A_440 = arith.index_cast %parallel_loop3A_439 : i32 to index
      %parallel_loop3A_441 = tpu.vector_load %arg4[%parallel_loop3A_440] {strides = array<i32>} : memref<32768xf32, #tpu.memory_space<vmem>>, vector<16xf32>,
      %parallel_loop3A_442 = arith.constant 64 : i32
      %parallel_loop3A_443 = arith.addi %parallel_loop3A_425, %parallel_loop3A_442 : i32
      %parallel_loop3A_444 = arith.index_cast %parallel_loop3A_443 : i32 to index
      %parallel_loop3A_445 = tpu.vector_load %arg4[%parallel_loop3A_444] {strides = array<i32>} : memref<32768xf32, #tpu.memory_space<vmem>>, vector<16xf32>,
      %parallel_loop3A_446 = arith.constant 80 : i32
      %parallel_loop3A_447 = arith.addi %parallel_loop3A_425, %parallel_loop3A_446 : i32
      %parallel_loop3A_448 = arith.index_cast %parallel_loop3A_447 : i32 to index
      %parallel_loop3A_449 = tpu.vector_load %arg4[%parallel_loop3A_448] {strides = array<i32>} : memref<32768xf32, #tpu.memory_space<vmem>>, vector<16xf32>,
      %parallel_loop3A_450 = arith.constant 96 : i32
      %parallel_loop3A_451 = arith.addi %parallel_loop3A_425, %parallel_loop3A_450 : i32
      %parallel_loop3A_452 = arith.index_cast %parallel_loop3A_451 : i32 to index
      %parallel_loop3A_453 = tpu.vector_load %arg4[%parallel_loop3A_452] {strides = array<i32>} : memref<32768xf32, #tpu.memory_space<vmem>>, vector<16xf32>,
      %parallel_loop3A_454 = arith.constant 112 : i32
      %parallel_loop3A_455 = arith.addi %parallel_loop3A_425, %parallel_loop3A_454 : i32
      %parallel_loop3A_456 = arith.index_cast %parallel_loop3A_455 : i32 to index
      %parallel_loop3A_457 = tpu.vector_load %arg4[%parallel_loop3A_456] {strides = array<i32>} : memref<32768xf32, #tpu.memory_space<vmem>>, vector<16xf32>,
      %parallel_loop3A_458 = arith.constant 128 : i32
      %parallel_loop3A_459 = arith.addi %parallel_loop3A_425, %parallel_loop3A_458 : i32
      %parallel_loop3A_460 = arith.index_cast %parallel_loop3A_459 : i32 to index
      %parallel_loop3A_461 = tpu.vector_load %arg4[%parallel_loop3A_460] {strides = array<i32>} : memref<32768xf32, #tpu.memory_space<vmem>>, vector<16xf32>,
      %parallel_loop3A_462 = arith.constant 144 : i32
      %parallel_loop3A_463 = arith.addi %parallel_loop3A_425, %parallel_loop3A_462 : i32
      %parallel_loop3A_464 = arith.index_cast %parallel_loop3A_463 : i32 to index
      %parallel_loop3A_465 = tpu.vector_load %arg4[%parallel_loop3A_464] {strides = array<i32>} : memref<32768xf32, #tpu.memory_space<vmem>>, vector<16xf32>,
      %parallel_loop3A_466 = arith.constant 160 : i32
      %parallel_loop3A_467 = arith.addi %parallel_loop3A_425, %parallel_loop3A_466 : i32
      %parallel_loop3A_468 = arith.index_cast %parallel_loop3A_467 : i32 to index
      %parallel_loop3A_469 = tpu.vector_load %arg4[%parallel_loop3A_468] {strides = array<i32>} : memref<32768xf32, #tpu.memory_space<vmem>>, vector<16xf32>,
      %parallel_loop3A_470 = arith.constant 176 : i32
      %parallel_loop3A_471 = arith.addi %parallel_loop3A_425, %parallel_loop3A_470 : i32
      %parallel_loop3A_472 = arith.index_cast %parallel_loop3A_471 : i32 to index
      %parallel_loop3A_473 = tpu.vector_load %arg4[%parallel_loop3A_472] {strides = array<i32>} : memref<32768xf32, #tpu.memory_space<vmem>>, vector<16xf32>,
      %parallel_loop3A_474 = arith.constant 192 : i32
      %parallel_loop3A_475 = arith.addi %parallel_loop3A_425, %parallel_loop3A_474 : i32
      %parallel_loop3A_476 = arith.index_cast %parallel_loop3A_475 : i32 to index
      %parallel_loop3A_477 = tpu.vector_load %arg4[%parallel_loop3A_476] {strides = array<i32>} : memref<32768xf32, #tpu.memory_space<vmem>>, vector<16xf32>,
      %parallel_loop3A_478 = arith.constant 208 : i32
      %parallel_loop3A_479 = arith.addi %parallel_loop3A_425, %parallel_loop3A_478 : i32
      %parallel_loop3A_480 = arith.index_cast %parallel_loop3A_479 : i32 to index
      %parallel_loop3A_481 = tpu.vector_load %arg4[%parallel_loop3A_480] {strides = array<i32>} : memref<32768xf32, #tpu.memory_space<vmem>>, vector<16xf32>,
      %parallel_loop3A_482 = arith.constant 224 : i32
      %parallel_loop3A_483 = arith.addi %parallel_loop3A_425, %parallel_loop3A_482 : i32
      %parallel_loop3A_484 = arith.index_cast %parallel_loop3A_483 : i32 to index
      %parallel_loop3A_485 = tpu.vector_load %arg4[%parallel_loop3A_484] {strides = array<i32>} : memref<32768xf32, #tpu.memory_space<vmem>>, vector<16xf32>,
      %parallel_loop3A_486 = arith.constant 240 : i32
      %parallel_loop3A_487 = arith.addi %parallel_loop3A_425, %parallel_loop3A_486 : i32
      %parallel_loop3A_488 = arith.index_cast %parallel_loop3A_487 : i32 to index
      %parallel_loop3A_489 = tpu.vector_load %arg4[%parallel_loop3A_488] {strides = array<i32>} : memref<32768xf32, #tpu.memory_space<vmem>>, vector<16xf32>,
      %parallel_loop3A_490 = arith.maximumf %parallel_loop3A_429, %parallel_loop3A_433 : vector<16xf32>
      %parallel_loop3A_491 = arith.maximumf %parallel_loop3A_437, %parallel_loop3A_441 : vector<16xf32>
      %parallel_loop3A_492 = arith.maximumf %parallel_loop3A_445, %parallel_loop3A_449 : vector<16xf32>
      %parallel_loop3A_493 = arith.maximumf %parallel_loop3A_453, %parallel_loop3A_457 : vector<16xf32>
      %parallel_loop3A_494 = arith.maximumf %parallel_loop3A_461, %parallel_loop3A_465 : vector<16xf32>
      %parallel_loop3A_495 = arith.maximumf %parallel_loop3A_469, %parallel_loop3A_473 : vector<16xf32>
      %parallel_loop3A_496 = arith.maximumf %parallel_loop3A_477, %parallel_loop3A_481 : vector<16xf32>
      %parallel_loop3A_497 = arith.maximumf %parallel_loop3A_485, %parallel_loop3A_489 : vector<16xf32>
      %parallel_loop3A_498 = arith.maximumf %parallel_loop3A_490, %parallel_loop3A_491 : vector<16xf32>
      %parallel_loop3A_499 = arith.maximumf %parallel_loop3A_492, %parallel_loop3A_493 : vector<16xf32>
      %parallel_loop3A_500 = arith.maximumf %parallel_loop3A_494, %parallel_loop3A_495 : vector<16xf32>
      %parallel_loop3A_501 = arith.maximumf %parallel_loop3A_496, %parallel_loop3A_497 : vector<16xf32>
      %parallel_loop3A_502 = arith.maximumf %parallel_loop3A_498, %parallel_loop3A_499 : vector<16xf32>
      %parallel_loop3A_503 = arith.maximumf %parallel_loop3A_500, %parallel_loop3A_501 : vector<16xf32>
      %parallel_loop3A_504 = arith.maximumf %parallel_loop3A_502, %parallel_loop3A_503 : vector<16xf32>
      %parallel_loop3A_505 = arith.constant 16 : i32
      %parallel_loop3A_506 = arith.muli %parallel_loop3A_422, %parallel_loop3A_505 : i32
      %parallel_loop3A_507 = arith.index_cast %parallel_loop3A_506 : i32 to index
      %parallel_loop3A_508 = tpu.vector_load %arg7[%parallel_loop3A_507] {strides = array<i32>} : memref<2048xf32, #tpu.memory_space<vmem>>, vector<16xf32>,
      tpu.vector_store %arg7[%parallel_loop3A_507], %parallel_loop3A_504 {strides = array<i32>} : memref<2048xf32, #tpu.memory_space<vmem>>, vector<16xf32>,
      %parallel_loop3A_509 = arith.maximumf %parallel_loop3A_423, %parallel_loop3A_504 : vector<16xf32>
      scf.yield %parallel_loop3A_509 : vector<16xf32>
    } {sc.loop_unroll_factor = 2 : i64, sc.parallel_access}
    %reduce_max3A = arith.constant true
    %reduce_max3A_38 = vector.broadcast %reduce_max3A : i1 to vector<16xi1>
    %reduce_max3A_39 = tpu.scan <max>, %parallel_loop3A_37 masked %reduce_max3A_38 : vector<16xf32>, vector<16xi1> -> vector<16xf32>
    %reduce_max3A_40 = vector.extract %reduce_max3A_39[15] : f32 from vector<16xf32>
    %broadcast_in_dim3A_41 = vector.broadcast %reduce_max3A_40 : f32 to vector<16xf32>
    %exp3A = math.exp %broadcast_in_dim3A_41 : vector<16xf32>
    %slice3A = vector.extract_strided_slice %exp3A {offsets = [0], sizes = [1], strides = [1]} : vector<16xf32> to vector<1xf32>
    %squeeze3A = vector.extract %slice3A[0] : f32 from vector<1xf32>
    %sub3A = arith.constant 1.000000e+00 : f32
    %sub3A_42 = arith.subf %squeeze3A, %sub3A : f32
    %sub3A_43 = arith.constant 1.000000e+00 : f32
    %sub3A_44 = vector.broadcast %sub3A_43 : f32 to vector<16xf32>
    %sub3A_45 = arith.subf %exp3A, %sub3A_44 : vector<16xf32>
    %div3A = arith.constant 1.000000e+00 : f32
    %div3A_46 = vector.broadcast %div3A : f32 to vector<16xf32>
    %div3A_47 = arith.divf %div3A_46, %sub3A_45 : vector<16xf32>
    %gt3A = arith.constant 1.000000e+00 : f32
    %gt3A_48 = arith.cmpf ogt, %squeeze3A, %gt3A : f32
    %slice3A_49 = vector.extract_strided_slice %div3A_47 {offsets = [0], sizes = [1], strides = [1]} : vector<16xf32> to vector<1xf32>
    %squeeze3A_50 = vector.extract %slice3A_49[0] : f32 from vector<1xf32>
    %sub3A_51 = arith.subf %reduce_max3A_40, %squeeze3A_50 : f32
    %abs3A = math.absf %reduce_max3A_40 : f32
    %add3A_52 = arith.constant 1.000000e+00 : f32
    %add3A_53 = arith.addf %abs3A, %add3A_52 : f32
    %mul3A_54 = arith.constant 9.99999997E-7 : f32
    %mul3A_55 = arith.mulf %add3A_53, %mul3A_54 : f32
    %sub3A_56 = arith.subf %sub3A_51, %mul3A_55 : f32
    %jit3A = arith.constant -3.000000e+38 : f32
    %select_n3A = arith.select %gt3A_48, %sub3A_56, %jit3A : f32
    %parallel_loop3A_57 = arith.constant 0 : i32
    %parallel_loop3A_58 = arith.constant 8 : i32
    %parallel_loop3A_59 = arith.constant 1 : i32
    scf.for %parallel_loop3A_422 = %parallel_loop3A_57 to %parallel_loop3A_58 step %parallel_loop3A_59  : i32 {
      %parallel_loop3A_423 = arith.constant 16 : i32
      %parallel_loop3A_424 = arith.muli %parallel_loop3A_422, %parallel_loop3A_423 : i32
      %parallel_loop3A_425 = arith.constant 0 : i32
      %parallel_loop3A_426 = arith.addi %parallel_loop3A_424, %parallel_loop3A_425 : i32
      %parallel_loop3A_427 = arith.constant 16 : i32
      %parallel_loop3A_428 = arith.muli %parallel_loop3A_426, %parallel_loop3A_427 : i32
      %parallel_loop3A_429 = arith.index_cast %parallel_loop3A_428 : i32 to index
      %parallel_loop3A_430 = tpu.vector_load %arg7[%parallel_loop3A_429] {strides = array<i32>} : memref<2048xf32, #tpu.memory_space<vmem>>, vector<16xf32>,
      %parallel_loop3A_431 = arith.constant 16 : i32
      %parallel_loop3A_432 = arith.muli %parallel_loop3A_422, %parallel_loop3A_431 : i32
      %parallel_loop3A_433 = arith.constant 1 : i32
      %parallel_loop3A_434 = arith.addi %parallel_loop3A_432, %parallel_loop3A_433 : i32
      %parallel_loop3A_435 = arith.constant 16 : i32
      %parallel_loop3A_436 = arith.muli %parallel_loop3A_434, %parallel_loop3A_435 : i32
      %parallel_loop3A_437 = arith.index_cast %parallel_loop3A_436 : i32 to index
      %parallel_loop3A_438 = tpu.vector_load %arg7[%parallel_loop3A_437] {strides = array<i32>} : memref<2048xf32, #tpu.memory_space<vmem>>, vector<16xf32>,
      %parallel_loop3A_439 = arith.constant 16 : i32
      %parallel_loop3A_440 = arith.muli %parallel_loop3A_422, %parallel_loop3A_439 : i32
      %parallel_loop3A_441 = arith.constant 2 : i32
      %parallel_loop3A_442 = arith.addi %parallel_loop3A_440, %parallel_loop3A_441 : i32
      %parallel_loop3A_443 = arith.constant 16 : i32
      %parallel_loop3A_444 = arith.muli %parallel_loop3A_442, %parallel_loop3A_443 : i32
      %parallel_loop3A_445 = arith.index_cast %parallel_loop3A_444 : i32 to index
      %parallel_loop3A_446 = tpu.vector_load %arg7[%parallel_loop3A_445] {strides = array<i32>} : memref<2048xf32, #tpu.memory_space<vmem>>, vector<16xf32>,
      %parallel_loop3A_447 = arith.constant 16 : i32
      %parallel_loop3A_448 = arith.muli %parallel_loop3A_422, %parallel_loop3A_447 : i32
      %parallel_loop3A_449 = arith.constant 3 : i32
      %parallel_loop3A_450 = arith.addi %parallel_loop3A_448, %parallel_loop3A_449 : i32
      %parallel_loop3A_451 = arith.constant 16 : i32
      %parallel_loop3A_452 = arith.muli %parallel_loop3A_450, %parallel_loop3A_451 : i32
      %parallel_loop3A_453 = arith.index_cast %parallel_loop3A_452 : i32 to index
      %parallel_loop3A_454 = tpu.vector_load %arg7[%parallel_loop3A_453] {strides = array<i32>} : memref<2048xf32, #tpu.memory_space<vmem>>, vector<16xf32>,
      %parallel_loop3A_455 = arith.constant 16 : i32
      %parallel_loop3A_456 = arith.muli %parallel_loop3A_422, %parallel_loop3A_455 : i32
      %parallel_loop3A_457 = arith.constant 4 : i32
      %parallel_loop3A_458 = arith.addi %parallel_loop3A_456, %parallel_loop3A_457 : i32
      %parallel_loop3A_459 = arith.constant 16 : i32
      %parallel_loop3A_460 = arith.muli %parallel_loop3A_458, %parallel_loop3A_459 : i32
      %parallel_loop3A_461 = arith.index_cast %parallel_loop3A_460 : i32 to index
      %parallel_loop3A_462 = tpu.vector_load %arg7[%parallel_loop3A_461] {strides = array<i32>} : memref<2048xf32, #tpu.memory_space<vmem>>, vector<16xf32>,
      %parallel_loop3A_463 = arith.constant 16 : i32
      %parallel_loop3A_464 = arith.muli %parallel_loop3A_422, %parallel_loop3A_463 : i32
      %parallel_loop3A_465 = arith.constant 5 : i32
      %parallel_loop3A_466 = arith.addi %parallel_loop3A_464, %parallel_loop3A_465 : i32
      %parallel_loop3A_467 = arith.constant 16 : i32
      %parallel_loop3A_468 = arith.muli %parallel_loop3A_466, %parallel_loop3A_467 : i32
      %parallel_loop3A_469 = arith.index_cast %parallel_loop3A_468 : i32 to index
      %parallel_loop3A_470 = tpu.vector_load %arg7[%parallel_loop3A_469] {strides = array<i32>} : memref<2048xf32, #tpu.memory_space<vmem>>, vector<16xf32>,
      %parallel_loop3A_471 = arith.constant 16 : i32
      %parallel_loop3A_472 = arith.muli %parallel_loop3A_422, %parallel_loop3A_471 : i32
      %parallel_loop3A_473 = arith.constant 6 : i32
      %parallel_loop3A_474 = arith.addi %parallel_loop3A_472, %parallel_loop3A_473 : i32
      %parallel_loop3A_475 = arith.constant 16 : i32
      %parallel_loop3A_476 = arith.muli %parallel_loop3A_474, %parallel_loop3A_475 : i32
      %parallel_loop3A_477 = arith.index_cast %parallel_loop3A_476 : i32 to index
      %parallel_loop3A_478 = tpu.vector_load %arg7[%parallel_loop3A_477] {strides = array<i32>} : memref<2048xf32, #tpu.memory_space<vmem>>, vector<16xf32>,
      %parallel_loop3A_479 = arith.constant 16 : i32
      %parallel_loop3A_480 = arith.muli %parallel_loop3A_422, %parallel_loop3A_479 : i32
      %parallel_loop3A_481 = arith.constant 7 : i32
      %parallel_loop3A_482 = arith.addi %parallel_loop3A_480, %parallel_loop3A_481 : i32
      %parallel_loop3A_483 = arith.constant 16 : i32
      %parallel_loop3A_484 = arith.muli %parallel_loop3A_482, %parallel_loop3A_483 : i32
      %parallel_loop3A_485 = arith.index_cast %parallel_loop3A_484 : i32 to index
      %parallel_loop3A_486 = tpu.vector_load %arg7[%parallel_loop3A_485] {strides = array<i32>} : memref<2048xf32, #tpu.memory_space<vmem>>, vector<16xf32>,
      %parallel_loop3A_487 = arith.constant 16 : i32
      %parallel_loop3A_488 = arith.muli %parallel_loop3A_422, %parallel_loop3A_487 : i32
      %parallel_loop3A_489 = arith.constant 8 : i32
      %parallel_loop3A_490 = arith.addi %parallel_loop3A_488, %parallel_loop3A_489 : i32
      %parallel_loop3A_491 = arith.constant 16 : i32
      %parallel_loop3A_492 = arith.muli %parallel_loop3A_490, %parallel_loop3A_491 : i32
      %parallel_loop3A_493 = arith.index_cast %parallel_loop3A_492 : i32 to index
      %parallel_loop3A_494 = tpu.vector_load %arg7[%parallel_loop3A_493] {strides = array<i32>} : memref<2048xf32, #tpu.memory_space<vmem>>, vector<16xf32>,
      %parallel_loop3A_495 = arith.constant 16 : i32
      %parallel_loop3A_496 = arith.muli %parallel_loop3A_422, %parallel_loop3A_495 : i32
      %parallel_loop3A_497 = arith.constant 9 : i32
      %parallel_loop3A_498 = arith.addi %parallel_loop3A_496, %parallel_loop3A_497 : i32
      %parallel_loop3A_499 = arith.constant 16 : i32
      %parallel_loop3A_500 = arith.muli %parallel_loop3A_498, %parallel_loop3A_499 : i32
      %parallel_loop3A_501 = arith.index_cast %parallel_loop3A_500 : i32 to index
      %parallel_loop3A_502 = tpu.vector_load %arg7[%parallel_loop3A_501] {strides = array<i32>} : memref<2048xf32, #tpu.memory_space<vmem>>, vector<16xf32>,
      %parallel_loop3A_503 = arith.constant 16 : i32
      %parallel_loop3A_504 = arith.muli %parallel_loop3A_422, %parallel_loop3A_503 : i32
      %parallel_loop3A_505 = arith.constant 10 : i32
      %parallel_loop3A_506 = arith.addi %parallel_loop3A_504, %parallel_loop3A_505 : i32
      %parallel_loop3A_507 = arith.constant 16 : i32
      %parallel_loop3A_508 = arith.muli %parallel_loop3A_506, %parallel_loop3A_507 : i32
      %parallel_loop3A_509 = arith.index_cast %parallel_loop3A_508 : i32 to index
      %parallel_loop3A_510 = tpu.vector_load %arg7[%parallel_loop3A_509] {strides = array<i32>} : memref<2048xf32, #tpu.memory_space<vmem>>, vector<16xf32>,
      %parallel_loop3A_511 = arith.constant 16 : i32
      %parallel_loop3A_512 = arith.muli %parallel_loop3A_422, %parallel_loop3A_511 : i32
      %parallel_loop3A_513 = arith.constant 11 : i32
      %parallel_loop3A_514 = arith.addi %parallel_loop3A_512, %parallel_loop3A_513 : i32
      %parallel_loop3A_515 = arith.constant 16 : i32
      %parallel_loop3A_516 = arith.muli %parallel_loop3A_514, %parallel_loop3A_515 : i32
      %parallel_loop3A_517 = arith.index_cast %parallel_loop3A_516 : i32 to index
      %parallel_loop3A_518 = tpu.vector_load %arg7[%parallel_loop3A_517] {strides = array<i32>} : memref<2048xf32, #tpu.memory_space<vmem>>, vector<16xf32>,
      %parallel_loop3A_519 = arith.constant 16 : i32
      %parallel_loop3A_520 = arith.muli %parallel_loop3A_422, %parallel_loop3A_519 : i32
      %parallel_loop3A_521 = arith.constant 12 : i32
      %parallel_loop3A_522 = arith.addi %parallel_loop3A_520, %parallel_loop3A_521 : i32
      %parallel_loop3A_523 = arith.constant 16 : i32
      %parallel_loop3A_524 = arith.muli %parallel_loop3A_522, %parallel_loop3A_523 : i32
      %parallel_loop3A_525 = arith.index_cast %parallel_loop3A_524 : i32 to index
      %parallel_loop3A_526 = tpu.vector_load %arg7[%parallel_loop3A_525] {strides = array<i32>} : memref<2048xf32, #tpu.memory_space<vmem>>, vector<16xf32>,
      %parallel_loop3A_527 = arith.constant 16 : i32
      %parallel_loop3A_528 = arith.muli %parallel_loop3A_422, %parallel_loop3A_527 : i32
      %parallel_loop3A_529 = arith.constant 13 : i32
      %parallel_loop3A_530 = arith.addi %parallel_loop3A_528, %parallel_loop3A_529 : i32
      %parallel_loop3A_531 = arith.constant 16 : i32
      %parallel_loop3A_532 = arith.muli %parallel_loop3A_530, %parallel_loop3A_531 : i32
      %parallel_loop3A_533 = arith.index_cast %parallel_loop3A_532 : i32 to index
      %parallel_loop3A_534 = tpu.vector_load %arg7[%parallel_loop3A_533] {strides = array<i32>} : memref<2048xf32, #tpu.memory_space<vmem>>, vector<16xf32>,
      %parallel_loop3A_535 = arith.constant 16 : i32
      %parallel_loop3A_536 = arith.muli %parallel_loop3A_422, %parallel_loop3A_535 : i32
      %parallel_loop3A_537 = arith.constant 14 : i32
      %parallel_loop3A_538 = arith.addi %parallel_loop3A_536, %parallel_loop3A_537 : i32
      %parallel_loop3A_539 = arith.constant 16 : i32
      %parallel_loop3A_540 = arith.muli %parallel_loop3A_538, %parallel_loop3A_539 : i32
      %parallel_loop3A_541 = arith.index_cast %parallel_loop3A_540 : i32 to index
      %parallel_loop3A_542 = tpu.vector_load %arg7[%parallel_loop3A_541] {strides = array<i32>} : memref<2048xf32, #tpu.memory_space<vmem>>, vector<16xf32>,
      %parallel_loop3A_543 = arith.constant 16 : i32
      %parallel_loop3A_544 = arith.muli %parallel_loop3A_422, %parallel_loop3A_543 : i32
      %parallel_loop3A_545 = arith.constant 15 : i32
      %parallel_loop3A_546 = arith.addi %parallel_loop3A_544, %parallel_loop3A_545 : i32
      %parallel_loop3A_547 = arith.constant 16 : i32
      %parallel_loop3A_548 = arith.muli %parallel_loop3A_546, %parallel_loop3A_547 : i32
      %parallel_loop3A_549 = arith.index_cast %parallel_loop3A_548 : i32 to index
      %parallel_loop3A_550 = tpu.vector_load %arg7[%parallel_loop3A_549] {strides = array<i32>} : memref<2048xf32, #tpu.memory_space<vmem>>, vector<16xf32>,
      %parallel_loop3A_551 = arith.maximumf %parallel_loop3A_430, %parallel_loop3A_438 : vector<16xf32>
      %parallel_loop3A_552 = arith.maximumf %parallel_loop3A_446, %parallel_loop3A_454 : vector<16xf32>
      %parallel_loop3A_553 = arith.maximumf %parallel_loop3A_462, %parallel_loop3A_470 : vector<16xf32>
      %parallel_loop3A_554 = arith.maximumf %parallel_loop3A_478, %parallel_loop3A_486 : vector<16xf32>
      %parallel_loop3A_555 = arith.maximumf %parallel_loop3A_494, %parallel_loop3A_502 : vector<16xf32>
      %parallel_loop3A_556 = arith.maximumf %parallel_loop3A_510, %parallel_loop3A_518 : vector<16xf32>
      %parallel_loop3A_557 = arith.maximumf %parallel_loop3A_526, %parallel_loop3A_534 : vector<16xf32>
      %parallel_loop3A_558 = arith.maximumf %parallel_loop3A_542, %parallel_loop3A_550 : vector<16xf32>
      %parallel_loop3A_559 = arith.maximumf %parallel_loop3A_551, %parallel_loop3A_552 : vector<16xf32>
      %parallel_loop3A_560 = arith.maximumf %parallel_loop3A_553, %parallel_loop3A_554 : vector<16xf32>
      %parallel_loop3A_561 = arith.maximumf %parallel_loop3A_555, %parallel_loop3A_556 : vector<16xf32>
      %parallel_loop3A_562 = arith.maximumf %parallel_loop3A_557, %parallel_loop3A_558 : vector<16xf32>
      %parallel_loop3A_563 = arith.maximumf %parallel_loop3A_559, %parallel_loop3A_560 : vector<16xf32>
      %parallel_loop3A_564 = arith.maximumf %parallel_loop3A_561, %parallel_loop3A_562 : vector<16xf32>
      %parallel_loop3A_565 = arith.maximumf %parallel_loop3A_563, %parallel_loop3A_564 : vector<16xf32>
      %parallel_loop3A_566 = arith.constant 16 : i32
      %parallel_loop3A_567 = arith.muli %parallel_loop3A_422, %parallel_loop3A_566 : i32
      %parallel_loop3A_568 = arith.index_cast %parallel_loop3A_567 : i32 to index
      %parallel_loop3A_569 = tpu.vector_load %arg8[%parallel_loop3A_568] {strides = array<i32>} : memref<128xf32, #tpu.memory_space<vmem>>, vector<16xf32>,
      tpu.vector_store %arg8[%parallel_loop3A_568], %parallel_loop3A_565 {strides = array<i32>} : memref<128xf32, #tpu.memory_space<vmem>>, vector<16xf32>,
    } {sc.loop_unroll_factor = 1 : i64, sc.parallel_access}
    %scan3A = arith.constant 0 : i32
    %scan3A_60 = arith.constant 0 : i32
    %scan3A_61 = arith.constant 8 : i32
    %scan3A_62 = arith.addi %scan3A_60, %scan3A_61 : i32
    %scan3A_63 = arith.constant 1 : i32
    %scan3A_64 = scf.for %scan3A_422 = %scan3A_60 to %scan3A_62 step %scan3A_63 iter_args(%scan3A_423 = %scan3A) -> (i32)  : i32 {
      %mul3A_424 = arith.constant 16 : i32
      %mul3A_425 = arith.muli %scan3A_422, %mul3A_424 : i32
      %get3A = arith.index_cast %mul3A_425 : i32 to index
      %get3A_426 = tpu.vector_load %arg8[%get3A] {strides = array<i32>} : memref<128xf32, #tpu.memory_space<vmem>>, vector<16xf32>,
      %gt3A_427 = vector.broadcast %select_n3A : f32 to vector<16xf32>
      %gt3A_428 = arith.cmpf ogt, %get3A_426, %gt3A_427 : vector<16xf32>
      %reduce_or3A = arith.constant 1.000000e+00 : f32
      %reduce_or3A_429 = arith.constant 0.000000e+00 : f32
      %reduce_or3A_430 = vector.broadcast %reduce_or3A : f32 to vector<16xf32>
      %reduce_or3A_431 = vector.broadcast %reduce_or3A_429 : f32 to vector<16xf32>
      %reduce_or3A_432 = arith.select %gt3A_428, %reduce_or3A_430, %reduce_or3A_431 : vector<16xi1>, vector<16xf32>
      %reduce_or3A_433 = arith.constant true
      %reduce_or3A_434 = vector.broadcast %reduce_or3A_433 : i1 to vector<16xi1>
      %reduce_or3A_435 = tpu.scan <max>, %reduce_or3A_432 masked %reduce_or3A_434 : vector<16xf32>, vector<16xi1> -> vector<16xf32>
      %reduce_or3A_436 = vector.extract %reduce_or3A_435[15] : f32 from vector<16xf32>
      %reduce_or3A_437 = arith.constant 0.000000e+00 : f32
      %reduce_or3A_438 = arith.cmpf ogt, %reduce_or3A_436, %reduce_or3A_437 : f32
      %convert_element_type3A_439 = arith.extui %reduce_or3A_438 : i1 to i32
      %cond3A_440 = arith.constant 0 : i32
      %cond3A_441 = arith.cmpi ne, %convert_element_type3A_439, %cond3A_440 : i32
      %cond3A_442 = scf.if %cond3A_441 -> (i32) {
        %scan3A_443 = arith.constant 0 : i32
        %scan3A_444 = arith.constant 16 : i32
        %scan3A_445 = arith.addi %scan3A_443, %scan3A_444 : i32
        %scan3A_446 = arith.constant 1 : i32
        %scan3A_447 = scf.for %scan3A_449 = %scan3A_443 to %scan3A_445 step %scan3A_446 iter_args(%scan3A_450 = %scan3A_423) -> (i32)  : i32 {
          %mul3A_451 = arith.constant 16 : i32
          %mul3A_452 = arith.muli %scan3A_422, %mul3A_451 : i32
          %add3A_453 = arith.addi %mul3A_452, %scan3A_449 : i32
          %mul3A_454 = arith.constant 16 : i32
          %mul3A_455 = arith.muli %add3A_453, %mul3A_454 : i32
          %get3A_456 = arith.index_cast %mul3A_455 : i32 to index
          %get3A_457 = tpu.vector_load %arg7[%get3A_456] {strides = array<i32>} : memref<2048xf32, #tpu.memory_space<vmem>>, vector<16xf32>,
          %gt3A_458 = vector.broadcast %select_n3A : f32 to vector<16xf32>
          %gt3A_459 = arith.cmpf ogt, %get3A_457, %gt3A_458 : vector<16xf32>
          %reduce_or3A_460 = arith.constant 1.000000e+00 : f32
          %reduce_or3A_461 = arith.constant 0.000000e+00 : f32
          %reduce_or3A_462 = vector.broadcast %reduce_or3A_460 : f32 to vector<16xf32>
          %reduce_or3A_463 = vector.broadcast %reduce_or3A_461 : f32 to vector<16xf32>
          %reduce_or3A_464 = arith.select %gt3A_459, %reduce_or3A_462, %reduce_or3A_463 : vector<16xi1>, vector<16xf32>
          %reduce_or3A_465 = arith.constant true
          %reduce_or3A_466 = vector.broadcast %reduce_or3A_465 : i1 to vector<16xi1>
          %reduce_or3A_467 = tpu.scan <max>, %reduce_or3A_464 masked %reduce_or3A_466 : vector<16xf32>, vector<16xi1> -> vector<16xf32>
          %reduce_or3A_468 = vector.extract %reduce_or3A_467[15] : f32 from vector<16xf32>
          %reduce_or3A_469 = arith.constant 0.000000e+00 : f32
          %reduce_or3A_470 = arith.cmpf ogt, %reduce_or3A_468, %reduce_or3A_469 : f32
          %convert_element_type3A_471 = arith.extui %reduce_or3A_470 : i1 to i32
          %cond3A_472 = arith.constant 0 : i32
          %cond3A_473 = arith.cmpi ne, %convert_element_type3A_471, %cond3A_472 : i32
          %cond3A_474 = scf.if %cond3A_473 -> (i32) {
            %scan3A_475 = arith.constant 0 : i32
            %scan3A_476 = arith.constant 16 : i32
            %scan3A_477 = arith.addi %scan3A_475, %scan3A_476 : i32
            %scan3A_478 = arith.constant 1 : i32
            %scan3A_479 = scf.for %scan3A_481 = %scan3A_475 to %scan3A_477 step %scan3A_478 iter_args(%scan3A_482 = %scan3A_450) -> (i32)  : i32 {
              %mul3A_483 = arith.constant 16 : i32
              %mul3A_484 = arith.muli %add3A_453, %mul3A_483 : i32
              %add3A_485 = arith.addi %mul3A_484, %scan3A_481 : i32
              %mul3A_486 = arith.constant 16 : i32
              %mul3A_487 = arith.muli %add3A_485, %mul3A_486 : i32
              %get3A_488 = arith.index_cast %mul3A_487 : i32 to index
              %get3A_489 = tpu.vector_load %arg4[%get3A_488] {strides = array<i32>} : memref<32768xf32, #tpu.memory_space<vmem>>, vector<16xf32>,
              %gt3A_490 = vector.broadcast %select_n3A : f32 to vector<16xf32>
              %gt3A_491 = arith.cmpf ogt, %get3A_489, %gt3A_490 : vector<16xf32>
              %le3A_492 = arith.constant 1024 : i32
              %le3A_493 = arith.cmpi sle, %scan3A_482, %le3A_492 : i32
              %convert_element_type3A_494 = arith.extui %le3A_493 : i1 to i32
              %cond3A_495 = arith.constant 0 : i32
              %cond3A_496 = arith.cmpi ne, %convert_element_type3A_494, %cond3A_495 : i32
              scf.if %cond3A_496 {
                %exp3A_500 = math.exp %get3A_489 : vector<16xf32>
                %swap3A = arith.index_cast %scan3A_482 : i32 to index
                %swap3A_501 = tpu.vector_load %arg9[%swap3A] masked %gt3A_491 {strides = array<i32>} : memref<1040xf32, #tpu.memory_space<vmem>>, vector<16xf32>, vector<16xi1>
                tpu.vector_store %arg9[%swap3A], %exp3A_500 masked %gt3A_491 {strides = array<i32>} : memref<1040xf32, #tpu.memory_space<vmem>>, vector<16xf32>, vector<16xi1>
                %mul3A_502 = arith.constant 16 : i32
                %mul3A_503 = arith.muli %add3A_485, %mul3A_502 : i32
                %add3A_504 = vector.broadcast %mul3A_503 : i32 to vector<16xi32>
                %add3A_505 = arith.addi %add3A_504, %iota3A : vector<16xi32>
                %swap3A_506 = arith.index_cast %scan3A_482 : i32 to index
                %swap3A_507 = tpu.vector_load %arg10[%swap3A_506] masked %gt3A_491 {strides = array<i32>} : memref<1040xi32, #tpu.memory_space<vmem>>, vector<16xi32>, vector<16xi1>
                tpu.vector_store %arg10[%swap3A_506], %add3A_505 masked %gt3A_491 {strides = array<i32>} : memref<1040xi32, #tpu.memory_space<vmem>>, vector<16xi32>, vector<16xi1>
              } else {
              }
              %all_reduce_population_count3A = tpu.all_reduce %gt3A_491 {dim = 0 : i64, kind = #tpu.reduction_kind<sum>} : vector<16xi1> -> vector<16xi32>
              %slice3A_497 = vector.extract_strided_slice %all_reduce_population_count3A {offsets = [0], sizes = [1], strides = [1]} : vector<16xi32> to vector<1xi32>
              %squeeze3A_498 = vector.extract %slice3A_497[0] : i32 from vector<1xi32>
              %add3A_499 = arith.addi %scan3A_482, %squeeze3A_498 : i32
              scf.yield %add3A_499 : i32
            }
            %scan3A_480 = arith.constant 16 : i32
            scf.yield %scan3A_479 : i32
          } else {
            scf.yield %scan3A_450 : i32
          }
          scf.yield %cond3A_474 : i32
        }
        %scan3A_448 = arith.constant 16 : i32
        scf.yield %scan3A_447 : i32
      } else {
        scf.yield %scan3A_423 : i32
      }
      scf.yield %cond3A_442 : i32
    }
    %scan3A_65 = arith.constant 8 : i32
    %le3A = arith.constant 1024 : i32
    %le3A_66 = arith.cmpi sle, %scan3A_64, %le3A : i32
    %convert_element_type3A = arith.extui %le3A_66 : i1 to i32
    %cond3A = arith.constant 0 : i32
    %cond3A_67 = arith.cmpi ne, %convert_element_type3A, %cond3A : i32
    scf.if %cond3A_67 {
      %broadcast_in_dim3A_422 = vector.broadcast %sub3A_42 : f32 to vector<16xf32>
      %swap3A = arith.index_cast %scan3A_64 : i32 to index
      %swap3A_423 = tpu.vector_load %arg9[%swap3A] {strides = array<i32>} : memref<1040xf32, #tpu.memory_space<vmem>>, vector<16xf32>,
      tpu.vector_store %arg9[%swap3A], %broadcast_in_dim3A_422 {strides = array<i32>} : memref<1040xf32, #tpu.memory_space<vmem>>, vector<16xf32>,
    } else {
    }
    %add3A_68 = arith.constant 15 : i32
    %add3A_69 = arith.addi %scan3A_64, %add3A_68 : i32
    %shift_right_logical3A = arith.constant 4 : i32
    %shift_right_logical3A_70 = arith.shrui %add3A_69, %shift_right_logical3A : i32
    %le3A_71 = arith.constant 16 : i32
    %le3A_72 = arith.cmpi sle, %scan3A_64, %le3A_71 : i32
    %convert_element_type3A_73 = arith.extui %le3A_72 : i1 to i32
    %cond3A_74 = arith.constant 0 : i32
    %cond3A_75 = arith.cmpi ne, %convert_element_type3A_73, %cond3A_74 : i32
    %cond3A_76 = scf.if %cond3A_75 -> (vector<16xf32>) {
      %get3A = arith.constant 0 : index
      %get3A_422 = tpu.vector_load %arg9[%get3A] {strides = array<i32>} : memref<1040xf32, #tpu.memory_space<vmem>>, vector<16xf32>,
      %lt3A = vector.broadcast %scan3A_64 : i32 to vector<16xi32>
      %lt3A_423 = arith.cmpi slt, %iota3A, %lt3A : vector<16xi32>
      %jit3A_424 = arith.constant -3.000000e+38 : f32
      %broadcast_in_dim3A_425 = vector.broadcast %jit3A_424 : f32 to vector<16xf32>
      %select_n3A_426 = arith.select %lt3A_423, %get3A_422, %broadcast_in_dim3A_425 : vector<16xi1>, vector<16xf32>
      %masked_sort3A = arith.constant dense<true> : vector<16xi1>
      %masked_sort3A_427, %masked_sort3A_428, %masked_sort3A_429 = tpu.sort %select_n3A_426, %select_n3A_426 masked %masked_sort3A {descending = true} : (vector<16xf32>, vector<16xf32>, vector<16xi1>) -> (vector<16xi1>, vector<16xf32>, vector<16xf32>)
      %broadcast_in_dim3A_430 = arith.constant true
      %broadcast_in_dim3A_431 = vector.broadcast %broadcast_in_dim3A_430 : i1 to vector<16xi1>
      %masked_cumsum3A = tpu.scan <sum>, %masked_sort3A_428 masked %broadcast_in_dim3A_431 : vector<16xf32>, vector<16xi1> -> vector<16xf32>
      %add3A_432 = arith.constant 1 : i32
      %add3A_433 = vector.broadcast %add3A_432 : i32 to vector<16xi32>
      %add3A_434 = arith.addi %iota3A, %add3A_433 : vector<16xi32>
      %convert_element_type3A_435 = arith.sitofp %add3A_434 : vector<16xi32> to vector<16xf32>
      %mul3A_436 = arith.mulf %convert_element_type3A_435, %masked_sort3A_428 : vector<16xf32>
      %add3A_437 = arith.constant 1.000000e+00 : f32
      %add3A_438 = vector.broadcast %add3A_437 : f32 to vector<16xf32>
      %add3A_439 = arith.addf %add3A_438, %mul3A_436 : vector<16xf32>
      %gt3A_440 = arith.cmpf ogt, %add3A_439, %masked_cumsum3A : vector<16xf32>
      %all_reduce_population_count3A = tpu.all_reduce %gt3A_440 {dim = 0 : i64, kind = #tpu.reduction_kind<sum>} : vector<16xi1> -> vector<16xi32>
      %convert_element_type3A_441 = arith.sitofp %all_reduce_population_count3A : vector<16xi32> to vector<16xf32>
      %jit3A_442 = arith.constant 0.000000e+00 : f32
      %broadcast_in_dim3A_443 = vector.broadcast %jit3A_442 : f32 to vector<16xf32>
      %select_n3A_444 = arith.select %gt3A_440, %masked_sort3A_428, %broadcast_in_dim3A_443 : vector<16xi1>, vector<16xf32>
      %reduce_sum3A = arith.constant true
      %reduce_sum3A_445 = vector.broadcast %reduce_sum3A : i1 to vector<16xi1>
      %reduce_sum3A_446 = tpu.scan <sum>, %select_n3A_444 masked %reduce_sum3A_445 : vector<16xf32>, vector<16xi1> -> vector<16xf32>
      %reduce_sum3A_447 = vector.extract %reduce_sum3A_446[15] : f32 from vector<16xf32>
      %broadcast_in_dim3A_448 = vector.broadcast %reduce_sum3A_447 : f32 to vector<16xf32>
      %sub3A_449 = arith.constant 1.000000e+00 : f32
      %sub3A_450 = vector.broadcast %sub3A_449 : f32 to vector<16xf32>
      %sub3A_451 = arith.subf %broadcast_in_dim3A_448, %sub3A_450 : vector<16xf32>
      %div3A_452 = arith.divf %sub3A_451, %convert_element_type3A_441 : vector<16xf32>
      scf.yield %div3A_452 : vector<16xf32>
    } else {
      %convert_element_type3A_422 = arith.extui %le3A_66 : i1 to i32
      %cond3A_423 = arith.constant 0 : i32
      %cond3A_424 = arith.cmpi ne, %convert_element_type3A_422, %cond3A_423 : i32
      %cond3A_425 = scf.if %cond3A_424 -> (vector<16xf32>) {
        %scan3A_426 = arith.constant 0 : i32
        %scan3A_427 = arith.constant 30 : i32
        %scan3A_428 = arith.addi %scan3A_426, %scan3A_427 : i32
        %scan3A_429 = arith.constant 1 : i32
        %scan3A_430:2 = scf.for %scan3A_455 = %scan3A_426 to %scan3A_428 step %scan3A_429 iter_args(%scan3A_456 = %sub3A_42, %scan3A_457 = %squeeze3A) -> (f32, f32)  : i32 {
          %add3A_458 = arith.addf %scan3A_456, %scan3A_457 : f32
          %mul3A_459 = arith.constant 5.000000e-01 : f32
          %mul3A_460 = arith.mulf %mul3A_459, %add3A_458 : f32
          %while3A_461 = arith.constant 0 : i32
          %while3A_462 = arith.subi %shift_right_logical3A_70, %while3A_461 : i32
          %while3A_463 = arith.addi %while3A_461, %while3A_462 : i32
          %while3A_464 = arith.constant 1 : i32
          %while3A_465 = arith.divsi %while3A_462, %while3A_464 : i32
          %while3A_466 = arith.muli %while3A_465, %while3A_464 : i32
          %while3A_467 = arith.addi %while3A_461, %while3A_466 : i32
          %while3A_468 = arith.constant 1 : i32
          %while3A_469 = scf.for %while3A_481 = %while3A_461 to %while3A_467 step %while3A_468 iter_args(%while3A_482 = %broadcast_in_dim3A_1) -> (vector<16xf32>)  : i32 {
            %mul3A_483 = arith.constant 16 : i32
            %mul3A_484 = arith.muli %while3A_481, %mul3A_483 : i32
            %get3A = arith.index_cast %mul3A_484 : i32 to index
            %get3A_485 = tpu.vector_load %arg9[%get3A] {strides = array<i32>} : memref<1040xf32, #tpu.memory_space<vmem>>, vector<16xf32>,
            %sub3A_486 = vector.broadcast %mul3A_460 : f32 to vector<16xf32>
            %sub3A_487 = arith.subf %get3A_485, %sub3A_486 : vector<16xf32>
            %max3A = arith.constant 0.000000e+00 : f32
            %max3A_488 = vector.broadcast %max3A : f32 to vector<16xf32>
            %max3A_489 = arith.maximumf %sub3A_487, %max3A_488 : vector<16xf32>
            %add3A_490 = arith.addf %while3A_482, %max3A_489 : vector<16xf32>
            scf.yield %add3A_490 : vector<16xf32>
          }
          %while3A_470 = arith.constant 1 : i32
          %while3A_471 = scf.for %while3A_481 = %while3A_467 to %while3A_463 step %while3A_470 iter_args(%while3A_482 = %while3A_469) -> (vector<16xf32>)  : i32 {
            %mul3A_483 = arith.constant 16 : i32
            %mul3A_484 = arith.muli %while3A_481, %mul3A_483 : i32
            %get3A = arith.index_cast %mul3A_484 : i32 to index
            %get3A_485 = tpu.vector_load %arg9[%get3A] {strides = array<i32>} : memref<1040xf32, #tpu.memory_space<vmem>>, vector<16xf32>,
            %sub3A_486 = vector.broadcast %mul3A_460 : f32 to vector<16xf32>
            %sub3A_487 = arith.subf %get3A_485, %sub3A_486 : vector<16xf32>
            %max3A = arith.constant 0.000000e+00 : f32
            %max3A_488 = vector.broadcast %max3A : f32 to vector<16xf32>
            %max3A_489 = arith.maximumf %sub3A_487, %max3A_488 : vector<16xf32>
            %add3A_490 = arith.addf %while3A_482, %max3A_489 : vector<16xf32>
            scf.yield %add3A_490 : vector<16xf32>
          }
          %reduce_sum3A_472 = arith.constant true
          %reduce_sum3A_473 = vector.broadcast %reduce_sum3A_472 : i1 to vector<16xi1>
          %reduce_sum3A_474 = tpu.scan <sum>, %while3A_471 masked %reduce_sum3A_473 : vector<16xf32>, vector<16xi1> -> vector<16xf32>
          %reduce_sum3A_475 = vector.extract %reduce_sum3A_474[15] : f32 from vector<16xf32>
          %sub3A_476 = arith.constant 1.000000e+00 : f32
          %sub3A_477 = arith.subf %reduce_sum3A_475, %sub3A_476 : f32
          %ge3A = arith.constant 0.000000e+00 : f32
          %ge3A_478 = arith.cmpf oge, %sub3A_477, %ge3A : f32
          %select_n3A_479 = arith.select %ge3A_478, %mul3A_460, %scan3A_456 : f32
          %select_n3A_480 = arith.select %ge3A_478, %scan3A_457, %mul3A_460 : f32
          scf.yield %select_n3A_479, %select_n3A_480 : f32, f32
        }
        %scan3A_431 = arith.constant 30 : i32
        %while3A = arith.constant 0 : i32
        %while3A_432 = arith.subi %shift_right_logical3A_70, %while3A : i32
        %while3A_433 = arith.addi %while3A, %while3A_432 : i32
        %while3A_434 = arith.constant 1 : i32
        %while3A_435 = arith.divsi %while3A_432, %while3A_434 : i32
        %while3A_436 = arith.muli %while3A_435, %while3A_434 : i32
        %while3A_437 = arith.addi %while3A, %while3A_436 : i32
        %while3A_438 = arith.constant 1 : i32
        %while3A_439:2 = scf.for %while3A_455 = %while3A to %while3A_437 step %while3A_438 iter_args(%while3A_456 = %broadcast_in_dim3A_1, %while3A_457 = %broadcast_in_dim3A_1) -> (vector<16xf32>, vector<16xf32>)  : i32 {
          %mul3A_458 = arith.constant 16 : i32
          %mul3A_459 = arith.muli %while3A_455, %mul3A_458 : i32
          %get3A = arith.index_cast %mul3A_459 : i32 to index
          %get3A_460 = tpu.vector_load %arg9[%get3A] {strides = array<i32>} : memref<1040xf32, #tpu.memory_space<vmem>>, vector<16xf32>,
          %gt3A_461 = vector.broadcast %scan3A_430#0 : f32 to vector<16xf32>
          %gt3A_462 = arith.cmpf ogt, %get3A_460, %gt3A_461 : vector<16xf32>
          %jit3A_463 = arith.constant 0.000000e+00 : f32
          %broadcast_in_dim3A_464 = vector.broadcast %jit3A_463 : f32 to vector<16xf32>
          %select_n3A_465 = arith.select %gt3A_462, %get3A_460, %broadcast_in_dim3A_464 : vector<16xi1>, vector<16xf32>
          %add3A_466 = arith.addf %while3A_456, %select_n3A_465 : vector<16xf32>
          %jit3A_467 = arith.constant 1.000000e+00 : f32
          %jit3A_468 = arith.constant 0.000000e+00 : f32
          %broadcast_in_dim3A_469 = vector.broadcast %jit3A_467 : f32 to vector<16xf32>
          %broadcast_in_dim3A_470 = vector.broadcast %jit3A_468 : f32 to vector<16xf32>
          %select_n3A_471 = arith.select %gt3A_462, %broadcast_in_dim3A_469, %broadcast_in_dim3A_470 : vector<16xi1>, vector<16xf32>
          %add3A_472 = arith.addf %while3A_457, %select_n3A_471 : vector<16xf32>
          scf.yield %add3A_466, %add3A_472 : vector<16xf32>, vector<16xf32>
        }
        %while3A_440 = arith.constant 1 : i32
        %while3A_441:2 = scf.for %while3A_455 = %while3A_437 to %while3A_433 step %while3A_440 iter_args(%while3A_456 = %while3A_439#0, %while3A_457 = %while3A_439#1) -> (vector<16xf32>, vector<16xf32>)  : i32 {
          %mul3A_458 = arith.constant 16 : i32
          %mul3A_459 = arith.muli %while3A_455, %mul3A_458 : i32
          %get3A = arith.index_cast %mul3A_459 : i32 to index
          %get3A_460 = tpu.vector_load %arg9[%get3A] {strides = array<i32>} : memref<1040xf32, #tpu.memory_space<vmem>>, vector<16xf32>,
          %gt3A_461 = vector.broadcast %scan3A_430#0 : f32 to vector<16xf32>
          %gt3A_462 = arith.cmpf ogt, %get3A_460, %gt3A_461 : vector<16xf32>
          %jit3A_463 = arith.constant 0.000000e+00 : f32
          %broadcast_in_dim3A_464 = vector.broadcast %jit3A_463 : f32 to vector<16xf32>
          %select_n3A_465 = arith.select %gt3A_462, %get3A_460, %broadcast_in_dim3A_464 : vector<16xi1>, vector<16xf32>
          %add3A_466 = arith.addf %while3A_456, %select_n3A_465 : vector<16xf32>
          %jit3A_467 = arith.constant 1.000000e+00 : f32
          %jit3A_468 = arith.constant 0.000000e+00 : f32
          %broadcast_in_dim3A_469 = vector.broadcast %jit3A_467 : f32 to vector<16xf32>
          %broadcast_in_dim3A_470 = vector.broadcast %jit3A_468 : f32 to vector<16xf32>
          %select_n3A_471 = arith.select %gt3A_462, %broadcast_in_dim3A_469, %broadcast_in_dim3A_470 : vector<16xi1>, vector<16xf32>
          %add3A_472 = arith.addf %while3A_457, %select_n3A_471 : vector<16xf32>
          scf.yield %add3A_466, %add3A_472 : vector<16xf32>, vector<16xf32>
        }
        %reduce_sum3A = arith.constant true
        %reduce_sum3A_442 = vector.broadcast %reduce_sum3A : i1 to vector<16xi1>
        %reduce_sum3A_443 = tpu.scan <sum>, %while3A_441#0 masked %reduce_sum3A_442 : vector<16xf32>, vector<16xi1> -> vector<16xf32>
        %reduce_sum3A_444 = vector.extract %reduce_sum3A_443[15] : f32 from vector<16xf32>
        %broadcast_in_dim3A_445 = vector.broadcast %reduce_sum3A_444 : f32 to vector<16xf32>
        %sub3A_446 = arith.constant 1.000000e+00 : f32
        %sub3A_447 = vector.broadcast %sub3A_446 : f32 to vector<16xf32>
        %sub3A_448 = arith.subf %broadcast_in_dim3A_445, %sub3A_447 : vector<16xf32>
        %reduce_sum3A_449 = arith.constant true
        %reduce_sum3A_450 = vector.broadcast %reduce_sum3A_449 : i1 to vector<16xi1>
        %reduce_sum3A_451 = tpu.scan <sum>, %while3A_441#1 masked %reduce_sum3A_450 : vector<16xf32>, vector<16xi1> -> vector<16xf32>
        %reduce_sum3A_452 = vector.extract %reduce_sum3A_451[15] : f32 from vector<16xf32>
        %broadcast_in_dim3A_453 = vector.broadcast %reduce_sum3A_452 : f32 to vector<16xf32>
        %div3A_454 = arith.divf %sub3A_448, %broadcast_in_dim3A_453 : vector<16xf32>
        scf.yield %div3A_454 : vector<16xf32>
      } else {
        %parallel_loop3A_426 = arith.constant 0 : i32
        %parallel_loop3A_427 = arith.constant 2048 : i32
        %parallel_loop3A_428 = arith.constant 1 : i32
        scf.for %parallel_loop3A_454 = %parallel_loop3A_426 to %parallel_loop3A_427 step %parallel_loop3A_428  : i32 {
          %parallel_loop3A_455 = arith.constant 16 : i32
          %parallel_loop3A_456 = arith.muli %parallel_loop3A_454, %parallel_loop3A_455 : i32
          %parallel_loop3A_457 = arith.index_cast %parallel_loop3A_456 : i32 to index
          %parallel_loop3A_458 = tpu.vector_load %arg4[%parallel_loop3A_457] {strides = array<i32>} : memref<32768xf32, #tpu.memory_space<vmem>>, vector<16xf32>,
          %parallel_loop3A_459 = math.exp %parallel_loop3A_458 : vector<16xf32>
          %parallel_loop3A_460 = arith.constant 16 : i32
          %parallel_loop3A_461 = arith.muli %parallel_loop3A_454, %parallel_loop3A_460 : i32
          %parallel_loop3A_462 = arith.index_cast %parallel_loop3A_461 : i32 to index
          %parallel_loop3A_463 = tpu.vector_load %arg4[%parallel_loop3A_462] {strides = array<i32>} : memref<32768xf32, #tpu.memory_space<vmem>>, vector<16xf32>,
          tpu.vector_store %arg4[%parallel_loop3A_462], %parallel_loop3A_459 {strides = array<i32>} : memref<32768xf32, #tpu.memory_space<vmem>>, vector<16xf32>,
        } {sc.loop_unroll_factor = 4 : i64, sc.parallel_access}
        %scan3A_429 = arith.constant 0 : i32
        %scan3A_430 = arith.constant 30 : i32
        %scan3A_431 = arith.addi %scan3A_429, %scan3A_430 : i32
        %scan3A_432 = arith.constant 1 : i32
        %scan3A_433:2 = scf.for %scan3A_454 = %scan3A_429 to %scan3A_431 step %scan3A_432 iter_args(%scan3A_455 = %sub3A_42, %scan3A_456 = %squeeze3A) -> (f32, f32)  : i32 {
          %add3A_457 = arith.addf %scan3A_455, %scan3A_456 : f32
          %mul3A_458 = arith.constant 5.000000e-01 : f32
          %mul3A_459 = arith.mulf %mul3A_458, %add3A_457 : f32
          %scan3A_460 = arith.constant 0 : i32
          %scan3A_461 = arith.constant 2048 : i32
          %scan3A_462 = arith.addi %scan3A_460, %scan3A_461 : i32
          %scan3A_463 = arith.constant 1 : i32
          %scan3A_464 = scf.for %scan3A_475 = %scan3A_460 to %scan3A_462 step %scan3A_463 iter_args(%scan3A_476 = %broadcast_in_dim3A_1) -> (vector<16xf32>)  : i32 {
            %mul3A_477 = arith.constant 16 : i32
            %mul3A_478 = arith.muli %scan3A_475, %mul3A_477 : i32
            %get3A = arith.index_cast %mul3A_478 : i32 to index
            %get3A_479 = tpu.vector_load %arg4[%get3A] {strides = array<i32>} : memref<32768xf32, #tpu.memory_space<vmem>>, vector<16xf32>,
            %sub3A_480 = vector.broadcast %mul3A_459 : f32 to vector<16xf32>
            %sub3A_481 = arith.subf %get3A_479, %sub3A_480 : vector<16xf32>
            %max3A = arith.constant 0.000000e+00 : f32
            %max3A_482 = vector.broadcast %max3A : f32 to vector<16xf32>
            %max3A_483 = arith.maximumf %sub3A_481, %max3A_482 : vector<16xf32>
            %add3A_484 = arith.addf %scan3A_476, %max3A_483 : vector<16xf32>
            scf.yield %add3A_484 : vector<16xf32>
          }
          %scan3A_465 = arith.constant 2048 : i32
          %reduce_sum3A_466 = arith.constant true
          %reduce_sum3A_467 = vector.broadcast %reduce_sum3A_466 : i1 to vector<16xi1>
          %reduce_sum3A_468 = tpu.scan <sum>, %scan3A_464 masked %reduce_sum3A_467 : vector<16xf32>, vector<16xi1> -> vector<16xf32>
          %reduce_sum3A_469 = vector.extract %reduce_sum3A_468[15] : f32 from vector<16xf32>
          %sub3A_470 = arith.constant 1.000000e+00 : f32
          %sub3A_471 = arith.subf %reduce_sum3A_469, %sub3A_470 : f32
          %ge3A = arith.constant 0.000000e+00 : f32
          %ge3A_472 = arith.cmpf oge, %sub3A_471, %ge3A : f32
          %select_n3A_473 = arith.select %ge3A_472, %mul3A_459, %scan3A_455 : f32
          %select_n3A_474 = arith.select %ge3A_472, %scan3A_456, %mul3A_459 : f32
          scf.yield %select_n3A_473, %select_n3A_474 : f32, f32
        }
        %scan3A_434 = arith.constant 30 : i32
        %scan3A_435 = arith.constant 0 : i32
        %scan3A_436 = arith.constant 2048 : i32
        %scan3A_437 = arith.addi %scan3A_435, %scan3A_436 : i32
        %scan3A_438 = arith.constant 1 : i32
        %scan3A_439:2 = scf.for %scan3A_454 = %scan3A_435 to %scan3A_437 step %scan3A_438 iter_args(%scan3A_455 = %broadcast_in_dim3A_1, %scan3A_456 = %broadcast_in_dim3A_1) -> (vector<16xf32>, vector<16xf32>)  : i32 {
          %mul3A_457 = arith.constant 16 : i32
          %mul3A_458 = arith.muli %scan3A_454, %mul3A_457 : i32
          %get3A = arith.index_cast %mul3A_458 : i32 to index
          %get3A_459 = tpu.vector_load %arg4[%get3A] {strides = array<i32>} : memref<32768xf32, #tpu.memory_space<vmem>>, vector<16xf32>,
          %gt3A_460 = vector.broadcast %scan3A_433#0 : f32 to vector<16xf32>
          %gt3A_461 = arith.cmpf ogt, %get3A_459, %gt3A_460 : vector<16xf32>
          %jit3A_462 = arith.constant 0.000000e+00 : f32
          %broadcast_in_dim3A_463 = vector.broadcast %jit3A_462 : f32 to vector<16xf32>
          %select_n3A_464 = arith.select %gt3A_461, %get3A_459, %broadcast_in_dim3A_463 : vector<16xi1>, vector<16xf32>
          %add3A_465 = arith.addf %scan3A_455, %select_n3A_464 : vector<16xf32>
          %jit3A_466 = arith.constant 1.000000e+00 : f32
          %jit3A_467 = arith.constant 0.000000e+00 : f32
          %broadcast_in_dim3A_468 = vector.broadcast %jit3A_466 : f32 to vector<16xf32>
          %broadcast_in_dim3A_469 = vector.broadcast %jit3A_467 : f32 to vector<16xf32>
          %select_n3A_470 = arith.select %gt3A_461, %broadcast_in_dim3A_468, %broadcast_in_dim3A_469 : vector<16xi1>, vector<16xf32>
          %add3A_471 = arith.addf %scan3A_456, %select_n3A_470 : vector<16xf32>
          scf.yield %add3A_465, %add3A_471 : vector<16xf32>, vector<16xf32>
        }
        %scan3A_440 = arith.constant 2048 : i32
        %reduce_sum3A = arith.constant true
        %reduce_sum3A_441 = vector.broadcast %reduce_sum3A : i1 to vector<16xi1>
        %reduce_sum3A_442 = tpu.scan <sum>, %scan3A_439#0 masked %reduce_sum3A_441 : vector<16xf32>, vector<16xi1> -> vector<16xf32>
        %reduce_sum3A_443 = vector.extract %reduce_sum3A_442[15] : f32 from vector<16xf32>
        %broadcast_in_dim3A_444 = vector.broadcast %reduce_sum3A_443 : f32 to vector<16xf32>
        %sub3A_445 = arith.constant 1.000000e+00 : f32
        %sub3A_446 = vector.broadcast %sub3A_445 : f32 to vector<16xf32>
        %sub3A_447 = arith.subf %broadcast_in_dim3A_444, %sub3A_446 : vector<16xf32>
        %reduce_sum3A_448 = arith.constant true
        %reduce_sum3A_449 = vector.broadcast %reduce_sum3A_448 : i1 to vector<16xi1>
        %reduce_sum3A_450 = tpu.scan <sum>, %scan3A_439#1 masked %reduce_sum3A_449 : vector<16xf32>, vector<16xi1> -> vector<16xf32>
        %reduce_sum3A_451 = vector.extract %reduce_sum3A_450[15] : f32 from vector<16xf32>
        %broadcast_in_dim3A_452 = vector.broadcast %reduce_sum3A_451 : f32 to vector<16xf32>
        %div3A_453 = arith.divf %sub3A_447, %broadcast_in_dim3A_452 : vector<16xf32>
        scf.yield %div3A_453 : vector<16xf32>
      }
      scf.yield %cond3A_425 : vector<16xf32>
    }
    %convert_element_type3A_77 = arith.extui %le3A_66 : i1 to i32
    %cond3A_78 = arith.constant 0 : i32
    %cond3A_79 = arith.cmpi ne, %convert_element_type3A_77, %cond3A_78 : i32
    scf.if %cond3A_79 {
      %while3A = arith.constant 0 : i32
      %while3A_422 = arith.constant 0 : i32
      %while3A_423 = arith.subi %shift_right_logical3A_70, %while3A : i32
      %while3A_424 = arith.addi %while3A, %while3A_423 : i32
      %while3A_425 = arith.constant 1 : i32
      %while3A_426 = arith.divsi %while3A_423, %while3A_425 : i32
      %while3A_427 = arith.muli %while3A_426, %while3A_425 : i32
      %while3A_428 = arith.addi %while3A, %while3A_427 : i32
      %while3A_429 = arith.constant 1 : i32
      %while3A_430 = scf.for %while3A_433 = %while3A to %while3A_428 step %while3A_429 iter_args(%while3A_434 = %while3A_422) -> (i32)  : i32 {
        %mul3A_435 = arith.constant 16 : i32
        %mul3A_436 = arith.muli %while3A_433, %mul3A_435 : i32
        %get3A = arith.index_cast %mul3A_436 : i32 to index
        %get3A_437 = tpu.vector_load %arg9[%get3A] {strides = array<i32>} : memref<1040xf32, #tpu.memory_space<vmem>>, vector<16xf32>,
        %sub3A_438 = arith.subf %get3A_437, %cond3A_76 : vector<16xf32>
        %max3A = arith.constant 0.000000e+00 : f32
        %max3A_439 = vector.broadcast %max3A : f32 to vector<16xf32>
        %max3A_440 = arith.maximumf %sub3A_438, %max3A_439 : vector<16xf32>
        %add3A_441 = vector.broadcast %mul3A_436 : i32 to vector<16xi32>
        %add3A_442 = arith.addi %add3A_441, %iota3A : vector<16xi32>
        %lt3A = vector.broadcast %scan3A_64 : i32 to vector<16xi32>
        %lt3A_443 = arith.cmpi slt, %add3A_442, %lt3A : vector<16xi32>
        %get3A_444 = arith.index_cast %mul3A_436 : i32 to index
        %get3A_445 = tpu.vector_load %arg10[%get3A_444] {strides = array<i32>} : memref<1040xi32, #tpu.memory_space<vmem>>, vector<16xi32>,
        tpu.vector_store_idx %arg6[%get3A_445], %max3A_440 masked %lt3A_443 : memref<32768xf32, #tpu.memory_space<vmem>>[vector<16xi32>], vector<16xf32>, vector<16xi1>
        %while3A_446 = arith.constant 0 : i32
        scf.yield %while3A_446 : i32
      }
      %while3A_431 = arith.constant 1 : i32
      %while3A_432 = scf.for %while3A_433 = %while3A_428 to %while3A_424 step %while3A_431 iter_args(%while3A_434 = %while3A_430) -> (i32)  : i32 {
        %mul3A_435 = arith.constant 16 : i32
        %mul3A_436 = arith.muli %while3A_433, %mul3A_435 : i32
        %get3A = arith.index_cast %mul3A_436 : i32 to index
        %get3A_437 = tpu.vector_load %arg9[%get3A] {strides = array<i32>} : memref<1040xf32, #tpu.memory_space<vmem>>, vector<16xf32>,
        %sub3A_438 = arith.subf %get3A_437, %cond3A_76 : vector<16xf32>
        %max3A = arith.constant 0.000000e+00 : f32
        %max3A_439 = vector.broadcast %max3A : f32 to vector<16xf32>
        %max3A_440 = arith.maximumf %sub3A_438, %max3A_439 : vector<16xf32>
        %add3A_441 = vector.broadcast %mul3A_436 : i32 to vector<16xi32>
        %add3A_442 = arith.addi %add3A_441, %iota3A : vector<16xi32>
        %lt3A = vector.broadcast %scan3A_64 : i32 to vector<16xi32>
        %lt3A_443 = arith.cmpi slt, %add3A_442, %lt3A : vector<16xi32>
        %get3A_444 = arith.index_cast %mul3A_436 : i32 to index
        %get3A_445 = tpu.vector_load %arg10[%get3A_444] {strides = array<i32>} : memref<1040xi32, #tpu.memory_space<vmem>>, vector<16xi32>,
        tpu.vector_store_idx %arg6[%get3A_445], %max3A_440 masked %lt3A_443 : memref<32768xf32, #tpu.memory_space<vmem>>[vector<16xi32>], vector<16xf32>, vector<16xi1>
        %while3A_446 = arith.constant 0 : i32
        scf.yield %while3A_446 : i32
      }
    } else {
      %parallel_loop3A_422 = arith.constant 0 : i32
      %parallel_loop3A_423 = arith.constant 2048 : i32
      %parallel_loop3A_424 = arith.constant 1 : i32
      scf.for %parallel_loop3A_425 = %parallel_loop3A_422 to %parallel_loop3A_423 step %parallel_loop3A_424  : i32 {
        %parallel_loop3A_426 = arith.constant 16 : i32
        %parallel_loop3A_427 = arith.muli %parallel_loop3A_425, %parallel_loop3A_426 : i32
        %parallel_loop3A_428 = arith.index_cast %parallel_loop3A_427 : i32 to index
        %parallel_loop3A_429 = tpu.vector_load %arg4[%parallel_loop3A_428] {strides = array<i32>} : memref<32768xf32, #tpu.memory_space<vmem>>, vector<16xf32>,
        %parallel_loop3A_430 = arith.subf %parallel_loop3A_429, %cond3A_76 : vector<16xf32>
        %parallel_loop3A_431 = arith.constant 0.000000e+00 : f32
        %parallel_loop3A_432 = vector.broadcast %parallel_loop3A_431 : f32 to vector<16xf32>
        %parallel_loop3A_433 = arith.maximumf %parallel_loop3A_430, %parallel_loop3A_432 : vector<16xf32>
        %parallel_loop3A_434 = arith.constant 16 : i32
        %parallel_loop3A_435 = arith.muli %parallel_loop3A_425, %parallel_loop3A_434 : i32
        %parallel_loop3A_436 = arith.index_cast %parallel_loop3A_435 : i32 to index
        %parallel_loop3A_437 = tpu.vector_load %arg6[%parallel_loop3A_436] {strides = array<i32>} : memref<32768xf32, #tpu.memory_space<vmem>>, vector<16xf32>,
        tpu.vector_store %arg6[%parallel_loop3A_436], %parallel_loop3A_433 {strides = array<i32>} : memref<32768xf32, #tpu.memory_space<vmem>>, vector<16xf32>,
      } {sc.loop_unroll_factor = 8 : i64, sc.parallel_access}
    }
    %mul3A_80 = arith.constant 4 : i32
    %mul3A_81 = arith.muli %add3A, %mul3A_80 : i32
    %add3A_82 = arith.constant 0 : i32
    %add3A_83 = arith.addi %mul3A_81, %add3A_82 : i32
    %dma_start3A_84 = arith.constant 0 : i32
    %dma_start3A_85 = tpu.memref_slice %arg3[%add3A_83, %dma_start3A_84] : memref<128x32768xf32, #tpu.memory_space<hbm>> -> memref<1x32768xf32, #tpu.memory_space<hbm>>
    %dma_start3A_86 = tpu.memref_squeeze %dma_start3A_85 : memref<1x32768xf32, #tpu.memory_space<hbm>> -> memref<32768xf32, #tpu.memory_space<hbm>>
    %dma_start3A_87 = arith.constant 0 : i32
    %dma_start3A_88 = tpu.memref_slice %arg3[%add3A_83, %dma_start3A_87] : memref<128x32768xf32, #tpu.memory_space<hbm>> -> memref<1x32768xf32, #tpu.memory_space<hbm>>
    %dma_start3A_89 = tpu.memref_squeeze %dma_start3A_88 : memref<1x32768xf32, #tpu.memory_space<hbm>> -> memref<32768xf32, #tpu.memory_space<hbm>>
    tpu.enqueue_dma source(%arg6 : memref<32768xf32, #tpu.memory_space<vmem>>) target(%dma_start3A_89 : memref<32768xf32, #tpu.memory_space<hbm>>) target_semaphore(%arg14 : memref<!tpu.dma_semaphore, #tpu.memory_space<semaphore_mem>>)
    %mul3A_90 = arith.constant 4 : i32
    %mul3A_91 = arith.muli %add3A, %mul3A_90 : i32
    %add3A_92 = arith.constant 2 : i32
    %add3A_93 = arith.addi %mul3A_91, %add3A_92 : i32
    %dma_start3A_94 = arith.constant 0 : i32
    %dma_start3A_95 = tpu.memref_slice %arg2[%add3A_93, %dma_start3A_94] : memref<128x32768xf32, #tpu.memory_space<hbm>> -> memref<1x32768xf32, #tpu.memory_space<hbm>>
    %dma_start3A_96 = tpu.memref_squeeze %dma_start3A_95 : memref<1x32768xf32, #tpu.memory_space<hbm>> -> memref<32768xf32, #tpu.memory_space<hbm>>
    %dma_start3A_97 = arith.constant 0 : i32
    %dma_start3A_98 = tpu.memref_slice %arg2[%add3A_93, %dma_start3A_97] : memref<128x32768xf32, #tpu.memory_space<hbm>> -> memref<1x32768xf32, #tpu.memory_space<hbm>>
    %dma_start3A_99 = tpu.memref_squeeze %dma_start3A_98 : memref<1x32768xf32, #tpu.memory_space<hbm>> -> memref<32768xf32, #tpu.memory_space<hbm>>
    tpu.enqueue_dma source(%dma_start3A_99 : memref<32768xf32, #tpu.memory_space<hbm>>) target(%arg4 : memref<32768xf32, #tpu.memory_space<vmem>>) target_semaphore(%arg12 : memref<!tpu.dma_semaphore, #tpu.memory_space<semaphore_mem>>)
    %mul3A_100 = arith.constant 4 : i32
    %mul3A_101 = arith.muli %add3A, %mul3A_100 : i32
    %add3A_102 = arith.constant 1 : i32
    %add3A_103 = arith.addi %mul3A_101, %add3A_102 : i32
    %dma_wait3A_104 = arith.constant 0 : i32
    %dma_wait3A_105 = tpu.memref_slice %arg2[%add3A_103, %dma_wait3A_104] : memref<128x32768xf32, #tpu.memory_space<hbm>> -> memref<1x32768xf32, #tpu.memory_space<hbm>>
    %dma_wait3A_106 = tpu.memref_squeeze %dma_wait3A_105 : memref<1x32768xf32, #tpu.memory_space<hbm>> -> memref<32768xf32, #tpu.memory_space<hbm>>
    %dma_wait3A_107 = arith.constant 0 : i32
    %dma_wait3A_108 = tpu.memref_slice %arg2[%add3A_103, %dma_wait3A_107] : memref<128x32768xf32, #tpu.memory_space<hbm>> -> memref<1x32768xf32, #tpu.memory_space<hbm>>
    %dma_wait3A_109 = tpu.memref_squeeze %dma_wait3A_108 : memref<1x32768xf32, #tpu.memory_space<hbm>> -> memref<32768xf32, #tpu.memory_space<hbm>>
    tpu.wait_dma2 semaphore(%arg13 : memref<!tpu.dma_semaphore, #tpu.memory_space<semaphore_mem>>) src(%dma_wait3A_109 : memref<32768xf32, #tpu.memory_space<hbm>>) dst(%arg5 : memref<32768xf32, #tpu.memory_space<vmem>>)
    %broadcast_in_dim3A_110 = arith.constant -3.000000e+38 : f32
    %broadcast_in_dim3A_111 = vector.broadcast %broadcast_in_dim3A_110 : f32 to vector<16xf32>
    %parallel_loop3A_112 = arith.constant 0 : i32
    %parallel_loop3A_113 = arith.constant 128 : i32
    %parallel_loop3A_114 = arith.constant 1 : i32
    %parallel_loop3A_115 = scf.for %parallel_loop3A_422 = %parallel_loop3A_112 to %parallel_loop3A_113 step %parallel_loop3A_114 iter_args(%parallel_loop3A_423 = %broadcast_in_dim3A_111) -> (vector<16xf32>)  : i32 {
      %parallel_loop3A_424 = arith.constant 256 : i32
      %parallel_loop3A_425 = arith.muli %parallel_loop3A_422, %parallel_loop3A_424 : i32
      %parallel_loop3A_426 = arith.constant 0 : i32
      %parallel_loop3A_427 = arith.addi %parallel_loop3A_425, %parallel_loop3A_426 : i32
      %parallel_loop3A_428 = arith.index_cast %parallel_loop3A_427 : i32 to index
      %parallel_loop3A_429 = tpu.vector_load %arg5[%parallel_loop3A_428] {strides = array<i32>} : memref<32768xf32, #tpu.memory_space<vmem>>, vector<16xf32>,
      %parallel_loop3A_430 = arith.constant 16 : i32
      %parallel_loop3A_431 = arith.addi %parallel_loop3A_425, %parallel_loop3A_430 : i32
      %parallel_loop3A_432 = arith.index_cast %parallel_loop3A_431 : i32 to index
      %parallel_loop3A_433 = tpu.vector_load %arg5[%parallel_loop3A_432] {strides = array<i32>} : memref<32768xf32, #tpu.memory_space<vmem>>, vector<16xf32>,
      %parallel_loop3A_434 = arith.constant 32 : i32
      %parallel_loop3A_435 = arith.addi %parallel_loop3A_425, %parallel_loop3A_434 : i32
      %parallel_loop3A_436 = arith.index_cast %parallel_loop3A_435 : i32 to index
      %parallel_loop3A_437 = tpu.vector_load %arg5[%parallel_loop3A_436] {strides = array<i32>} : memref<32768xf32, #tpu.memory_space<vmem>>, vector<16xf32>,
      %parallel_loop3A_438 = arith.constant 48 : i32
      %parallel_loop3A_439 = arith.addi %parallel_loop3A_425, %parallel_loop3A_438 : i32
      %parallel_loop3A_440 = arith.index_cast %parallel_loop3A_439 : i32 to index
      %parallel_loop3A_441 = tpu.vector_load %arg5[%parallel_loop3A_440] {strides = array<i32>} : memref<32768xf32, #tpu.memory_space<vmem>>, vector<16xf32>,
      %parallel_loop3A_442 = arith.constant 64 : i32
      %parallel_loop3A_443 = arith.addi %parallel_loop3A_425, %parallel_loop3A_442 : i32
      %parallel_loop3A_444 = arith.index_cast %parallel_loop3A_443 : i32 to index
      %parallel_loop3A_445 = tpu.vector_load %arg5[%parallel_loop3A_444] {strides = array<i32>} : memref<32768xf32, #tpu.memory_space<vmem>>, vector<16xf32>,
      %parallel_loop3A_446 = arith.constant 80 : i32
      %parallel_loop3A_447 = arith.addi %parallel_loop3A_425, %parallel_loop3A_446 : i32
      %parallel_loop3A_448 = arith.index_cast %parallel_loop3A_447 : i32 to index
      %parallel_loop3A_449 = tpu.vector_load %arg5[%parallel_loop3A_448] {strides = array<i32>} : memref<32768xf32, #tpu.memory_space<vmem>>, vector<16xf32>,
      %parallel_loop3A_450 = arith.constant 96 : i32
      %parallel_loop3A_451 = arith.addi %parallel_loop3A_425, %parallel_loop3A_450 : i32
      %parallel_loop3A_452 = arith.index_cast %parallel_loop3A_451 : i32 to index
      %parallel_loop3A_453 = tpu.vector_load %arg5[%parallel_loop3A_452] {strides = array<i32>} : memref<32768xf32, #tpu.memory_space<vmem>>, vector<16xf32>,
      %parallel_loop3A_454 = arith.constant 112 : i32
      %parallel_loop3A_455 = arith.addi %parallel_loop3A_425, %parallel_loop3A_454 : i32
      %parallel_loop3A_456 = arith.index_cast %parallel_loop3A_455 : i32 to index
      %parallel_loop3A_457 = tpu.vector_load %arg5[%parallel_loop3A_456] {strides = array<i32>} : memref<32768xf32, #tpu.memory_space<vmem>>, vector<16xf32>,
      %parallel_loop3A_458 = arith.constant 128 : i32
      %parallel_loop3A_459 = arith.addi %parallel_loop3A_425, %parallel_loop3A_458 : i32
      %parallel_loop3A_460 = arith.index_cast %parallel_loop3A_459 : i32 to index
      %parallel_loop3A_461 = tpu.vector_load %arg5[%parallel_loop3A_460] {strides = array<i32>} : memref<32768xf32, #tpu.memory_space<vmem>>, vector<16xf32>,
      %parallel_loop3A_462 = arith.constant 144 : i32
      %parallel_loop3A_463 = arith.addi %parallel_loop3A_425, %parallel_loop3A_462 : i32
      %parallel_loop3A_464 = arith.index_cast %parallel_loop3A_463 : i32 to index
      %parallel_loop3A_465 = tpu.vector_load %arg5[%parallel_loop3A_464] {strides = array<i32>} : memref<32768xf32, #tpu.memory_space<vmem>>, vector<16xf32>,
      %parallel_loop3A_466 = arith.constant 160 : i32
      %parallel_loop3A_467 = arith.addi %parallel_loop3A_425, %parallel_loop3A_466 : i32
      %parallel_loop3A_468 = arith.index_cast %parallel_loop3A_467 : i32 to index
      %parallel_loop3A_469 = tpu.vector_load %arg5[%parallel_loop3A_468] {strides = array<i32>} : memref<32768xf32, #tpu.memory_space<vmem>>, vector<16xf32>,
      %parallel_loop3A_470 = arith.constant 176 : i32
      %parallel_loop3A_471 = arith.addi %parallel_loop3A_425, %parallel_loop3A_470 : i32
      %parallel_loop3A_472 = arith.index_cast %parallel_loop3A_471 : i32 to index
      %parallel_loop3A_473 = tpu.vector_load %arg5[%parallel_loop3A_472] {strides = array<i32>} : memref<32768xf32, #tpu.memory_space<vmem>>, vector<16xf32>,
      %parallel_loop3A_474 = arith.constant 192 : i32
      %parallel_loop3A_475 = arith.addi %parallel_loop3A_425, %parallel_loop3A_474 : i32
      %parallel_loop3A_476 = arith.index_cast %parallel_loop3A_475 : i32 to index
      %parallel_loop3A_477 = tpu.vector_load %arg5[%parallel_loop3A_476] {strides = array<i32>} : memref<32768xf32, #tpu.memory_space<vmem>>, vector<16xf32>,
      %parallel_loop3A_478 = arith.constant 208 : i32
      %parallel_loop3A_479 = arith.addi %parallel_loop3A_425, %parallel_loop3A_478 : i32
      %parallel_loop3A_480 = arith.index_cast %parallel_loop3A_479 : i32 to index
      %parallel_loop3A_481 = tpu.vector_load %arg5[%parallel_loop3A_480] {strides = array<i32>} : memref<32768xf32, #tpu.memory_space<vmem>>, vector<16xf32>,
      %parallel_loop3A_482 = arith.constant 224 : i32
      %parallel_loop3A_483 = arith.addi %parallel_loop3A_425, %parallel_loop3A_482 : i32
      %parallel_loop3A_484 = arith.index_cast %parallel_loop3A_483 : i32 to index
      %parallel_loop3A_485 = tpu.vector_load %arg5[%parallel_loop3A_484] {strides = array<i32>} : memref<32768xf32, #tpu.memory_space<vmem>>, vector<16xf32>,
      %parallel_loop3A_486 = arith.constant 240 : i32
      %parallel_loop3A_487 = arith.addi %parallel_loop3A_425, %parallel_loop3A_486 : i32
      %parallel_loop3A_488 = arith.index_cast %parallel_loop3A_487 : i32 to index
      %parallel_loop3A_489 = tpu.vector_load %arg5[%parallel_loop3A_488] {strides = array<i32>} : memref<32768xf32, #tpu.memory_space<vmem>>, vector<16xf32>,
      %parallel_loop3A_490 = arith.maximumf %parallel_loop3A_429, %parallel_loop3A_433 : vector<16xf32>
      %parallel_loop3A_491 = arith.maximumf %parallel_loop3A_437, %parallel_loop3A_441 : vector<16xf32>
      %parallel_loop3A_492 = arith.maximumf %parallel_loop3A_445, %parallel_loop3A_449 : vector<16xf32>
      %parallel_loop3A_493 = arith.maximumf %parallel_loop3A_453, %parallel_loop3A_457 : vector<16xf32>
      %parallel_loop3A_494 = arith.maximumf %parallel_loop3A_461, %parallel_loop3A_465 : vector<16xf32>
      %parallel_loop3A_495 = arith.maximumf %parallel_loop3A_469, %parallel_loop3A_473 : vector<16xf32>
      %parallel_loop3A_496 = arith.maximumf %parallel_loop3A_477, %parallel_loop3A_481 : vector<16xf32>
      %parallel_loop3A_497 = arith.maximumf %parallel_loop3A_485, %parallel_loop3A_489 : vector<16xf32>
      %parallel_loop3A_498 = arith.maximumf %parallel_loop3A_490, %parallel_loop3A_491 : vector<16xf32>
      %parallel_loop3A_499 = arith.maximumf %parallel_loop3A_492, %parallel_loop3A_493 : vector<16xf32>
      %parallel_loop3A_500 = arith.maximumf %parallel_loop3A_494, %parallel_loop3A_495 : vector<16xf32>
      %parallel_loop3A_501 = arith.maximumf %parallel_loop3A_496, %parallel_loop3A_497 : vector<16xf32>
      %parallel_loop3A_502 = arith.maximumf %parallel_loop3A_498, %parallel_loop3A_499 : vector<16xf32>
      %parallel_loop3A_503 = arith.maximumf %parallel_loop3A_500, %parallel_loop3A_501 : vector<16xf32>
      %parallel_loop3A_504 = arith.maximumf %parallel_loop3A_502, %parallel_loop3A_503 : vector<16xf32>
      %parallel_loop3A_505 = arith.constant 16 : i32
      %parallel_loop3A_506 = arith.muli %parallel_loop3A_422, %parallel_loop3A_505 : i32
      %parallel_loop3A_507 = arith.index_cast %parallel_loop3A_506 : i32 to index
      %parallel_loop3A_508 = tpu.vector_load %arg7[%parallel_loop3A_507] {strides = array<i32>} : memref<2048xf32, #tpu.memory_space<vmem>>, vector<16xf32>,
      tpu.vector_store %arg7[%parallel_loop3A_507], %parallel_loop3A_504 {strides = array<i32>} : memref<2048xf32, #tpu.memory_space<vmem>>, vector<16xf32>,
      %parallel_loop3A_509 = arith.maximumf %parallel_loop3A_423, %parallel_loop3A_504 : vector<16xf32>
      scf.yield %parallel_loop3A_509 : vector<16xf32>
    } {sc.loop_unroll_factor = 2 : i64, sc.parallel_access}
    %reduce_max3A_116 = arith.constant true
    %reduce_max3A_117 = vector.broadcast %reduce_max3A_116 : i1 to vector<16xi1>
    %reduce_max3A_118 = tpu.scan <max>, %parallel_loop3A_115 masked %reduce_max3A_117 : vector<16xf32>, vector<16xi1> -> vector<16xf32>
    %reduce_max3A_119 = vector.extract %reduce_max3A_118[15] : f32 from vector<16xf32>
    %broadcast_in_dim3A_120 = vector.broadcast %reduce_max3A_119 : f32 to vector<16xf32>
    %exp3A_121 = math.exp %broadcast_in_dim3A_120 : vector<16xf32>
    %slice3A_122 = vector.extract_strided_slice %exp3A_121 {offsets = [0], sizes = [1], strides = [1]} : vector<16xf32> to vector<1xf32>
    %squeeze3A_123 = vector.extract %slice3A_122[0] : f32 from vector<1xf32>
    %sub3A_124 = arith.constant 1.000000e+00 : f32
    %sub3A_125 = arith.subf %squeeze3A_123, %sub3A_124 : f32
    %sub3A_126 = arith.constant 1.000000e+00 : f32
    %sub3A_127 = vector.broadcast %sub3A_126 : f32 to vector<16xf32>
    %sub3A_128 = arith.subf %exp3A_121, %sub3A_127 : vector<16xf32>
    %div3A_129 = arith.constant 1.000000e+00 : f32
    %div3A_130 = vector.broadcast %div3A_129 : f32 to vector<16xf32>
    %div3A_131 = arith.divf %div3A_130, %sub3A_128 : vector<16xf32>
    %gt3A_132 = arith.constant 1.000000e+00 : f32
    %gt3A_133 = arith.cmpf ogt, %squeeze3A_123, %gt3A_132 : f32
    %slice3A_134 = vector.extract_strided_slice %div3A_131 {offsets = [0], sizes = [1], strides = [1]} : vector<16xf32> to vector<1xf32>
    %squeeze3A_135 = vector.extract %slice3A_134[0] : f32 from vector<1xf32>
    %sub3A_136 = arith.subf %reduce_max3A_119, %squeeze3A_135 : f32
    %abs3A_137 = math.absf %reduce_max3A_119 : f32
    %add3A_138 = arith.constant 1.000000e+00 : f32
    %add3A_139 = arith.addf %abs3A_137, %add3A_138 : f32
    %mul3A_140 = arith.constant 9.99999997E-7 : f32
    %mul3A_141 = arith.mulf %add3A_139, %mul3A_140 : f32
    %sub3A_142 = arith.subf %sub3A_136, %mul3A_141 : f32
    %jit3A_143 = arith.constant -3.000000e+38 : f32
    %select_n3A_144 = arith.select %gt3A_133, %sub3A_142, %jit3A_143 : f32
    %parallel_loop3A_145 = arith.constant 0 : i32
    %parallel_loop3A_146 = arith.constant 8 : i32
    %parallel_loop3A_147 = arith.constant 1 : i32
    scf.for %parallel_loop3A_422 = %parallel_loop3A_145 to %parallel_loop3A_146 step %parallel_loop3A_147  : i32 {
      %parallel_loop3A_423 = arith.constant 16 : i32
      %parallel_loop3A_424 = arith.muli %parallel_loop3A_422, %parallel_loop3A_423 : i32
      %parallel_loop3A_425 = arith.constant 0 : i32
      %parallel_loop3A_426 = arith.addi %parallel_loop3A_424, %parallel_loop3A_425 : i32
      %parallel_loop3A_427 = arith.constant 16 : i32
      %parallel_loop3A_428 = arith.muli %parallel_loop3A_426, %parallel_loop3A_427 : i32
      %parallel_loop3A_429 = arith.index_cast %parallel_loop3A_428 : i32 to index
      %parallel_loop3A_430 = tpu.vector_load %arg7[%parallel_loop3A_429] {strides = array<i32>} : memref<2048xf32, #tpu.memory_space<vmem>>, vector<16xf32>,
      %parallel_loop3A_431 = arith.constant 16 : i32
      %parallel_loop3A_432 = arith.muli %parallel_loop3A_422, %parallel_loop3A_431 : i32
      %parallel_loop3A_433 = arith.constant 1 : i32
      %parallel_loop3A_434 = arith.addi %parallel_loop3A_432, %parallel_loop3A_433 : i32
      %parallel_loop3A_435 = arith.constant 16 : i32
      %parallel_loop3A_436 = arith.muli %parallel_loop3A_434, %parallel_loop3A_435 : i32
      %parallel_loop3A_437 = arith.index_cast %parallel_loop3A_436 : i32 to index
      %parallel_loop3A_438 = tpu.vector_load %arg7[%parallel_loop3A_437] {strides = array<i32>} : memref<2048xf32, #tpu.memory_space<vmem>>, vector<16xf32>,
      %parallel_loop3A_439 = arith.constant 16 : i32
      %parallel_loop3A_440 = arith.muli %parallel_loop3A_422, %parallel_loop3A_439 : i32
      %parallel_loop3A_441 = arith.constant 2 : i32
      %parallel_loop3A_442 = arith.addi %parallel_loop3A_440, %parallel_loop3A_441 : i32
      %parallel_loop3A_443 = arith.constant 16 : i32
      %parallel_loop3A_444 = arith.muli %parallel_loop3A_442, %parallel_loop3A_443 : i32
      %parallel_loop3A_445 = arith.index_cast %parallel_loop3A_444 : i32 to index
      %parallel_loop3A_446 = tpu.vector_load %arg7[%parallel_loop3A_445] {strides = array<i32>} : memref<2048xf32, #tpu.memory_space<vmem>>, vector<16xf32>,
      %parallel_loop3A_447 = arith.constant 16 : i32
      %parallel_loop3A_448 = arith.muli %parallel_loop3A_422, %parallel_loop3A_447 : i32
      %parallel_loop3A_449 = arith.constant 3 : i32
      %parallel_loop3A_450 = arith.addi %parallel_loop3A_448, %parallel_loop3A_449 : i32
      %parallel_loop3A_451 = arith.constant 16 : i32
      %parallel_loop3A_452 = arith.muli %parallel_loop3A_450, %parallel_loop3A_451 : i32
      %parallel_loop3A_453 = arith.index_cast %parallel_loop3A_452 : i32 to index
      %parallel_loop3A_454 = tpu.vector_load %arg7[%parallel_loop3A_453] {strides = array<i32>} : memref<2048xf32, #tpu.memory_space<vmem>>, vector<16xf32>,
      %parallel_loop3A_455 = arith.constant 16 : i32
      %parallel_loop3A_456 = arith.muli %parallel_loop3A_422, %parallel_loop3A_455 : i32
      %parallel_loop3A_457 = arith.constant 4 : i32
      %parallel_loop3A_458 = arith.addi %parallel_loop3A_456, %parallel_loop3A_457 : i32
      %parallel_loop3A_459 = arith.constant 16 : i32
      %parallel_loop3A_460 = arith.muli %parallel_loop3A_458, %parallel_loop3A_459 : i32
      %parallel_loop3A_461 = arith.index_cast %parallel_loop3A_460 : i32 to index
      %parallel_loop3A_462 = tpu.vector_load %arg7[%parallel_loop3A_461] {strides = array<i32>} : memref<2048xf32, #tpu.memory_space<vmem>>, vector<16xf32>,
      %parallel_loop3A_463 = arith.constant 16 : i32
      %parallel_loop3A_464 = arith.muli %parallel_loop3A_422, %parallel_loop3A_463 : i32
      %parallel_loop3A_465 = arith.constant 5 : i32
      %parallel_loop3A_466 = arith.addi %parallel_loop3A_464, %parallel_loop3A_465 : i32
      %parallel_loop3A_467 = arith.constant 16 : i32
      %parallel_loop3A_468 = arith.muli %parallel_loop3A_466, %parallel_loop3A_467 : i32
      %parallel_loop3A_469 = arith.index_cast %parallel_loop3A_468 : i32 to index
      %parallel_loop3A_470 = tpu.vector_load %arg7[%parallel_loop3A_469] {strides = array<i32>} : memref<2048xf32, #tpu.memory_space<vmem>>, vector<16xf32>,
      %parallel_loop3A_471 = arith.constant 16 : i32
      %parallel_loop3A_472 = arith.muli %parallel_loop3A_422, %parallel_loop3A_471 : i32
      %parallel_loop3A_473 = arith.constant 6 : i32
      %parallel_loop3A_474 = arith.addi %parallel_loop3A_472, %parallel_loop3A_473 : i32
      %parallel_loop3A_475 = arith.constant 16 : i32
      %parallel_loop3A_476 = arith.muli %parallel_loop3A_474, %parallel_loop3A_475 : i32
      %parallel_loop3A_477 = arith.index_cast %parallel_loop3A_476 : i32 to index
      %parallel_loop3A_478 = tpu.vector_load %arg7[%parallel_loop3A_477] {strides = array<i32>} : memref<2048xf32, #tpu.memory_space<vmem>>, vector<16xf32>,
      %parallel_loop3A_479 = arith.constant 16 : i32
      %parallel_loop3A_480 = arith.muli %parallel_loop3A_422, %parallel_loop3A_479 : i32
      %parallel_loop3A_481 = arith.constant 7 : i32
      %parallel_loop3A_482 = arith.addi %parallel_loop3A_480, %parallel_loop3A_481 : i32
      %parallel_loop3A_483 = arith.constant 16 : i32
      %parallel_loop3A_484 = arith.muli %parallel_loop3A_482, %parallel_loop3A_483 : i32
      %parallel_loop3A_485 = arith.index_cast %parallel_loop3A_484 : i32 to index
      %parallel_loop3A_486 = tpu.vector_load %arg7[%parallel_loop3A_485] {strides = array<i32>} : memref<2048xf32, #tpu.memory_space<vmem>>, vector<16xf32>,
      %parallel_loop3A_487 = arith.constant 16 : i32
      %parallel_loop3A_488 = arith.muli %parallel_loop3A_422, %parallel_loop3A_487 : i32
      %parallel_loop3A_489 = arith.constant 8 : i32
      %parallel_loop3A_490 = arith.addi %parallel_loop3A_488, %parallel_loop3A_489 : i32
      %parallel_loop3A_491 = arith.constant 16 : i32
      %parallel_loop3A_492 = arith.muli %parallel_loop3A_490, %parallel_loop3A_491 : i32
      %parallel_loop3A_493 = arith.index_cast %parallel_loop3A_492 : i32 to index
      %parallel_loop3A_494 = tpu.vector_load %arg7[%parallel_loop3A_493] {strides = array<i32>} : memref<2048xf32, #tpu.memory_space<vmem>>, vector<16xf32>,
      %parallel_loop3A_495 = arith.constant 16 : i32
      %parallel_loop3A_496 = arith.muli %parallel_loop3A_422, %parallel_loop3A_495 : i32
      %parallel_loop3A_497 = arith.constant 9 : i32
      %parallel_loop3A_498 = arith.addi %parallel_loop3A_496, %parallel_loop3A_497 : i32
      %parallel_loop3A_499 = arith.constant 16 : i32
      %parallel_loop3A_500 = arith.muli %parallel_loop3A_498, %parallel_loop3A_499 : i32
      %parallel_loop3A_501 = arith.index_cast %parallel_loop3A_500 : i32 to index
      %parallel_loop3A_502 = tpu.vector_load %arg7[%parallel_loop3A_501] {strides = array<i32>} : memref<2048xf32, #tpu.memory_space<vmem>>, vector<16xf32>,
      %parallel_loop3A_503 = arith.constant 16 : i32
      %parallel_loop3A_504 = arith.muli %parallel_loop3A_422, %parallel_loop3A_503 : i32
      %parallel_loop3A_505 = arith.constant 10 : i32
      %parallel_loop3A_506 = arith.addi %parallel_loop3A_504, %parallel_loop3A_505 : i32
      %parallel_loop3A_507 = arith.constant 16 : i32
      %parallel_loop3A_508 = arith.muli %parallel_loop3A_506, %parallel_loop3A_507 : i32
      %parallel_loop3A_509 = arith.index_cast %parallel_loop3A_508 : i32 to index
      %parallel_loop3A_510 = tpu.vector_load %arg7[%parallel_loop3A_509] {strides = array<i32>} : memref<2048xf32, #tpu.memory_space<vmem>>, vector<16xf32>,
      %parallel_loop3A_511 = arith.constant 16 : i32
      %parallel_loop3A_512 = arith.muli %parallel_loop3A_422, %parallel_loop3A_511 : i32
      %parallel_loop3A_513 = arith.constant 11 : i32
      %parallel_loop3A_514 = arith.addi %parallel_loop3A_512, %parallel_loop3A_513 : i32
      %parallel_loop3A_515 = arith.constant 16 : i32
      %parallel_loop3A_516 = arith.muli %parallel_loop3A_514, %parallel_loop3A_515 : i32
      %parallel_loop3A_517 = arith.index_cast %parallel_loop3A_516 : i32 to index
      %parallel_loop3A_518 = tpu.vector_load %arg7[%parallel_loop3A_517] {strides = array<i32>} : memref<2048xf32, #tpu.memory_space<vmem>>, vector<16xf32>,
      %parallel_loop3A_519 = arith.constant 16 : i32
      %parallel_loop3A_520 = arith.muli %parallel_loop3A_422, %parallel_loop3A_519 : i32
      %parallel_loop3A_521 = arith.constant 12 : i32
      %parallel_loop3A_522 = arith.addi %parallel_loop3A_520, %parallel_loop3A_521 : i32
      %parallel_loop3A_523 = arith.constant 16 : i32
      %parallel_loop3A_524 = arith.muli %parallel_loop3A_522, %parallel_loop3A_523 : i32
      %parallel_loop3A_525 = arith.index_cast %parallel_loop3A_524 : i32 to index
      %parallel_loop3A_526 = tpu.vector_load %arg7[%parallel_loop3A_525] {strides = array<i32>} : memref<2048xf32, #tpu.memory_space<vmem>>, vector<16xf32>,
      %parallel_loop3A_527 = arith.constant 16 : i32
      %parallel_loop3A_528 = arith.muli %parallel_loop3A_422, %parallel_loop3A_527 : i32
      %parallel_loop3A_529 = arith.constant 13 : i32
      %parallel_loop3A_530 = arith.addi %parallel_loop3A_528, %parallel_loop3A_529 : i32
      %parallel_loop3A_531 = arith.constant 16 : i32
      %parallel_loop3A_532 = arith.muli %parallel_loop3A_530, %parallel_loop3A_531 : i32
      %parallel_loop3A_533 = arith.index_cast %parallel_loop3A_532 : i32 to index
      %parallel_loop3A_534 = tpu.vector_load %arg7[%parallel_loop3A_533] {strides = array<i32>} : memref<2048xf32, #tpu.memory_space<vmem>>, vector<16xf32>,
      %parallel_loop3A_535 = arith.constant 16 : i32
      %parallel_loop3A_536 = arith.muli %parallel_loop3A_422, %parallel_loop3A_535 : i32
      %parallel_loop3A_537 = arith.constant 14 : i32
      %parallel_loop3A_538 = arith.addi %parallel_loop3A_536, %parallel_loop3A_537 : i32
      %parallel_loop3A_539 = arith.constant 16 : i32
      %parallel_loop3A_540 = arith.muli %parallel_loop3A_538, %parallel_loop3A_539 : i32
      %parallel_loop3A_541 = arith.index_cast %parallel_loop3A_540 : i32 to index
      %parallel_loop3A_542 = tpu.vector_load %arg7[%parallel_loop3A_541] {strides = array<i32>} : memref<2048xf32, #tpu.memory_space<vmem>>, vector<16xf32>,
      %parallel_loop3A_543 = arith.constant 16 : i32
      %parallel_loop3A_544 = arith.muli %parallel_loop3A_422, %parallel_loop3A_543 : i32
      %parallel_loop3A_545 = arith.constant 15 : i32
      %parallel_loop3A_546 = arith.addi %parallel_loop3A_544, %parallel_loop3A_545 : i32
      %parallel_loop3A_547 = arith.constant 16 : i32
      %parallel_loop3A_548 = arith.muli %parallel_loop3A_546, %parallel_loop3A_547 : i32
      %parallel_loop3A_549 = arith.index_cast %parallel_loop3A_548 : i32 to index
      %parallel_loop3A_550 = tpu.vector_load %arg7[%parallel_loop3A_549] {strides = array<i32>} : memref<2048xf32, #tpu.memory_space<vmem>>, vector<16xf32>,
      %parallel_loop3A_551 = arith.maximumf %parallel_loop3A_430, %parallel_loop3A_438 : vector<16xf32>
      %parallel_loop3A_552 = arith.maximumf %parallel_loop3A_446, %parallel_loop3A_454 : vector<16xf32>
      %parallel_loop3A_553 = arith.maximumf %parallel_loop3A_462, %parallel_loop3A_470 : vector<16xf32>
      %parallel_loop3A_554 = arith.maximumf %parallel_loop3A_478, %parallel_loop3A_486 : vector<16xf32>
      %parallel_loop3A_555 = arith.maximumf %parallel_loop3A_494, %parallel_loop3A_502 : vector<16xf32>
      %parallel_loop3A_556 = arith.maximumf %parallel_loop3A_510, %parallel_loop3A_518 : vector<16xf32>
      %parallel_loop3A_557 = arith.maximumf %parallel_loop3A_526, %parallel_loop3A_534 : vector<16xf32>
      %parallel_loop3A_558 = arith.maximumf %parallel_loop3A_542, %parallel_loop3A_550 : vector<16xf32>
      %parallel_loop3A_559 = arith.maximumf %parallel_loop3A_551, %parallel_loop3A_552 : vector<16xf32>
      %parallel_loop3A_560 = arith.maximumf %parallel_loop3A_553, %parallel_loop3A_554 : vector<16xf32>
      %parallel_loop3A_561 = arith.maximumf %parallel_loop3A_555, %parallel_loop3A_556 : vector<16xf32>
      %parallel_loop3A_562 = arith.maximumf %parallel_loop3A_557, %parallel_loop3A_558 : vector<16xf32>
      %parallel_loop3A_563 = arith.maximumf %parallel_loop3A_559, %parallel_loop3A_560 : vector<16xf32>
      %parallel_loop3A_564 = arith.maximumf %parallel_loop3A_561, %parallel_loop3A_562 : vector<16xf32>
      %parallel_loop3A_565 = arith.maximumf %parallel_loop3A_563, %parallel_loop3A_564 : vector<16xf32>
      %parallel_loop3A_566 = arith.constant 16 : i32
      %parallel_loop3A_567 = arith.muli %parallel_loop3A_422, %parallel_loop3A_566 : i32
      %parallel_loop3A_568 = arith.index_cast %parallel_loop3A_567 : i32 to index
      %parallel_loop3A_569 = tpu.vector_load %arg8[%parallel_loop3A_568] {strides = array<i32>} : memref<128xf32, #tpu.memory_space<vmem>>, vector<16xf32>,
      tpu.vector_store %arg8[%parallel_loop3A_568], %parallel_loop3A_565 {strides = array<i32>} : memref<128xf32, #tpu.memory_space<vmem>>, vector<16xf32>,
    } {sc.loop_unroll_factor = 1 : i64, sc.parallel_access}
    %mul3A_148 = arith.constant 4 : i32
    %mul3A_149 = arith.muli %add3A, %mul3A_148 : i32
    %add3A_150 = arith.constant 0 : i32
    %add3A_151 = arith.addi %mul3A_149, %add3A_150 : i32
    %dma_wait3A_152 = arith.constant 0 : i32
    %dma_wait3A_153 = tpu.memref_slice %arg3[%add3A_151, %dma_wait3A_152] : memref<128x32768xf32, #tpu.memory_space<hbm>> -> memref<1x32768xf32, #tpu.memory_space<hbm>>
    %dma_wait3A_154 = tpu.memref_squeeze %dma_wait3A_153 : memref<1x32768xf32, #tpu.memory_space<hbm>> -> memref<32768xf32, #tpu.memory_space<hbm>>
    %dma_wait3A_155 = arith.constant 0 : i32
    %dma_wait3A_156 = tpu.memref_slice %arg3[%add3A_151, %dma_wait3A_155] : memref<128x32768xf32, #tpu.memory_space<hbm>> -> memref<1x32768xf32, #tpu.memory_space<hbm>>
    %dma_wait3A_157 = tpu.memref_squeeze %dma_wait3A_156 : memref<1x32768xf32, #tpu.memory_space<hbm>> -> memref<32768xf32, #tpu.memory_space<hbm>>
    tpu.wait_dma2 semaphore(%arg14 : memref<!tpu.dma_semaphore, #tpu.memory_space<semaphore_mem>>) src(%arg6 : memref<32768xf32, #tpu.memory_space<vmem>>) dst(%dma_wait3A_157 : memref<32768xf32, #tpu.memory_space<hbm>>)
    %convert_element_type3A_158 = arith.extui %le3A_66 : i1 to i32
    %cond3A_159 = arith.constant 0 : i32
    %cond3A_160 = arith.cmpi ne, %convert_element_type3A_158, %cond3A_159 : i32
    scf.if %cond3A_160 {
      %add3A_422 = arith.constant 15 : i32
      %add3A_423 = arith.addi %scan3A_64, %add3A_422 : i32
      %shift_right_logical3A_424 = arith.constant 4 : i32
      %shift_right_logical3A_425 = arith.shrui %add3A_423, %shift_right_logical3A_424 : i32
      %while3A = arith.constant 0 : i32
      %while3A_426 = arith.constant 0 : i32
      %while3A_427 = arith.subi %shift_right_logical3A_425, %while3A : i32
      %while3A_428 = arith.addi %while3A, %while3A_427 : i32
      %while3A_429 = arith.constant 1 : i32
      %while3A_430 = arith.divsi %while3A_427, %while3A_429 : i32
      %while3A_431 = arith.muli %while3A_430, %while3A_429 : i32
      %while3A_432 = arith.addi %while3A, %while3A_431 : i32
      %while3A_433 = arith.constant 1 : i32
      %while3A_434 = scf.for %while3A_437 = %while3A to %while3A_432 step %while3A_433 iter_args(%while3A_438 = %while3A_426) -> (i32)  : i32 {
        %mul3A_439 = arith.constant 16 : i32
        %mul3A_440 = arith.muli %while3A_437, %mul3A_439 : i32
        %add3A_441 = vector.broadcast %mul3A_440 : i32 to vector<16xi32>
        %add3A_442 = arith.addi %add3A_441, %iota3A : vector<16xi32>
        %lt3A = vector.broadcast %scan3A_64 : i32 to vector<16xi32>
        %lt3A_443 = arith.cmpi slt, %add3A_442, %lt3A : vector<16xi32>
        %get3A = arith.index_cast %mul3A_440 : i32 to index
        %get3A_444 = tpu.vector_load %arg10[%get3A] {strides = array<i32>} : memref<1040xi32, #tpu.memory_space<vmem>>, vector<16xi32>,
        tpu.vector_store_idx %arg6[%get3A_444], %broadcast_in_dim3A_1 masked %lt3A_443 : memref<32768xf32, #tpu.memory_space<vmem>>[vector<16xi32>], vector<16xf32>, vector<16xi1>
        %while3A_445 = arith.constant 0 : i32
        scf.yield %while3A_445 : i32
      }
      %while3A_435 = arith.constant 1 : i32
      %while3A_436 = scf.for %while3A_437 = %while3A_432 to %while3A_428 step %while3A_435 iter_args(%while3A_438 = %while3A_434) -> (i32)  : i32 {
        %mul3A_439 = arith.constant 16 : i32
        %mul3A_440 = arith.muli %while3A_437, %mul3A_439 : i32
        %add3A_441 = vector.broadcast %mul3A_440 : i32 to vector<16xi32>
        %add3A_442 = arith.addi %add3A_441, %iota3A : vector<16xi32>
        %lt3A = vector.broadcast %scan3A_64 : i32 to vector<16xi32>
        %lt3A_443 = arith.cmpi slt, %add3A_442, %lt3A : vector<16xi32>
        %get3A = arith.index_cast %mul3A_440 : i32 to index
        %get3A_444 = tpu.vector_load %arg10[%get3A] {strides = array<i32>} : memref<1040xi32, #tpu.memory_space<vmem>>, vector<16xi32>,
        tpu.vector_store_idx %arg6[%get3A_444], %broadcast_in_dim3A_1 masked %lt3A_443 : memref<32768xf32, #tpu.memory_space<vmem>>[vector<16xi32>], vector<16xf32>, vector<16xi1>
        %while3A_445 = arith.constant 0 : i32
        scf.yield %while3A_445 : i32
      }
    } else {
    }
    %not3A = arith.constant true
    %not3A_161 = arith.xori %le3A_66, %not3A : i1
    %convert_element_type3A_162 = arith.extui %not3A_161 : i1 to i32
    %cond3A_163 = arith.constant 0 : i32
    %cond3A_164 = arith.cmpi ne, %convert_element_type3A_162, %cond3A_163 : i32
    scf.if %cond3A_164 {
      %parallel_loop3A_422 = arith.constant 0 : i32
      %parallel_loop3A_423 = arith.constant 2048 : i32
      %parallel_loop3A_424 = arith.constant 1 : i32
      scf.for %parallel_loop3A_425 = %parallel_loop3A_422 to %parallel_loop3A_423 step %parallel_loop3A_424  : i32 {
        %parallel_loop3A_426 = arith.constant 16 : i32
        %parallel_loop3A_427 = arith.muli %parallel_loop3A_425, %parallel_loop3A_426 : i32
        %parallel_loop3A_428 = arith.index_cast %parallel_loop3A_427 : i32 to index
        %parallel_loop3A_429 = tpu.vector_load %arg6[%parallel_loop3A_428] {strides = array<i32>} : memref<32768xf32, #tpu.memory_space<vmem>>, vector<16xf32>,
        tpu.vector_store %arg6[%parallel_loop3A_428], %broadcast_in_dim3A_1 {strides = array<i32>} : memref<32768xf32, #tpu.memory_space<vmem>>, vector<16xf32>,
      } {sc.loop_unroll_factor = 8 : i64, sc.parallel_access}
    } else {
    }
    %scan3A_165 = arith.constant 0 : i32
    %scan3A_166 = arith.constant 0 : i32
    %scan3A_167 = arith.constant 8 : i32
    %scan3A_168 = arith.addi %scan3A_166, %scan3A_167 : i32
    %scan3A_169 = arith.constant 1 : i32
    %scan3A_170 = scf.for %scan3A_422 = %scan3A_166 to %scan3A_168 step %scan3A_169 iter_args(%scan3A_423 = %scan3A_165) -> (i32)  : i32 {
      %mul3A_424 = arith.constant 16 : i32
      %mul3A_425 = arith.muli %scan3A_422, %mul3A_424 : i32
      %get3A = arith.index_cast %mul3A_425 : i32 to index
      %get3A_426 = tpu.vector_load %arg8[%get3A] {strides = array<i32>} : memref<128xf32, #tpu.memory_space<vmem>>, vector<16xf32>,
      %gt3A_427 = vector.broadcast %select_n3A_144 : f32 to vector<16xf32>
      %gt3A_428 = arith.cmpf ogt, %get3A_426, %gt3A_427 : vector<16xf32>
      %reduce_or3A = arith.constant 1.000000e+00 : f32
      %reduce_or3A_429 = arith.constant 0.000000e+00 : f32
      %reduce_or3A_430 = vector.broadcast %reduce_or3A : f32 to vector<16xf32>
      %reduce_or3A_431 = vector.broadcast %reduce_or3A_429 : f32 to vector<16xf32>
      %reduce_or3A_432 = arith.select %gt3A_428, %reduce_or3A_430, %reduce_or3A_431 : vector<16xi1>, vector<16xf32>
      %reduce_or3A_433 = arith.constant true
      %reduce_or3A_434 = vector.broadcast %reduce_or3A_433 : i1 to vector<16xi1>
      %reduce_or3A_435 = tpu.scan <max>, %reduce_or3A_432 masked %reduce_or3A_434 : vector<16xf32>, vector<16xi1> -> vector<16xf32>
      %reduce_or3A_436 = vector.extract %reduce_or3A_435[15] : f32 from vector<16xf32>
      %reduce_or3A_437 = arith.constant 0.000000e+00 : f32
      %reduce_or3A_438 = arith.cmpf ogt, %reduce_or3A_436, %reduce_or3A_437 : f32
      %convert_element_type3A_439 = arith.extui %reduce_or3A_438 : i1 to i32
      %cond3A_440 = arith.constant 0 : i32
      %cond3A_441 = arith.cmpi ne, %convert_element_type3A_439, %cond3A_440 : i32
      %cond3A_442 = scf.if %cond3A_441 -> (i32) {
        %scan3A_443 = arith.constant 0 : i32
        %scan3A_444 = arith.constant 16 : i32
        %scan3A_445 = arith.addi %scan3A_443, %scan3A_444 : i32
        %scan3A_446 = arith.constant 1 : i32
        %scan3A_447 = scf.for %scan3A_449 = %scan3A_443 to %scan3A_445 step %scan3A_446 iter_args(%scan3A_450 = %scan3A_423) -> (i32)  : i32 {
          %mul3A_451 = arith.constant 16 : i32
          %mul3A_452 = arith.muli %scan3A_422, %mul3A_451 : i32
          %add3A_453 = arith.addi %mul3A_452, %scan3A_449 : i32
          %mul3A_454 = arith.constant 16 : i32
          %mul3A_455 = arith.muli %add3A_453, %mul3A_454 : i32
          %get3A_456 = arith.index_cast %mul3A_455 : i32 to index
          %get3A_457 = tpu.vector_load %arg7[%get3A_456] {strides = array<i32>} : memref<2048xf32, #tpu.memory_space<vmem>>, vector<16xf32>,
          %gt3A_458 = vector.broadcast %select_n3A_144 : f32 to vector<16xf32>
          %gt3A_459 = arith.cmpf ogt, %get3A_457, %gt3A_458 : vector<16xf32>
          %reduce_or3A_460 = arith.constant 1.000000e+00 : f32
          %reduce_or3A_461 = arith.constant 0.000000e+00 : f32
          %reduce_or3A_462 = vector.broadcast %reduce_or3A_460 : f32 to vector<16xf32>
          %reduce_or3A_463 = vector.broadcast %reduce_or3A_461 : f32 to vector<16xf32>
          %reduce_or3A_464 = arith.select %gt3A_459, %reduce_or3A_462, %reduce_or3A_463 : vector<16xi1>, vector<16xf32>
          %reduce_or3A_465 = arith.constant true
          %reduce_or3A_466 = vector.broadcast %reduce_or3A_465 : i1 to vector<16xi1>
          %reduce_or3A_467 = tpu.scan <max>, %reduce_or3A_464 masked %reduce_or3A_466 : vector<16xf32>, vector<16xi1> -> vector<16xf32>
          %reduce_or3A_468 = vector.extract %reduce_or3A_467[15] : f32 from vector<16xf32>
          %reduce_or3A_469 = arith.constant 0.000000e+00 : f32
          %reduce_or3A_470 = arith.cmpf ogt, %reduce_or3A_468, %reduce_or3A_469 : f32
          %convert_element_type3A_471 = arith.extui %reduce_or3A_470 : i1 to i32
          %cond3A_472 = arith.constant 0 : i32
          %cond3A_473 = arith.cmpi ne, %convert_element_type3A_471, %cond3A_472 : i32
          %cond3A_474 = scf.if %cond3A_473 -> (i32) {
            %scan3A_475 = arith.constant 0 : i32
            %scan3A_476 = arith.constant 16 : i32
            %scan3A_477 = arith.addi %scan3A_475, %scan3A_476 : i32
            %scan3A_478 = arith.constant 1 : i32
            %scan3A_479 = scf.for %scan3A_481 = %scan3A_475 to %scan3A_477 step %scan3A_478 iter_args(%scan3A_482 = %scan3A_450) -> (i32)  : i32 {
              %mul3A_483 = arith.constant 16 : i32
              %mul3A_484 = arith.muli %add3A_453, %mul3A_483 : i32
              %add3A_485 = arith.addi %mul3A_484, %scan3A_481 : i32
              %mul3A_486 = arith.constant 16 : i32
              %mul3A_487 = arith.muli %add3A_485, %mul3A_486 : i32
              %get3A_488 = arith.index_cast %mul3A_487 : i32 to index
              %get3A_489 = tpu.vector_load %arg5[%get3A_488] {strides = array<i32>} : memref<32768xf32, #tpu.memory_space<vmem>>, vector<16xf32>,
              %gt3A_490 = vector.broadcast %select_n3A_144 : f32 to vector<16xf32>
              %gt3A_491 = arith.cmpf ogt, %get3A_489, %gt3A_490 : vector<16xf32>
              %le3A_492 = arith.constant 1024 : i32
              %le3A_493 = arith.cmpi sle, %scan3A_482, %le3A_492 : i32
              %convert_element_type3A_494 = arith.extui %le3A_493 : i1 to i32
              %cond3A_495 = arith.constant 0 : i32
              %cond3A_496 = arith.cmpi ne, %convert_element_type3A_494, %cond3A_495 : i32
              scf.if %cond3A_496 {
                %exp3A_500 = math.exp %get3A_489 : vector<16xf32>
                %swap3A = arith.index_cast %scan3A_482 : i32 to index
                %swap3A_501 = tpu.vector_load %arg9[%swap3A] masked %gt3A_491 {strides = array<i32>} : memref<1040xf32, #tpu.memory_space<vmem>>, vector<16xf32>, vector<16xi1>
                tpu.vector_store %arg9[%swap3A], %exp3A_500 masked %gt3A_491 {strides = array<i32>} : memref<1040xf32, #tpu.memory_space<vmem>>, vector<16xf32>, vector<16xi1>
                %mul3A_502 = arith.constant 16 : i32
                %mul3A_503 = arith.muli %add3A_485, %mul3A_502 : i32
                %add3A_504 = vector.broadcast %mul3A_503 : i32 to vector<16xi32>
                %add3A_505 = arith.addi %add3A_504, %iota3A : vector<16xi32>
                %swap3A_506 = arith.index_cast %scan3A_482 : i32 to index
                %swap3A_507 = tpu.vector_load %arg11[%swap3A_506] masked %gt3A_491 {strides = array<i32>} : memref<1040xi32, #tpu.memory_space<vmem>>, vector<16xi32>, vector<16xi1>
                tpu.vector_store %arg11[%swap3A_506], %add3A_505 masked %gt3A_491 {strides = array<i32>} : memref<1040xi32, #tpu.memory_space<vmem>>, vector<16xi32>, vector<16xi1>
              } else {
              }
              %all_reduce_population_count3A = tpu.all_reduce %gt3A_491 {dim = 0 : i64, kind = #tpu.reduction_kind<sum>} : vector<16xi1> -> vector<16xi32>
              %slice3A_497 = vector.extract_strided_slice %all_reduce_population_count3A {offsets = [0], sizes = [1], strides = [1]} : vector<16xi32> to vector<1xi32>
              %squeeze3A_498 = vector.extract %slice3A_497[0] : i32 from vector<1xi32>
              %add3A_499 = arith.addi %scan3A_482, %squeeze3A_498 : i32
              scf.yield %add3A_499 : i32
            }
            %scan3A_480 = arith.constant 16 : i32
            scf.yield %scan3A_479 : i32
          } else {
            scf.yield %scan3A_450 : i32
          }
          scf.yield %cond3A_474 : i32
        }
        %scan3A_448 = arith.constant 16 : i32
        scf.yield %scan3A_447 : i32
      } else {
        scf.yield %scan3A_423 : i32
      }
      scf.yield %cond3A_442 : i32
    }
    %scan3A_171 = arith.constant 8 : i32
    %le3A_172 = arith.constant 1024 : i32
    %le3A_173 = arith.cmpi sle, %scan3A_170, %le3A_172 : i32
    %convert_element_type3A_174 = arith.extui %le3A_173 : i1 to i32
    %cond3A_175 = arith.constant 0 : i32
    %cond3A_176 = arith.cmpi ne, %convert_element_type3A_174, %cond3A_175 : i32
    scf.if %cond3A_176 {
      %broadcast_in_dim3A_422 = vector.broadcast %sub3A_125 : f32 to vector<16xf32>
      %swap3A = arith.index_cast %scan3A_170 : i32 to index
      %swap3A_423 = tpu.vector_load %arg9[%swap3A] {strides = array<i32>} : memref<1040xf32, #tpu.memory_space<vmem>>, vector<16xf32>,
      tpu.vector_store %arg9[%swap3A], %broadcast_in_dim3A_422 {strides = array<i32>} : memref<1040xf32, #tpu.memory_space<vmem>>, vector<16xf32>,
    } else {
    }
    %add3A_177 = arith.constant 15 : i32
    %add3A_178 = arith.addi %scan3A_170, %add3A_177 : i32
    %shift_right_logical3A_179 = arith.constant 4 : i32
    %shift_right_logical3A_180 = arith.shrui %add3A_178, %shift_right_logical3A_179 : i32
    %le3A_181 = arith.constant 16 : i32
    %le3A_182 = arith.cmpi sle, %scan3A_170, %le3A_181 : i32
    %convert_element_type3A_183 = arith.extui %le3A_182 : i1 to i32
    %cond3A_184 = arith.constant 0 : i32
    %cond3A_185 = arith.cmpi ne, %convert_element_type3A_183, %cond3A_184 : i32
    %cond3A_186 = scf.if %cond3A_185 -> (vector<16xf32>) {
      %get3A = arith.constant 0 : index
      %get3A_422 = tpu.vector_load %arg9[%get3A] {strides = array<i32>} : memref<1040xf32, #tpu.memory_space<vmem>>, vector<16xf32>,
      %lt3A = vector.broadcast %scan3A_170 : i32 to vector<16xi32>
      %lt3A_423 = arith.cmpi slt, %iota3A, %lt3A : vector<16xi32>
      %jit3A_424 = arith.constant -3.000000e+38 : f32
      %broadcast_in_dim3A_425 = vector.broadcast %jit3A_424 : f32 to vector<16xf32>
      %select_n3A_426 = arith.select %lt3A_423, %get3A_422, %broadcast_in_dim3A_425 : vector<16xi1>, vector<16xf32>
      %masked_sort3A = arith.constant dense<true> : vector<16xi1>
      %masked_sort3A_427, %masked_sort3A_428, %masked_sort3A_429 = tpu.sort %select_n3A_426, %select_n3A_426 masked %masked_sort3A {descending = true} : (vector<16xf32>, vector<16xf32>, vector<16xi1>) -> (vector<16xi1>, vector<16xf32>, vector<16xf32>)
      %broadcast_in_dim3A_430 = arith.constant true
      %broadcast_in_dim3A_431 = vector.broadcast %broadcast_in_dim3A_430 : i1 to vector<16xi1>
      %masked_cumsum3A = tpu.scan <sum>, %masked_sort3A_428 masked %broadcast_in_dim3A_431 : vector<16xf32>, vector<16xi1> -> vector<16xf32>
      %add3A_432 = arith.constant 1 : i32
      %add3A_433 = vector.broadcast %add3A_432 : i32 to vector<16xi32>
      %add3A_434 = arith.addi %iota3A, %add3A_433 : vector<16xi32>
      %convert_element_type3A_435 = arith.sitofp %add3A_434 : vector<16xi32> to vector<16xf32>
      %mul3A_436 = arith.mulf %convert_element_type3A_435, %masked_sort3A_428 : vector<16xf32>
      %add3A_437 = arith.constant 1.000000e+00 : f32
      %add3A_438 = vector.broadcast %add3A_437 : f32 to vector<16xf32>
      %add3A_439 = arith.addf %add3A_438, %mul3A_436 : vector<16xf32>
      %gt3A_440 = arith.cmpf ogt, %add3A_439, %masked_cumsum3A : vector<16xf32>
      %all_reduce_population_count3A = tpu.all_reduce %gt3A_440 {dim = 0 : i64, kind = #tpu.reduction_kind<sum>} : vector<16xi1> -> vector<16xi32>
      %convert_element_type3A_441 = arith.sitofp %all_reduce_population_count3A : vector<16xi32> to vector<16xf32>
      %jit3A_442 = arith.constant 0.000000e+00 : f32
      %broadcast_in_dim3A_443 = vector.broadcast %jit3A_442 : f32 to vector<16xf32>
      %select_n3A_444 = arith.select %gt3A_440, %masked_sort3A_428, %broadcast_in_dim3A_443 : vector<16xi1>, vector<16xf32>
      %reduce_sum3A = arith.constant true
      %reduce_sum3A_445 = vector.broadcast %reduce_sum3A : i1 to vector<16xi1>
      %reduce_sum3A_446 = tpu.scan <sum>, %select_n3A_444 masked %reduce_sum3A_445 : vector<16xf32>, vector<16xi1> -> vector<16xf32>
      %reduce_sum3A_447 = vector.extract %reduce_sum3A_446[15] : f32 from vector<16xf32>
      %broadcast_in_dim3A_448 = vector.broadcast %reduce_sum3A_447 : f32 to vector<16xf32>
      %sub3A_449 = arith.constant 1.000000e+00 : f32
      %sub3A_450 = vector.broadcast %sub3A_449 : f32 to vector<16xf32>
      %sub3A_451 = arith.subf %broadcast_in_dim3A_448, %sub3A_450 : vector<16xf32>
      %div3A_452 = arith.divf %sub3A_451, %convert_element_type3A_441 : vector<16xf32>
      scf.yield %div3A_452 : vector<16xf32>
    } else {
      %convert_element_type3A_422 = arith.extui %le3A_173 : i1 to i32
      %cond3A_423 = arith.constant 0 : i32
      %cond3A_424 = arith.cmpi ne, %convert_element_type3A_422, %cond3A_423 : i32
      %cond3A_425 = scf.if %cond3A_424 -> (vector<16xf32>) {
        %scan3A_426 = arith.constant 0 : i32
        %scan3A_427 = arith.constant 30 : i32
        %scan3A_428 = arith.addi %scan3A_426, %scan3A_427 : i32
        %scan3A_429 = arith.constant 1 : i32
        %scan3A_430:2 = scf.for %scan3A_455 = %scan3A_426 to %scan3A_428 step %scan3A_429 iter_args(%scan3A_456 = %sub3A_125, %scan3A_457 = %squeeze3A_123) -> (f32, f32)  : i32 {
          %add3A_458 = arith.addf %scan3A_456, %scan3A_457 : f32
          %mul3A_459 = arith.constant 5.000000e-01 : f32
          %mul3A_460 = arith.mulf %mul3A_459, %add3A_458 : f32
          %while3A_461 = arith.constant 0 : i32
          %while3A_462 = arith.subi %shift_right_logical3A_180, %while3A_461 : i32
          %while3A_463 = arith.addi %while3A_461, %while3A_462 : i32
          %while3A_464 = arith.constant 1 : i32
          %while3A_465 = arith.divsi %while3A_462, %while3A_464 : i32
          %while3A_466 = arith.muli %while3A_465, %while3A_464 : i32
          %while3A_467 = arith.addi %while3A_461, %while3A_466 : i32
          %while3A_468 = arith.constant 1 : i32
          %while3A_469 = scf.for %while3A_481 = %while3A_461 to %while3A_467 step %while3A_468 iter_args(%while3A_482 = %broadcast_in_dim3A_1) -> (vector<16xf32>)  : i32 {
            %mul3A_483 = arith.constant 16 : i32
            %mul3A_484 = arith.muli %while3A_481, %mul3A_483 : i32
            %get3A = arith.index_cast %mul3A_484 : i32 to index
            %get3A_485 = tpu.vector_load %arg9[%get3A] {strides = array<i32>} : memref<1040xf32, #tpu.memory_space<vmem>>, vector<16xf32>,
            %sub3A_486 = vector.broadcast %mul3A_460 : f32 to vector<16xf32>
            %sub3A_487 = arith.subf %get3A_485, %sub3A_486 : vector<16xf32>
            %max3A = arith.constant 0.000000e+00 : f32
            %max3A_488 = vector.broadcast %max3A : f32 to vector<16xf32>
            %max3A_489 = arith.maximumf %sub3A_487, %max3A_488 : vector<16xf32>
            %add3A_490 = arith.addf %while3A_482, %max3A_489 : vector<16xf32>
            scf.yield %add3A_490 : vector<16xf32>
          }
          %while3A_470 = arith.constant 1 : i32
          %while3A_471 = scf.for %while3A_481 = %while3A_467 to %while3A_463 step %while3A_470 iter_args(%while3A_482 = %while3A_469) -> (vector<16xf32>)  : i32 {
            %mul3A_483 = arith.constant 16 : i32
            %mul3A_484 = arith.muli %while3A_481, %mul3A_483 : i32
            %get3A = arith.index_cast %mul3A_484 : i32 to index
            %get3A_485 = tpu.vector_load %arg9[%get3A] {strides = array<i32>} : memref<1040xf32, #tpu.memory_space<vmem>>, vector<16xf32>,
            %sub3A_486 = vector.broadcast %mul3A_460 : f32 to vector<16xf32>
            %sub3A_487 = arith.subf %get3A_485, %sub3A_486 : vector<16xf32>
            %max3A = arith.constant 0.000000e+00 : f32
            %max3A_488 = vector.broadcast %max3A : f32 to vector<16xf32>
            %max3A_489 = arith.maximumf %sub3A_487, %max3A_488 : vector<16xf32>
            %add3A_490 = arith.addf %while3A_482, %max3A_489 : vector<16xf32>
            scf.yield %add3A_490 : vector<16xf32>
          }
          %reduce_sum3A_472 = arith.constant true
          %reduce_sum3A_473 = vector.broadcast %reduce_sum3A_472 : i1 to vector<16xi1>
          %reduce_sum3A_474 = tpu.scan <sum>, %while3A_471 masked %reduce_sum3A_473 : vector<16xf32>, vector<16xi1> -> vector<16xf32>
          %reduce_sum3A_475 = vector.extract %reduce_sum3A_474[15] : f32 from vector<16xf32>
          %sub3A_476 = arith.constant 1.000000e+00 : f32
          %sub3A_477 = arith.subf %reduce_sum3A_475, %sub3A_476 : f32
          %ge3A = arith.constant 0.000000e+00 : f32
          %ge3A_478 = arith.cmpf oge, %sub3A_477, %ge3A : f32
          %select_n3A_479 = arith.select %ge3A_478, %mul3A_460, %scan3A_456 : f32
          %select_n3A_480 = arith.select %ge3A_478, %scan3A_457, %mul3A_460 : f32
          scf.yield %select_n3A_479, %select_n3A_480 : f32, f32
        }
        %scan3A_431 = arith.constant 30 : i32
        %while3A = arith.constant 0 : i32
        %while3A_432 = arith.subi %shift_right_logical3A_180, %while3A : i32
        %while3A_433 = arith.addi %while3A, %while3A_432 : i32
        %while3A_434 = arith.constant 1 : i32
        %while3A_435 = arith.divsi %while3A_432, %while3A_434 : i32
        %while3A_436 = arith.muli %while3A_435, %while3A_434 : i32
        %while3A_437 = arith.addi %while3A, %while3A_436 : i32
        %while3A_438 = arith.constant 1 : i32
        %while3A_439:2 = scf.for %while3A_455 = %while3A to %while3A_437 step %while3A_438 iter_args(%while3A_456 = %broadcast_in_dim3A_1, %while3A_457 = %broadcast_in_dim3A_1) -> (vector<16xf32>, vector<16xf32>)  : i32 {
          %mul3A_458 = arith.constant 16 : i32
          %mul3A_459 = arith.muli %while3A_455, %mul3A_458 : i32
          %get3A = arith.index_cast %mul3A_459 : i32 to index
          %get3A_460 = tpu.vector_load %arg9[%get3A] {strides = array<i32>} : memref<1040xf32, #tpu.memory_space<vmem>>, vector<16xf32>,
          %gt3A_461 = vector.broadcast %scan3A_430#0 : f32 to vector<16xf32>
          %gt3A_462 = arith.cmpf ogt, %get3A_460, %gt3A_461 : vector<16xf32>
          %jit3A_463 = arith.constant 0.000000e+00 : f32
          %broadcast_in_dim3A_464 = vector.broadcast %jit3A_463 : f32 to vector<16xf32>
          %select_n3A_465 = arith.select %gt3A_462, %get3A_460, %broadcast_in_dim3A_464 : vector<16xi1>, vector<16xf32>
          %add3A_466 = arith.addf %while3A_456, %select_n3A_465 : vector<16xf32>
          %jit3A_467 = arith.constant 1.000000e+00 : f32
          %jit3A_468 = arith.constant 0.000000e+00 : f32
          %broadcast_in_dim3A_469 = vector.broadcast %jit3A_467 : f32 to vector<16xf32>
          %broadcast_in_dim3A_470 = vector.broadcast %jit3A_468 : f32 to vector<16xf32>
          %select_n3A_471 = arith.select %gt3A_462, %broadcast_in_dim3A_469, %broadcast_in_dim3A_470 : vector<16xi1>, vector<16xf32>
          %add3A_472 = arith.addf %while3A_457, %select_n3A_471 : vector<16xf32>
          scf.yield %add3A_466, %add3A_472 : vector<16xf32>, vector<16xf32>
        }
        %while3A_440 = arith.constant 1 : i32
        %while3A_441:2 = scf.for %while3A_455 = %while3A_437 to %while3A_433 step %while3A_440 iter_args(%while3A_456 = %while3A_439#0, %while3A_457 = %while3A_439#1) -> (vector<16xf32>, vector<16xf32>)  : i32 {
          %mul3A_458 = arith.constant 16 : i32
          %mul3A_459 = arith.muli %while3A_455, %mul3A_458 : i32
          %get3A = arith.index_cast %mul3A_459 : i32 to index
          %get3A_460 = tpu.vector_load %arg9[%get3A] {strides = array<i32>} : memref<1040xf32, #tpu.memory_space<vmem>>, vector<16xf32>,
          %gt3A_461 = vector.broadcast %scan3A_430#0 : f32 to vector<16xf32>
          %gt3A_462 = arith.cmpf ogt, %get3A_460, %gt3A_461 : vector<16xf32>
          %jit3A_463 = arith.constant 0.000000e+00 : f32
          %broadcast_in_dim3A_464 = vector.broadcast %jit3A_463 : f32 to vector<16xf32>
          %select_n3A_465 = arith.select %gt3A_462, %get3A_460, %broadcast_in_dim3A_464 : vector<16xi1>, vector<16xf32>
          %add3A_466 = arith.addf %while3A_456, %select_n3A_465 : vector<16xf32>
          %jit3A_467 = arith.constant 1.000000e+00 : f32
          %jit3A_468 = arith.constant 0.000000e+00 : f32
          %broadcast_in_dim3A_469 = vector.broadcast %jit3A_467 : f32 to vector<16xf32>
          %broadcast_in_dim3A_470 = vector.broadcast %jit3A_468 : f32 to vector<16xf32>
          %select_n3A_471 = arith.select %gt3A_462, %broadcast_in_dim3A_469, %broadcast_in_dim3A_470 : vector<16xi1>, vector<16xf32>
          %add3A_472 = arith.addf %while3A_457, %select_n3A_471 : vector<16xf32>
          scf.yield %add3A_466, %add3A_472 : vector<16xf32>, vector<16xf32>
        }
        %reduce_sum3A = arith.constant true
        %reduce_sum3A_442 = vector.broadcast %reduce_sum3A : i1 to vector<16xi1>
        %reduce_sum3A_443 = tpu.scan <sum>, %while3A_441#0 masked %reduce_sum3A_442 : vector<16xf32>, vector<16xi1> -> vector<16xf32>
        %reduce_sum3A_444 = vector.extract %reduce_sum3A_443[15] : f32 from vector<16xf32>
        %broadcast_in_dim3A_445 = vector.broadcast %reduce_sum3A_444 : f32 to vector<16xf32>
        %sub3A_446 = arith.constant 1.000000e+00 : f32
        %sub3A_447 = vector.broadcast %sub3A_446 : f32 to vector<16xf32>
        %sub3A_448 = arith.subf %broadcast_in_dim3A_445, %sub3A_447 : vector<16xf32>
        %reduce_sum3A_449 = arith.constant true
        %reduce_sum3A_450 = vector.broadcast %reduce_sum3A_449 : i1 to vector<16xi1>
        %reduce_sum3A_451 = tpu.scan <sum>, %while3A_441#1 masked %reduce_sum3A_450 : vector<16xf32>, vector<16xi1> -> vector<16xf32>
        %reduce_sum3A_452 = vector.extract %reduce_sum3A_451[15] : f32 from vector<16xf32>
        %broadcast_in_dim3A_453 = vector.broadcast %reduce_sum3A_452 : f32 to vector<16xf32>
        %div3A_454 = arith.divf %sub3A_448, %broadcast_in_dim3A_453 : vector<16xf32>
        scf.yield %div3A_454 : vector<16xf32>
      } else {
        %parallel_loop3A_426 = arith.constant 0 : i32
        %parallel_loop3A_427 = arith.constant 2048 : i32
        %parallel_loop3A_428 = arith.constant 1 : i32
        scf.for %parallel_loop3A_454 = %parallel_loop3A_426 to %parallel_loop3A_427 step %parallel_loop3A_428  : i32 {
          %parallel_loop3A_455 = arith.constant 16 : i32
          %parallel_loop3A_456 = arith.muli %parallel_loop3A_454, %parallel_loop3A_455 : i32
          %parallel_loop3A_457 = arith.index_cast %parallel_loop3A_456 : i32 to index
          %parallel_loop3A_458 = tpu.vector_load %arg5[%parallel_loop3A_457] {strides = array<i32>} : memref<32768xf32, #tpu.memory_space<vmem>>, vector<16xf32>,
          %parallel_loop3A_459 = math.exp %parallel_loop3A_458 : vector<16xf32>
          %parallel_loop3A_460 = arith.constant 16 : i32
          %parallel_loop3A_461 = arith.muli %parallel_loop3A_454, %parallel_loop3A_460 : i32
          %parallel_loop3A_462 = arith.index_cast %parallel_loop3A_461 : i32 to index
          %parallel_loop3A_463 = tpu.vector_load %arg5[%parallel_loop3A_462] {strides = array<i32>} : memref<32768xf32, #tpu.memory_space<vmem>>, vector<16xf32>,
          tpu.vector_store %arg5[%parallel_loop3A_462], %parallel_loop3A_459 {strides = array<i32>} : memref<32768xf32, #tpu.memory_space<vmem>>, vector<16xf32>,
        } {sc.loop_unroll_factor = 4 : i64, sc.parallel_access}
        %scan3A_429 = arith.constant 0 : i32
        %scan3A_430 = arith.constant 30 : i32
        %scan3A_431 = arith.addi %scan3A_429, %scan3A_430 : i32
        %scan3A_432 = arith.constant 1 : i32
        %scan3A_433:2 = scf.for %scan3A_454 = %scan3A_429 to %scan3A_431 step %scan3A_432 iter_args(%scan3A_455 = %sub3A_125, %scan3A_456 = %squeeze3A_123) -> (f32, f32)  : i32 {
          %add3A_457 = arith.addf %scan3A_455, %scan3A_456 : f32
          %mul3A_458 = arith.constant 5.000000e-01 : f32
          %mul3A_459 = arith.mulf %mul3A_458, %add3A_457 : f32
          %scan3A_460 = arith.constant 0 : i32
          %scan3A_461 = arith.constant 2048 : i32
          %scan3A_462 = arith.addi %scan3A_460, %scan3A_461 : i32
          %scan3A_463 = arith.constant 1 : i32
          %scan3A_464 = scf.for %scan3A_475 = %scan3A_460 to %scan3A_462 step %scan3A_463 iter_args(%scan3A_476 = %broadcast_in_dim3A_1) -> (vector<16xf32>)  : i32 {
            %mul3A_477 = arith.constant 16 : i32
            %mul3A_478 = arith.muli %scan3A_475, %mul3A_477 : i32
            %get3A = arith.index_cast %mul3A_478 : i32 to index
            %get3A_479 = tpu.vector_load %arg5[%get3A] {strides = array<i32>} : memref<32768xf32, #tpu.memory_space<vmem>>, vector<16xf32>,
            %sub3A_480 = vector.broadcast %mul3A_459 : f32 to vector<16xf32>
            %sub3A_481 = arith.subf %get3A_479, %sub3A_480 : vector<16xf32>
            %max3A = arith.constant 0.000000e+00 : f32
            %max3A_482 = vector.broadcast %max3A : f32 to vector<16xf32>
            %max3A_483 = arith.maximumf %sub3A_481, %max3A_482 : vector<16xf32>
            %add3A_484 = arith.addf %scan3A_476, %max3A_483 : vector<16xf32>
            scf.yield %add3A_484 : vector<16xf32>
          }
          %scan3A_465 = arith.constant 2048 : i32
          %reduce_sum3A_466 = arith.constant true
          %reduce_sum3A_467 = vector.broadcast %reduce_sum3A_466 : i1 to vector<16xi1>
          %reduce_sum3A_468 = tpu.scan <sum>, %scan3A_464 masked %reduce_sum3A_467 : vector<16xf32>, vector<16xi1> -> vector<16xf32>
          %reduce_sum3A_469 = vector.extract %reduce_sum3A_468[15] : f32 from vector<16xf32>
          %sub3A_470 = arith.constant 1.000000e+00 : f32
          %sub3A_471 = arith.subf %reduce_sum3A_469, %sub3A_470 : f32
          %ge3A = arith.constant 0.000000e+00 : f32
          %ge3A_472 = arith.cmpf oge, %sub3A_471, %ge3A : f32
          %select_n3A_473 = arith.select %ge3A_472, %mul3A_459, %scan3A_455 : f32
          %select_n3A_474 = arith.select %ge3A_472, %scan3A_456, %mul3A_459 : f32
          scf.yield %select_n3A_473, %select_n3A_474 : f32, f32
        }
        %scan3A_434 = arith.constant 30 : i32
        %scan3A_435 = arith.constant 0 : i32
        %scan3A_436 = arith.constant 2048 : i32
        %scan3A_437 = arith.addi %scan3A_435, %scan3A_436 : i32
        %scan3A_438 = arith.constant 1 : i32
        %scan3A_439:2 = scf.for %scan3A_454 = %scan3A_435 to %scan3A_437 step %scan3A_438 iter_args(%scan3A_455 = %broadcast_in_dim3A_1, %scan3A_456 = %broadcast_in_dim3A_1) -> (vector<16xf32>, vector<16xf32>)  : i32 {
          %mul3A_457 = arith.constant 16 : i32
          %mul3A_458 = arith.muli %scan3A_454, %mul3A_457 : i32
          %get3A = arith.index_cast %mul3A_458 : i32 to index
          %get3A_459 = tpu.vector_load %arg5[%get3A] {strides = array<i32>} : memref<32768xf32, #tpu.memory_space<vmem>>, vector<16xf32>,
          %gt3A_460 = vector.broadcast %scan3A_433#0 : f32 to vector<16xf32>
          %gt3A_461 = arith.cmpf ogt, %get3A_459, %gt3A_460 : vector<16xf32>
          %jit3A_462 = arith.constant 0.000000e+00 : f32
          %broadcast_in_dim3A_463 = vector.broadcast %jit3A_462 : f32 to vector<16xf32>
          %select_n3A_464 = arith.select %gt3A_461, %get3A_459, %broadcast_in_dim3A_463 : vector<16xi1>, vector<16xf32>
          %add3A_465 = arith.addf %scan3A_455, %select_n3A_464 : vector<16xf32>
          %jit3A_466 = arith.constant 1.000000e+00 : f32
          %jit3A_467 = arith.constant 0.000000e+00 : f32
          %broadcast_in_dim3A_468 = vector.broadcast %jit3A_466 : f32 to vector<16xf32>
          %broadcast_in_dim3A_469 = vector.broadcast %jit3A_467 : f32 to vector<16xf32>
          %select_n3A_470 = arith.select %gt3A_461, %broadcast_in_dim3A_468, %broadcast_in_dim3A_469 : vector<16xi1>, vector<16xf32>
          %add3A_471 = arith.addf %scan3A_456, %select_n3A_470 : vector<16xf32>
          scf.yield %add3A_465, %add3A_471 : vector<16xf32>, vector<16xf32>
        }
        %scan3A_440 = arith.constant 2048 : i32
        %reduce_sum3A = arith.constant true
        %reduce_sum3A_441 = vector.broadcast %reduce_sum3A : i1 to vector<16xi1>
        %reduce_sum3A_442 = tpu.scan <sum>, %scan3A_439#0 masked %reduce_sum3A_441 : vector<16xf32>, vector<16xi1> -> vector<16xf32>
        %reduce_sum3A_443 = vector.extract %reduce_sum3A_442[15] : f32 from vector<16xf32>
        %broadcast_in_dim3A_444 = vector.broadcast %reduce_sum3A_443 : f32 to vector<16xf32>
        %sub3A_445 = arith.constant 1.000000e+00 : f32
        %sub3A_446 = vector.broadcast %sub3A_445 : f32 to vector<16xf32>
        %sub3A_447 = arith.subf %broadcast_in_dim3A_444, %sub3A_446 : vector<16xf32>
        %reduce_sum3A_448 = arith.constant true
        %reduce_sum3A_449 = vector.broadcast %reduce_sum3A_448 : i1 to vector<16xi1>
        %reduce_sum3A_450 = tpu.scan <sum>, %scan3A_439#1 masked %reduce_sum3A_449 : vector<16xf32>, vector<16xi1> -> vector<16xf32>
        %reduce_sum3A_451 = vector.extract %reduce_sum3A_450[15] : f32 from vector<16xf32>
        %broadcast_in_dim3A_452 = vector.broadcast %reduce_sum3A_451 : f32 to vector<16xf32>
        %div3A_453 = arith.divf %sub3A_447, %broadcast_in_dim3A_452 : vector<16xf32>
        scf.yield %div3A_453 : vector<16xf32>
      }
      scf.yield %cond3A_425 : vector<16xf32>
    }
    %convert_element_type3A_187 = arith.extui %le3A_173 : i1 to i32
    %cond3A_188 = arith.constant 0 : i32
    %cond3A_189 = arith.cmpi ne, %convert_element_type3A_187, %cond3A_188 : i32
    scf.if %cond3A_189 {
      %while3A = arith.constant 0 : i32
      %while3A_422 = arith.constant 0 : i32
      %while3A_423 = arith.subi %shift_right_logical3A_180, %while3A : i32
      %while3A_424 = arith.addi %while3A, %while3A_423 : i32
      %while3A_425 = arith.constant 1 : i32
      %while3A_426 = arith.divsi %while3A_423, %while3A_425 : i32
      %while3A_427 = arith.muli %while3A_426, %while3A_425 : i32
      %while3A_428 = arith.addi %while3A, %while3A_427 : i32
      %while3A_429 = arith.constant 1 : i32
      %while3A_430 = scf.for %while3A_433 = %while3A to %while3A_428 step %while3A_429 iter_args(%while3A_434 = %while3A_422) -> (i32)  : i32 {
        %mul3A_435 = arith.constant 16 : i32
        %mul3A_436 = arith.muli %while3A_433, %mul3A_435 : i32
        %get3A = arith.index_cast %mul3A_436 : i32 to index
        %get3A_437 = tpu.vector_load %arg9[%get3A] {strides = array<i32>} : memref<1040xf32, #tpu.memory_space<vmem>>, vector<16xf32>,
        %sub3A_438 = arith.subf %get3A_437, %cond3A_186 : vector<16xf32>
        %max3A = arith.constant 0.000000e+00 : f32
        %max3A_439 = vector.broadcast %max3A : f32 to vector<16xf32>
        %max3A_440 = arith.maximumf %sub3A_438, %max3A_439 : vector<16xf32>
        %add3A_441 = vector.broadcast %mul3A_436 : i32 to vector<16xi32>
        %add3A_442 = arith.addi %add3A_441, %iota3A : vector<16xi32>
        %lt3A = vector.broadcast %scan3A_170 : i32 to vector<16xi32>
        %lt3A_443 = arith.cmpi slt, %add3A_442, %lt3A : vector<16xi32>
        %get3A_444 = arith.index_cast %mul3A_436 : i32 to index
        %get3A_445 = tpu.vector_load %arg11[%get3A_444] {strides = array<i32>} : memref<1040xi32, #tpu.memory_space<vmem>>, vector<16xi32>,
        tpu.vector_store_idx %arg6[%get3A_445], %max3A_440 masked %lt3A_443 : memref<32768xf32, #tpu.memory_space<vmem>>[vector<16xi32>], vector<16xf32>, vector<16xi1>
        %while3A_446 = arith.constant 0 : i32
        scf.yield %while3A_446 : i32
      }
      %while3A_431 = arith.constant 1 : i32
      %while3A_432 = scf.for %while3A_433 = %while3A_428 to %while3A_424 step %while3A_431 iter_args(%while3A_434 = %while3A_430) -> (i32)  : i32 {
        %mul3A_435 = arith.constant 16 : i32
        %mul3A_436 = arith.muli %while3A_433, %mul3A_435 : i32
        %get3A = arith.index_cast %mul3A_436 : i32 to index
        %get3A_437 = tpu.vector_load %arg9[%get3A] {strides = array<i32>} : memref<1040xf32, #tpu.memory_space<vmem>>, vector<16xf32>,
        %sub3A_438 = arith.subf %get3A_437, %cond3A_186 : vector<16xf32>
        %max3A = arith.constant 0.000000e+00 : f32
        %max3A_439 = vector.broadcast %max3A : f32 to vector<16xf32>
        %max3A_440 = arith.maximumf %sub3A_438, %max3A_439 : vector<16xf32>
        %add3A_441 = vector.broadcast %mul3A_436 : i32 to vector<16xi32>
        %add3A_442 = arith.addi %add3A_441, %iota3A : vector<16xi32>
        %lt3A = vector.broadcast %scan3A_170 : i32 to vector<16xi32>
        %lt3A_443 = arith.cmpi slt, %add3A_442, %lt3A : vector<16xi32>
        %get3A_444 = arith.index_cast %mul3A_436 : i32 to index
        %get3A_445 = tpu.vector_load %arg11[%get3A_444] {strides = array<i32>} : memref<1040xi32, #tpu.memory_space<vmem>>, vector<16xi32>,
        tpu.vector_store_idx %arg6[%get3A_445], %max3A_440 masked %lt3A_443 : memref<32768xf32, #tpu.memory_space<vmem>>[vector<16xi32>], vector<16xf32>, vector<16xi1>
        %while3A_446 = arith.constant 0 : i32
        scf.yield %while3A_446 : i32
      }
    } else {
      %parallel_loop3A_422 = arith.constant 0 : i32
      %parallel_loop3A_423 = arith.constant 2048 : i32
      %parallel_loop3A_424 = arith.constant 1 : i32
      scf.for %parallel_loop3A_425 = %parallel_loop3A_422 to %parallel_loop3A_423 step %parallel_loop3A_424  : i32 {
        %parallel_loop3A_426 = arith.constant 16 : i32
        %parallel_loop3A_427 = arith.muli %parallel_loop3A_425, %parallel_loop3A_426 : i32
        %parallel_loop3A_428 = arith.index_cast %parallel_loop3A_427 : i32 to index
        %parallel_loop3A_429 = tpu.vector_load %arg5[%parallel_loop3A_428] {strides = array<i32>} : memref<32768xf32, #tpu.memory_space<vmem>>, vector<16xf32>,
        %parallel_loop3A_430 = arith.subf %parallel_loop3A_429, %cond3A_186 : vector<16xf32>
        %parallel_loop3A_431 = arith.constant 0.000000e+00 : f32
        %parallel_loop3A_432 = vector.broadcast %parallel_loop3A_431 : f32 to vector<16xf32>
        %parallel_loop3A_433 = arith.maximumf %parallel_loop3A_430, %parallel_loop3A_432 : vector<16xf32>
        %parallel_loop3A_434 = arith.constant 16 : i32
        %parallel_loop3A_435 = arith.muli %parallel_loop3A_425, %parallel_loop3A_434 : i32
        %parallel_loop3A_436 = arith.index_cast %parallel_loop3A_435 : i32 to index
        %parallel_loop3A_437 = tpu.vector_load %arg6[%parallel_loop3A_436] {strides = array<i32>} : memref<32768xf32, #tpu.memory_space<vmem>>, vector<16xf32>,
        tpu.vector_store %arg6[%parallel_loop3A_436], %parallel_loop3A_433 {strides = array<i32>} : memref<32768xf32, #tpu.memory_space<vmem>>, vector<16xf32>,
      } {sc.loop_unroll_factor = 8 : i64, sc.parallel_access}
    }
    %mul3A_190 = arith.constant 4 : i32
    %mul3A_191 = arith.muli %add3A, %mul3A_190 : i32
    %add3A_192 = arith.constant 1 : i32
    %add3A_193 = arith.addi %mul3A_191, %add3A_192 : i32
    %dma_start3A_194 = arith.constant 0 : i32
    %dma_start3A_195 = tpu.memref_slice %arg3[%add3A_193, %dma_start3A_194] : memref<128x32768xf32, #tpu.memory_space<hbm>> -> memref<1x32768xf32, #tpu.memory_space<hbm>>
    %dma_start3A_196 = tpu.memref_squeeze %dma_start3A_195 : memref<1x32768xf32, #tpu.memory_space<hbm>> -> memref<32768xf32, #tpu.memory_space<hbm>>
    %dma_start3A_197 = arith.constant 0 : i32
    %dma_start3A_198 = tpu.memref_slice %arg3[%add3A_193, %dma_start3A_197] : memref<128x32768xf32, #tpu.memory_space<hbm>> -> memref<1x32768xf32, #tpu.memory_space<hbm>>
    %dma_start3A_199 = tpu.memref_squeeze %dma_start3A_198 : memref<1x32768xf32, #tpu.memory_space<hbm>> -> memref<32768xf32, #tpu.memory_space<hbm>>
    tpu.enqueue_dma source(%arg6 : memref<32768xf32, #tpu.memory_space<vmem>>) target(%dma_start3A_199 : memref<32768xf32, #tpu.memory_space<hbm>>) target_semaphore(%arg14 : memref<!tpu.dma_semaphore, #tpu.memory_space<semaphore_mem>>)
    %mul3A_200 = arith.constant 4 : i32
    %mul3A_201 = arith.muli %add3A, %mul3A_200 : i32
    %add3A_202 = arith.constant 3 : i32
    %add3A_203 = arith.addi %mul3A_201, %add3A_202 : i32
    %dma_start3A_204 = arith.constant 0 : i32
    %dma_start3A_205 = tpu.memref_slice %arg2[%add3A_203, %dma_start3A_204] : memref<128x32768xf32, #tpu.memory_space<hbm>> -> memref<1x32768xf32, #tpu.memory_space<hbm>>
    %dma_start3A_206 = tpu.memref_squeeze %dma_start3A_205 : memref<1x32768xf32, #tpu.memory_space<hbm>> -> memref<32768xf32, #tpu.memory_space<hbm>>
    %dma_start3A_207 = arith.constant 0 : i32
    %dma_start3A_208 = tpu.memref_slice %arg2[%add3A_203, %dma_start3A_207] : memref<128x32768xf32, #tpu.memory_space<hbm>> -> memref<1x32768xf32, #tpu.memory_space<hbm>>
    %dma_start3A_209 = tpu.memref_squeeze %dma_start3A_208 : memref<1x32768xf32, #tpu.memory_space<hbm>> -> memref<32768xf32, #tpu.memory_space<hbm>>
    tpu.enqueue_dma source(%dma_start3A_209 : memref<32768xf32, #tpu.memory_space<hbm>>) target(%arg5 : memref<32768xf32, #tpu.memory_space<vmem>>) target_semaphore(%arg13 : memref<!tpu.dma_semaphore, #tpu.memory_space<semaphore_mem>>)
    %mul3A_210 = arith.constant 4 : i32
    %mul3A_211 = arith.muli %add3A, %mul3A_210 : i32
    %add3A_212 = arith.constant 2 : i32
    %add3A_213 = arith.addi %mul3A_211, %add3A_212 : i32
    %dma_wait3A_214 = arith.constant 0 : i32
    %dma_wait3A_215 = tpu.memref_slice %arg2[%add3A_213, %dma_wait3A_214] : memref<128x32768xf32, #tpu.memory_space<hbm>> -> memref<1x32768xf32, #tpu.memory_space<hbm>>
    %dma_wait3A_216 = tpu.memref_squeeze %dma_wait3A_215 : memref<1x32768xf32, #tpu.memory_space<hbm>> -> memref<32768xf32, #tpu.memory_space<hbm>>
    %dma_wait3A_217 = arith.constant 0 : i32
    %dma_wait3A_218 = tpu.memref_slice %arg2[%add3A_213, %dma_wait3A_217] : memref<128x32768xf32, #tpu.memory_space<hbm>> -> memref<1x32768xf32, #tpu.memory_space<hbm>>
    %dma_wait3A_219 = tpu.memref_squeeze %dma_wait3A_218 : memref<1x32768xf32, #tpu.memory_space<hbm>> -> memref<32768xf32, #tpu.memory_space<hbm>>
    tpu.wait_dma2 semaphore(%arg12 : memref<!tpu.dma_semaphore, #tpu.memory_space<semaphore_mem>>) src(%dma_wait3A_219 : memref<32768xf32, #tpu.memory_space<hbm>>) dst(%arg4 : memref<32768xf32, #tpu.memory_space<vmem>>)
    %broadcast_in_dim3A_220 = arith.constant -3.000000e+38 : f32
    %broadcast_in_dim3A_221 = vector.broadcast %broadcast_in_dim3A_220 : f32 to vector<16xf32>
    %parallel_loop3A_222 = arith.constant 0 : i32
    %parallel_loop3A_223 = arith.constant 128 : i32
    %parallel_loop3A_224 = arith.constant 1 : i32
    %parallel_loop3A_225 = scf.for %parallel_loop3A_422 = %parallel_loop3A_222 to %parallel_loop3A_223 step %parallel_loop3A_224 iter_args(%parallel_loop3A_423 = %broadcast_in_dim3A_221) -> (vector<16xf32>)  : i32 {
      %parallel_loop3A_424 = arith.constant 256 : i32
      %parallel_loop3A_425 = arith.muli %parallel_loop3A_422, %parallel_loop3A_424 : i32
      %parallel_loop3A_426 = arith.constant 0 : i32
      %parallel_loop3A_427 = arith.addi %parallel_loop3A_425, %parallel_loop3A_426 : i32
      %parallel_loop3A_428 = arith.index_cast %parallel_loop3A_427 : i32 to index
      %parallel_loop3A_429 = tpu.vector_load %arg4[%parallel_loop3A_428] {strides = array<i32>} : memref<32768xf32, #tpu.memory_space<vmem>>, vector<16xf32>,
      %parallel_loop3A_430 = arith.constant 16 : i32
      %parallel_loop3A_431 = arith.addi %parallel_loop3A_425, %parallel_loop3A_430 : i32
      %parallel_loop3A_432 = arith.index_cast %parallel_loop3A_431 : i32 to index
      %parallel_loop3A_433 = tpu.vector_load %arg4[%parallel_loop3A_432] {strides = array<i32>} : memref<32768xf32, #tpu.memory_space<vmem>>, vector<16xf32>,
      %parallel_loop3A_434 = arith.constant 32 : i32
      %parallel_loop3A_435 = arith.addi %parallel_loop3A_425, %parallel_loop3A_434 : i32
      %parallel_loop3A_436 = arith.index_cast %parallel_loop3A_435 : i32 to index
      %parallel_loop3A_437 = tpu.vector_load %arg4[%parallel_loop3A_436] {strides = array<i32>} : memref<32768xf32, #tpu.memory_space<vmem>>, vector<16xf32>,
      %parallel_loop3A_438 = arith.constant 48 : i32
      %parallel_loop3A_439 = arith.addi %parallel_loop3A_425, %parallel_loop3A_438 : i32
      %parallel_loop3A_440 = arith.index_cast %parallel_loop3A_439 : i32 to index
      %parallel_loop3A_441 = tpu.vector_load %arg4[%parallel_loop3A_440] {strides = array<i32>} : memref<32768xf32, #tpu.memory_space<vmem>>, vector<16xf32>,
      %parallel_loop3A_442 = arith.constant 64 : i32
      %parallel_loop3A_443 = arith.addi %parallel_loop3A_425, %parallel_loop3A_442 : i32
      %parallel_loop3A_444 = arith.index_cast %parallel_loop3A_443 : i32 to index
      %parallel_loop3A_445 = tpu.vector_load %arg4[%parallel_loop3A_444] {strides = array<i32>} : memref<32768xf32, #tpu.memory_space<vmem>>, vector<16xf32>,
      %parallel_loop3A_446 = arith.constant 80 : i32
      %parallel_loop3A_447 = arith.addi %parallel_loop3A_425, %parallel_loop3A_446 : i32
      %parallel_loop3A_448 = arith.index_cast %parallel_loop3A_447 : i32 to index
      %parallel_loop3A_449 = tpu.vector_load %arg4[%parallel_loop3A_448] {strides = array<i32>} : memref<32768xf32, #tpu.memory_space<vmem>>, vector<16xf32>,
      %parallel_loop3A_450 = arith.constant 96 : i32
      %parallel_loop3A_451 = arith.addi %parallel_loop3A_425, %parallel_loop3A_450 : i32
      %parallel_loop3A_452 = arith.index_cast %parallel_loop3A_451 : i32 to index
      %parallel_loop3A_453 = tpu.vector_load %arg4[%parallel_loop3A_452] {strides = array<i32>} : memref<32768xf32, #tpu.memory_space<vmem>>, vector<16xf32>,
      %parallel_loop3A_454 = arith.constant 112 : i32
      %parallel_loop3A_455 = arith.addi %parallel_loop3A_425, %parallel_loop3A_454 : i32
      %parallel_loop3A_456 = arith.index_cast %parallel_loop3A_455 : i32 to index
      %parallel_loop3A_457 = tpu.vector_load %arg4[%parallel_loop3A_456] {strides = array<i32>} : memref<32768xf32, #tpu.memory_space<vmem>>, vector<16xf32>,
      %parallel_loop3A_458 = arith.constant 128 : i32
      %parallel_loop3A_459 = arith.addi %parallel_loop3A_425, %parallel_loop3A_458 : i32
      %parallel_loop3A_460 = arith.index_cast %parallel_loop3A_459 : i32 to index
      %parallel_loop3A_461 = tpu.vector_load %arg4[%parallel_loop3A_460] {strides = array<i32>} : memref<32768xf32, #tpu.memory_space<vmem>>, vector<16xf32>,
      %parallel_loop3A_462 = arith.constant 144 : i32
      %parallel_loop3A_463 = arith.addi %parallel_loop3A_425, %parallel_loop3A_462 : i32
      %parallel_loop3A_464 = arith.index_cast %parallel_loop3A_463 : i32 to index
      %parallel_loop3A_465 = tpu.vector_load %arg4[%parallel_loop3A_464] {strides = array<i32>} : memref<32768xf32, #tpu.memory_space<vmem>>, vector<16xf32>,
      %parallel_loop3A_466 = arith.constant 160 : i32
      %parallel_loop3A_467 = arith.addi %parallel_loop3A_425, %parallel_loop3A_466 : i32
      %parallel_loop3A_468 = arith.index_cast %parallel_loop3A_467 : i32 to index
      %parallel_loop3A_469 = tpu.vector_load %arg4[%parallel_loop3A_468] {strides = array<i32>} : memref<32768xf32, #tpu.memory_space<vmem>>, vector<16xf32>,
      %parallel_loop3A_470 = arith.constant 176 : i32
      %parallel_loop3A_471 = arith.addi %parallel_loop3A_425, %parallel_loop3A_470 : i32
      %parallel_loop3A_472 = arith.index_cast %parallel_loop3A_471 : i32 to index
      %parallel_loop3A_473 = tpu.vector_load %arg4[%parallel_loop3A_472] {strides = array<i32>} : memref<32768xf32, #tpu.memory_space<vmem>>, vector<16xf32>,
      %parallel_loop3A_474 = arith.constant 192 : i32
      %parallel_loop3A_475 = arith.addi %parallel_loop3A_425, %parallel_loop3A_474 : i32
      %parallel_loop3A_476 = arith.index_cast %parallel_loop3A_475 : i32 to index
      %parallel_loop3A_477 = tpu.vector_load %arg4[%parallel_loop3A_476] {strides = array<i32>} : memref<32768xf32, #tpu.memory_space<vmem>>, vector<16xf32>,
      %parallel_loop3A_478 = arith.constant 208 : i32
      %parallel_loop3A_479 = arith.addi %parallel_loop3A_425, %parallel_loop3A_478 : i32
      %parallel_loop3A_480 = arith.index_cast %parallel_loop3A_479 : i32 to index
      %parallel_loop3A_481 = tpu.vector_load %arg4[%parallel_loop3A_480] {strides = array<i32>} : memref<32768xf32, #tpu.memory_space<vmem>>, vector<16xf32>,
      %parallel_loop3A_482 = arith.constant 224 : i32
      %parallel_loop3A_483 = arith.addi %parallel_loop3A_425, %parallel_loop3A_482 : i32
      %parallel_loop3A_484 = arith.index_cast %parallel_loop3A_483 : i32 to index
      %parallel_loop3A_485 = tpu.vector_load %arg4[%parallel_loop3A_484] {strides = array<i32>} : memref<32768xf32, #tpu.memory_space<vmem>>, vector<16xf32>,
      %parallel_loop3A_486 = arith.constant 240 : i32
      %parallel_loop3A_487 = arith.addi %parallel_loop3A_425, %parallel_loop3A_486 : i32
      %parallel_loop3A_488 = arith.index_cast %parallel_loop3A_487 : i32 to index
      %parallel_loop3A_489 = tpu.vector_load %arg4[%parallel_loop3A_488] {strides = array<i32>} : memref<32768xf32, #tpu.memory_space<vmem>>, vector<16xf32>,
      %parallel_loop3A_490 = arith.maximumf %parallel_loop3A_429, %parallel_loop3A_433 : vector<16xf32>
      %parallel_loop3A_491 = arith.maximumf %parallel_loop3A_437, %parallel_loop3A_441 : vector<16xf32>
      %parallel_loop3A_492 = arith.maximumf %parallel_loop3A_445, %parallel_loop3A_449 : vector<16xf32>
      %parallel_loop3A_493 = arith.maximumf %parallel_loop3A_453, %parallel_loop3A_457 : vector<16xf32>
      %parallel_loop3A_494 = arith.maximumf %parallel_loop3A_461, %parallel_loop3A_465 : vector<16xf32>
      %parallel_loop3A_495 = arith.maximumf %parallel_loop3A_469, %parallel_loop3A_473 : vector<16xf32>
      %parallel_loop3A_496 = arith.maximumf %parallel_loop3A_477, %parallel_loop3A_481 : vector<16xf32>
      %parallel_loop3A_497 = arith.maximumf %parallel_loop3A_485, %parallel_loop3A_489 : vector<16xf32>
      %parallel_loop3A_498 = arith.maximumf %parallel_loop3A_490, %parallel_loop3A_491 : vector<16xf32>
      %parallel_loop3A_499 = arith.maximumf %parallel_loop3A_492, %parallel_loop3A_493 : vector<16xf32>
      %parallel_loop3A_500 = arith.maximumf %parallel_loop3A_494, %parallel_loop3A_495 : vector<16xf32>
      %parallel_loop3A_501 = arith.maximumf %parallel_loop3A_496, %parallel_loop3A_497 : vector<16xf32>
      %parallel_loop3A_502 = arith.maximumf %parallel_loop3A_498, %parallel_loop3A_499 : vector<16xf32>
      %parallel_loop3A_503 = arith.maximumf %parallel_loop3A_500, %parallel_loop3A_501 : vector<16xf32>
      %parallel_loop3A_504 = arith.maximumf %parallel_loop3A_502, %parallel_loop3A_503 : vector<16xf32>
      %parallel_loop3A_505 = arith.constant 16 : i32
      %parallel_loop3A_506 = arith.muli %parallel_loop3A_422, %parallel_loop3A_505 : i32
      %parallel_loop3A_507 = arith.index_cast %parallel_loop3A_506 : i32 to index
      %parallel_loop3A_508 = tpu.vector_load %arg7[%parallel_loop3A_507] {strides = array<i32>} : memref<2048xf32, #tpu.memory_space<vmem>>, vector<16xf32>,
      tpu.vector_store %arg7[%parallel_loop3A_507], %parallel_loop3A_504 {strides = array<i32>} : memref<2048xf32, #tpu.memory_space<vmem>>, vector<16xf32>,
      %parallel_loop3A_509 = arith.maximumf %parallel_loop3A_423, %parallel_loop3A_504 : vector<16xf32>
      scf.yield %parallel_loop3A_509 : vector<16xf32>
    } {sc.loop_unroll_factor = 2 : i64, sc.parallel_access}
    %reduce_max3A_226 = arith.constant true
    %reduce_max3A_227 = vector.broadcast %reduce_max3A_226 : i1 to vector<16xi1>
    %reduce_max3A_228 = tpu.scan <max>, %parallel_loop3A_225 masked %reduce_max3A_227 : vector<16xf32>, vector<16xi1> -> vector<16xf32>
    %reduce_max3A_229 = vector.extract %reduce_max3A_228[15] : f32 from vector<16xf32>
    %broadcast_in_dim3A_230 = vector.broadcast %reduce_max3A_229 : f32 to vector<16xf32>
    %exp3A_231 = math.exp %broadcast_in_dim3A_230 : vector<16xf32>
    %slice3A_232 = vector.extract_strided_slice %exp3A_231 {offsets = [0], sizes = [1], strides = [1]} : vector<16xf32> to vector<1xf32>
    %squeeze3A_233 = vector.extract %slice3A_232[0] : f32 from vector<1xf32>
    %sub3A_234 = arith.constant 1.000000e+00 : f32
    %sub3A_235 = arith.subf %squeeze3A_233, %sub3A_234 : f32
    %sub3A_236 = arith.constant 1.000000e+00 : f32
    %sub3A_237 = vector.broadcast %sub3A_236 : f32 to vector<16xf32>
    %sub3A_238 = arith.subf %exp3A_231, %sub3A_237 : vector<16xf32>
    %div3A_239 = arith.constant 1.000000e+00 : f32
    %div3A_240 = vector.broadcast %div3A_239 : f32 to vector<16xf32>
    %div3A_241 = arith.divf %div3A_240, %sub3A_238 : vector<16xf32>
    %gt3A_242 = arith.constant 1.000000e+00 : f32
    %gt3A_243 = arith.cmpf ogt, %squeeze3A_233, %gt3A_242 : f32
    %slice3A_244 = vector.extract_strided_slice %div3A_241 {offsets = [0], sizes = [1], strides = [1]} : vector<16xf32> to vector<1xf32>
    %squeeze3A_245 = vector.extract %slice3A_244[0] : f32 from vector<1xf32>
    %sub3A_246 = arith.subf %reduce_max3A_229, %squeeze3A_245 : f32
    %abs3A_247 = math.absf %reduce_max3A_229 : f32
    %add3A_248 = arith.constant 1.000000e+00 : f32
    %add3A_249 = arith.addf %abs3A_247, %add3A_248 : f32
    %mul3A_250 = arith.constant 9.99999997E-7 : f32
    %mul3A_251 = arith.mulf %add3A_249, %mul3A_250 : f32
    %sub3A_252 = arith.subf %sub3A_246, %mul3A_251 : f32
    %jit3A_253 = arith.constant -3.000000e+38 : f32
    %select_n3A_254 = arith.select %gt3A_243, %sub3A_252, %jit3A_253 : f32
    %parallel_loop3A_255 = arith.constant 0 : i32
    %parallel_loop3A_256 = arith.constant 8 : i32
    %parallel_loop3A_257 = arith.constant 1 : i32
    scf.for %parallel_loop3A_422 = %parallel_loop3A_255 to %parallel_loop3A_256 step %parallel_loop3A_257  : i32 {
      %parallel_loop3A_423 = arith.constant 16 : i32
      %parallel_loop3A_424 = arith.muli %parallel_loop3A_422, %parallel_loop3A_423 : i32
      %parallel_loop3A_425 = arith.constant 0 : i32
      %parallel_loop3A_426 = arith.addi %parallel_loop3A_424, %parallel_loop3A_425 : i32
      %parallel_loop3A_427 = arith.constant 16 : i32
      %parallel_loop3A_428 = arith.muli %parallel_loop3A_426, %parallel_loop3A_427 : i32
      %parallel_loop3A_429 = arith.index_cast %parallel_loop3A_428 : i32 to index
      %parallel_loop3A_430 = tpu.vector_load %arg7[%parallel_loop3A_429] {strides = array<i32>} : memref<2048xf32, #tpu.memory_space<vmem>>, vector<16xf32>,
      %parallel_loop3A_431 = arith.constant 16 : i32
      %parallel_loop3A_432 = arith.muli %parallel_loop3A_422, %parallel_loop3A_431 : i32
      %parallel_loop3A_433 = arith.constant 1 : i32
      %parallel_loop3A_434 = arith.addi %parallel_loop3A_432, %parallel_loop3A_433 : i32
      %parallel_loop3A_435 = arith.constant 16 : i32
      %parallel_loop3A_436 = arith.muli %parallel_loop3A_434, %parallel_loop3A_435 : i32
      %parallel_loop3A_437 = arith.index_cast %parallel_loop3A_436 : i32 to index
      %parallel_loop3A_438 = tpu.vector_load %arg7[%parallel_loop3A_437] {strides = array<i32>} : memref<2048xf32, #tpu.memory_space<vmem>>, vector<16xf32>,
      %parallel_loop3A_439 = arith.constant 16 : i32
      %parallel_loop3A_440 = arith.muli %parallel_loop3A_422, %parallel_loop3A_439 : i32
      %parallel_loop3A_441 = arith.constant 2 : i32
      %parallel_loop3A_442 = arith.addi %parallel_loop3A_440, %parallel_loop3A_441 : i32
      %parallel_loop3A_443 = arith.constant 16 : i32
      %parallel_loop3A_444 = arith.muli %parallel_loop3A_442, %parallel_loop3A_443 : i32
      %parallel_loop3A_445 = arith.index_cast %parallel_loop3A_444 : i32 to index
      %parallel_loop3A_446 = tpu.vector_load %arg7[%parallel_loop3A_445] {strides = array<i32>} : memref<2048xf32, #tpu.memory_space<vmem>>, vector<16xf32>,
      %parallel_loop3A_447 = arith.constant 16 : i32
      %parallel_loop3A_448 = arith.muli %parallel_loop3A_422, %parallel_loop3A_447 : i32
      %parallel_loop3A_449 = arith.constant 3 : i32
      %parallel_loop3A_450 = arith.addi %parallel_loop3A_448, %parallel_loop3A_449 : i32
      %parallel_loop3A_451 = arith.constant 16 : i32
      %parallel_loop3A_452 = arith.muli %parallel_loop3A_450, %parallel_loop3A_451 : i32
      %parallel_loop3A_453 = arith.index_cast %parallel_loop3A_452 : i32 to index
      %parallel_loop3A_454 = tpu.vector_load %arg7[%parallel_loop3A_453] {strides = array<i32>} : memref<2048xf32, #tpu.memory_space<vmem>>, vector<16xf32>,
      %parallel_loop3A_455 = arith.constant 16 : i32
      %parallel_loop3A_456 = arith.muli %parallel_loop3A_422, %parallel_loop3A_455 : i32
      %parallel_loop3A_457 = arith.constant 4 : i32
      %parallel_loop3A_458 = arith.addi %parallel_loop3A_456, %parallel_loop3A_457 : i32
      %parallel_loop3A_459 = arith.constant 16 : i32
      %parallel_loop3A_460 = arith.muli %parallel_loop3A_458, %parallel_loop3A_459 : i32
      %parallel_loop3A_461 = arith.index_cast %parallel_loop3A_460 : i32 to index
      %parallel_loop3A_462 = tpu.vector_load %arg7[%parallel_loop3A_461] {strides = array<i32>} : memref<2048xf32, #tpu.memory_space<vmem>>, vector<16xf32>,
      %parallel_loop3A_463 = arith.constant 16 : i32
      %parallel_loop3A_464 = arith.muli %parallel_loop3A_422, %parallel_loop3A_463 : i32
      %parallel_loop3A_465 = arith.constant 5 : i32
      %parallel_loop3A_466 = arith.addi %parallel_loop3A_464, %parallel_loop3A_465 : i32
      %parallel_loop3A_467 = arith.constant 16 : i32
      %parallel_loop3A_468 = arith.muli %parallel_loop3A_466, %parallel_loop3A_467 : i32
      %parallel_loop3A_469 = arith.index_cast %parallel_loop3A_468 : i32 to index
      %parallel_loop3A_470 = tpu.vector_load %arg7[%parallel_loop3A_469] {strides = array<i32>} : memref<2048xf32, #tpu.memory_space<vmem>>, vector<16xf32>,
      %parallel_loop3A_471 = arith.constant 16 : i32
      %parallel_loop3A_472 = arith.muli %parallel_loop3A_422, %parallel_loop3A_471 : i32
      %parallel_loop3A_473 = arith.constant 6 : i32
      %parallel_loop3A_474 = arith.addi %parallel_loop3A_472, %parallel_loop3A_473 : i32
      %parallel_loop3A_475 = arith.constant 16 : i32
      %parallel_loop3A_476 = arith.muli %parallel_loop3A_474, %parallel_loop3A_475 : i32
      %parallel_loop3A_477 = arith.index_cast %parallel_loop3A_476 : i32 to index
      %parallel_loop3A_478 = tpu.vector_load %arg7[%parallel_loop3A_477] {strides = array<i32>} : memref<2048xf32, #tpu.memory_space<vmem>>, vector<16xf32>,
      %parallel_loop3A_479 = arith.constant 16 : i32
      %parallel_loop3A_480 = arith.muli %parallel_loop3A_422, %parallel_loop3A_479 : i32
      %parallel_loop3A_481 = arith.constant 7 : i32
      %parallel_loop3A_482 = arith.addi %parallel_loop3A_480, %parallel_loop3A_481 : i32
      %parallel_loop3A_483 = arith.constant 16 : i32
      %parallel_loop3A_484 = arith.muli %parallel_loop3A_482, %parallel_loop3A_483 : i32
      %parallel_loop3A_485 = arith.index_cast %parallel_loop3A_484 : i32 to index
      %parallel_loop3A_486 = tpu.vector_load %arg7[%parallel_loop3A_485] {strides = array<i32>} : memref<2048xf32, #tpu.memory_space<vmem>>, vector<16xf32>,
      %parallel_loop3A_487 = arith.constant 16 : i32
      %parallel_loop3A_488 = arith.muli %parallel_loop3A_422, %parallel_loop3A_487 : i32
      %parallel_loop3A_489 = arith.constant 8 : i32
      %parallel_loop3A_490 = arith.addi %parallel_loop3A_488, %parallel_loop3A_489 : i32
      %parallel_loop3A_491 = arith.constant 16 : i32
      %parallel_loop3A_492 = arith.muli %parallel_loop3A_490, %parallel_loop3A_491 : i32
      %parallel_loop3A_493 = arith.index_cast %parallel_loop3A_492 : i32 to index
      %parallel_loop3A_494 = tpu.vector_load %arg7[%parallel_loop3A_493] {strides = array<i32>} : memref<2048xf32, #tpu.memory_space<vmem>>, vector<16xf32>,
      %parallel_loop3A_495 = arith.constant 16 : i32
      %parallel_loop3A_496 = arith.muli %parallel_loop3A_422, %parallel_loop3A_495 : i32
      %parallel_loop3A_497 = arith.constant 9 : i32
      %parallel_loop3A_498 = arith.addi %parallel_loop3A_496, %parallel_loop3A_497 : i32
      %parallel_loop3A_499 = arith.constant 16 : i32
      %parallel_loop3A_500 = arith.muli %parallel_loop3A_498, %parallel_loop3A_499 : i32
      %parallel_loop3A_501 = arith.index_cast %parallel_loop3A_500 : i32 to index
      %parallel_loop3A_502 = tpu.vector_load %arg7[%parallel_loop3A_501] {strides = array<i32>} : memref<2048xf32, #tpu.memory_space<vmem>>, vector<16xf32>,
      %parallel_loop3A_503 = arith.constant 16 : i32
      %parallel_loop3A_504 = arith.muli %parallel_loop3A_422, %parallel_loop3A_503 : i32
      %parallel_loop3A_505 = arith.constant 10 : i32
      %parallel_loop3A_506 = arith.addi %parallel_loop3A_504, %parallel_loop3A_505 : i32
      %parallel_loop3A_507 = arith.constant 16 : i32
      %parallel_loop3A_508 = arith.muli %parallel_loop3A_506, %parallel_loop3A_507 : i32
      %parallel_loop3A_509 = arith.index_cast %parallel_loop3A_508 : i32 to index
      %parallel_loop3A_510 = tpu.vector_load %arg7[%parallel_loop3A_509] {strides = array<i32>} : memref<2048xf32, #tpu.memory_space<vmem>>, vector<16xf32>,
      %parallel_loop3A_511 = arith.constant 16 : i32
      %parallel_loop3A_512 = arith.muli %parallel_loop3A_422, %parallel_loop3A_511 : i32
      %parallel_loop3A_513 = arith.constant 11 : i32
      %parallel_loop3A_514 = arith.addi %parallel_loop3A_512, %parallel_loop3A_513 : i32
      %parallel_loop3A_515 = arith.constant 16 : i32
      %parallel_loop3A_516 = arith.muli %parallel_loop3A_514, %parallel_loop3A_515 : i32
      %parallel_loop3A_517 = arith.index_cast %parallel_loop3A_516 : i32 to index
      %parallel_loop3A_518 = tpu.vector_load %arg7[%parallel_loop3A_517] {strides = array<i32>} : memref<2048xf32, #tpu.memory_space<vmem>>, vector<16xf32>,
      %parallel_loop3A_519 = arith.constant 16 : i32
      %parallel_loop3A_520 = arith.muli %parallel_loop3A_422, %parallel_loop3A_519 : i32
      %parallel_loop3A_521 = arith.constant 12 : i32
      %parallel_loop3A_522 = arith.addi %parallel_loop3A_520, %parallel_loop3A_521 : i32
      %parallel_loop3A_523 = arith.constant 16 : i32
      %parallel_loop3A_524 = arith.muli %parallel_loop3A_522, %parallel_loop3A_523 : i32
      %parallel_loop3A_525 = arith.index_cast %parallel_loop3A_524 : i32 to index
      %parallel_loop3A_526 = tpu.vector_load %arg7[%parallel_loop3A_525] {strides = array<i32>} : memref<2048xf32, #tpu.memory_space<vmem>>, vector<16xf32>,
      %parallel_loop3A_527 = arith.constant 16 : i32
      %parallel_loop3A_528 = arith.muli %parallel_loop3A_422, %parallel_loop3A_527 : i32
      %parallel_loop3A_529 = arith.constant 13 : i32
      %parallel_loop3A_530 = arith.addi %parallel_loop3A_528, %parallel_loop3A_529 : i32
      %parallel_loop3A_531 = arith.constant 16 : i32
      %parallel_loop3A_532 = arith.muli %parallel_loop3A_530, %parallel_loop3A_531 : i32
      %parallel_loop3A_533 = arith.index_cast %parallel_loop3A_532 : i32 to index
      %parallel_loop3A_534 = tpu.vector_load %arg7[%parallel_loop3A_533] {strides = array<i32>} : memref<2048xf32, #tpu.memory_space<vmem>>, vector<16xf32>,
      %parallel_loop3A_535 = arith.constant 16 : i32
      %parallel_loop3A_536 = arith.muli %parallel_loop3A_422, %parallel_loop3A_535 : i32
      %parallel_loop3A_537 = arith.constant 14 : i32
      %parallel_loop3A_538 = arith.addi %parallel_loop3A_536, %parallel_loop3A_537 : i32
      %parallel_loop3A_539 = arith.constant 16 : i32
      %parallel_loop3A_540 = arith.muli %parallel_loop3A_538, %parallel_loop3A_539 : i32
      %parallel_loop3A_541 = arith.index_cast %parallel_loop3A_540 : i32 to index
      %parallel_loop3A_542 = tpu.vector_load %arg7[%parallel_loop3A_541] {strides = array<i32>} : memref<2048xf32, #tpu.memory_space<vmem>>, vector<16xf32>,
      %parallel_loop3A_543 = arith.constant 16 : i32
      %parallel_loop3A_544 = arith.muli %parallel_loop3A_422, %parallel_loop3A_543 : i32
      %parallel_loop3A_545 = arith.constant 15 : i32
      %parallel_loop3A_546 = arith.addi %parallel_loop3A_544, %parallel_loop3A_545 : i32
      %parallel_loop3A_547 = arith.constant 16 : i32
      %parallel_loop3A_548 = arith.muli %parallel_loop3A_546, %parallel_loop3A_547 : i32
      %parallel_loop3A_549 = arith.index_cast %parallel_loop3A_548 : i32 to index
      %parallel_loop3A_550 = tpu.vector_load %arg7[%parallel_loop3A_549] {strides = array<i32>} : memref<2048xf32, #tpu.memory_space<vmem>>, vector<16xf32>,
      %parallel_loop3A_551 = arith.maximumf %parallel_loop3A_430, %parallel_loop3A_438 : vector<16xf32>
      %parallel_loop3A_552 = arith.maximumf %parallel_loop3A_446, %parallel_loop3A_454 : vector<16xf32>
      %parallel_loop3A_553 = arith.maximumf %parallel_loop3A_462, %parallel_loop3A_470 : vector<16xf32>
      %parallel_loop3A_554 = arith.maximumf %parallel_loop3A_478, %parallel_loop3A_486 : vector<16xf32>
      %parallel_loop3A_555 = arith.maximumf %parallel_loop3A_494, %parallel_loop3A_502 : vector<16xf32>
      %parallel_loop3A_556 = arith.maximumf %parallel_loop3A_510, %parallel_loop3A_518 : vector<16xf32>
      %parallel_loop3A_557 = arith.maximumf %parallel_loop3A_526, %parallel_loop3A_534 : vector<16xf32>
      %parallel_loop3A_558 = arith.maximumf %parallel_loop3A_542, %parallel_loop3A_550 : vector<16xf32>
      %parallel_loop3A_559 = arith.maximumf %parallel_loop3A_551, %parallel_loop3A_552 : vector<16xf32>
      %parallel_loop3A_560 = arith.maximumf %parallel_loop3A_553, %parallel_loop3A_554 : vector<16xf32>
      %parallel_loop3A_561 = arith.maximumf %parallel_loop3A_555, %parallel_loop3A_556 : vector<16xf32>
      %parallel_loop3A_562 = arith.maximumf %parallel_loop3A_557, %parallel_loop3A_558 : vector<16xf32>
      %parallel_loop3A_563 = arith.maximumf %parallel_loop3A_559, %parallel_loop3A_560 : vector<16xf32>
      %parallel_loop3A_564 = arith.maximumf %parallel_loop3A_561, %parallel_loop3A_562 : vector<16xf32>
      %parallel_loop3A_565 = arith.maximumf %parallel_loop3A_563, %parallel_loop3A_564 : vector<16xf32>
      %parallel_loop3A_566 = arith.constant 16 : i32
      %parallel_loop3A_567 = arith.muli %parallel_loop3A_422, %parallel_loop3A_566 : i32
      %parallel_loop3A_568 = arith.index_cast %parallel_loop3A_567 : i32 to index
      %parallel_loop3A_569 = tpu.vector_load %arg8[%parallel_loop3A_568] {strides = array<i32>} : memref<128xf32, #tpu.memory_space<vmem>>, vector<16xf32>,
      tpu.vector_store %arg8[%parallel_loop3A_568], %parallel_loop3A_565 {strides = array<i32>} : memref<128xf32, #tpu.memory_space<vmem>>, vector<16xf32>,
    } {sc.loop_unroll_factor = 1 : i64, sc.parallel_access}
    %mul3A_258 = arith.constant 4 : i32
    %mul3A_259 = arith.muli %add3A, %mul3A_258 : i32
    %add3A_260 = arith.constant 1 : i32
    %add3A_261 = arith.addi %mul3A_259, %add3A_260 : i32
    %dma_wait3A_262 = arith.constant 0 : i32
    %dma_wait3A_263 = tpu.memref_slice %arg3[%add3A_261, %dma_wait3A_262] : memref<128x32768xf32, #tpu.memory_space<hbm>> -> memref<1x32768xf32, #tpu.memory_space<hbm>>
    %dma_wait3A_264 = tpu.memref_squeeze %dma_wait3A_263 : memref<1x32768xf32, #tpu.memory_space<hbm>> -> memref<32768xf32, #tpu.memory_space<hbm>>
    %dma_wait3A_265 = arith.constant 0 : i32
    %dma_wait3A_266 = tpu.memref_slice %arg3[%add3A_261, %dma_wait3A_265] : memref<128x32768xf32, #tpu.memory_space<hbm>> -> memref<1x32768xf32, #tpu.memory_space<hbm>>
    %dma_wait3A_267 = tpu.memref_squeeze %dma_wait3A_266 : memref<1x32768xf32, #tpu.memory_space<hbm>> -> memref<32768xf32, #tpu.memory_space<hbm>>
    tpu.wait_dma2 semaphore(%arg14 : memref<!tpu.dma_semaphore, #tpu.memory_space<semaphore_mem>>) src(%arg6 : memref<32768xf32, #tpu.memory_space<vmem>>) dst(%dma_wait3A_267 : memref<32768xf32, #tpu.memory_space<hbm>>)
    %convert_element_type3A_268 = arith.extui %le3A_173 : i1 to i32
    %cond3A_269 = arith.constant 0 : i32
    %cond3A_270 = arith.cmpi ne, %convert_element_type3A_268, %cond3A_269 : i32
    scf.if %cond3A_270 {
      %add3A_422 = arith.constant 15 : i32
      %add3A_423 = arith.addi %scan3A_170, %add3A_422 : i32
      %shift_right_logical3A_424 = arith.constant 4 : i32
      %shift_right_logical3A_425 = arith.shrui %add3A_423, %shift_right_logical3A_424 : i32
      %while3A = arith.constant 0 : i32
      %while3A_426 = arith.constant 0 : i32
      %while3A_427 = arith.subi %shift_right_logical3A_425, %while3A : i32
      %while3A_428 = arith.addi %while3A, %while3A_427 : i32
      %while3A_429 = arith.constant 1 : i32
      %while3A_430 = arith.divsi %while3A_427, %while3A_429 : i32
      %while3A_431 = arith.muli %while3A_430, %while3A_429 : i32
      %while3A_432 = arith.addi %while3A, %while3A_431 : i32
      %while3A_433 = arith.constant 1 : i32
      %while3A_434 = scf.for %while3A_437 = %while3A to %while3A_432 step %while3A_433 iter_args(%while3A_438 = %while3A_426) -> (i32)  : i32 {
        %mul3A_439 = arith.constant 16 : i32
        %mul3A_440 = arith.muli %while3A_437, %mul3A_439 : i32
        %add3A_441 = vector.broadcast %mul3A_440 : i32 to vector<16xi32>
        %add3A_442 = arith.addi %add3A_441, %iota3A : vector<16xi32>
        %lt3A = vector.broadcast %scan3A_170 : i32 to vector<16xi32>
        %lt3A_443 = arith.cmpi slt, %add3A_442, %lt3A : vector<16xi32>
        %get3A = arith.index_cast %mul3A_440 : i32 to index
        %get3A_444 = tpu.vector_load %arg11[%get3A] {strides = array<i32>} : memref<1040xi32, #tpu.memory_space<vmem>>, vector<16xi32>,
        tpu.vector_store_idx %arg6[%get3A_444], %broadcast_in_dim3A_1 masked %lt3A_443 : memref<32768xf32, #tpu.memory_space<vmem>>[vector<16xi32>], vector<16xf32>, vector<16xi1>
        %while3A_445 = arith.constant 0 : i32
        scf.yield %while3A_445 : i32
      }
      %while3A_435 = arith.constant 1 : i32
      %while3A_436 = scf.for %while3A_437 = %while3A_432 to %while3A_428 step %while3A_435 iter_args(%while3A_438 = %while3A_434) -> (i32)  : i32 {
        %mul3A_439 = arith.constant 16 : i32
        %mul3A_440 = arith.muli %while3A_437, %mul3A_439 : i32
        %add3A_441 = vector.broadcast %mul3A_440 : i32 to vector<16xi32>
        %add3A_442 = arith.addi %add3A_441, %iota3A : vector<16xi32>
        %lt3A = vector.broadcast %scan3A_170 : i32 to vector<16xi32>
        %lt3A_443 = arith.cmpi slt, %add3A_442, %lt3A : vector<16xi32>
        %get3A = arith.index_cast %mul3A_440 : i32 to index
        %get3A_444 = tpu.vector_load %arg11[%get3A] {strides = array<i32>} : memref<1040xi32, #tpu.memory_space<vmem>>, vector<16xi32>,
        tpu.vector_store_idx %arg6[%get3A_444], %broadcast_in_dim3A_1 masked %lt3A_443 : memref<32768xf32, #tpu.memory_space<vmem>>[vector<16xi32>], vector<16xf32>, vector<16xi1>
        %while3A_445 = arith.constant 0 : i32
        scf.yield %while3A_445 : i32
      }
    } else {
    }
    %not3A_271 = arith.constant true
    %not3A_272 = arith.xori %le3A_173, %not3A_271 : i1
    %convert_element_type3A_273 = arith.extui %not3A_272 : i1 to i32
    %cond3A_274 = arith.constant 0 : i32
    %cond3A_275 = arith.cmpi ne, %convert_element_type3A_273, %cond3A_274 : i32
    scf.if %cond3A_275 {
      %parallel_loop3A_422 = arith.constant 0 : i32
      %parallel_loop3A_423 = arith.constant 2048 : i32
      %parallel_loop3A_424 = arith.constant 1 : i32
      scf.for %parallel_loop3A_425 = %parallel_loop3A_422 to %parallel_loop3A_423 step %parallel_loop3A_424  : i32 {
        %parallel_loop3A_426 = arith.constant 16 : i32
        %parallel_loop3A_427 = arith.muli %parallel_loop3A_425, %parallel_loop3A_426 : i32
        %parallel_loop3A_428 = arith.index_cast %parallel_loop3A_427 : i32 to index
        %parallel_loop3A_429 = tpu.vector_load %arg6[%parallel_loop3A_428] {strides = array<i32>} : memref<32768xf32, #tpu.memory_space<vmem>>, vector<16xf32>,
        tpu.vector_store %arg6[%parallel_loop3A_428], %broadcast_in_dim3A_1 {strides = array<i32>} : memref<32768xf32, #tpu.memory_space<vmem>>, vector<16xf32>,
      } {sc.loop_unroll_factor = 8 : i64, sc.parallel_access}
    } else {
    }
    %scan3A_276 = arith.constant 0 : i32
    %scan3A_277 = arith.constant 0 : i32
    %scan3A_278 = arith.constant 8 : i32
    %scan3A_279 = arith.addi %scan3A_277, %scan3A_278 : i32
    %scan3A_280 = arith.constant 1 : i32
    %scan3A_281 = scf.for %scan3A_422 = %scan3A_277 to %scan3A_279 step %scan3A_280 iter_args(%scan3A_423 = %scan3A_276) -> (i32)  : i32 {
      %mul3A_424 = arith.constant 16 : i32
      %mul3A_425 = arith.muli %scan3A_422, %mul3A_424 : i32
      %get3A = arith.index_cast %mul3A_425 : i32 to index
      %get3A_426 = tpu.vector_load %arg8[%get3A] {strides = array<i32>} : memref<128xf32, #tpu.memory_space<vmem>>, vector<16xf32>,
      %gt3A_427 = vector.broadcast %select_n3A_254 : f32 to vector<16xf32>
      %gt3A_428 = arith.cmpf ogt, %get3A_426, %gt3A_427 : vector<16xf32>
      %reduce_or3A = arith.constant 1.000000e+00 : f32
      %reduce_or3A_429 = arith.constant 0.000000e+00 : f32
      %reduce_or3A_430 = vector.broadcast %reduce_or3A : f32 to vector<16xf32>
      %reduce_or3A_431 = vector.broadcast %reduce_or3A_429 : f32 to vector<16xf32>
      %reduce_or3A_432 = arith.select %gt3A_428, %reduce_or3A_430, %reduce_or3A_431 : vector<16xi1>, vector<16xf32>
      %reduce_or3A_433 = arith.constant true
      %reduce_or3A_434 = vector.broadcast %reduce_or3A_433 : i1 to vector<16xi1>
      %reduce_or3A_435 = tpu.scan <max>, %reduce_or3A_432 masked %reduce_or3A_434 : vector<16xf32>, vector<16xi1> -> vector<16xf32>
      %reduce_or3A_436 = vector.extract %reduce_or3A_435[15] : f32 from vector<16xf32>
      %reduce_or3A_437 = arith.constant 0.000000e+00 : f32
      %reduce_or3A_438 = arith.cmpf ogt, %reduce_or3A_436, %reduce_or3A_437 : f32
      %convert_element_type3A_439 = arith.extui %reduce_or3A_438 : i1 to i32
      %cond3A_440 = arith.constant 0 : i32
      %cond3A_441 = arith.cmpi ne, %convert_element_type3A_439, %cond3A_440 : i32
      %cond3A_442 = scf.if %cond3A_441 -> (i32) {
        %scan3A_443 = arith.constant 0 : i32
        %scan3A_444 = arith.constant 16 : i32
        %scan3A_445 = arith.addi %scan3A_443, %scan3A_444 : i32
        %scan3A_446 = arith.constant 1 : i32
        %scan3A_447 = scf.for %scan3A_449 = %scan3A_443 to %scan3A_445 step %scan3A_446 iter_args(%scan3A_450 = %scan3A_423) -> (i32)  : i32 {
          %mul3A_451 = arith.constant 16 : i32
          %mul3A_452 = arith.muli %scan3A_422, %mul3A_451 : i32
          %add3A_453 = arith.addi %mul3A_452, %scan3A_449 : i32
          %mul3A_454 = arith.constant 16 : i32
          %mul3A_455 = arith.muli %add3A_453, %mul3A_454 : i32
          %get3A_456 = arith.index_cast %mul3A_455 : i32 to index
          %get3A_457 = tpu.vector_load %arg7[%get3A_456] {strides = array<i32>} : memref<2048xf32, #tpu.memory_space<vmem>>, vector<16xf32>,
          %gt3A_458 = vector.broadcast %select_n3A_254 : f32 to vector<16xf32>
          %gt3A_459 = arith.cmpf ogt, %get3A_457, %gt3A_458 : vector<16xf32>
          %reduce_or3A_460 = arith.constant 1.000000e+00 : f32
          %reduce_or3A_461 = arith.constant 0.000000e+00 : f32
          %reduce_or3A_462 = vector.broadcast %reduce_or3A_460 : f32 to vector<16xf32>
          %reduce_or3A_463 = vector.broadcast %reduce_or3A_461 : f32 to vector<16xf32>
          %reduce_or3A_464 = arith.select %gt3A_459, %reduce_or3A_462, %reduce_or3A_463 : vector<16xi1>, vector<16xf32>
          %reduce_or3A_465 = arith.constant true
          %reduce_or3A_466 = vector.broadcast %reduce_or3A_465 : i1 to vector<16xi1>
          %reduce_or3A_467 = tpu.scan <max>, %reduce_or3A_464 masked %reduce_or3A_466 : vector<16xf32>, vector<16xi1> -> vector<16xf32>
          %reduce_or3A_468 = vector.extract %reduce_or3A_467[15] : f32 from vector<16xf32>
          %reduce_or3A_469 = arith.constant 0.000000e+00 : f32
          %reduce_or3A_470 = arith.cmpf ogt, %reduce_or3A_468, %reduce_or3A_469 : f32
          %convert_element_type3A_471 = arith.extui %reduce_or3A_470 : i1 to i32
          %cond3A_472 = arith.constant 0 : i32
          %cond3A_473 = arith.cmpi ne, %convert_element_type3A_471, %cond3A_472 : i32
          %cond3A_474 = scf.if %cond3A_473 -> (i32) {
            %scan3A_475 = arith.constant 0 : i32
            %scan3A_476 = arith.constant 16 : i32
            %scan3A_477 = arith.addi %scan3A_475, %scan3A_476 : i32
            %scan3A_478 = arith.constant 1 : i32
            %scan3A_479 = scf.for %scan3A_481 = %scan3A_475 to %scan3A_477 step %scan3A_478 iter_args(%scan3A_482 = %scan3A_450) -> (i32)  : i32 {
              %mul3A_483 = arith.constant 16 : i32
              %mul3A_484 = arith.muli %add3A_453, %mul3A_483 : i32
              %add3A_485 = arith.addi %mul3A_484, %scan3A_481 : i32
              %mul3A_486 = arith.constant 16 : i32
              %mul3A_487 = arith.muli %add3A_485, %mul3A_486 : i32
              %get3A_488 = arith.index_cast %mul3A_487 : i32 to index
              %get3A_489 = tpu.vector_load %arg4[%get3A_488] {strides = array<i32>} : memref<32768xf32, #tpu.memory_space<vmem>>, vector<16xf32>,
              %gt3A_490 = vector.broadcast %select_n3A_254 : f32 to vector<16xf32>
              %gt3A_491 = arith.cmpf ogt, %get3A_489, %gt3A_490 : vector<16xf32>
              %le3A_492 = arith.constant 1024 : i32
              %le3A_493 = arith.cmpi sle, %scan3A_482, %le3A_492 : i32
              %convert_element_type3A_494 = arith.extui %le3A_493 : i1 to i32
              %cond3A_495 = arith.constant 0 : i32
              %cond3A_496 = arith.cmpi ne, %convert_element_type3A_494, %cond3A_495 : i32
              scf.if %cond3A_496 {
                %exp3A_500 = math.exp %get3A_489 : vector<16xf32>
                %swap3A = arith.index_cast %scan3A_482 : i32 to index
                %swap3A_501 = tpu.vector_load %arg9[%swap3A] masked %gt3A_491 {strides = array<i32>} : memref<1040xf32, #tpu.memory_space<vmem>>, vector<16xf32>, vector<16xi1>
                tpu.vector_store %arg9[%swap3A], %exp3A_500 masked %gt3A_491 {strides = array<i32>} : memref<1040xf32, #tpu.memory_space<vmem>>, vector<16xf32>, vector<16xi1>
                %mul3A_502 = arith.constant 16 : i32
                %mul3A_503 = arith.muli %add3A_485, %mul3A_502 : i32
                %add3A_504 = vector.broadcast %mul3A_503 : i32 to vector<16xi32>
                %add3A_505 = arith.addi %add3A_504, %iota3A : vector<16xi32>
                %swap3A_506 = arith.index_cast %scan3A_482 : i32 to index
                %swap3A_507 = tpu.vector_load %arg10[%swap3A_506] masked %gt3A_491 {strides = array<i32>} : memref<1040xi32, #tpu.memory_space<vmem>>, vector<16xi32>, vector<16xi1>
                tpu.vector_store %arg10[%swap3A_506], %add3A_505 masked %gt3A_491 {strides = array<i32>} : memref<1040xi32, #tpu.memory_space<vmem>>, vector<16xi32>, vector<16xi1>
              } else {
              }
              %all_reduce_population_count3A = tpu.all_reduce %gt3A_491 {dim = 0 : i64, kind = #tpu.reduction_kind<sum>} : vector<16xi1> -> vector<16xi32>
              %slice3A_497 = vector.extract_strided_slice %all_reduce_population_count3A {offsets = [0], sizes = [1], strides = [1]} : vector<16xi32> to vector<1xi32>
              %squeeze3A_498 = vector.extract %slice3A_497[0] : i32 from vector<1xi32>
              %add3A_499 = arith.addi %scan3A_482, %squeeze3A_498 : i32
              scf.yield %add3A_499 : i32
            }
            %scan3A_480 = arith.constant 16 : i32
            scf.yield %scan3A_479 : i32
          } else {
            scf.yield %scan3A_450 : i32
          }
          scf.yield %cond3A_474 : i32
        }
        %scan3A_448 = arith.constant 16 : i32
        scf.yield %scan3A_447 : i32
      } else {
        scf.yield %scan3A_423 : i32
      }
      scf.yield %cond3A_442 : i32
    }
    %scan3A_282 = arith.constant 8 : i32
    %le3A_283 = arith.constant 1024 : i32
    %le3A_284 = arith.cmpi sle, %scan3A_281, %le3A_283 : i32
    %convert_element_type3A_285 = arith.extui %le3A_284 : i1 to i32
    %cond3A_286 = arith.constant 0 : i32
    %cond3A_287 = arith.cmpi ne, %convert_element_type3A_285, %cond3A_286 : i32
    scf.if %cond3A_287 {
      %broadcast_in_dim3A_422 = vector.broadcast %sub3A_235 : f32 to vector<16xf32>
      %swap3A = arith.index_cast %scan3A_281 : i32 to index
      %swap3A_423 = tpu.vector_load %arg9[%swap3A] {strides = array<i32>} : memref<1040xf32, #tpu.memory_space<vmem>>, vector<16xf32>,
      tpu.vector_store %arg9[%swap3A], %broadcast_in_dim3A_422 {strides = array<i32>} : memref<1040xf32, #tpu.memory_space<vmem>>, vector<16xf32>,
    } else {
    }
    %add3A_288 = arith.constant 15 : i32
    %add3A_289 = arith.addi %scan3A_281, %add3A_288 : i32
    %shift_right_logical3A_290 = arith.constant 4 : i32
    %shift_right_logical3A_291 = arith.shrui %add3A_289, %shift_right_logical3A_290 : i32
    %le3A_292 = arith.constant 16 : i32
    %le3A_293 = arith.cmpi sle, %scan3A_281, %le3A_292 : i32
    %convert_element_type3A_294 = arith.extui %le3A_293 : i1 to i32
    %cond3A_295 = arith.constant 0 : i32
    %cond3A_296 = arith.cmpi ne, %convert_element_type3A_294, %cond3A_295 : i32
    %cond3A_297 = scf.if %cond3A_296 -> (vector<16xf32>) {
      %get3A = arith.constant 0 : index
      %get3A_422 = tpu.vector_load %arg9[%get3A] {strides = array<i32>} : memref<1040xf32, #tpu.memory_space<vmem>>, vector<16xf32>,
      %lt3A = vector.broadcast %scan3A_281 : i32 to vector<16xi32>
      %lt3A_423 = arith.cmpi slt, %iota3A, %lt3A : vector<16xi32>
      %jit3A_424 = arith.constant -3.000000e+38 : f32
      %broadcast_in_dim3A_425 = vector.broadcast %jit3A_424 : f32 to vector<16xf32>
      %select_n3A_426 = arith.select %lt3A_423, %get3A_422, %broadcast_in_dim3A_425 : vector<16xi1>, vector<16xf32>
      %masked_sort3A = arith.constant dense<true> : vector<16xi1>
      %masked_sort3A_427, %masked_sort3A_428, %masked_sort3A_429 = tpu.sort %select_n3A_426, %select_n3A_426 masked %masked_sort3A {descending = true} : (vector<16xf32>, vector<16xf32>, vector<16xi1>) -> (vector<16xi1>, vector<16xf32>, vector<16xf32>)
      %broadcast_in_dim3A_430 = arith.constant true
      %broadcast_in_dim3A_431 = vector.broadcast %broadcast_in_dim3A_430 : i1 to vector<16xi1>
      %masked_cumsum3A = tpu.scan <sum>, %masked_sort3A_428 masked %broadcast_in_dim3A_431 : vector<16xf32>, vector<16xi1> -> vector<16xf32>
      %add3A_432 = arith.constant 1 : i32
      %add3A_433 = vector.broadcast %add3A_432 : i32 to vector<16xi32>
      %add3A_434 = arith.addi %iota3A, %add3A_433 : vector<16xi32>
      %convert_element_type3A_435 = arith.sitofp %add3A_434 : vector<16xi32> to vector<16xf32>
      %mul3A_436 = arith.mulf %convert_element_type3A_435, %masked_sort3A_428 : vector<16xf32>
      %add3A_437 = arith.constant 1.000000e+00 : f32
      %add3A_438 = vector.broadcast %add3A_437 : f32 to vector<16xf32>
      %add3A_439 = arith.addf %add3A_438, %mul3A_436 : vector<16xf32>
      %gt3A_440 = arith.cmpf ogt, %add3A_439, %masked_cumsum3A : vector<16xf32>
      %all_reduce_population_count3A = tpu.all_reduce %gt3A_440 {dim = 0 : i64, kind = #tpu.reduction_kind<sum>} : vector<16xi1> -> vector<16xi32>
      %convert_element_type3A_441 = arith.sitofp %all_reduce_population_count3A : vector<16xi32> to vector<16xf32>
      %jit3A_442 = arith.constant 0.000000e+00 : f32
      %broadcast_in_dim3A_443 = vector.broadcast %jit3A_442 : f32 to vector<16xf32>
      %select_n3A_444 = arith.select %gt3A_440, %masked_sort3A_428, %broadcast_in_dim3A_443 : vector<16xi1>, vector<16xf32>
      %reduce_sum3A = arith.constant true
      %reduce_sum3A_445 = vector.broadcast %reduce_sum3A : i1 to vector<16xi1>
      %reduce_sum3A_446 = tpu.scan <sum>, %select_n3A_444 masked %reduce_sum3A_445 : vector<16xf32>, vector<16xi1> -> vector<16xf32>
      %reduce_sum3A_447 = vector.extract %reduce_sum3A_446[15] : f32 from vector<16xf32>
      %broadcast_in_dim3A_448 = vector.broadcast %reduce_sum3A_447 : f32 to vector<16xf32>
      %sub3A_449 = arith.constant 1.000000e+00 : f32
      %sub3A_450 = vector.broadcast %sub3A_449 : f32 to vector<16xf32>
      %sub3A_451 = arith.subf %broadcast_in_dim3A_448, %sub3A_450 : vector<16xf32>
      %div3A_452 = arith.divf %sub3A_451, %convert_element_type3A_441 : vector<16xf32>
      scf.yield %div3A_452 : vector<16xf32>
    } else {
      %convert_element_type3A_422 = arith.extui %le3A_284 : i1 to i32
      %cond3A_423 = arith.constant 0 : i32
      %cond3A_424 = arith.cmpi ne, %convert_element_type3A_422, %cond3A_423 : i32
      %cond3A_425 = scf.if %cond3A_424 -> (vector<16xf32>) {
        %scan3A_426 = arith.constant 0 : i32
        %scan3A_427 = arith.constant 30 : i32
        %scan3A_428 = arith.addi %scan3A_426, %scan3A_427 : i32
        %scan3A_429 = arith.constant 1 : i32
        %scan3A_430:2 = scf.for %scan3A_455 = %scan3A_426 to %scan3A_428 step %scan3A_429 iter_args(%scan3A_456 = %sub3A_235, %scan3A_457 = %squeeze3A_233) -> (f32, f32)  : i32 {
          %add3A_458 = arith.addf %scan3A_456, %scan3A_457 : f32
          %mul3A_459 = arith.constant 5.000000e-01 : f32
          %mul3A_460 = arith.mulf %mul3A_459, %add3A_458 : f32
          %while3A_461 = arith.constant 0 : i32
          %while3A_462 = arith.subi %shift_right_logical3A_291, %while3A_461 : i32
          %while3A_463 = arith.addi %while3A_461, %while3A_462 : i32
          %while3A_464 = arith.constant 1 : i32
          %while3A_465 = arith.divsi %while3A_462, %while3A_464 : i32
          %while3A_466 = arith.muli %while3A_465, %while3A_464 : i32
          %while3A_467 = arith.addi %while3A_461, %while3A_466 : i32
          %while3A_468 = arith.constant 1 : i32
          %while3A_469 = scf.for %while3A_481 = %while3A_461 to %while3A_467 step %while3A_468 iter_args(%while3A_482 = %broadcast_in_dim3A_1) -> (vector<16xf32>)  : i32 {
            %mul3A_483 = arith.constant 16 : i32
            %mul3A_484 = arith.muli %while3A_481, %mul3A_483 : i32
            %get3A = arith.index_cast %mul3A_484 : i32 to index
            %get3A_485 = tpu.vector_load %arg9[%get3A] {strides = array<i32>} : memref<1040xf32, #tpu.memory_space<vmem>>, vector<16xf32>,
            %sub3A_486 = vector.broadcast %mul3A_460 : f32 to vector<16xf32>
            %sub3A_487 = arith.subf %get3A_485, %sub3A_486 : vector<16xf32>
            %max3A = arith.constant 0.000000e+00 : f32
            %max3A_488 = vector.broadcast %max3A : f32 to vector<16xf32>
            %max3A_489 = arith.maximumf %sub3A_487, %max3A_488 : vector<16xf32>
            %add3A_490 = arith.addf %while3A_482, %max3A_489 : vector<16xf32>
            scf.yield %add3A_490 : vector<16xf32>
          }
          %while3A_470 = arith.constant 1 : i32
          %while3A_471 = scf.for %while3A_481 = %while3A_467 to %while3A_463 step %while3A_470 iter_args(%while3A_482 = %while3A_469) -> (vector<16xf32>)  : i32 {
            %mul3A_483 = arith.constant 16 : i32
            %mul3A_484 = arith.muli %while3A_481, %mul3A_483 : i32
            %get3A = arith.index_cast %mul3A_484 : i32 to index
            %get3A_485 = tpu.vector_load %arg9[%get3A] {strides = array<i32>} : memref<1040xf32, #tpu.memory_space<vmem>>, vector<16xf32>,
            %sub3A_486 = vector.broadcast %mul3A_460 : f32 to vector<16xf32>
            %sub3A_487 = arith.subf %get3A_485, %sub3A_486 : vector<16xf32>
            %max3A = arith.constant 0.000000e+00 : f32
            %max3A_488 = vector.broadcast %max3A : f32 to vector<16xf32>
            %max3A_489 = arith.maximumf %sub3A_487, %max3A_488 : vector<16xf32>
            %add3A_490 = arith.addf %while3A_482, %max3A_489 : vector<16xf32>
            scf.yield %add3A_490 : vector<16xf32>
          }
          %reduce_sum3A_472 = arith.constant true
          %reduce_sum3A_473 = vector.broadcast %reduce_sum3A_472 : i1 to vector<16xi1>
          %reduce_sum3A_474 = tpu.scan <sum>, %while3A_471 masked %reduce_sum3A_473 : vector<16xf32>, vector<16xi1> -> vector<16xf32>
          %reduce_sum3A_475 = vector.extract %reduce_sum3A_474[15] : f32 from vector<16xf32>
          %sub3A_476 = arith.constant 1.000000e+00 : f32
          %sub3A_477 = arith.subf %reduce_sum3A_475, %sub3A_476 : f32
          %ge3A = arith.constant 0.000000e+00 : f32
          %ge3A_478 = arith.cmpf oge, %sub3A_477, %ge3A : f32
          %select_n3A_479 = arith.select %ge3A_478, %mul3A_460, %scan3A_456 : f32
          %select_n3A_480 = arith.select %ge3A_478, %scan3A_457, %mul3A_460 : f32
          scf.yield %select_n3A_479, %select_n3A_480 : f32, f32
        }
        %scan3A_431 = arith.constant 30 : i32
        %while3A = arith.constant 0 : i32
        %while3A_432 = arith.subi %shift_right_logical3A_291, %while3A : i32
        %while3A_433 = arith.addi %while3A, %while3A_432 : i32
        %while3A_434 = arith.constant 1 : i32
        %while3A_435 = arith.divsi %while3A_432, %while3A_434 : i32
        %while3A_436 = arith.muli %while3A_435, %while3A_434 : i32
        %while3A_437 = arith.addi %while3A, %while3A_436 : i32
        %while3A_438 = arith.constant 1 : i32
        %while3A_439:2 = scf.for %while3A_455 = %while3A to %while3A_437 step %while3A_438 iter_args(%while3A_456 = %broadcast_in_dim3A_1, %while3A_457 = %broadcast_in_dim3A_1) -> (vector<16xf32>, vector<16xf32>)  : i32 {
          %mul3A_458 = arith.constant 16 : i32
          %mul3A_459 = arith.muli %while3A_455, %mul3A_458 : i32
          %get3A = arith.index_cast %mul3A_459 : i32 to index
          %get3A_460 = tpu.vector_load %arg9[%get3A] {strides = array<i32>} : memref<1040xf32, #tpu.memory_space<vmem>>, vector<16xf32>,
          %gt3A_461 = vector.broadcast %scan3A_430#0 : f32 to vector<16xf32>
          %gt3A_462 = arith.cmpf ogt, %get3A_460, %gt3A_461 : vector<16xf32>
          %jit3A_463 = arith.constant 0.000000e+00 : f32
          %broadcast_in_dim3A_464 = vector.broadcast %jit3A_463 : f32 to vector<16xf32>
          %select_n3A_465 = arith.select %gt3A_462, %get3A_460, %broadcast_in_dim3A_464 : vector<16xi1>, vector<16xf32>
          %add3A_466 = arith.addf %while3A_456, %select_n3A_465 : vector<16xf32>
          %jit3A_467 = arith.constant 1.000000e+00 : f32
          %jit3A_468 = arith.constant 0.000000e+00 : f32
          %broadcast_in_dim3A_469 = vector.broadcast %jit3A_467 : f32 to vector<16xf32>
          %broadcast_in_dim3A_470 = vector.broadcast %jit3A_468 : f32 to vector<16xf32>
          %select_n3A_471 = arith.select %gt3A_462, %broadcast_in_dim3A_469, %broadcast_in_dim3A_470 : vector<16xi1>, vector<16xf32>
          %add3A_472 = arith.addf %while3A_457, %select_n3A_471 : vector<16xf32>
          scf.yield %add3A_466, %add3A_472 : vector<16xf32>, vector<16xf32>
        }
        %while3A_440 = arith.constant 1 : i32
        %while3A_441:2 = scf.for %while3A_455 = %while3A_437 to %while3A_433 step %while3A_440 iter_args(%while3A_456 = %while3A_439#0, %while3A_457 = %while3A_439#1) -> (vector<16xf32>, vector<16xf32>)  : i32 {
          %mul3A_458 = arith.constant 16 : i32
          %mul3A_459 = arith.muli %while3A_455, %mul3A_458 : i32
          %get3A = arith.index_cast %mul3A_459 : i32 to index
          %get3A_460 = tpu.vector_load %arg9[%get3A] {strides = array<i32>} : memref<1040xf32, #tpu.memory_space<vmem>>, vector<16xf32>,
          %gt3A_461 = vector.broadcast %scan3A_430#0 : f32 to vector<16xf32>
          %gt3A_462 = arith.cmpf ogt, %get3A_460, %gt3A_461 : vector<16xf32>
          %jit3A_463 = arith.constant 0.000000e+00 : f32
          %broadcast_in_dim3A_464 = vector.broadcast %jit3A_463 : f32 to vector<16xf32>
          %select_n3A_465 = arith.select %gt3A_462, %get3A_460, %broadcast_in_dim3A_464 : vector<16xi1>, vector<16xf32>
          %add3A_466 = arith.addf %while3A_456, %select_n3A_465 : vector<16xf32>
          %jit3A_467 = arith.constant 1.000000e+00 : f32
          %jit3A_468 = arith.constant 0.000000e+00 : f32
          %broadcast_in_dim3A_469 = vector.broadcast %jit3A_467 : f32 to vector<16xf32>
          %broadcast_in_dim3A_470 = vector.broadcast %jit3A_468 : f32 to vector<16xf32>
          %select_n3A_471 = arith.select %gt3A_462, %broadcast_in_dim3A_469, %broadcast_in_dim3A_470 : vector<16xi1>, vector<16xf32>
          %add3A_472 = arith.addf %while3A_457, %select_n3A_471 : vector<16xf32>
          scf.yield %add3A_466, %add3A_472 : vector<16xf32>, vector<16xf32>
        }
        %reduce_sum3A = arith.constant true
        %reduce_sum3A_442 = vector.broadcast %reduce_sum3A : i1 to vector<16xi1>
        %reduce_sum3A_443 = tpu.scan <sum>, %while3A_441#0 masked %reduce_sum3A_442 : vector<16xf32>, vector<16xi1> -> vector<16xf32>
        %reduce_sum3A_444 = vector.extract %reduce_sum3A_443[15] : f32 from vector<16xf32>
        %broadcast_in_dim3A_445 = vector.broadcast %reduce_sum3A_444 : f32 to vector<16xf32>
        %sub3A_446 = arith.constant 1.000000e+00 : f32
        %sub3A_447 = vector.broadcast %sub3A_446 : f32 to vector<16xf32>
        %sub3A_448 = arith.subf %broadcast_in_dim3A_445, %sub3A_447 : vector<16xf32>
        %reduce_sum3A_449 = arith.constant true
        %reduce_sum3A_450 = vector.broadcast %reduce_sum3A_449 : i1 to vector<16xi1>
        %reduce_sum3A_451 = tpu.scan <sum>, %while3A_441#1 masked %reduce_sum3A_450 : vector<16xf32>, vector<16xi1> -> vector<16xf32>
        %reduce_sum3A_452 = vector.extract %reduce_sum3A_451[15] : f32 from vector<16xf32>
        %broadcast_in_dim3A_453 = vector.broadcast %reduce_sum3A_452 : f32 to vector<16xf32>
        %div3A_454 = arith.divf %sub3A_448, %broadcast_in_dim3A_453 : vector<16xf32>
        scf.yield %div3A_454 : vector<16xf32>
      } else {
        %parallel_loop3A_426 = arith.constant 0 : i32
        %parallel_loop3A_427 = arith.constant 2048 : i32
        %parallel_loop3A_428 = arith.constant 1 : i32
        scf.for %parallel_loop3A_454 = %parallel_loop3A_426 to %parallel_loop3A_427 step %parallel_loop3A_428  : i32 {
          %parallel_loop3A_455 = arith.constant 16 : i32
          %parallel_loop3A_456 = arith.muli %parallel_loop3A_454, %parallel_loop3A_455 : i32
          %parallel_loop3A_457 = arith.index_cast %parallel_loop3A_456 : i32 to index
          %parallel_loop3A_458 = tpu.vector_load %arg4[%parallel_loop3A_457] {strides = array<i32>} : memref<32768xf32, #tpu.memory_space<vmem>>, vector<16xf32>,
          %parallel_loop3A_459 = math.exp %parallel_loop3A_458 : vector<16xf32>
          %parallel_loop3A_460 = arith.constant 16 : i32
          %parallel_loop3A_461 = arith.muli %parallel_loop3A_454, %parallel_loop3A_460 : i32
          %parallel_loop3A_462 = arith.index_cast %parallel_loop3A_461 : i32 to index
          %parallel_loop3A_463 = tpu.vector_load %arg4[%parallel_loop3A_462] {strides = array<i32>} : memref<32768xf32, #tpu.memory_space<vmem>>, vector<16xf32>,
          tpu.vector_store %arg4[%parallel_loop3A_462], %parallel_loop3A_459 {strides = array<i32>} : memref<32768xf32, #tpu.memory_space<vmem>>, vector<16xf32>,
        } {sc.loop_unroll_factor = 4 : i64, sc.parallel_access}
        %scan3A_429 = arith.constant 0 : i32
        %scan3A_430 = arith.constant 30 : i32
        %scan3A_431 = arith.addi %scan3A_429, %scan3A_430 : i32
        %scan3A_432 = arith.constant 1 : i32
        %scan3A_433:2 = scf.for %scan3A_454 = %scan3A_429 to %scan3A_431 step %scan3A_432 iter_args(%scan3A_455 = %sub3A_235, %scan3A_456 = %squeeze3A_233) -> (f32, f32)  : i32 {
          %add3A_457 = arith.addf %scan3A_455, %scan3A_456 : f32
          %mul3A_458 = arith.constant 5.000000e-01 : f32
          %mul3A_459 = arith.mulf %mul3A_458, %add3A_457 : f32
          %scan3A_460 = arith.constant 0 : i32
          %scan3A_461 = arith.constant 2048 : i32
          %scan3A_462 = arith.addi %scan3A_460, %scan3A_461 : i32
          %scan3A_463 = arith.constant 1 : i32
          %scan3A_464 = scf.for %scan3A_475 = %scan3A_460 to %scan3A_462 step %scan3A_463 iter_args(%scan3A_476 = %broadcast_in_dim3A_1) -> (vector<16xf32>)  : i32 {
            %mul3A_477 = arith.constant 16 : i32
            %mul3A_478 = arith.muli %scan3A_475, %mul3A_477 : i32
            %get3A = arith.index_cast %mul3A_478 : i32 to index
            %get3A_479 = tpu.vector_load %arg4[%get3A] {strides = array<i32>} : memref<32768xf32, #tpu.memory_space<vmem>>, vector<16xf32>,
            %sub3A_480 = vector.broadcast %mul3A_459 : f32 to vector<16xf32>
            %sub3A_481 = arith.subf %get3A_479, %sub3A_480 : vector<16xf32>
            %max3A = arith.constant 0.000000e+00 : f32
            %max3A_482 = vector.broadcast %max3A : f32 to vector<16xf32>
            %max3A_483 = arith.maximumf %sub3A_481, %max3A_482 : vector<16xf32>
            %add3A_484 = arith.addf %scan3A_476, %max3A_483 : vector<16xf32>
            scf.yield %add3A_484 : vector<16xf32>
          }
          %scan3A_465 = arith.constant 2048 : i32
          %reduce_sum3A_466 = arith.constant true
          %reduce_sum3A_467 = vector.broadcast %reduce_sum3A_466 : i1 to vector<16xi1>
          %reduce_sum3A_468 = tpu.scan <sum>, %scan3A_464 masked %reduce_sum3A_467 : vector<16xf32>, vector<16xi1> -> vector<16xf32>
          %reduce_sum3A_469 = vector.extract %reduce_sum3A_468[15] : f32 from vector<16xf32>
          %sub3A_470 = arith.constant 1.000000e+00 : f32
          %sub3A_471 = arith.subf %reduce_sum3A_469, %sub3A_470 : f32
          %ge3A = arith.constant 0.000000e+00 : f32
          %ge3A_472 = arith.cmpf oge, %sub3A_471, %ge3A : f32
          %select_n3A_473 = arith.select %ge3A_472, %mul3A_459, %scan3A_455 : f32
          %select_n3A_474 = arith.select %ge3A_472, %scan3A_456, %mul3A_459 : f32
          scf.yield %select_n3A_473, %select_n3A_474 : f32, f32
        }
        %scan3A_434 = arith.constant 30 : i32
        %scan3A_435 = arith.constant 0 : i32
        %scan3A_436 = arith.constant 2048 : i32
        %scan3A_437 = arith.addi %scan3A_435, %scan3A_436 : i32
        %scan3A_438 = arith.constant 1 : i32
        %scan3A_439:2 = scf.for %scan3A_454 = %scan3A_435 to %scan3A_437 step %scan3A_438 iter_args(%scan3A_455 = %broadcast_in_dim3A_1, %scan3A_456 = %broadcast_in_dim3A_1) -> (vector<16xf32>, vector<16xf32>)  : i32 {
          %mul3A_457 = arith.constant 16 : i32
          %mul3A_458 = arith.muli %scan3A_454, %mul3A_457 : i32
          %get3A = arith.index_cast %mul3A_458 : i32 to index
          %get3A_459 = tpu.vector_load %arg4[%get3A] {strides = array<i32>} : memref<32768xf32, #tpu.memory_space<vmem>>, vector<16xf32>,
          %gt3A_460 = vector.broadcast %scan3A_433#0 : f32 to vector<16xf32>
          %gt3A_461 = arith.cmpf ogt, %get3A_459, %gt3A_460 : vector<16xf32>
          %jit3A_462 = arith.constant 0.000000e+00 : f32
          %broadcast_in_dim3A_463 = vector.broadcast %jit3A_462 : f32 to vector<16xf32>
          %select_n3A_464 = arith.select %gt3A_461, %get3A_459, %broadcast_in_dim3A_463 : vector<16xi1>, vector<16xf32>
          %add3A_465 = arith.addf %scan3A_455, %select_n3A_464 : vector<16xf32>
          %jit3A_466 = arith.constant 1.000000e+00 : f32
          %jit3A_467 = arith.constant 0.000000e+00 : f32
          %broadcast_in_dim3A_468 = vector.broadcast %jit3A_466 : f32 to vector<16xf32>
          %broadcast_in_dim3A_469 = vector.broadcast %jit3A_467 : f32 to vector<16xf32>
          %select_n3A_470 = arith.select %gt3A_461, %broadcast_in_dim3A_468, %broadcast_in_dim3A_469 : vector<16xi1>, vector<16xf32>
          %add3A_471 = arith.addf %scan3A_456, %select_n3A_470 : vector<16xf32>
          scf.yield %add3A_465, %add3A_471 : vector<16xf32>, vector<16xf32>
        }
        %scan3A_440 = arith.constant 2048 : i32
        %reduce_sum3A = arith.constant true
        %reduce_sum3A_441 = vector.broadcast %reduce_sum3A : i1 to vector<16xi1>
        %reduce_sum3A_442 = tpu.scan <sum>, %scan3A_439#0 masked %reduce_sum3A_441 : vector<16xf32>, vector<16xi1> -> vector<16xf32>
        %reduce_sum3A_443 = vector.extract %reduce_sum3A_442[15] : f32 from vector<16xf32>
        %broadcast_in_dim3A_444 = vector.broadcast %reduce_sum3A_443 : f32 to vector<16xf32>
        %sub3A_445 = arith.constant 1.000000e+00 : f32
        %sub3A_446 = vector.broadcast %sub3A_445 : f32 to vector<16xf32>
        %sub3A_447 = arith.subf %broadcast_in_dim3A_444, %sub3A_446 : vector<16xf32>
        %reduce_sum3A_448 = arith.constant true
        %reduce_sum3A_449 = vector.broadcast %reduce_sum3A_448 : i1 to vector<16xi1>
        %reduce_sum3A_450 = tpu.scan <sum>, %scan3A_439#1 masked %reduce_sum3A_449 : vector<16xf32>, vector<16xi1> -> vector<16xf32>
        %reduce_sum3A_451 = vector.extract %reduce_sum3A_450[15] : f32 from vector<16xf32>
        %broadcast_in_dim3A_452 = vector.broadcast %reduce_sum3A_451 : f32 to vector<16xf32>
        %div3A_453 = arith.divf %sub3A_447, %broadcast_in_dim3A_452 : vector<16xf32>
        scf.yield %div3A_453 : vector<16xf32>
      }
      scf.yield %cond3A_425 : vector<16xf32>
    }
    %convert_element_type3A_298 = arith.extui %le3A_284 : i1 to i32
    %cond3A_299 = arith.constant 0 : i32
    %cond3A_300 = arith.cmpi ne, %convert_element_type3A_298, %cond3A_299 : i32
    scf.if %cond3A_300 {
      %while3A = arith.constant 0 : i32
      %while3A_422 = arith.constant 0 : i32
      %while3A_423 = arith.subi %shift_right_logical3A_291, %while3A : i32
      %while3A_424 = arith.addi %while3A, %while3A_423 : i32
      %while3A_425 = arith.constant 1 : i32
      %while3A_426 = arith.divsi %while3A_423, %while3A_425 : i32
      %while3A_427 = arith.muli %while3A_426, %while3A_425 : i32
      %while3A_428 = arith.addi %while3A, %while3A_427 : i32
      %while3A_429 = arith.constant 1 : i32
      %while3A_430 = scf.for %while3A_433 = %while3A to %while3A_428 step %while3A_429 iter_args(%while3A_434 = %while3A_422) -> (i32)  : i32 {
        %mul3A_435 = arith.constant 16 : i32
        %mul3A_436 = arith.muli %while3A_433, %mul3A_435 : i32
        %get3A = arith.index_cast %mul3A_436 : i32 to index
        %get3A_437 = tpu.vector_load %arg9[%get3A] {strides = array<i32>} : memref<1040xf32, #tpu.memory_space<vmem>>, vector<16xf32>,
        %sub3A_438 = arith.subf %get3A_437, %cond3A_297 : vector<16xf32>
        %max3A = arith.constant 0.000000e+00 : f32
        %max3A_439 = vector.broadcast %max3A : f32 to vector<16xf32>
        %max3A_440 = arith.maximumf %sub3A_438, %max3A_439 : vector<16xf32>
        %add3A_441 = vector.broadcast %mul3A_436 : i32 to vector<16xi32>
        %add3A_442 = arith.addi %add3A_441, %iota3A : vector<16xi32>
        %lt3A = vector.broadcast %scan3A_281 : i32 to vector<16xi32>
        %lt3A_443 = arith.cmpi slt, %add3A_442, %lt3A : vector<16xi32>
        %get3A_444 = arith.index_cast %mul3A_436 : i32 to index
        %get3A_445 = tpu.vector_load %arg10[%get3A_444] {strides = array<i32>} : memref<1040xi32, #tpu.memory_space<vmem>>, vector<16xi32>,
        tpu.vector_store_idx %arg6[%get3A_445], %max3A_440 masked %lt3A_443 : memref<32768xf32, #tpu.memory_space<vmem>>[vector<16xi32>], vector<16xf32>, vector<16xi1>
        %while3A_446 = arith.constant 0 : i32
        scf.yield %while3A_446 : i32
      }
      %while3A_431 = arith.constant 1 : i32
      %while3A_432 = scf.for %while3A_433 = %while3A_428 to %while3A_424 step %while3A_431 iter_args(%while3A_434 = %while3A_430) -> (i32)  : i32 {
        %mul3A_435 = arith.constant 16 : i32
        %mul3A_436 = arith.muli %while3A_433, %mul3A_435 : i32
        %get3A = arith.index_cast %mul3A_436 : i32 to index
        %get3A_437 = tpu.vector_load %arg9[%get3A] {strides = array<i32>} : memref<1040xf32, #tpu.memory_space<vmem>>, vector<16xf32>,
        %sub3A_438 = arith.subf %get3A_437, %cond3A_297 : vector<16xf32>
        %max3A = arith.constant 0.000000e+00 : f32
        %max3A_439 = vector.broadcast %max3A : f32 to vector<16xf32>
        %max3A_440 = arith.maximumf %sub3A_438, %max3A_439 : vector<16xf32>
        %add3A_441 = vector.broadcast %mul3A_436 : i32 to vector<16xi32>
        %add3A_442 = arith.addi %add3A_441, %iota3A : vector<16xi32>
        %lt3A = vector.broadcast %scan3A_281 : i32 to vector<16xi32>
        %lt3A_443 = arith.cmpi slt, %add3A_442, %lt3A : vector<16xi32>
        %get3A_444 = arith.index_cast %mul3A_436 : i32 to index
        %get3A_445 = tpu.vector_load %arg10[%get3A_444] {strides = array<i32>} : memref<1040xi32, #tpu.memory_space<vmem>>, vector<16xi32>,
        tpu.vector_store_idx %arg6[%get3A_445], %max3A_440 masked %lt3A_443 : memref<32768xf32, #tpu.memory_space<vmem>>[vector<16xi32>], vector<16xf32>, vector<16xi1>
        %while3A_446 = arith.constant 0 : i32
        scf.yield %while3A_446 : i32
      }
    } else {
      %parallel_loop3A_422 = arith.constant 0 : i32
      %parallel_loop3A_423 = arith.constant 2048 : i32
      %parallel_loop3A_424 = arith.constant 1 : i32
      scf.for %parallel_loop3A_425 = %parallel_loop3A_422 to %parallel_loop3A_423 step %parallel_loop3A_424  : i32 {
        %parallel_loop3A_426 = arith.constant 16 : i32
        %parallel_loop3A_427 = arith.muli %parallel_loop3A_425, %parallel_loop3A_426 : i32
        %parallel_loop3A_428 = arith.index_cast %parallel_loop3A_427 : i32 to index
        %parallel_loop3A_429 = tpu.vector_load %arg4[%parallel_loop3A_428] {strides = array<i32>} : memref<32768xf32, #tpu.memory_space<vmem>>, vector<16xf32>,
        %parallel_loop3A_430 = arith.subf %parallel_loop3A_429, %cond3A_297 : vector<16xf32>
        %parallel_loop3A_431 = arith.constant 0.000000e+00 : f32
        %parallel_loop3A_432 = vector.broadcast %parallel_loop3A_431 : f32 to vector<16xf32>
        %parallel_loop3A_433 = arith.maximumf %parallel_loop3A_430, %parallel_loop3A_432 : vector<16xf32>
        %parallel_loop3A_434 = arith.constant 16 : i32
        %parallel_loop3A_435 = arith.muli %parallel_loop3A_425, %parallel_loop3A_434 : i32
        %parallel_loop3A_436 = arith.index_cast %parallel_loop3A_435 : i32 to index
        %parallel_loop3A_437 = tpu.vector_load %arg6[%parallel_loop3A_436] {strides = array<i32>} : memref<32768xf32, #tpu.memory_space<vmem>>, vector<16xf32>,
        tpu.vector_store %arg6[%parallel_loop3A_436], %parallel_loop3A_433 {strides = array<i32>} : memref<32768xf32, #tpu.memory_space<vmem>>, vector<16xf32>,
      } {sc.loop_unroll_factor = 8 : i64, sc.parallel_access}
    }
    %mul3A_301 = arith.constant 4 : i32
    %mul3A_302 = arith.muli %add3A, %mul3A_301 : i32
    %add3A_303 = arith.constant 2 : i32
    %add3A_304 = arith.addi %mul3A_302, %add3A_303 : i32
    %dma_start3A_305 = arith.constant 0 : i32
    %dma_start3A_306 = tpu.memref_slice %arg3[%add3A_304, %dma_start3A_305] : memref<128x32768xf32, #tpu.memory_space<hbm>> -> memref<1x32768xf32, #tpu.memory_space<hbm>>
    %dma_start3A_307 = tpu.memref_squeeze %dma_start3A_306 : memref<1x32768xf32, #tpu.memory_space<hbm>> -> memref<32768xf32, #tpu.memory_space<hbm>>
    %dma_start3A_308 = arith.constant 0 : i32
    %dma_start3A_309 = tpu.memref_slice %arg3[%add3A_304, %dma_start3A_308] : memref<128x32768xf32, #tpu.memory_space<hbm>> -> memref<1x32768xf32, #tpu.memory_space<hbm>>
    %dma_start3A_310 = tpu.memref_squeeze %dma_start3A_309 : memref<1x32768xf32, #tpu.memory_space<hbm>> -> memref<32768xf32, #tpu.memory_space<hbm>>
    tpu.enqueue_dma source(%arg6 : memref<32768xf32, #tpu.memory_space<vmem>>) target(%dma_start3A_310 : memref<32768xf32, #tpu.memory_space<hbm>>) target_semaphore(%arg14 : memref<!tpu.dma_semaphore, #tpu.memory_space<semaphore_mem>>)
    %mul3A_311 = arith.constant 4 : i32
    %mul3A_312 = arith.muli %add3A, %mul3A_311 : i32
    %add3A_313 = arith.constant 3 : i32
    %add3A_314 = arith.addi %mul3A_312, %add3A_313 : i32
    %dma_wait3A_315 = arith.constant 0 : i32
    %dma_wait3A_316 = tpu.memref_slice %arg2[%add3A_314, %dma_wait3A_315] : memref<128x32768xf32, #tpu.memory_space<hbm>> -> memref<1x32768xf32, #tpu.memory_space<hbm>>
    %dma_wait3A_317 = tpu.memref_squeeze %dma_wait3A_316 : memref<1x32768xf32, #tpu.memory_space<hbm>> -> memref<32768xf32, #tpu.memory_space<hbm>>
    %dma_wait3A_318 = arith.constant 0 : i32
    %dma_wait3A_319 = tpu.memref_slice %arg2[%add3A_314, %dma_wait3A_318] : memref<128x32768xf32, #tpu.memory_space<hbm>> -> memref<1x32768xf32, #tpu.memory_space<hbm>>
    %dma_wait3A_320 = tpu.memref_squeeze %dma_wait3A_319 : memref<1x32768xf32, #tpu.memory_space<hbm>> -> memref<32768xf32, #tpu.memory_space<hbm>>
    tpu.wait_dma2 semaphore(%arg13 : memref<!tpu.dma_semaphore, #tpu.memory_space<semaphore_mem>>) src(%dma_wait3A_320 : memref<32768xf32, #tpu.memory_space<hbm>>) dst(%arg5 : memref<32768xf32, #tpu.memory_space<vmem>>)
    %broadcast_in_dim3A_321 = arith.constant -3.000000e+38 : f32
    %broadcast_in_dim3A_322 = vector.broadcast %broadcast_in_dim3A_321 : f32 to vector<16xf32>
    %parallel_loop3A_323 = arith.constant 0 : i32
    %parallel_loop3A_324 = arith.constant 128 : i32
    %parallel_loop3A_325 = arith.constant 1 : i32
    %parallel_loop3A_326 = scf.for %parallel_loop3A_422 = %parallel_loop3A_323 to %parallel_loop3A_324 step %parallel_loop3A_325 iter_args(%parallel_loop3A_423 = %broadcast_in_dim3A_322) -> (vector<16xf32>)  : i32 {
      %parallel_loop3A_424 = arith.constant 256 : i32
      %parallel_loop3A_425 = arith.muli %parallel_loop3A_422, %parallel_loop3A_424 : i32
      %parallel_loop3A_426 = arith.constant 0 : i32
      %parallel_loop3A_427 = arith.addi %parallel_loop3A_425, %parallel_loop3A_426 : i32
      %parallel_loop3A_428 = arith.index_cast %parallel_loop3A_427 : i32 to index
      %parallel_loop3A_429 = tpu.vector_load %arg5[%parallel_loop3A_428] {strides = array<i32>} : memref<32768xf32, #tpu.memory_space<vmem>>, vector<16xf32>,
      %parallel_loop3A_430 = arith.constant 16 : i32
      %parallel_loop3A_431 = arith.addi %parallel_loop3A_425, %parallel_loop3A_430 : i32
      %parallel_loop3A_432 = arith.index_cast %parallel_loop3A_431 : i32 to index
      %parallel_loop3A_433 = tpu.vector_load %arg5[%parallel_loop3A_432] {strides = array<i32>} : memref<32768xf32, #tpu.memory_space<vmem>>, vector<16xf32>,
      %parallel_loop3A_434 = arith.constant 32 : i32
      %parallel_loop3A_435 = arith.addi %parallel_loop3A_425, %parallel_loop3A_434 : i32
      %parallel_loop3A_436 = arith.index_cast %parallel_loop3A_435 : i32 to index
      %parallel_loop3A_437 = tpu.vector_load %arg5[%parallel_loop3A_436] {strides = array<i32>} : memref<32768xf32, #tpu.memory_space<vmem>>, vector<16xf32>,
      %parallel_loop3A_438 = arith.constant 48 : i32
      %parallel_loop3A_439 = arith.addi %parallel_loop3A_425, %parallel_loop3A_438 : i32
      %parallel_loop3A_440 = arith.index_cast %parallel_loop3A_439 : i32 to index
      %parallel_loop3A_441 = tpu.vector_load %arg5[%parallel_loop3A_440] {strides = array<i32>} : memref<32768xf32, #tpu.memory_space<vmem>>, vector<16xf32>,
      %parallel_loop3A_442 = arith.constant 64 : i32
      %parallel_loop3A_443 = arith.addi %parallel_loop3A_425, %parallel_loop3A_442 : i32
      %parallel_loop3A_444 = arith.index_cast %parallel_loop3A_443 : i32 to index
      %parallel_loop3A_445 = tpu.vector_load %arg5[%parallel_loop3A_444] {strides = array<i32>} : memref<32768xf32, #tpu.memory_space<vmem>>, vector<16xf32>,
      %parallel_loop3A_446 = arith.constant 80 : i32
      %parallel_loop3A_447 = arith.addi %parallel_loop3A_425, %parallel_loop3A_446 : i32
      %parallel_loop3A_448 = arith.index_cast %parallel_loop3A_447 : i32 to index
      %parallel_loop3A_449 = tpu.vector_load %arg5[%parallel_loop3A_448] {strides = array<i32>} : memref<32768xf32, #tpu.memory_space<vmem>>, vector<16xf32>,
      %parallel_loop3A_450 = arith.constant 96 : i32
      %parallel_loop3A_451 = arith.addi %parallel_loop3A_425, %parallel_loop3A_450 : i32
      %parallel_loop3A_452 = arith.index_cast %parallel_loop3A_451 : i32 to index
      %parallel_loop3A_453 = tpu.vector_load %arg5[%parallel_loop3A_452] {strides = array<i32>} : memref<32768xf32, #tpu.memory_space<vmem>>, vector<16xf32>,
      %parallel_loop3A_454 = arith.constant 112 : i32
      %parallel_loop3A_455 = arith.addi %parallel_loop3A_425, %parallel_loop3A_454 : i32
      %parallel_loop3A_456 = arith.index_cast %parallel_loop3A_455 : i32 to index
      %parallel_loop3A_457 = tpu.vector_load %arg5[%parallel_loop3A_456] {strides = array<i32>} : memref<32768xf32, #tpu.memory_space<vmem>>, vector<16xf32>,
      %parallel_loop3A_458 = arith.constant 128 : i32
      %parallel_loop3A_459 = arith.addi %parallel_loop3A_425, %parallel_loop3A_458 : i32
      %parallel_loop3A_460 = arith.index_cast %parallel_loop3A_459 : i32 to index
      %parallel_loop3A_461 = tpu.vector_load %arg5[%parallel_loop3A_460] {strides = array<i32>} : memref<32768xf32, #tpu.memory_space<vmem>>, vector<16xf32>,
      %parallel_loop3A_462 = arith.constant 144 : i32
      %parallel_loop3A_463 = arith.addi %parallel_loop3A_425, %parallel_loop3A_462 : i32
      %parallel_loop3A_464 = arith.index_cast %parallel_loop3A_463 : i32 to index
      %parallel_loop3A_465 = tpu.vector_load %arg5[%parallel_loop3A_464] {strides = array<i32>} : memref<32768xf32, #tpu.memory_space<vmem>>, vector<16xf32>,
      %parallel_loop3A_466 = arith.constant 160 : i32
      %parallel_loop3A_467 = arith.addi %parallel_loop3A_425, %parallel_loop3A_466 : i32
      %parallel_loop3A_468 = arith.index_cast %parallel_loop3A_467 : i32 to index
      %parallel_loop3A_469 = tpu.vector_load %arg5[%parallel_loop3A_468] {strides = array<i32>} : memref<32768xf32, #tpu.memory_space<vmem>>, vector<16xf32>,
      %parallel_loop3A_470 = arith.constant 176 : i32
      %parallel_loop3A_471 = arith.addi %parallel_loop3A_425, %parallel_loop3A_470 : i32
      %parallel_loop3A_472 = arith.index_cast %parallel_loop3A_471 : i32 to index
      %parallel_loop3A_473 = tpu.vector_load %arg5[%parallel_loop3A_472] {strides = array<i32>} : memref<32768xf32, #tpu.memory_space<vmem>>, vector<16xf32>,
      %parallel_loop3A_474 = arith.constant 192 : i32
      %parallel_loop3A_475 = arith.addi %parallel_loop3A_425, %parallel_loop3A_474 : i32
      %parallel_loop3A_476 = arith.index_cast %parallel_loop3A_475 : i32 to index
      %parallel_loop3A_477 = tpu.vector_load %arg5[%parallel_loop3A_476] {strides = array<i32>} : memref<32768xf32, #tpu.memory_space<vmem>>, vector<16xf32>,
      %parallel_loop3A_478 = arith.constant 208 : i32
      %parallel_loop3A_479 = arith.addi %parallel_loop3A_425, %parallel_loop3A_478 : i32
      %parallel_loop3A_480 = arith.index_cast %parallel_loop3A_479 : i32 to index
      %parallel_loop3A_481 = tpu.vector_load %arg5[%parallel_loop3A_480] {strides = array<i32>} : memref<32768xf32, #tpu.memory_space<vmem>>, vector<16xf32>,
      %parallel_loop3A_482 = arith.constant 224 : i32
      %parallel_loop3A_483 = arith.addi %parallel_loop3A_425, %parallel_loop3A_482 : i32
      %parallel_loop3A_484 = arith.index_cast %parallel_loop3A_483 : i32 to index
      %parallel_loop3A_485 = tpu.vector_load %arg5[%parallel_loop3A_484] {strides = array<i32>} : memref<32768xf32, #tpu.memory_space<vmem>>, vector<16xf32>,
      %parallel_loop3A_486 = arith.constant 240 : i32
      %parallel_loop3A_487 = arith.addi %parallel_loop3A_425, %parallel_loop3A_486 : i32
      %parallel_loop3A_488 = arith.index_cast %parallel_loop3A_487 : i32 to index
      %parallel_loop3A_489 = tpu.vector_load %arg5[%parallel_loop3A_488] {strides = array<i32>} : memref<32768xf32, #tpu.memory_space<vmem>>, vector<16xf32>,
      %parallel_loop3A_490 = arith.maximumf %parallel_loop3A_429, %parallel_loop3A_433 : vector<16xf32>
      %parallel_loop3A_491 = arith.maximumf %parallel_loop3A_437, %parallel_loop3A_441 : vector<16xf32>
      %parallel_loop3A_492 = arith.maximumf %parallel_loop3A_445, %parallel_loop3A_449 : vector<16xf32>
      %parallel_loop3A_493 = arith.maximumf %parallel_loop3A_453, %parallel_loop3A_457 : vector<16xf32>
      %parallel_loop3A_494 = arith.maximumf %parallel_loop3A_461, %parallel_loop3A_465 : vector<16xf32>
      %parallel_loop3A_495 = arith.maximumf %parallel_loop3A_469, %parallel_loop3A_473 : vector<16xf32>
      %parallel_loop3A_496 = arith.maximumf %parallel_loop3A_477, %parallel_loop3A_481 : vector<16xf32>
      %parallel_loop3A_497 = arith.maximumf %parallel_loop3A_485, %parallel_loop3A_489 : vector<16xf32>
      %parallel_loop3A_498 = arith.maximumf %parallel_loop3A_490, %parallel_loop3A_491 : vector<16xf32>
      %parallel_loop3A_499 = arith.maximumf %parallel_loop3A_492, %parallel_loop3A_493 : vector<16xf32>
      %parallel_loop3A_500 = arith.maximumf %parallel_loop3A_494, %parallel_loop3A_495 : vector<16xf32>
      %parallel_loop3A_501 = arith.maximumf %parallel_loop3A_496, %parallel_loop3A_497 : vector<16xf32>
      %parallel_loop3A_502 = arith.maximumf %parallel_loop3A_498, %parallel_loop3A_499 : vector<16xf32>
      %parallel_loop3A_503 = arith.maximumf %parallel_loop3A_500, %parallel_loop3A_501 : vector<16xf32>
      %parallel_loop3A_504 = arith.maximumf %parallel_loop3A_502, %parallel_loop3A_503 : vector<16xf32>
      %parallel_loop3A_505 = arith.constant 16 : i32
      %parallel_loop3A_506 = arith.muli %parallel_loop3A_422, %parallel_loop3A_505 : i32
      %parallel_loop3A_507 = arith.index_cast %parallel_loop3A_506 : i32 to index
      %parallel_loop3A_508 = tpu.vector_load %arg7[%parallel_loop3A_507] {strides = array<i32>} : memref<2048xf32, #tpu.memory_space<vmem>>, vector<16xf32>,
      tpu.vector_store %arg7[%parallel_loop3A_507], %parallel_loop3A_504 {strides = array<i32>} : memref<2048xf32, #tpu.memory_space<vmem>>, vector<16xf32>,
      %parallel_loop3A_509 = arith.maximumf %parallel_loop3A_423, %parallel_loop3A_504 : vector<16xf32>
      scf.yield %parallel_loop3A_509 : vector<16xf32>
    } {sc.loop_unroll_factor = 2 : i64, sc.parallel_access}
    %reduce_max3A_327 = arith.constant true
    %reduce_max3A_328 = vector.broadcast %reduce_max3A_327 : i1 to vector<16xi1>
    %reduce_max3A_329 = tpu.scan <max>, %parallel_loop3A_326 masked %reduce_max3A_328 : vector<16xf32>, vector<16xi1> -> vector<16xf32>
    %reduce_max3A_330 = vector.extract %reduce_max3A_329[15] : f32 from vector<16xf32>
    %broadcast_in_dim3A_331 = vector.broadcast %reduce_max3A_330 : f32 to vector<16xf32>
    %exp3A_332 = math.exp %broadcast_in_dim3A_331 : vector<16xf32>
    %slice3A_333 = vector.extract_strided_slice %exp3A_332 {offsets = [0], sizes = [1], strides = [1]} : vector<16xf32> to vector<1xf32>
    %squeeze3A_334 = vector.extract %slice3A_333[0] : f32 from vector<1xf32>
    %sub3A_335 = arith.constant 1.000000e+00 : f32
    %sub3A_336 = arith.subf %squeeze3A_334, %sub3A_335 : f32
    %sub3A_337 = arith.constant 1.000000e+00 : f32
    %sub3A_338 = vector.broadcast %sub3A_337 : f32 to vector<16xf32>
    %sub3A_339 = arith.subf %exp3A_332, %sub3A_338 : vector<16xf32>
    %div3A_340 = arith.constant 1.000000e+00 : f32
    %div3A_341 = vector.broadcast %div3A_340 : f32 to vector<16xf32>
    %div3A_342 = arith.divf %div3A_341, %sub3A_339 : vector<16xf32>
    %gt3A_343 = arith.constant 1.000000e+00 : f32
    %gt3A_344 = arith.cmpf ogt, %squeeze3A_334, %gt3A_343 : f32
    %slice3A_345 = vector.extract_strided_slice %div3A_342 {offsets = [0], sizes = [1], strides = [1]} : vector<16xf32> to vector<1xf32>
    %squeeze3A_346 = vector.extract %slice3A_345[0] : f32 from vector<1xf32>
    %sub3A_347 = arith.subf %reduce_max3A_330, %squeeze3A_346 : f32
    %abs3A_348 = math.absf %reduce_max3A_330 : f32
    %add3A_349 = arith.constant 1.000000e+00 : f32
    %add3A_350 = arith.addf %abs3A_348, %add3A_349 : f32
    %mul3A_351 = arith.constant 9.99999997E-7 : f32
    %mul3A_352 = arith.mulf %add3A_350, %mul3A_351 : f32
    %sub3A_353 = arith.subf %sub3A_347, %mul3A_352 : f32
    %jit3A_354 = arith.constant -3.000000e+38 : f32
    %select_n3A_355 = arith.select %gt3A_344, %sub3A_353, %jit3A_354 : f32
    %parallel_loop3A_356 = arith.constant 0 : i32
    %parallel_loop3A_357 = arith.constant 8 : i32
    %parallel_loop3A_358 = arith.constant 1 : i32
    scf.for %parallel_loop3A_422 = %parallel_loop3A_356 to %parallel_loop3A_357 step %parallel_loop3A_358  : i32 {
      %parallel_loop3A_423 = arith.constant 16 : i32
      %parallel_loop3A_424 = arith.muli %parallel_loop3A_422, %parallel_loop3A_423 : i32
      %parallel_loop3A_425 = arith.constant 0 : i32
      %parallel_loop3A_426 = arith.addi %parallel_loop3A_424, %parallel_loop3A_425 : i32
      %parallel_loop3A_427 = arith.constant 16 : i32
      %parallel_loop3A_428 = arith.muli %parallel_loop3A_426, %parallel_loop3A_427 : i32
      %parallel_loop3A_429 = arith.index_cast %parallel_loop3A_428 : i32 to index
      %parallel_loop3A_430 = tpu.vector_load %arg7[%parallel_loop3A_429] {strides = array<i32>} : memref<2048xf32, #tpu.memory_space<vmem>>, vector<16xf32>,
      %parallel_loop3A_431 = arith.constant 16 : i32
      %parallel_loop3A_432 = arith.muli %parallel_loop3A_422, %parallel_loop3A_431 : i32
      %parallel_loop3A_433 = arith.constant 1 : i32
      %parallel_loop3A_434 = arith.addi %parallel_loop3A_432, %parallel_loop3A_433 : i32
      %parallel_loop3A_435 = arith.constant 16 : i32
      %parallel_loop3A_436 = arith.muli %parallel_loop3A_434, %parallel_loop3A_435 : i32
      %parallel_loop3A_437 = arith.index_cast %parallel_loop3A_436 : i32 to index
      %parallel_loop3A_438 = tpu.vector_load %arg7[%parallel_loop3A_437] {strides = array<i32>} : memref<2048xf32, #tpu.memory_space<vmem>>, vector<16xf32>,
      %parallel_loop3A_439 = arith.constant 16 : i32
      %parallel_loop3A_440 = arith.muli %parallel_loop3A_422, %parallel_loop3A_439 : i32
      %parallel_loop3A_441 = arith.constant 2 : i32
      %parallel_loop3A_442 = arith.addi %parallel_loop3A_440, %parallel_loop3A_441 : i32
      %parallel_loop3A_443 = arith.constant 16 : i32
      %parallel_loop3A_444 = arith.muli %parallel_loop3A_442, %parallel_loop3A_443 : i32
      %parallel_loop3A_445 = arith.index_cast %parallel_loop3A_444 : i32 to index
      %parallel_loop3A_446 = tpu.vector_load %arg7[%parallel_loop3A_445] {strides = array<i32>} : memref<2048xf32, #tpu.memory_space<vmem>>, vector<16xf32>,
      %parallel_loop3A_447 = arith.constant 16 : i32
      %parallel_loop3A_448 = arith.muli %parallel_loop3A_422, %parallel_loop3A_447 : i32
      %parallel_loop3A_449 = arith.constant 3 : i32
      %parallel_loop3A_450 = arith.addi %parallel_loop3A_448, %parallel_loop3A_449 : i32
      %parallel_loop3A_451 = arith.constant 16 : i32
      %parallel_loop3A_452 = arith.muli %parallel_loop3A_450, %parallel_loop3A_451 : i32
      %parallel_loop3A_453 = arith.index_cast %parallel_loop3A_452 : i32 to index
      %parallel_loop3A_454 = tpu.vector_load %arg7[%parallel_loop3A_453] {strides = array<i32>} : memref<2048xf32, #tpu.memory_space<vmem>>, vector<16xf32>,
      %parallel_loop3A_455 = arith.constant 16 : i32
      %parallel_loop3A_456 = arith.muli %parallel_loop3A_422, %parallel_loop3A_455 : i32
      %parallel_loop3A_457 = arith.constant 4 : i32
      %parallel_loop3A_458 = arith.addi %parallel_loop3A_456, %parallel_loop3A_457 : i32
      %parallel_loop3A_459 = arith.constant 16 : i32
      %parallel_loop3A_460 = arith.muli %parallel_loop3A_458, %parallel_loop3A_459 : i32
      %parallel_loop3A_461 = arith.index_cast %parallel_loop3A_460 : i32 to index
      %parallel_loop3A_462 = tpu.vector_load %arg7[%parallel_loop3A_461] {strides = array<i32>} : memref<2048xf32, #tpu.memory_space<vmem>>, vector<16xf32>,
      %parallel_loop3A_463 = arith.constant 16 : i32
      %parallel_loop3A_464 = arith.muli %parallel_loop3A_422, %parallel_loop3A_463 : i32
      %parallel_loop3A_465 = arith.constant 5 : i32
      %parallel_loop3A_466 = arith.addi %parallel_loop3A_464, %parallel_loop3A_465 : i32
      %parallel_loop3A_467 = arith.constant 16 : i32
      %parallel_loop3A_468 = arith.muli %parallel_loop3A_466, %parallel_loop3A_467 : i32
      %parallel_loop3A_469 = arith.index_cast %parallel_loop3A_468 : i32 to index
      %parallel_loop3A_470 = tpu.vector_load %arg7[%parallel_loop3A_469] {strides = array<i32>} : memref<2048xf32, #tpu.memory_space<vmem>>, vector<16xf32>,
      %parallel_loop3A_471 = arith.constant 16 : i32
      %parallel_loop3A_472 = arith.muli %parallel_loop3A_422, %parallel_loop3A_471 : i32
      %parallel_loop3A_473 = arith.constant 6 : i32
      %parallel_loop3A_474 = arith.addi %parallel_loop3A_472, %parallel_loop3A_473 : i32
      %parallel_loop3A_475 = arith.constant 16 : i32
      %parallel_loop3A_476 = arith.muli %parallel_loop3A_474, %parallel_loop3A_475 : i32
      %parallel_loop3A_477 = arith.index_cast %parallel_loop3A_476 : i32 to index
      %parallel_loop3A_478 = tpu.vector_load %arg7[%parallel_loop3A_477] {strides = array<i32>} : memref<2048xf32, #tpu.memory_space<vmem>>, vector<16xf32>,
      %parallel_loop3A_479 = arith.constant 16 : i32
      %parallel_loop3A_480 = arith.muli %parallel_loop3A_422, %parallel_loop3A_479 : i32
      %parallel_loop3A_481 = arith.constant 7 : i32
      %parallel_loop3A_482 = arith.addi %parallel_loop3A_480, %parallel_loop3A_481 : i32
      %parallel_loop3A_483 = arith.constant 16 : i32
      %parallel_loop3A_484 = arith.muli %parallel_loop3A_482, %parallel_loop3A_483 : i32
      %parallel_loop3A_485 = arith.index_cast %parallel_loop3A_484 : i32 to index
      %parallel_loop3A_486 = tpu.vector_load %arg7[%parallel_loop3A_485] {strides = array<i32>} : memref<2048xf32, #tpu.memory_space<vmem>>, vector<16xf32>,
      %parallel_loop3A_487 = arith.constant 16 : i32
      %parallel_loop3A_488 = arith.muli %parallel_loop3A_422, %parallel_loop3A_487 : i32
      %parallel_loop3A_489 = arith.constant 8 : i32
      %parallel_loop3A_490 = arith.addi %parallel_loop3A_488, %parallel_loop3A_489 : i32
      %parallel_loop3A_491 = arith.constant 16 : i32
      %parallel_loop3A_492 = arith.muli %parallel_loop3A_490, %parallel_loop3A_491 : i32
      %parallel_loop3A_493 = arith.index_cast %parallel_loop3A_492 : i32 to index
      %parallel_loop3A_494 = tpu.vector_load %arg7[%parallel_loop3A_493] {strides = array<i32>} : memref<2048xf32, #tpu.memory_space<vmem>>, vector<16xf32>,
      %parallel_loop3A_495 = arith.constant 16 : i32
      %parallel_loop3A_496 = arith.muli %parallel_loop3A_422, %parallel_loop3A_495 : i32
      %parallel_loop3A_497 = arith.constant 9 : i32
      %parallel_loop3A_498 = arith.addi %parallel_loop3A_496, %parallel_loop3A_497 : i32
      %parallel_loop3A_499 = arith.constant 16 : i32
      %parallel_loop3A_500 = arith.muli %parallel_loop3A_498, %parallel_loop3A_499 : i32
      %parallel_loop3A_501 = arith.index_cast %parallel_loop3A_500 : i32 to index
      %parallel_loop3A_502 = tpu.vector_load %arg7[%parallel_loop3A_501] {strides = array<i32>} : memref<2048xf32, #tpu.memory_space<vmem>>, vector<16xf32>,
      %parallel_loop3A_503 = arith.constant 16 : i32
      %parallel_loop3A_504 = arith.muli %parallel_loop3A_422, %parallel_loop3A_503 : i32
      %parallel_loop3A_505 = arith.constant 10 : i32
      %parallel_loop3A_506 = arith.addi %parallel_loop3A_504, %parallel_loop3A_505 : i32
      %parallel_loop3A_507 = arith.constant 16 : i32
      %parallel_loop3A_508 = arith.muli %parallel_loop3A_506, %parallel_loop3A_507 : i32
      %parallel_loop3A_509 = arith.index_cast %parallel_loop3A_508 : i32 to index
      %parallel_loop3A_510 = tpu.vector_load %arg7[%parallel_loop3A_509] {strides = array<i32>} : memref<2048xf32, #tpu.memory_space<vmem>>, vector<16xf32>,
      %parallel_loop3A_511 = arith.constant 16 : i32
      %parallel_loop3A_512 = arith.muli %parallel_loop3A_422, %parallel_loop3A_511 : i32
      %parallel_loop3A_513 = arith.constant 11 : i32
      %parallel_loop3A_514 = arith.addi %parallel_loop3A_512, %parallel_loop3A_513 : i32
      %parallel_loop3A_515 = arith.constant 16 : i32
      %parallel_loop3A_516 = arith.muli %parallel_loop3A_514, %parallel_loop3A_515 : i32
      %parallel_loop3A_517 = arith.index_cast %parallel_loop3A_516 : i32 to index
      %parallel_loop3A_518 = tpu.vector_load %arg7[%parallel_loop3A_517] {strides = array<i32>} : memref<2048xf32, #tpu.memory_space<vmem>>, vector<16xf32>,
      %parallel_loop3A_519 = arith.constant 16 : i32
      %parallel_loop3A_520 = arith.muli %parallel_loop3A_422, %parallel_loop3A_519 : i32
      %parallel_loop3A_521 = arith.constant 12 : i32
      %parallel_loop3A_522 = arith.addi %parallel_loop3A_520, %parallel_loop3A_521 : i32
      %parallel_loop3A_523 = arith.constant 16 : i32
      %parallel_loop3A_524 = arith.muli %parallel_loop3A_522, %parallel_loop3A_523 : i32
      %parallel_loop3A_525 = arith.index_cast %parallel_loop3A_524 : i32 to index
      %parallel_loop3A_526 = tpu.vector_load %arg7[%parallel_loop3A_525] {strides = array<i32>} : memref<2048xf32, #tpu.memory_space<vmem>>, vector<16xf32>,
      %parallel_loop3A_527 = arith.constant 16 : i32
      %parallel_loop3A_528 = arith.muli %parallel_loop3A_422, %parallel_loop3A_527 : i32
      %parallel_loop3A_529 = arith.constant 13 : i32
      %parallel_loop3A_530 = arith.addi %parallel_loop3A_528, %parallel_loop3A_529 : i32
      %parallel_loop3A_531 = arith.constant 16 : i32
      %parallel_loop3A_532 = arith.muli %parallel_loop3A_530, %parallel_loop3A_531 : i32
      %parallel_loop3A_533 = arith.index_cast %parallel_loop3A_532 : i32 to index
      %parallel_loop3A_534 = tpu.vector_load %arg7[%parallel_loop3A_533] {strides = array<i32>} : memref<2048xf32, #tpu.memory_space<vmem>>, vector<16xf32>,
      %parallel_loop3A_535 = arith.constant 16 : i32
      %parallel_loop3A_536 = arith.muli %parallel_loop3A_422, %parallel_loop3A_535 : i32
      %parallel_loop3A_537 = arith.constant 14 : i32
      %parallel_loop3A_538 = arith.addi %parallel_loop3A_536, %parallel_loop3A_537 : i32
      %parallel_loop3A_539 = arith.constant 16 : i32
      %parallel_loop3A_540 = arith.muli %parallel_loop3A_538, %parallel_loop3A_539 : i32
      %parallel_loop3A_541 = arith.index_cast %parallel_loop3A_540 : i32 to index
      %parallel_loop3A_542 = tpu.vector_load %arg7[%parallel_loop3A_541] {strides = array<i32>} : memref<2048xf32, #tpu.memory_space<vmem>>, vector<16xf32>,
      %parallel_loop3A_543 = arith.constant 16 : i32
      %parallel_loop3A_544 = arith.muli %parallel_loop3A_422, %parallel_loop3A_543 : i32
      %parallel_loop3A_545 = arith.constant 15 : i32
      %parallel_loop3A_546 = arith.addi %parallel_loop3A_544, %parallel_loop3A_545 : i32
      %parallel_loop3A_547 = arith.constant 16 : i32
      %parallel_loop3A_548 = arith.muli %parallel_loop3A_546, %parallel_loop3A_547 : i32
      %parallel_loop3A_549 = arith.index_cast %parallel_loop3A_548 : i32 to index
      %parallel_loop3A_550 = tpu.vector_load %arg7[%parallel_loop3A_549] {strides = array<i32>} : memref<2048xf32, #tpu.memory_space<vmem>>, vector<16xf32>,
      %parallel_loop3A_551 = arith.maximumf %parallel_loop3A_430, %parallel_loop3A_438 : vector<16xf32>
      %parallel_loop3A_552 = arith.maximumf %parallel_loop3A_446, %parallel_loop3A_454 : vector<16xf32>
      %parallel_loop3A_553 = arith.maximumf %parallel_loop3A_462, %parallel_loop3A_470 : vector<16xf32>
      %parallel_loop3A_554 = arith.maximumf %parallel_loop3A_478, %parallel_loop3A_486 : vector<16xf32>
      %parallel_loop3A_555 = arith.maximumf %parallel_loop3A_494, %parallel_loop3A_502 : vector<16xf32>
      %parallel_loop3A_556 = arith.maximumf %parallel_loop3A_510, %parallel_loop3A_518 : vector<16xf32>
      %parallel_loop3A_557 = arith.maximumf %parallel_loop3A_526, %parallel_loop3A_534 : vector<16xf32>
      %parallel_loop3A_558 = arith.maximumf %parallel_loop3A_542, %parallel_loop3A_550 : vector<16xf32>
      %parallel_loop3A_559 = arith.maximumf %parallel_loop3A_551, %parallel_loop3A_552 : vector<16xf32>
      %parallel_loop3A_560 = arith.maximumf %parallel_loop3A_553, %parallel_loop3A_554 : vector<16xf32>
      %parallel_loop3A_561 = arith.maximumf %parallel_loop3A_555, %parallel_loop3A_556 : vector<16xf32>
      %parallel_loop3A_562 = arith.maximumf %parallel_loop3A_557, %parallel_loop3A_558 : vector<16xf32>
      %parallel_loop3A_563 = arith.maximumf %parallel_loop3A_559, %parallel_loop3A_560 : vector<16xf32>
      %parallel_loop3A_564 = arith.maximumf %parallel_loop3A_561, %parallel_loop3A_562 : vector<16xf32>
      %parallel_loop3A_565 = arith.maximumf %parallel_loop3A_563, %parallel_loop3A_564 : vector<16xf32>
      %parallel_loop3A_566 = arith.constant 16 : i32
      %parallel_loop3A_567 = arith.muli %parallel_loop3A_422, %parallel_loop3A_566 : i32
      %parallel_loop3A_568 = arith.index_cast %parallel_loop3A_567 : i32 to index
      %parallel_loop3A_569 = tpu.vector_load %arg8[%parallel_loop3A_568] {strides = array<i32>} : memref<128xf32, #tpu.memory_space<vmem>>, vector<16xf32>,
      tpu.vector_store %arg8[%parallel_loop3A_568], %parallel_loop3A_565 {strides = array<i32>} : memref<128xf32, #tpu.memory_space<vmem>>, vector<16xf32>,
    } {sc.loop_unroll_factor = 1 : i64, sc.parallel_access}
    %mul3A_359 = arith.constant 4 : i32
    %mul3A_360 = arith.muli %add3A, %mul3A_359 : i32
    %add3A_361 = arith.constant 2 : i32
    %add3A_362 = arith.addi %mul3A_360, %add3A_361 : i32
    %dma_wait3A_363 = arith.constant 0 : i32
    %dma_wait3A_364 = tpu.memref_slice %arg3[%add3A_362, %dma_wait3A_363] : memref<128x32768xf32, #tpu.memory_space<hbm>> -> memref<1x32768xf32, #tpu.memory_space<hbm>>
    %dma_wait3A_365 = tpu.memref_squeeze %dma_wait3A_364 : memref<1x32768xf32, #tpu.memory_space<hbm>> -> memref<32768xf32, #tpu.memory_space<hbm>>
    %dma_wait3A_366 = arith.constant 0 : i32
    %dma_wait3A_367 = tpu.memref_slice %arg3[%add3A_362, %dma_wait3A_366] : memref<128x32768xf32, #tpu.memory_space<hbm>> -> memref<1x32768xf32, #tpu.memory_space<hbm>>
    %dma_wait3A_368 = tpu.memref_squeeze %dma_wait3A_367 : memref<1x32768xf32, #tpu.memory_space<hbm>> -> memref<32768xf32, #tpu.memory_space<hbm>>
    tpu.wait_dma2 semaphore(%arg14 : memref<!tpu.dma_semaphore, #tpu.memory_space<semaphore_mem>>) src(%arg6 : memref<32768xf32, #tpu.memory_space<vmem>>) dst(%dma_wait3A_368 : memref<32768xf32, #tpu.memory_space<hbm>>)
    %convert_element_type3A_369 = arith.extui %le3A_284 : i1 to i32
    %cond3A_370 = arith.constant 0 : i32
    %cond3A_371 = arith.cmpi ne, %convert_element_type3A_369, %cond3A_370 : i32
    scf.if %cond3A_371 {
      %add3A_422 = arith.constant 15 : i32
      %add3A_423 = arith.addi %scan3A_281, %add3A_422 : i32
      %shift_right_logical3A_424 = arith.constant 4 : i32
      %shift_right_logical3A_425 = arith.shrui %add3A_423, %shift_right_logical3A_424 : i32
      %while3A = arith.constant 0 : i32
      %while3A_426 = arith.constant 0 : i32
      %while3A_427 = arith.subi %shift_right_logical3A_425, %while3A : i32
      %while3A_428 = arith.addi %while3A, %while3A_427 : i32
      %while3A_429 = arith.constant 1 : i32
      %while3A_430 = arith.divsi %while3A_427, %while3A_429 : i32
      %while3A_431 = arith.muli %while3A_430, %while3A_429 : i32
      %while3A_432 = arith.addi %while3A, %while3A_431 : i32
      %while3A_433 = arith.constant 1 : i32
      %while3A_434 = scf.for %while3A_437 = %while3A to %while3A_432 step %while3A_433 iter_args(%while3A_438 = %while3A_426) -> (i32)  : i32 {
        %mul3A_439 = arith.constant 16 : i32
        %mul3A_440 = arith.muli %while3A_437, %mul3A_439 : i32
        %add3A_441 = vector.broadcast %mul3A_440 : i32 to vector<16xi32>
        %add3A_442 = arith.addi %add3A_441, %iota3A : vector<16xi32>
        %lt3A = vector.broadcast %scan3A_281 : i32 to vector<16xi32>
        %lt3A_443 = arith.cmpi slt, %add3A_442, %lt3A : vector<16xi32>
        %get3A = arith.index_cast %mul3A_440 : i32 to index
        %get3A_444 = tpu.vector_load %arg10[%get3A] {strides = array<i32>} : memref<1040xi32, #tpu.memory_space<vmem>>, vector<16xi32>,
        tpu.vector_store_idx %arg6[%get3A_444], %broadcast_in_dim3A_1 masked %lt3A_443 : memref<32768xf32, #tpu.memory_space<vmem>>[vector<16xi32>], vector<16xf32>, vector<16xi1>
        %while3A_445 = arith.constant 0 : i32
        scf.yield %while3A_445 : i32
      }
      %while3A_435 = arith.constant 1 : i32
      %while3A_436 = scf.for %while3A_437 = %while3A_432 to %while3A_428 step %while3A_435 iter_args(%while3A_438 = %while3A_434) -> (i32)  : i32 {
        %mul3A_439 = arith.constant 16 : i32
        %mul3A_440 = arith.muli %while3A_437, %mul3A_439 : i32
        %add3A_441 = vector.broadcast %mul3A_440 : i32 to vector<16xi32>
        %add3A_442 = arith.addi %add3A_441, %iota3A : vector<16xi32>
        %lt3A = vector.broadcast %scan3A_281 : i32 to vector<16xi32>
        %lt3A_443 = arith.cmpi slt, %add3A_442, %lt3A : vector<16xi32>
        %get3A = arith.index_cast %mul3A_440 : i32 to index
        %get3A_444 = tpu.vector_load %arg10[%get3A] {strides = array<i32>} : memref<1040xi32, #tpu.memory_space<vmem>>, vector<16xi32>,
        tpu.vector_store_idx %arg6[%get3A_444], %broadcast_in_dim3A_1 masked %lt3A_443 : memref<32768xf32, #tpu.memory_space<vmem>>[vector<16xi32>], vector<16xf32>, vector<16xi1>
        %while3A_445 = arith.constant 0 : i32
        scf.yield %while3A_445 : i32
      }
    } else {
    }
    %not3A_372 = arith.constant true
    %not3A_373 = arith.xori %le3A_284, %not3A_372 : i1
    %convert_element_type3A_374 = arith.extui %not3A_373 : i1 to i32
    %cond3A_375 = arith.constant 0 : i32
    %cond3A_376 = arith.cmpi ne, %convert_element_type3A_374, %cond3A_375 : i32
    scf.if %cond3A_376 {
      %parallel_loop3A_422 = arith.constant 0 : i32
      %parallel_loop3A_423 = arith.constant 2048 : i32
      %parallel_loop3A_424 = arith.constant 1 : i32
      scf.for %parallel_loop3A_425 = %parallel_loop3A_422 to %parallel_loop3A_423 step %parallel_loop3A_424  : i32 {
        %parallel_loop3A_426 = arith.constant 16 : i32
        %parallel_loop3A_427 = arith.muli %parallel_loop3A_425, %parallel_loop3A_426 : i32
        %parallel_loop3A_428 = arith.index_cast %parallel_loop3A_427 : i32 to index
        %parallel_loop3A_429 = tpu.vector_load %arg6[%parallel_loop3A_428] {strides = array<i32>} : memref<32768xf32, #tpu.memory_space<vmem>>, vector<16xf32>,
        tpu.vector_store %arg6[%parallel_loop3A_428], %broadcast_in_dim3A_1 {strides = array<i32>} : memref<32768xf32, #tpu.memory_space<vmem>>, vector<16xf32>,
      } {sc.loop_unroll_factor = 8 : i64, sc.parallel_access}
    } else {
    }
    %scan3A_377 = arith.constant 0 : i32
    %scan3A_378 = arith.constant 0 : i32
    %scan3A_379 = arith.constant 8 : i32
    %scan3A_380 = arith.addi %scan3A_378, %scan3A_379 : i32
    %scan3A_381 = arith.constant 1 : i32
    %scan3A_382 = scf.for %scan3A_422 = %scan3A_378 to %scan3A_380 step %scan3A_381 iter_args(%scan3A_423 = %scan3A_377) -> (i32)  : i32 {
      %mul3A_424 = arith.constant 16 : i32
      %mul3A_425 = arith.muli %scan3A_422, %mul3A_424 : i32
      %get3A = arith.index_cast %mul3A_425 : i32 to index
      %get3A_426 = tpu.vector_load %arg8[%get3A] {strides = array<i32>} : memref<128xf32, #tpu.memory_space<vmem>>, vector<16xf32>,
      %gt3A_427 = vector.broadcast %select_n3A_355 : f32 to vector<16xf32>
      %gt3A_428 = arith.cmpf ogt, %get3A_426, %gt3A_427 : vector<16xf32>
      %reduce_or3A = arith.constant 1.000000e+00 : f32
      %reduce_or3A_429 = arith.constant 0.000000e+00 : f32
      %reduce_or3A_430 = vector.broadcast %reduce_or3A : f32 to vector<16xf32>
      %reduce_or3A_431 = vector.broadcast %reduce_or3A_429 : f32 to vector<16xf32>
      %reduce_or3A_432 = arith.select %gt3A_428, %reduce_or3A_430, %reduce_or3A_431 : vector<16xi1>, vector<16xf32>
      %reduce_or3A_433 = arith.constant true
      %reduce_or3A_434 = vector.broadcast %reduce_or3A_433 : i1 to vector<16xi1>
      %reduce_or3A_435 = tpu.scan <max>, %reduce_or3A_432 masked %reduce_or3A_434 : vector<16xf32>, vector<16xi1> -> vector<16xf32>
      %reduce_or3A_436 = vector.extract %reduce_or3A_435[15] : f32 from vector<16xf32>
      %reduce_or3A_437 = arith.constant 0.000000e+00 : f32
      %reduce_or3A_438 = arith.cmpf ogt, %reduce_or3A_436, %reduce_or3A_437 : f32
      %convert_element_type3A_439 = arith.extui %reduce_or3A_438 : i1 to i32
      %cond3A_440 = arith.constant 0 : i32
      %cond3A_441 = arith.cmpi ne, %convert_element_type3A_439, %cond3A_440 : i32
      %cond3A_442 = scf.if %cond3A_441 -> (i32) {
        %scan3A_443 = arith.constant 0 : i32
        %scan3A_444 = arith.constant 16 : i32
        %scan3A_445 = arith.addi %scan3A_443, %scan3A_444 : i32
        %scan3A_446 = arith.constant 1 : i32
        %scan3A_447 = scf.for %scan3A_449 = %scan3A_443 to %scan3A_445 step %scan3A_446 iter_args(%scan3A_450 = %scan3A_423) -> (i32)  : i32 {
          %mul3A_451 = arith.constant 16 : i32
          %mul3A_452 = arith.muli %scan3A_422, %mul3A_451 : i32
          %add3A_453 = arith.addi %mul3A_452, %scan3A_449 : i32
          %mul3A_454 = arith.constant 16 : i32
          %mul3A_455 = arith.muli %add3A_453, %mul3A_454 : i32
          %get3A_456 = arith.index_cast %mul3A_455 : i32 to index
          %get3A_457 = tpu.vector_load %arg7[%get3A_456] {strides = array<i32>} : memref<2048xf32, #tpu.memory_space<vmem>>, vector<16xf32>,
          %gt3A_458 = vector.broadcast %select_n3A_355 : f32 to vector<16xf32>
          %gt3A_459 = arith.cmpf ogt, %get3A_457, %gt3A_458 : vector<16xf32>
          %reduce_or3A_460 = arith.constant 1.000000e+00 : f32
          %reduce_or3A_461 = arith.constant 0.000000e+00 : f32
          %reduce_or3A_462 = vector.broadcast %reduce_or3A_460 : f32 to vector<16xf32>
          %reduce_or3A_463 = vector.broadcast %reduce_or3A_461 : f32 to vector<16xf32>
          %reduce_or3A_464 = arith.select %gt3A_459, %reduce_or3A_462, %reduce_or3A_463 : vector<16xi1>, vector<16xf32>
          %reduce_or3A_465 = arith.constant true
          %reduce_or3A_466 = vector.broadcast %reduce_or3A_465 : i1 to vector<16xi1>
          %reduce_or3A_467 = tpu.scan <max>, %reduce_or3A_464 masked %reduce_or3A_466 : vector<16xf32>, vector<16xi1> -> vector<16xf32>
          %reduce_or3A_468 = vector.extract %reduce_or3A_467[15] : f32 from vector<16xf32>
          %reduce_or3A_469 = arith.constant 0.000000e+00 : f32
          %reduce_or3A_470 = arith.cmpf ogt, %reduce_or3A_468, %reduce_or3A_469 : f32
          %convert_element_type3A_471 = arith.extui %reduce_or3A_470 : i1 to i32
          %cond3A_472 = arith.constant 0 : i32
          %cond3A_473 = arith.cmpi ne, %convert_element_type3A_471, %cond3A_472 : i32
          %cond3A_474 = scf.if %cond3A_473 -> (i32) {
            %scan3A_475 = arith.constant 0 : i32
            %scan3A_476 = arith.constant 16 : i32
            %scan3A_477 = arith.addi %scan3A_475, %scan3A_476 : i32
            %scan3A_478 = arith.constant 1 : i32
            %scan3A_479 = scf.for %scan3A_481 = %scan3A_475 to %scan3A_477 step %scan3A_478 iter_args(%scan3A_482 = %scan3A_450) -> (i32)  : i32 {
              %mul3A_483 = arith.constant 16 : i32
              %mul3A_484 = arith.muli %add3A_453, %mul3A_483 : i32
              %add3A_485 = arith.addi %mul3A_484, %scan3A_481 : i32
              %mul3A_486 = arith.constant 16 : i32
              %mul3A_487 = arith.muli %add3A_485, %mul3A_486 : i32
              %get3A_488 = arith.index_cast %mul3A_487 : i32 to index
              %get3A_489 = tpu.vector_load %arg5[%get3A_488] {strides = array<i32>} : memref<32768xf32, #tpu.memory_space<vmem>>, vector<16xf32>,
              %gt3A_490 = vector.broadcast %select_n3A_355 : f32 to vector<16xf32>
              %gt3A_491 = arith.cmpf ogt, %get3A_489, %gt3A_490 : vector<16xf32>
              %le3A_492 = arith.constant 1024 : i32
              %le3A_493 = arith.cmpi sle, %scan3A_482, %le3A_492 : i32
              %convert_element_type3A_494 = arith.extui %le3A_493 : i1 to i32
              %cond3A_495 = arith.constant 0 : i32
              %cond3A_496 = arith.cmpi ne, %convert_element_type3A_494, %cond3A_495 : i32
              scf.if %cond3A_496 {
                %exp3A_500 = math.exp %get3A_489 : vector<16xf32>
                %swap3A = arith.index_cast %scan3A_482 : i32 to index
                %swap3A_501 = tpu.vector_load %arg9[%swap3A] masked %gt3A_491 {strides = array<i32>} : memref<1040xf32, #tpu.memory_space<vmem>>, vector<16xf32>, vector<16xi1>
                tpu.vector_store %arg9[%swap3A], %exp3A_500 masked %gt3A_491 {strides = array<i32>} : memref<1040xf32, #tpu.memory_space<vmem>>, vector<16xf32>, vector<16xi1>
                %mul3A_502 = arith.constant 16 : i32
                %mul3A_503 = arith.muli %add3A_485, %mul3A_502 : i32
                %add3A_504 = vector.broadcast %mul3A_503 : i32 to vector<16xi32>
                %add3A_505 = arith.addi %add3A_504, %iota3A : vector<16xi32>
                %swap3A_506 = arith.index_cast %scan3A_482 : i32 to index
                %swap3A_507 = tpu.vector_load %arg11[%swap3A_506] masked %gt3A_491 {strides = array<i32>} : memref<1040xi32, #tpu.memory_space<vmem>>, vector<16xi32>, vector<16xi1>
                tpu.vector_store %arg11[%swap3A_506], %add3A_505 masked %gt3A_491 {strides = array<i32>} : memref<1040xi32, #tpu.memory_space<vmem>>, vector<16xi32>, vector<16xi1>
              } else {
              }
              %all_reduce_population_count3A = tpu.all_reduce %gt3A_491 {dim = 0 : i64, kind = #tpu.reduction_kind<sum>} : vector<16xi1> -> vector<16xi32>
              %slice3A_497 = vector.extract_strided_slice %all_reduce_population_count3A {offsets = [0], sizes = [1], strides = [1]} : vector<16xi32> to vector<1xi32>
              %squeeze3A_498 = vector.extract %slice3A_497[0] : i32 from vector<1xi32>
              %add3A_499 = arith.addi %scan3A_482, %squeeze3A_498 : i32
              scf.yield %add3A_499 : i32
            }
            %scan3A_480 = arith.constant 16 : i32
            scf.yield %scan3A_479 : i32
          } else {
            scf.yield %scan3A_450 : i32
          }
          scf.yield %cond3A_474 : i32
        }
        %scan3A_448 = arith.constant 16 : i32
        scf.yield %scan3A_447 : i32
      } else {
        scf.yield %scan3A_423 : i32
      }
      scf.yield %cond3A_442 : i32
    }
    %scan3A_383 = arith.constant 8 : i32
    %le3A_384 = arith.constant 1024 : i32
    %le3A_385 = arith.cmpi sle, %scan3A_382, %le3A_384 : i32
    %convert_element_type3A_386 = arith.extui %le3A_385 : i1 to i32
    %cond3A_387 = arith.constant 0 : i32
    %cond3A_388 = arith.cmpi ne, %convert_element_type3A_386, %cond3A_387 : i32
    scf.if %cond3A_388 {
      %broadcast_in_dim3A_422 = vector.broadcast %sub3A_336 : f32 to vector<16xf32>
      %swap3A = arith.index_cast %scan3A_382 : i32 to index
      %swap3A_423 = tpu.vector_load %arg9[%swap3A] {strides = array<i32>} : memref<1040xf32, #tpu.memory_space<vmem>>, vector<16xf32>,
      tpu.vector_store %arg9[%swap3A], %broadcast_in_dim3A_422 {strides = array<i32>} : memref<1040xf32, #tpu.memory_space<vmem>>, vector<16xf32>,
    } else {
    }
    %add3A_389 = arith.constant 15 : i32
    %add3A_390 = arith.addi %scan3A_382, %add3A_389 : i32
    %shift_right_logical3A_391 = arith.constant 4 : i32
    %shift_right_logical3A_392 = arith.shrui %add3A_390, %shift_right_logical3A_391 : i32
    %le3A_393 = arith.constant 16 : i32
    %le3A_394 = arith.cmpi sle, %scan3A_382, %le3A_393 : i32
    %convert_element_type3A_395 = arith.extui %le3A_394 : i1 to i32
    %cond3A_396 = arith.constant 0 : i32
    %cond3A_397 = arith.cmpi ne, %convert_element_type3A_395, %cond3A_396 : i32
    %cond3A_398 = scf.if %cond3A_397 -> (vector<16xf32>) {
      %get3A = arith.constant 0 : index
      %get3A_422 = tpu.vector_load %arg9[%get3A] {strides = array<i32>} : memref<1040xf32, #tpu.memory_space<vmem>>, vector<16xf32>,
      %lt3A = vector.broadcast %scan3A_382 : i32 to vector<16xi32>
      %lt3A_423 = arith.cmpi slt, %iota3A, %lt3A : vector<16xi32>
      %jit3A_424 = arith.constant -3.000000e+38 : f32
      %broadcast_in_dim3A_425 = vector.broadcast %jit3A_424 : f32 to vector<16xf32>
      %select_n3A_426 = arith.select %lt3A_423, %get3A_422, %broadcast_in_dim3A_425 : vector<16xi1>, vector<16xf32>
      %masked_sort3A = arith.constant dense<true> : vector<16xi1>
      %masked_sort3A_427, %masked_sort3A_428, %masked_sort3A_429 = tpu.sort %select_n3A_426, %select_n3A_426 masked %masked_sort3A {descending = true} : (vector<16xf32>, vector<16xf32>, vector<16xi1>) -> (vector<16xi1>, vector<16xf32>, vector<16xf32>)
      %broadcast_in_dim3A_430 = arith.constant true
      %broadcast_in_dim3A_431 = vector.broadcast %broadcast_in_dim3A_430 : i1 to vector<16xi1>
      %masked_cumsum3A = tpu.scan <sum>, %masked_sort3A_428 masked %broadcast_in_dim3A_431 : vector<16xf32>, vector<16xi1> -> vector<16xf32>
      %add3A_432 = arith.constant 1 : i32
      %add3A_433 = vector.broadcast %add3A_432 : i32 to vector<16xi32>
      %add3A_434 = arith.addi %iota3A, %add3A_433 : vector<16xi32>
      %convert_element_type3A_435 = arith.sitofp %add3A_434 : vector<16xi32> to vector<16xf32>
      %mul3A_436 = arith.mulf %convert_element_type3A_435, %masked_sort3A_428 : vector<16xf32>
      %add3A_437 = arith.constant 1.000000e+00 : f32
      %add3A_438 = vector.broadcast %add3A_437 : f32 to vector<16xf32>
      %add3A_439 = arith.addf %add3A_438, %mul3A_436 : vector<16xf32>
      %gt3A_440 = arith.cmpf ogt, %add3A_439, %masked_cumsum3A : vector<16xf32>
      %all_reduce_population_count3A = tpu.all_reduce %gt3A_440 {dim = 0 : i64, kind = #tpu.reduction_kind<sum>} : vector<16xi1> -> vector<16xi32>
      %convert_element_type3A_441 = arith.sitofp %all_reduce_population_count3A : vector<16xi32> to vector<16xf32>
      %jit3A_442 = arith.constant 0.000000e+00 : f32
      %broadcast_in_dim3A_443 = vector.broadcast %jit3A_442 : f32 to vector<16xf32>
      %select_n3A_444 = arith.select %gt3A_440, %masked_sort3A_428, %broadcast_in_dim3A_443 : vector<16xi1>, vector<16xf32>
      %reduce_sum3A = arith.constant true
      %reduce_sum3A_445 = vector.broadcast %reduce_sum3A : i1 to vector<16xi1>
      %reduce_sum3A_446 = tpu.scan <sum>, %select_n3A_444 masked %reduce_sum3A_445 : vector<16xf32>, vector<16xi1> -> vector<16xf32>
      %reduce_sum3A_447 = vector.extract %reduce_sum3A_446[15] : f32 from vector<16xf32>
      %broadcast_in_dim3A_448 = vector.broadcast %reduce_sum3A_447 : f32 to vector<16xf32>
      %sub3A_449 = arith.constant 1.000000e+00 : f32
      %sub3A_450 = vector.broadcast %sub3A_449 : f32 to vector<16xf32>
      %sub3A_451 = arith.subf %broadcast_in_dim3A_448, %sub3A_450 : vector<16xf32>
      %div3A_452 = arith.divf %sub3A_451, %convert_element_type3A_441 : vector<16xf32>
      scf.yield %div3A_452 : vector<16xf32>
    } else {
      %convert_element_type3A_422 = arith.extui %le3A_385 : i1 to i32
      %cond3A_423 = arith.constant 0 : i32
      %cond3A_424 = arith.cmpi ne, %convert_element_type3A_422, %cond3A_423 : i32
      %cond3A_425 = scf.if %cond3A_424 -> (vector<16xf32>) {
        %scan3A_426 = arith.constant 0 : i32
        %scan3A_427 = arith.constant 30 : i32
        %scan3A_428 = arith.addi %scan3A_426, %scan3A_427 : i32
        %scan3A_429 = arith.constant 1 : i32
        %scan3A_430:2 = scf.for %scan3A_455 = %scan3A_426 to %scan3A_428 step %scan3A_429 iter_args(%scan3A_456 = %sub3A_336, %scan3A_457 = %squeeze3A_334) -> (f32, f32)  : i32 {
          %add3A_458 = arith.addf %scan3A_456, %scan3A_457 : f32
          %mul3A_459 = arith.constant 5.000000e-01 : f32
          %mul3A_460 = arith.mulf %mul3A_459, %add3A_458 : f32
          %while3A_461 = arith.constant 0 : i32
          %while3A_462 = arith.subi %shift_right_logical3A_392, %while3A_461 : i32
          %while3A_463 = arith.addi %while3A_461, %while3A_462 : i32
          %while3A_464 = arith.constant 1 : i32
          %while3A_465 = arith.divsi %while3A_462, %while3A_464 : i32
          %while3A_466 = arith.muli %while3A_465, %while3A_464 : i32
          %while3A_467 = arith.addi %while3A_461, %while3A_466 : i32
          %while3A_468 = arith.constant 1 : i32
          %while3A_469 = scf.for %while3A_481 = %while3A_461 to %while3A_467 step %while3A_468 iter_args(%while3A_482 = %broadcast_in_dim3A_1) -> (vector<16xf32>)  : i32 {
            %mul3A_483 = arith.constant 16 : i32
            %mul3A_484 = arith.muli %while3A_481, %mul3A_483 : i32
            %get3A = arith.index_cast %mul3A_484 : i32 to index
            %get3A_485 = tpu.vector_load %arg9[%get3A] {strides = array<i32>} : memref<1040xf32, #tpu.memory_space<vmem>>, vector<16xf32>,
            %sub3A_486 = vector.broadcast %mul3A_460 : f32 to vector<16xf32>
            %sub3A_487 = arith.subf %get3A_485, %sub3A_486 : vector<16xf32>
            %max3A = arith.constant 0.000000e+00 : f32
            %max3A_488 = vector.broadcast %max3A : f32 to vector<16xf32>
            %max3A_489 = arith.maximumf %sub3A_487, %max3A_488 : vector<16xf32>
            %add3A_490 = arith.addf %while3A_482, %max3A_489 : vector<16xf32>
            scf.yield %add3A_490 : vector<16xf32>
          }
          %while3A_470 = arith.constant 1 : i32
          %while3A_471 = scf.for %while3A_481 = %while3A_467 to %while3A_463 step %while3A_470 iter_args(%while3A_482 = %while3A_469) -> (vector<16xf32>)  : i32 {
            %mul3A_483 = arith.constant 16 : i32
            %mul3A_484 = arith.muli %while3A_481, %mul3A_483 : i32
            %get3A = arith.index_cast %mul3A_484 : i32 to index
            %get3A_485 = tpu.vector_load %arg9[%get3A] {strides = array<i32>} : memref<1040xf32, #tpu.memory_space<vmem>>, vector<16xf32>,
            %sub3A_486 = vector.broadcast %mul3A_460 : f32 to vector<16xf32>
            %sub3A_487 = arith.subf %get3A_485, %sub3A_486 : vector<16xf32>
            %max3A = arith.constant 0.000000e+00 : f32
            %max3A_488 = vector.broadcast %max3A : f32 to vector<16xf32>
            %max3A_489 = arith.maximumf %sub3A_487, %max3A_488 : vector<16xf32>
            %add3A_490 = arith.addf %while3A_482, %max3A_489 : vector<16xf32>
            scf.yield %add3A_490 : vector<16xf32>
          }
          %reduce_sum3A_472 = arith.constant true
          %reduce_sum3A_473 = vector.broadcast %reduce_sum3A_472 : i1 to vector<16xi1>
          %reduce_sum3A_474 = tpu.scan <sum>, %while3A_471 masked %reduce_sum3A_473 : vector<16xf32>, vector<16xi1> -> vector<16xf32>
          %reduce_sum3A_475 = vector.extract %reduce_sum3A_474[15] : f32 from vector<16xf32>
          %sub3A_476 = arith.constant 1.000000e+00 : f32
          %sub3A_477 = arith.subf %reduce_sum3A_475, %sub3A_476 : f32
          %ge3A = arith.constant 0.000000e+00 : f32
          %ge3A_478 = arith.cmpf oge, %sub3A_477, %ge3A : f32
          %select_n3A_479 = arith.select %ge3A_478, %mul3A_460, %scan3A_456 : f32
          %select_n3A_480 = arith.select %ge3A_478, %scan3A_457, %mul3A_460 : f32
          scf.yield %select_n3A_479, %select_n3A_480 : f32, f32
        }
        %scan3A_431 = arith.constant 30 : i32
        %while3A = arith.constant 0 : i32
        %while3A_432 = arith.subi %shift_right_logical3A_392, %while3A : i32
        %while3A_433 = arith.addi %while3A, %while3A_432 : i32
        %while3A_434 = arith.constant 1 : i32
        %while3A_435 = arith.divsi %while3A_432, %while3A_434 : i32
        %while3A_436 = arith.muli %while3A_435, %while3A_434 : i32
        %while3A_437 = arith.addi %while3A, %while3A_436 : i32
        %while3A_438 = arith.constant 1 : i32
        %while3A_439:2 = scf.for %while3A_455 = %while3A to %while3A_437 step %while3A_438 iter_args(%while3A_456 = %broadcast_in_dim3A_1, %while3A_457 = %broadcast_in_dim3A_1) -> (vector<16xf32>, vector<16xf32>)  : i32 {
          %mul3A_458 = arith.constant 16 : i32
          %mul3A_459 = arith.muli %while3A_455, %mul3A_458 : i32
          %get3A = arith.index_cast %mul3A_459 : i32 to index
          %get3A_460 = tpu.vector_load %arg9[%get3A] {strides = array<i32>} : memref<1040xf32, #tpu.memory_space<vmem>>, vector<16xf32>,
          %gt3A_461 = vector.broadcast %scan3A_430#0 : f32 to vector<16xf32>
          %gt3A_462 = arith.cmpf ogt, %get3A_460, %gt3A_461 : vector<16xf32>
          %jit3A_463 = arith.constant 0.000000e+00 : f32
          %broadcast_in_dim3A_464 = vector.broadcast %jit3A_463 : f32 to vector<16xf32>
          %select_n3A_465 = arith.select %gt3A_462, %get3A_460, %broadcast_in_dim3A_464 : vector<16xi1>, vector<16xf32>
          %add3A_466 = arith.addf %while3A_456, %select_n3A_465 : vector<16xf32>
          %jit3A_467 = arith.constant 1.000000e+00 : f32
          %jit3A_468 = arith.constant 0.000000e+00 : f32
          %broadcast_in_dim3A_469 = vector.broadcast %jit3A_467 : f32 to vector<16xf32>
          %broadcast_in_dim3A_470 = vector.broadcast %jit3A_468 : f32 to vector<16xf32>
          %select_n3A_471 = arith.select %gt3A_462, %broadcast_in_dim3A_469, %broadcast_in_dim3A_470 : vector<16xi1>, vector<16xf32>
          %add3A_472 = arith.addf %while3A_457, %select_n3A_471 : vector<16xf32>
          scf.yield %add3A_466, %add3A_472 : vector<16xf32>, vector<16xf32>
        }
        %while3A_440 = arith.constant 1 : i32
        %while3A_441:2 = scf.for %while3A_455 = %while3A_437 to %while3A_433 step %while3A_440 iter_args(%while3A_456 = %while3A_439#0, %while3A_457 = %while3A_439#1) -> (vector<16xf32>, vector<16xf32>)  : i32 {
          %mul3A_458 = arith.constant 16 : i32
          %mul3A_459 = arith.muli %while3A_455, %mul3A_458 : i32
          %get3A = arith.index_cast %mul3A_459 : i32 to index
          %get3A_460 = tpu.vector_load %arg9[%get3A] {strides = array<i32>} : memref<1040xf32, #tpu.memory_space<vmem>>, vector<16xf32>,
          %gt3A_461 = vector.broadcast %scan3A_430#0 : f32 to vector<16xf32>
          %gt3A_462 = arith.cmpf ogt, %get3A_460, %gt3A_461 : vector<16xf32>
          %jit3A_463 = arith.constant 0.000000e+00 : f32
          %broadcast_in_dim3A_464 = vector.broadcast %jit3A_463 : f32 to vector<16xf32>
          %select_n3A_465 = arith.select %gt3A_462, %get3A_460, %broadcast_in_dim3A_464 : vector<16xi1>, vector<16xf32>
          %add3A_466 = arith.addf %while3A_456, %select_n3A_465 : vector<16xf32>
          %jit3A_467 = arith.constant 1.000000e+00 : f32
          %jit3A_468 = arith.constant 0.000000e+00 : f32
          %broadcast_in_dim3A_469 = vector.broadcast %jit3A_467 : f32 to vector<16xf32>
          %broadcast_in_dim3A_470 = vector.broadcast %jit3A_468 : f32 to vector<16xf32>
          %select_n3A_471 = arith.select %gt3A_462, %broadcast_in_dim3A_469, %broadcast_in_dim3A_470 : vector<16xi1>, vector<16xf32>
          %add3A_472 = arith.addf %while3A_457, %select_n3A_471 : vector<16xf32>
          scf.yield %add3A_466, %add3A_472 : vector<16xf32>, vector<16xf32>
        }
        %reduce_sum3A = arith.constant true
        %reduce_sum3A_442 = vector.broadcast %reduce_sum3A : i1 to vector<16xi1>
        %reduce_sum3A_443 = tpu.scan <sum>, %while3A_441#0 masked %reduce_sum3A_442 : vector<16xf32>, vector<16xi1> -> vector<16xf32>
        %reduce_sum3A_444 = vector.extract %reduce_sum3A_443[15] : f32 from vector<16xf32>
        %broadcast_in_dim3A_445 = vector.broadcast %reduce_sum3A_444 : f32 to vector<16xf32>
        %sub3A_446 = arith.constant 1.000000e+00 : f32
        %sub3A_447 = vector.broadcast %sub3A_446 : f32 to vector<16xf32>
        %sub3A_448 = arith.subf %broadcast_in_dim3A_445, %sub3A_447 : vector<16xf32>
        %reduce_sum3A_449 = arith.constant true
        %reduce_sum3A_450 = vector.broadcast %reduce_sum3A_449 : i1 to vector<16xi1>
        %reduce_sum3A_451 = tpu.scan <sum>, %while3A_441#1 masked %reduce_sum3A_450 : vector<16xf32>, vector<16xi1> -> vector<16xf32>
        %reduce_sum3A_452 = vector.extract %reduce_sum3A_451[15] : f32 from vector<16xf32>
        %broadcast_in_dim3A_453 = vector.broadcast %reduce_sum3A_452 : f32 to vector<16xf32>
        %div3A_454 = arith.divf %sub3A_448, %broadcast_in_dim3A_453 : vector<16xf32>
        scf.yield %div3A_454 : vector<16xf32>
      } else {
        %parallel_loop3A_426 = arith.constant 0 : i32
        %parallel_loop3A_427 = arith.constant 2048 : i32
        %parallel_loop3A_428 = arith.constant 1 : i32
        scf.for %parallel_loop3A_454 = %parallel_loop3A_426 to %parallel_loop3A_427 step %parallel_loop3A_428  : i32 {
          %parallel_loop3A_455 = arith.constant 16 : i32
          %parallel_loop3A_456 = arith.muli %parallel_loop3A_454, %parallel_loop3A_455 : i32
          %parallel_loop3A_457 = arith.index_cast %parallel_loop3A_456 : i32 to index
          %parallel_loop3A_458 = tpu.vector_load %arg5[%parallel_loop3A_457] {strides = array<i32>} : memref<32768xf32, #tpu.memory_space<vmem>>, vector<16xf32>,
          %parallel_loop3A_459 = math.exp %parallel_loop3A_458 : vector<16xf32>
          %parallel_loop3A_460 = arith.constant 16 : i32
          %parallel_loop3A_461 = arith.muli %parallel_loop3A_454, %parallel_loop3A_460 : i32
          %parallel_loop3A_462 = arith.index_cast %parallel_loop3A_461 : i32 to index
          %parallel_loop3A_463 = tpu.vector_load %arg5[%parallel_loop3A_462] {strides = array<i32>} : memref<32768xf32, #tpu.memory_space<vmem>>, vector<16xf32>,
          tpu.vector_store %arg5[%parallel_loop3A_462], %parallel_loop3A_459 {strides = array<i32>} : memref<32768xf32, #tpu.memory_space<vmem>>, vector<16xf32>,
        } {sc.loop_unroll_factor = 4 : i64, sc.parallel_access}
        %scan3A_429 = arith.constant 0 : i32
        %scan3A_430 = arith.constant 30 : i32
        %scan3A_431 = arith.addi %scan3A_429, %scan3A_430 : i32
        %scan3A_432 = arith.constant 1 : i32
        %scan3A_433:2 = scf.for %scan3A_454 = %scan3A_429 to %scan3A_431 step %scan3A_432 iter_args(%scan3A_455 = %sub3A_336, %scan3A_456 = %squeeze3A_334) -> (f32, f32)  : i32 {
          %add3A_457 = arith.addf %scan3A_455, %scan3A_456 : f32
          %mul3A_458 = arith.constant 5.000000e-01 : f32
          %mul3A_459 = arith.mulf %mul3A_458, %add3A_457 : f32
          %scan3A_460 = arith.constant 0 : i32
          %scan3A_461 = arith.constant 2048 : i32
          %scan3A_462 = arith.addi %scan3A_460, %scan3A_461 : i32
          %scan3A_463 = arith.constant 1 : i32
          %scan3A_464 = scf.for %scan3A_475 = %scan3A_460 to %scan3A_462 step %scan3A_463 iter_args(%scan3A_476 = %broadcast_in_dim3A_1) -> (vector<16xf32>)  : i32 {
            %mul3A_477 = arith.constant 16 : i32
            %mul3A_478 = arith.muli %scan3A_475, %mul3A_477 : i32
            %get3A = arith.index_cast %mul3A_478 : i32 to index
            %get3A_479 = tpu.vector_load %arg5[%get3A] {strides = array<i32>} : memref<32768xf32, #tpu.memory_space<vmem>>, vector<16xf32>,
            %sub3A_480 = vector.broadcast %mul3A_459 : f32 to vector<16xf32>
            %sub3A_481 = arith.subf %get3A_479, %sub3A_480 : vector<16xf32>
            %max3A = arith.constant 0.000000e+00 : f32
            %max3A_482 = vector.broadcast %max3A : f32 to vector<16xf32>
            %max3A_483 = arith.maximumf %sub3A_481, %max3A_482 : vector<16xf32>
            %add3A_484 = arith.addf %scan3A_476, %max3A_483 : vector<16xf32>
            scf.yield %add3A_484 : vector<16xf32>
          }
          %scan3A_465 = arith.constant 2048 : i32
          %reduce_sum3A_466 = arith.constant true
          %reduce_sum3A_467 = vector.broadcast %reduce_sum3A_466 : i1 to vector<16xi1>
          %reduce_sum3A_468 = tpu.scan <sum>, %scan3A_464 masked %reduce_sum3A_467 : vector<16xf32>, vector<16xi1> -> vector<16xf32>
          %reduce_sum3A_469 = vector.extract %reduce_sum3A_468[15] : f32 from vector<16xf32>
          %sub3A_470 = arith.constant 1.000000e+00 : f32
          %sub3A_471 = arith.subf %reduce_sum3A_469, %sub3A_470 : f32
          %ge3A = arith.constant 0.000000e+00 : f32
          %ge3A_472 = arith.cmpf oge, %sub3A_471, %ge3A : f32
          %select_n3A_473 = arith.select %ge3A_472, %mul3A_459, %scan3A_455 : f32
          %select_n3A_474 = arith.select %ge3A_472, %scan3A_456, %mul3A_459 : f32
          scf.yield %select_n3A_473, %select_n3A_474 : f32, f32
        }
        %scan3A_434 = arith.constant 30 : i32
        %scan3A_435 = arith.constant 0 : i32
        %scan3A_436 = arith.constant 2048 : i32
        %scan3A_437 = arith.addi %scan3A_435, %scan3A_436 : i32
        %scan3A_438 = arith.constant 1 : i32
        %scan3A_439:2 = scf.for %scan3A_454 = %scan3A_435 to %scan3A_437 step %scan3A_438 iter_args(%scan3A_455 = %broadcast_in_dim3A_1, %scan3A_456 = %broadcast_in_dim3A_1) -> (vector<16xf32>, vector<16xf32>)  : i32 {
          %mul3A_457 = arith.constant 16 : i32
          %mul3A_458 = arith.muli %scan3A_454, %mul3A_457 : i32
          %get3A = arith.index_cast %mul3A_458 : i32 to index
          %get3A_459 = tpu.vector_load %arg5[%get3A] {strides = array<i32>} : memref<32768xf32, #tpu.memory_space<vmem>>, vector<16xf32>,
          %gt3A_460 = vector.broadcast %scan3A_433#0 : f32 to vector<16xf32>
          %gt3A_461 = arith.cmpf ogt, %get3A_459, %gt3A_460 : vector<16xf32>
          %jit3A_462 = arith.constant 0.000000e+00 : f32
          %broadcast_in_dim3A_463 = vector.broadcast %jit3A_462 : f32 to vector<16xf32>
          %select_n3A_464 = arith.select %gt3A_461, %get3A_459, %broadcast_in_dim3A_463 : vector<16xi1>, vector<16xf32>
          %add3A_465 = arith.addf %scan3A_455, %select_n3A_464 : vector<16xf32>
          %jit3A_466 = arith.constant 1.000000e+00 : f32
          %jit3A_467 = arith.constant 0.000000e+00 : f32
          %broadcast_in_dim3A_468 = vector.broadcast %jit3A_466 : f32 to vector<16xf32>
          %broadcast_in_dim3A_469 = vector.broadcast %jit3A_467 : f32 to vector<16xf32>
          %select_n3A_470 = arith.select %gt3A_461, %broadcast_in_dim3A_468, %broadcast_in_dim3A_469 : vector<16xi1>, vector<16xf32>
          %add3A_471 = arith.addf %scan3A_456, %select_n3A_470 : vector<16xf32>
          scf.yield %add3A_465, %add3A_471 : vector<16xf32>, vector<16xf32>
        }
        %scan3A_440 = arith.constant 2048 : i32
        %reduce_sum3A = arith.constant true
        %reduce_sum3A_441 = vector.broadcast %reduce_sum3A : i1 to vector<16xi1>
        %reduce_sum3A_442 = tpu.scan <sum>, %scan3A_439#0 masked %reduce_sum3A_441 : vector<16xf32>, vector<16xi1> -> vector<16xf32>
        %reduce_sum3A_443 = vector.extract %reduce_sum3A_442[15] : f32 from vector<16xf32>
        %broadcast_in_dim3A_444 = vector.broadcast %reduce_sum3A_443 : f32 to vector<16xf32>
        %sub3A_445 = arith.constant 1.000000e+00 : f32
        %sub3A_446 = vector.broadcast %sub3A_445 : f32 to vector<16xf32>
        %sub3A_447 = arith.subf %broadcast_in_dim3A_444, %sub3A_446 : vector<16xf32>
        %reduce_sum3A_448 = arith.constant true
        %reduce_sum3A_449 = vector.broadcast %reduce_sum3A_448 : i1 to vector<16xi1>
        %reduce_sum3A_450 = tpu.scan <sum>, %scan3A_439#1 masked %reduce_sum3A_449 : vector<16xf32>, vector<16xi1> -> vector<16xf32>
        %reduce_sum3A_451 = vector.extract %reduce_sum3A_450[15] : f32 from vector<16xf32>
        %broadcast_in_dim3A_452 = vector.broadcast %reduce_sum3A_451 : f32 to vector<16xf32>
        %div3A_453 = arith.divf %sub3A_447, %broadcast_in_dim3A_452 : vector<16xf32>
        scf.yield %div3A_453 : vector<16xf32>
      }
      scf.yield %cond3A_425 : vector<16xf32>
    }
    %convert_element_type3A_399 = arith.extui %le3A_385 : i1 to i32
    %cond3A_400 = arith.constant 0 : i32
    %cond3A_401 = arith.cmpi ne, %convert_element_type3A_399, %cond3A_400 : i32
    scf.if %cond3A_401 {
      %while3A = arith.constant 0 : i32
      %while3A_422 = arith.constant 0 : i32
      %while3A_423 = arith.subi %shift_right_logical3A_392, %while3A : i32
      %while3A_424 = arith.addi %while3A, %while3A_423 : i32
      %while3A_425 = arith.constant 1 : i32
      %while3A_426 = arith.divsi %while3A_423, %while3A_425 : i32
      %while3A_427 = arith.muli %while3A_426, %while3A_425 : i32
      %while3A_428 = arith.addi %while3A, %while3A_427 : i32
      %while3A_429 = arith.constant 1 : i32
      %while3A_430 = scf.for %while3A_433 = %while3A to %while3A_428 step %while3A_429 iter_args(%while3A_434 = %while3A_422) -> (i32)  : i32 {
        %mul3A_435 = arith.constant 16 : i32
        %mul3A_436 = arith.muli %while3A_433, %mul3A_435 : i32
        %get3A = arith.index_cast %mul3A_436 : i32 to index
        %get3A_437 = tpu.vector_load %arg9[%get3A] {strides = array<i32>} : memref<1040xf32, #tpu.memory_space<vmem>>, vector<16xf32>,
        %sub3A_438 = arith.subf %get3A_437, %cond3A_398 : vector<16xf32>
        %max3A = arith.constant 0.000000e+00 : f32
        %max3A_439 = vector.broadcast %max3A : f32 to vector<16xf32>
        %max3A_440 = arith.maximumf %sub3A_438, %max3A_439 : vector<16xf32>
        %add3A_441 = vector.broadcast %mul3A_436 : i32 to vector<16xi32>
        %add3A_442 = arith.addi %add3A_441, %iota3A : vector<16xi32>
        %lt3A = vector.broadcast %scan3A_382 : i32 to vector<16xi32>
        %lt3A_443 = arith.cmpi slt, %add3A_442, %lt3A : vector<16xi32>
        %get3A_444 = arith.index_cast %mul3A_436 : i32 to index
        %get3A_445 = tpu.vector_load %arg11[%get3A_444] {strides = array<i32>} : memref<1040xi32, #tpu.memory_space<vmem>>, vector<16xi32>,
        tpu.vector_store_idx %arg6[%get3A_445], %max3A_440 masked %lt3A_443 : memref<32768xf32, #tpu.memory_space<vmem>>[vector<16xi32>], vector<16xf32>, vector<16xi1>
        %while3A_446 = arith.constant 0 : i32
        scf.yield %while3A_446 : i32
      }
      %while3A_431 = arith.constant 1 : i32
      %while3A_432 = scf.for %while3A_433 = %while3A_428 to %while3A_424 step %while3A_431 iter_args(%while3A_434 = %while3A_430) -> (i32)  : i32 {
        %mul3A_435 = arith.constant 16 : i32
        %mul3A_436 = arith.muli %while3A_433, %mul3A_435 : i32
        %get3A = arith.index_cast %mul3A_436 : i32 to index
        %get3A_437 = tpu.vector_load %arg9[%get3A] {strides = array<i32>} : memref<1040xf32, #tpu.memory_space<vmem>>, vector<16xf32>,
        %sub3A_438 = arith.subf %get3A_437, %cond3A_398 : vector<16xf32>
        %max3A = arith.constant 0.000000e+00 : f32
        %max3A_439 = vector.broadcast %max3A : f32 to vector<16xf32>
        %max3A_440 = arith.maximumf %sub3A_438, %max3A_439 : vector<16xf32>
        %add3A_441 = vector.broadcast %mul3A_436 : i32 to vector<16xi32>
        %add3A_442 = arith.addi %add3A_441, %iota3A : vector<16xi32>
        %lt3A = vector.broadcast %scan3A_382 : i32 to vector<16xi32>
        %lt3A_443 = arith.cmpi slt, %add3A_442, %lt3A : vector<16xi32>
        %get3A_444 = arith.index_cast %mul3A_436 : i32 to index
        %get3A_445 = tpu.vector_load %arg11[%get3A_444] {strides = array<i32>} : memref<1040xi32, #tpu.memory_space<vmem>>, vector<16xi32>,
        tpu.vector_store_idx %arg6[%get3A_445], %max3A_440 masked %lt3A_443 : memref<32768xf32, #tpu.memory_space<vmem>>[vector<16xi32>], vector<16xf32>, vector<16xi1>
        %while3A_446 = arith.constant 0 : i32
        scf.yield %while3A_446 : i32
      }
    } else {
      %parallel_loop3A_422 = arith.constant 0 : i32
      %parallel_loop3A_423 = arith.constant 2048 : i32
      %parallel_loop3A_424 = arith.constant 1 : i32
      scf.for %parallel_loop3A_425 = %parallel_loop3A_422 to %parallel_loop3A_423 step %parallel_loop3A_424  : i32 {
        %parallel_loop3A_426 = arith.constant 16 : i32
        %parallel_loop3A_427 = arith.muli %parallel_loop3A_425, %parallel_loop3A_426 : i32
        %parallel_loop3A_428 = arith.index_cast %parallel_loop3A_427 : i32 to index
        %parallel_loop3A_429 = tpu.vector_load %arg5[%parallel_loop3A_428] {strides = array<i32>} : memref<32768xf32, #tpu.memory_space<vmem>>, vector<16xf32>,
        %parallel_loop3A_430 = arith.subf %parallel_loop3A_429, %cond3A_398 : vector<16xf32>
        %parallel_loop3A_431 = arith.constant 0.000000e+00 : f32
        %parallel_loop3A_432 = vector.broadcast %parallel_loop3A_431 : f32 to vector<16xf32>
        %parallel_loop3A_433 = arith.maximumf %parallel_loop3A_430, %parallel_loop3A_432 : vector<16xf32>
        %parallel_loop3A_434 = arith.constant 16 : i32
        %parallel_loop3A_435 = arith.muli %parallel_loop3A_425, %parallel_loop3A_434 : i32
        %parallel_loop3A_436 = arith.index_cast %parallel_loop3A_435 : i32 to index
        %parallel_loop3A_437 = tpu.vector_load %arg6[%parallel_loop3A_436] {strides = array<i32>} : memref<32768xf32, #tpu.memory_space<vmem>>, vector<16xf32>,
        tpu.vector_store %arg6[%parallel_loop3A_436], %parallel_loop3A_433 {strides = array<i32>} : memref<32768xf32, #tpu.memory_space<vmem>>, vector<16xf32>,
      } {sc.loop_unroll_factor = 8 : i64, sc.parallel_access}
    }
    %mul3A_402 = arith.constant 4 : i32
    %mul3A_403 = arith.muli %add3A, %mul3A_402 : i32
    %add3A_404 = arith.constant 3 : i32
    %add3A_405 = arith.addi %mul3A_403, %add3A_404 : i32
    %dma_start3A_406 = arith.constant 0 : i32
    %dma_start3A_407 = tpu.memref_slice %arg3[%add3A_405, %dma_start3A_406] : memref<128x32768xf32, #tpu.memory_space<hbm>> -> memref<1x32768xf32, #tpu.memory_space<hbm>>
    %dma_start3A_408 = tpu.memref_squeeze %dma_start3A_407 : memref<1x32768xf32, #tpu.memory_space<hbm>> -> memref<32768xf32, #tpu.memory_space<hbm>>
    %dma_start3A_409 = arith.constant 0 : i32
    %dma_start3A_410 = tpu.memref_slice %arg3[%add3A_405, %dma_start3A_409] : memref<128x32768xf32, #tpu.memory_space<hbm>> -> memref<1x32768xf32, #tpu.memory_space<hbm>>
    %dma_start3A_411 = tpu.memref_squeeze %dma_start3A_410 : memref<1x32768xf32, #tpu.memory_space<hbm>> -> memref<32768xf32, #tpu.memory_space<hbm>>
    tpu.enqueue_dma source(%arg6 : memref<32768xf32, #tpu.memory_space<vmem>>) target(%dma_start3A_411 : memref<32768xf32, #tpu.memory_space<hbm>>) target_semaphore(%arg14 : memref<!tpu.dma_semaphore, #tpu.memory_space<semaphore_mem>>)
    %mul3A_412 = arith.constant 4 : i32
    %mul3A_413 = arith.muli %add3A, %mul3A_412 : i32
    %add3A_414 = arith.constant 3 : i32
    %add3A_415 = arith.addi %mul3A_413, %add3A_414 : i32
    %dma_wait3A_416 = arith.constant 0 : i32
    %dma_wait3A_417 = tpu.memref_slice %arg3[%add3A_415, %dma_wait3A_416] : memref<128x32768xf32, #tpu.memory_space<hbm>> -> memref<1x32768xf32, #tpu.memory_space<hbm>>
    %dma_wait3A_418 = tpu.memref_squeeze %dma_wait3A_417 : memref<1x32768xf32, #tpu.memory_space<hbm>> -> memref<32768xf32, #tpu.memory_space<hbm>>
    %dma_wait3A_419 = arith.constant 0 : i32
    %dma_wait3A_420 = tpu.memref_slice %arg3[%add3A_415, %dma_wait3A_419] : memref<128x32768xf32, #tpu.memory_space<hbm>> -> memref<1x32768xf32, #tpu.memory_space<hbm>>
    %dma_wait3A_421 = tpu.memref_squeeze %dma_wait3A_420 : memref<1x32768xf32, #tpu.memory_space<hbm>> -> memref<32768xf32, #tpu.memory_space<hbm>>
    tpu.wait_dma2 semaphore(%arg14 : memref<!tpu.dma_semaphore, #tpu.memory_space<semaphore_mem>>) src(%arg6 : memref<32768xf32, #tpu.memory_space<vmem>>) dst(%dma_wait3A_421 : memref<32768xf32, #tpu.memory_space<hbm>>)
    return
  }
}

</mosaic_0001>

<sc_bundles>
// kernel: kernel.3.cloned.1.call-start
scs
__scs_entry_jumppad:
0x0: {  	(pc) =	sbr.rel $0x88, $3  }
0x1: {  	(tag) =	ssettag $0x0;
	lr =	simm.s32 $0x1  }
0x2: {  	[smem:$0x3FA0] =	sst lr;
	_ =	strace $0xD0000000  }
0x3: {  	_ = 	snop  }
0x4: {  	_ = 	snop  }
0x5: {  	_ = 	snop  }
0x6: {  	_ = 	snop  }
0x7: {  	_ = 	snop  }
__scs_overlays_trampoline_lowered:
0x8: {  	[smem:$0x3FAF] =	sst s0  }
0x9: {  	[smem:$0x3FB0] =	sst s1  }
0xa: {  	[smem:$0x3FB1] =	sst s2  }
0xb: {  	[smem:$0x3FB2] =	sst s3  }
0xc: {  	[smem:$0x3FB3] =	sst s4  }
0xd: {  	[smem:$0x3FB4] =	sst s5  }
0xe: {  	[smem:$0x3FB5] =	sst s6  }
0xf: {  	[smem:$0x3FB6] =	sst s7  }
0x10: {  	[smem:$0x3FB7] =	sst s8  }
0x11: {  	[smem:$0x3FB8] =	sst s9;
	s0 =	simm.s32 @!p0 $0x0  }
0x12: {  	s1 =	sld [smem:$0x3F9E];
	s0 =	simm.s32 @p0 $0x1  }
0x13: {  	[smem:$0x3FB9] =	sst s0;
	s0 =	simm.s32 @!p1 $0x0  }
0x14: {  	s2 =	sld [smem:$0x3F9D];
	s0 =	simm.s32 @p1 $0x1  }
0x15: {  	[smem:$0x3FBA] =	sst s0;
	s0 =	simm.s32 @!p2 $0x0  }
0x16: {  	s3 =	sld [smem:$0x3FDB];
	s0 =	simm.s32 @p2 $0x1  }
0x17: {  	s4 =	simm.s32 $0x1BF5;
	[smem:$0x3FBC] =	sst s0  }
0x18: {  	s0 =	sld [smem:$0x3F9F];
	_ =	swait.ge [sflag:s4], $0x0  }
0x19: {  	s7 =	sld [smem:$0x3FA0]  }
0x1a: {  	s8 =	sadd.s32 $0xFFFFE003, lr  }
0x1b: {  	s9 =	sadd.s32 $0xFFFFFEF7, lr;
	s5 =	simm.s32 $0xFFFFFFFF;
	p2 =	slt.u32 s8, $0xFFFFF086  }
0x1c: {  	p1 =	slt.u32 s9, $0xF7A;
	s5 =	simm.s32 @!p2 $0x0  }
0x1d: {  	s5 =	simm.s32 @p1 $0x1;
	p0 =	seq.s32 s7, s2  }
0x1e: {  	s7 =	smul.u32 @!p0 $0xF7A, s2;
	p2 =	seq.s32 @!p0 s5, $0x0  }
0x1f: {  	s9 =	smul.u32 $0xF7A, s1;
	s8 =	simm.s32 @!p0 $0x1BF5;
	p2 =	por !p2, p0  }
0x20: {  	[sflag:s8] =	ssyncset.s32 @!p0 $0xFFFFF086;
	s6 =	sadd.s32 @!p0 s3, s7;
	s7 =	simm.s32 @!p0 $0x108  }
0x21: {  	s3 =	sadd.s32 s3, s9;
	s6 =	sadd.s32 @!p0 $0x88, s6;
	s7 =	simm.s32 @p2 $0x1082  }
0x22: {  	[simem:s7], [sflag:s8] =	dma.local @!p0 [hbm:s6], $0xF7A  }
0x23: {  	s9 =	sor.u32 $0xD0000000, s2;
	s6 =	simm.s32 $0x108;
	_ =	swait.ge @!p0 [sflag:s8], $0x0  }
0x24: {  	s3 =	sadd.s32 $0x88, s3;
	s6 =	simm.s32 @!p1 $0x1082;
	[sflag:s4] =	ssyncset.s32 $0xFFFFF086  }
0x25: {  	[simem:s6], [sflag:s4] =	dma.local [hbm:s3], $0xF7A  }
0x26: {  	[smem:$0x3FA0] =	sst s1;
	(tag) =	ssettag s2;
	_ =	strace s9  }
0x27: {  	s1 =	sld [smem:$0x3FB0]  }
0x28: {  	s2 =	sld [smem:$0x3FB1]  }
0x29: {  	s4 =	sld [smem:$0x3FB3]  }
0x2a: {  	p0 =	seq.s32 s5, $0x0;
	s5 =	sld [smem:$0x3FB4]  }
0x2b: {  	s6 =	sld [smem:$0x3FB5]  }
0x2c: {  	s7 =	sld [smem:$0x3FB6]  }
0x2d: {  	s3 =	simm.s32 $0x108;
	s8 =	sld [smem:$0x3FB7]  }
0x2e: {  	s3 =	simm.s32 @!p0 $0x1082;
	s9 =	sld [smem:$0x3FB8]  }
0x2f: {  	lr =	sadd.s32 s0, s3;
	s0 =	sld [smem:$0x3FAF]  }
0x30: {  	s3 =	sld [smem:$0x3FB2]  }
0x31: {  	[smem:$0x3FBB] =	sst s10  }
0x32: {  	s10 =	sld [smem:$0x3FB9];
	_ =	sdelay $0x3  }
0x33: {  	p0 =	seq.s32 s10, $0x1;
	s10 =	sld [smem:$0x3FBB];
	_ =	sdelay $0x3  }
0x34: {  	[smem:$0x3FBB] =	sst s10  }
0x35: {  	s10 =	sld [smem:$0x3FBA];
	_ =	sdelay $0x3  }
0x36: {  	p1 =	seq.s32 s10, $0x1;
	s10 =	sld [smem:$0x3FBB];
	_ =	sdelay $0x3  }
0x37: {  	[smem:$0x3FBB] =	sst s10  }
0x38: {  	s10 =	sld [smem:$0x3FBC]  }
0x39: {  	_ = 	snop;
	(pc) =	sbr.ind lr, $3  }
0x3a: {  	_ = 	snop  }
0x3b: {  	_ = 	snop  }
0x3c: {  	p2 =	seq.s32 s10, $0x1;
	s10 =	sld [smem:$0x3FBB]  }
0x3d: {  	_ =	shalt  }
0x3e: {  	_ =	shalt  }
0x3f: {  	_ =	shalt  }
0x40: {  	_ =	shalt  }
0x41: {  	_ =	shalt  }
0x42: {  	_ =	shalt  }
0x43: {  	_ =	shalt  }
0x44: {  	_ =	shalt  }
0x45: {  	_ =	shalt  }
0x46: {  	_ =	shalt  }
0x47: {  	_ =	shalt  }
0x48: {  	_ =	shalt  }
0x49: {  	_ =	shalt  }
0x4a: {  	_ =	shalt  }
0x4b: {  	_ =	shalt  }
0x4c: {  	_ =	shalt  }
0x4d: {  	_ =	shalt  }
0x4e: {  	_ =	shalt  }
0x4f: {  	_ =	shalt  }
0x50: {  	_ =	shalt  }
0x51: {  	_ =	shalt  }
0x52: {  	_ =	shalt  }
0x53: {  	_ =	shalt  }
0x54: {  	_ =	shalt  }
0x55: {  	_ =	shalt  }
0x56: {  	_ =	shalt  }
0x57: {  	_ =	shalt  }
0x58: {  	_ =	shalt  }
0x59: {  	_ =	shalt  }
0x5a: {  	_ =	shalt  }
0x5b: {  	_ =	shalt  }
0x5c: {  	_ =	shalt  }
0x5d: {  	_ =	shalt  }
0x5e: {  	_ =	shalt  }
0x5f: {  	_ =	shalt  }
0x60: {  	_ =	shalt  }
0x61: {  	_ =	shalt  }
0x62: {  	_ =	shalt  }
0x63: {  	_ =	shalt  }
0x64: {  	_ =	shalt  }
0x65: {  	_ =	shalt  }
0x66: {  	_ =	shalt  }
0x67: {  	_ =	shalt  }
0x68: {  	_ =	shalt  }
0x69: {  	_ =	shalt  }
0x6a: {  	_ =	shalt  }
0x6b: {  	_ =	shalt  }
0x6c: {  	_ =	shalt  }
0x6d: {  	_ =	shalt  }
0x6e: {  	_ =	shalt  }
0x6f: {  	_ =	shalt  }
0x70: {  	_ =	shalt  }
0x71: {  	_ =	shalt  }
0x72: {  	_ =	shalt  }
0x73: {  	_ =	shalt  }
0x74: {  	_ =	shalt  }
0x75: {  	_ =	shalt  }
0x76: {  	_ =	shalt  }
0x77: {  	_ =	shalt  }
0x78: {  	_ =	shalt  }
0x79: {  	_ =	shalt  }
0x7a: {  	_ =	shalt  }
0x7b: {  	_ =	shalt  }
0x7c: {  	_ =	shalt  }
0x7d: {  	_ =	shalt  }
0x7e: {  	_ =	shalt  }
0x7f: {  	_ =	shalt  }
0x80: {  	_ =	shalt  }
0x81: {  	_ =	shalt  }
0x82: {  	_ =	shalt  }
0x83: {  	_ =	shalt  }
0x84: {  	_ =	shalt  }
0x85: {  	_ =	shalt  }
0x86: {  	_ =	shalt  }
0x87: {  	_ =	shalt  }
.Lfunc_end0:
.L_simem_size_0:
called_computation_lowered:
.L_overlay_start_0:
0x88: {  	s2 =	sld [smem:$0x3FD9]  }
0x89: {  	s3 =	sld [smem:$0x3FFE];
	_ =	sdelay $0x1  }
0x8a: {  	s1 =	srdreg.scid  }
0x8b: {  	s0 =	sand.u32 $0x1, s1  }
0x8c: {  	s18 =	sshll.u32 s0, $0xA;
	s2 =	sadd.s32 s3, s2  }
0x8d: {  	s2 =	sadd.s32 s2, s18  }
0x8e: {  	[smem:$0x3FC7] =	sst s2  }
0x8f: {  	_ = 	snop  }
0x90: {  	s2 =	sld [smem:$0x3FC9]  }
0x91: {  	s19 =	sld [smem:$0x3FD0];
	(tm) =	ssettm $0x1  }
0x92: {  	s4 =	sld [smem:$0x3FFB];
	_ =	sdelay $0x3  }
0x93: {  	_ =	strace s4  }
0x94: {  	s4 =	sld [smem:$0x3FFC];
	_ =	sdelay $0x3  }
0x95: {  	_ =	strace s4  }
0x96: {  	s4 =	sld [smem:$0x3FFD];
	_ =	sdelay $0x3  }
0x97: {  	_ =	strace s4  }
0x98: {  	_ =	strace $0x8FFFFFFF  }
0x99: {  	s20 =	sld [smem:$0x3FDB];
	_ =	sdelay $0x1  }
0x9a: {  	s5 =	simm.s32 $_scs_section_size  }
0x9b: {  	s6 =	simm.s32 $_size__tile_overlayer_lowered;
	s7 =	simm.s32 $_tile_overlayer_lowered  }
0x9c: {  	s23 =	simm.s32 $0x1BFF;
	s22 =	sshll.u32 s7, $0x1;
	s4 =	sadd.s32 s5, s20  }
0x9d: {  	s8 =	simm.s32 $0x0;
	s21 =	sshll.u32 s6, $0x1;
	s6 =	sadd.s32 s22, s4  }
0x9e: {  	[timem:s8], [sflag:s23] =	dma.local [hbm:s6], s21  }
0x9f: {  	_ =	swait.ge [sflag:s23], s21  }
0xa0: {  	s5 =	ssub.s32 $0x0, s21;
	[sflag:s23] =	ssyncset.done $0x0  }
0xa1: {  	[sflag:s23] =	ssyncadd.s32 s5;
	_ =	sdelay $0x1  }
0xa2: {  	s24 =	simm.s32 $0x1B8B  }
0xa3: {  	_ =	swait.ge [sflag:s24], $0x1  }
0xa4: {  	[sflag:s24] =	ssyncset.done $0x0  }
0xa5: {  	s25 =	simm.s32 $0x1B8E;
	[sflag:s24] =	ssyncadd.s32 $0xFFFFFFFF  }
0xa6: {  	s26 =	simm.s32 $execute0_lowered;
	[smem:$0x3FD2] =	sst s25  }
0xa7: {  	s5 =	sshll.u32 s26, $0x1;
	_ =	strace $0x80000046;
	[dreg:$0x1] =	wrdreg $0xFFFFFFFF  }
0xa8: {  	s28 =	simm.s32 $_size_execute0_lowered;
	s4 =	sadd.s32 s4, s5;
	[dreg:$0x0] =	wrdreg $0x0  }
0xa9: {  	s5 =	sshll.u32 s28, $0x1;
	[dreg:$0x2] =	wrdreg s4  }
0xaa: {  	[dreg:$0x3] =	wrdreg s5  }
0xab: {  	[dreg:$0x4] =	wrdreg $0xC0  }
0xac: {  	_ =	task [dreg:s8], $0x5FFFF  }
0xad: {  	[dreg:$0x1] =	wrdreg $0xFFFFFFFF  }
0xae: {  	[dreg:$0x0] =	wrdreg $0x60  }
0xaf: {  	[dreg:$0x2] =	wrdreg s2  }
0xb0: {  	[dreg:$0x3] =	wrdreg s19  }
0xb1: {  	[dreg:$0x4] =	wrdreg $0x9  }
0xb2: {  	_ =	task.clear_ibuf [dreg:s8], $0x5FFFF;
	_ =	strace $0x90000046  }
0xb3: {  	s29 =	simm.s32 $0x9;
	_ =	strace $0x80000048  }
0xb4: {  	_ =	swait.ge [sflag:s29], $0x1  }
0xb5: {  	[sflag:s29] =	ssyncadd.s32 $0xFFFFFFFF  }
0xb6: {  	_ =	strace $0x90000048  }
0xb7: {  	_ =	sfence  }
0xb8: {  	s30 =	sld [smem:$0x0];
	_ =	sdelay $0x2  }
0xb9: {  	s31 =	sshll.u32 s1, $0xD;
	s1 =	sshrl.u32 s1, $0x2  }
0xba: {  	s3 =	sand.u32 $0x4000, s31;
	s1 =	sadd.s32 s1, s30  }
0xbb: {  	s0 =	sor.u32 s3, s0;
	s1 =	sshll.u32 s1, $0x11  }
0xbc: {  	s0 =	sor.u32 s1, s0  }
0xbd: {  	s0 =	sadd.s32 $0x8F2B, s0  }
0xbe: {  	[sflag:s0] =	ssyncadd.remote.s32 $0x1  }
0xbf: {  	_ =	sfence.sel $0xFFFF  }
0xc0: {  	[dreg:$0x0] =	wrdreg $0xFFFFFFFF;
	(pc) =	sbr.abs _section_cstart, $3  }
0xc1: {  	[dreg:$0x1] =	wrdreg $0xFFFFFFFF  }
0xc2: {  	_ =	task.clear_ibuf [dreg:s8], $0x2FFFF;
	_ =	strace $0x9FFFFFFF  }
0xc3: {  	(tm) =	ssettm $0x7FFFFFFF  }
tec
execute0_lowered:
.L_overlay_start_1:
0x0: {  	(tag) =	ssettag $0x1  }
0x1: {  	v0 =	vimm.f32 $1.600000000e+01;
	vm0 =	vcmask $0x300  }
0x2: {  	vm14 =	vcmask $0x704;
	v0 =	vsel vm0, $0x3F800000, v0  }
0x3: {  	vm15 =	vcmask $0xB08;
	v0 =	vsel vm14, $0x40000000, v0  }
0x4: {  	s0 =	rddreg [dreg:$0x0];
	vm4 =	vcmask $0xF0C;
	v0 =	vsel vm15, $0x40400000, v0  }
0x5: {  	s2 =	rddreg [dreg:$0x1];
	vm5 =	vcmask $0x1310;
	v0 =	vsel vm4, $0x40800000, v0  }
0x6: {  	s1 =	simm.s32 $0x0;
	s3 =	srdreg.scid;
	vm6 =	vcmask $0x1714;
	s5 =	stileid.u32;
	v0 =	vsel vm5, $0x40A00000, v0  }
0x7: {  	vm7 =	vcmask $0x1B18;
	s12 =	simm.s32 $0x80;
	s13 =	simm.s32 $0x400;
	s14 =	simm.s32 $0x8000;
	v0 =	vsel vm6, $0x40C00000, v0  }
0x8: {  	vm8 =	vcmask $0x1F1C;
	s15 =	simm.s32 $0x1;
	s16 =	simm.s32 $0x10000;
	s17 =	simm.s32 $0x2;
	v0 =	vsel vm7, $0x40E00000, v0  }
0x9: {  	vm9 =	vcmask $0x2320;
	s18 =	simm.s32 $0x3;
	s19 =	simm.s32 $0x0;
	s3 =	sand.u32 $0x1, s3;
	v0 =	vsel vm8, $0x41000000, v0  }
0xa: {  	vm10 =	vcmask $0x2724;
	[smem:$0x7FF] =	sst s1;
	s5 =	sshll.u32 s5, $0xF;
	s4 =	ssub.s32 $0x2, s3;
	v0 =	vsel vm9, $0x41100000, v0  }
0xb: {  	vm11 =	vcmask $0x2B28;
	s3 =	sshll.u32 s3, $0x6;
	_ =	strace $0x80000047;
	s6 =	sshrl.u32 s4, $0x1;
	v0 =	vsel vm10, $0x41200000, v0  }
.Ltmp0:
0xc: {  	vm12 =	vcmask $0x2F2C;
	s8 =	sor.u32 s3, s5;
	s11 =	ssub.s32 s4, s6;
	v0 =	vsel vm11, $0x41300000, v0;
	(pc) =	sbr.rel .LBB2_1-.Ltmp0, $4  }
0xd: {  	vm13 =	vcmask $0x3330;
	s3 =	sadd.s32 s0, s8;
	s7 =	sor.u32 $0x10, s8;
	s5 =	sadd.s32 s2, s8;
	v0 =	vsel vm12, $0x41400000, v0  }
0xe: {  	vm14 =	vcmask $0x3734;
	s9 =	sor.u32 $0x20, s8;
	s10 =	sor.u32 $0x30, s8;
	s4 =	sadd.s32 s0, s7;
	v0 =	vsel vm13, $0x41500000, v0  }
0xf: {  	vm15 =	vcmask $0x3B38;
	s6 =	sadd.s32 s0, s9;
	s7 =	sadd.s32 s2, s7;
	s8 =	sadd.s32 s0, s10;
	v2 =	vsel vm14, $0x41600000, v0  }
0x10: {  	v1 =	vlaneseq.u32;
	s9 =	sadd.s32 s2, s9;
	s10 =	sadd.s32 s2, s10;
	s11 =	smax.u32 s11, $0x1;
	v0 =	vimm.f32 $0.0e+00;
	v2 =	vsel vm15, $0x41700000, v2  }
.LBB2_177:
0x11: {  	v7 =	vor.u32 s20, v1  }
0x12: {  	vm0 =	vlt.s32 v7, v5;
	_ =	sdelay $0x2  }
0x13: {  	v3 =	vsub.f32 v6, v3;
	_ =	sdelay $0x1  }
0x14: {  	v3 =	vmax.f32 v3, $0.0e+00  }
0x15: {  	[tilespmem:v4+s16+$0x0] =	vst.idx.msk vm0, v3  }
.LBB2_202:
0x16: {  	s19 =	sadd.s32 $0x1, s19  }
0x17: {  	p0 =	sne.s32 s19, s11  }
.Ltmp1:
0x18: {  	_ = 	snop;
	(pc) =	sbr.rel @!p0 .LBB2_203-.Ltmp1, $4  }
0x19: {  	[hbm4b:s10+s12] =	stream.strided.scatter [tilespmem:s16], [sflag:$0x3], $0x8000, s13, s12, $0x38;
	[tilespmem:$0x19600] =	vst v63  }
0x1a: {  	_ =	swait.ge [sflag:s18], $0x8000  }
0x1b: {  	[sflag:s18] =	ssyncset.done $0x0  }
0x1c: {  	[sflag:s18] =	ssyncadd.s32 $0xFFFF8000  }
.LBB2_1:
0x1d: {  	[tilespmem:s1], [sflag:$0x1] =	stream.strided.gather [hbm4b:s3+s12], $0x8000, s13, s12, $0x38;
	[tilespmem:$0x19600] =	vst v63  }
0x1e: {  	s0 =	simm.s32 $0x10040  }
0x1f: {  	[tilespmem:s0+$0xFFFFFFC0] =	vst v0  }
0x20: {  	[tilespmem:s0+$0x30] =	vst v0  }
0x21: {  	[tilespmem:s0+$0x20] =	vst v0  }
0x22: {  	[tilespmem:s0+$0x10] =	vst v0  }
0x23: {  	[tilespmem:s0+$0x0] =	vst v0  }
0x24: {  	[tilespmem:s0+$0xFFFFFFF0] =	vst v0  }
0x25: {  	s20 =	simm.s32 $0x0;
	[tilespmem:s0+$0xFFFFFFE0] =	vst v0  }
.LBB2_2:
0x26: {  	s20 =	sadd.s32 $0x8, s20;
	[tilespmem:s0+$0xFFFFFFD0] =	vst v0;
	s0 =	sadd.s32 $0x80, s0  }
0x27: {  	[tilespmem:s0+$0xFFFFFFC0] =	vst v0;
	p0 =	slt.u32 s20, $0x7F8  }
0x28: {  	[tilespmem:s0+$0x30] =	vst v0  }
.Ltmp2:
0x29: {  	[tilespmem:s0+$0x20] =	vst v0;
	(pc) =	sbr.rel @p0 .LBB2_2-.Ltmp2, $4  }
0x2a: {  	[tilespmem:s0+$0x10] =	vst v0  }
0x2b: {  	[tilespmem:s0+$0x0] =	vst v0  }
0x2c: {  	[tilespmem:s0+$0xFFFFFFF0] =	vst v0  }
0x2d: {  	[tilespmem:s0+$0xFFFFFFE0] =	vst v0  }
0x2e: {  	[tilespmem:s0+$0xFFFFFFD0] =	vst v0  }
0x2f: {  	[tilespmem:s14], [sflag:$0x2] =	stream.strided.gather [hbm4b:s4+s12], $0x8000, s13, s12, $0x38;
	[tilespmem:$0x19600] =	vst v63  }
0x30: {  	_ =	swait.ge [sflag:s15], $0x8000  }
0x31: {  	[sflag:s15] =	ssyncset.done $0x0  }
0x32: {  	s31 =	simm.s32 $0x100;
	[sflag:s15] =	ssyncadd.s32 $0xFFFF8000  }
0x33: {  	v3 =	vld [tilespmem:s31+$0x70]  }
0x34: {  	v4 =	vld [tilespmem:s31+$0xF0]  }
0x35: {  	v5 =	vld [tilespmem:s31+$0xE0]  }
0x36: {  	v6 =	vld [tilespmem:s31+$0xD0]  }
0x37: {  	v7 =	vld [tilespmem:s31+$0xC0]  }
0x38: {  	v13 =	vld [tilespmem:s31+$0x0]  }
0x39: {  	v12 =	vld [tilespmem:s31+$0xFFFFFF10]  }
0x3a: {  	v14 =	vld [tilespmem:s31+$0xFFFFFF20]  }
0x3b: {  	v15 =	vld [tilespmem:s31+$0xFFFFFF30]  }
0x3c: {  	v8 =	vld [tilespmem:s31+$0xFFFFFF40]  }
0x3d: {  	v10 =	vld [tilespmem:s31+$0xFFFFFF50]  }
0x3e: {  	v9 =	vld [tilespmem:s31+$0xFFFFFF60]  }
0x3f: {  	v11 =	vld [tilespmem:s31+$0xFFFFFF70]  }
0x40: {  	v16 =	vld [tilespmem:s31+$0xFFFFFF80]  }
0x41: {  	v17 =	vld [tilespmem:s31+$0xFFFFFF90]  }
0x42: {  	v18 =	vld [tilespmem:s31+$0xB0]  }
0x43: {  	v19 =	vld [tilespmem:s31+$0x40]  }
0x44: {  	v20 =	vld [tilespmem:s31+$0xA0]  }
0x45: {  	v21 =	vld [tilespmem:s31+$0x50]  }
0x46: {  	v22 =	vld [tilespmem:s31+$0x60]  }
0x47: {  	v23 =	vld [tilespmem:s31+$0xFFFFFFC0]  }
0x48: {  	v24 =	vld [tilespmem:s31+$0xFFFFFFD0]  }
0x49: {  	v25 =	vld [tilespmem:s31+$0xFFFFFFE0]  }
0x4a: {  	v26 =	vld [tilespmem:s31+$0xFFFFFFF0]  }
0x4b: {  	v27 =	vld [tilespmem:s31+$0xFFFFFF00]  }
0x4c: {  	v28 =	vld [tilespmem:s31+$0x10];
	v4 =	vmax.f32 v5, v4  }
0x4d: {  	v5 =	vmax.f32 v7, v6;
	v7 =	vmax.f32 v16, v17;
	v16 =	vmax.f32 v9, v11;
	v9 =	vld [tilespmem:s31+$0x20]  }
0x4e: {  	v6 =	vmax.f32 v20, v18;
	v17 =	vmax.f32 v19, v21;
	v8 =	vmax.f32 v8, v10;
	v11 =	vld [tilespmem:s31+$0x30]  }
0x4f: {  	v18 =	vmax.f32 v22, v3;
	v3 =	vimm.f32 $-3.000000010e+38;
	v10 =	vld [tilespmem:s31+$0x90];
	v15 =	vmax.f32 v14, v15  }
0x50: {  	v14 =	vld [tilespmem:s31+$0xFFFFFFA0];
	v12 =	vmax.f32 v27, v12;
	v19 =	vmax.f32 v8, v16;
	v8 =	vmax.f32 v17, v18  }
0x51: {  	s22 =	simm.s32 $0x18010;
	s23 =	simm.s32 $0x0;
	v17 =	vmax.f32 v23, v24;
	v18 =	vmax.f32 v25, v26;
	v16 =	vld [tilespmem:s31+$0xFFFFFFB0];
	v63 =	vmax.f32 v12, v15  }
0x52: {  	s24 =	simm.s32 $0x300;
	s20 =	simm.s32 $0x18080;
	s21 =	simm.s32 $0x18010;
	v15 =	vmax.f32 v13, v28;
	v12 =	vmax.f32 v17, v18;
	v13 =	vmax.f32 v63, v19;
	v17 =	vld [tilespmem:s31+$0x80]  }
.LBB2_4:
0x53: {  	v18 =	vld [tilespmem:s24+$0x70];
	s23 =	sadd.s32 $0x2, s23;
	s22 =	sadd.s32 $0x20, s22  }
0x54: {  	v19 =	vld [tilespmem:s24+$0xF0];
	p0 =	slt.u32 s23, $0x7E  }
0x55: {  	v20 =	vld [tilespmem:s24+$0xE0]  }
0x56: {  	v9 =	vmax.f32 v9, v11;
	v4 =	vmax.f32 v5, v4;
	v21 =	vld [tilespmem:s24+$0xD0];
	v14 =	vmax.f32 v14, v16  }
0x57: {  	v9 =	vmax.f32 v15, v9;
	v5 =	vld [tilespmem:s24+$0xC0];
	v7 =	vmax.f32 v7, v14;
	v10 =	vmax.f32 v17, v10  }
0x58: {  	v8 =	vmax.f32 v9, v8;
	v15 =	vld [tilespmem:s24+$0x0];
	v7 =	vmax.f32 v7, v12;
	v6 =	vmax.f32 v10, v6  }
0x59: {  	v12 =	vld [tilespmem:s24+$0xFFFFFF10];
	v7 =	vmax.f32 v13, v7;
	v6 =	vmax.f32 v6, v4  }
0x5a: {  	v9 =	vld [tilespmem:s24+$0xFFFFFF20];
	v4 =	vmax.f32 v20, v19;
	[tilespmem:s21+$0xFFFFFFF0] =	vst v7;
	v3 =	vmax.f32 v3, v7;
	v6 =	vmax.f32 v8, v6  }
0x5b: {  	v10 =	vld [tilespmem:s24+$0xFFFFFF30];
	[tilespmem:s21+$0x0] =	vst v6;
	v3 =	vmax.f32 v3, v6;
	s21 =	smov.u32 s22  }
0x5c: {  	v8 =	vld [tilespmem:s24+$0xFFFFFF40];
	v5 =	vmax.f32 v5, v21  }
0x5d: {  	v11 =	vld [tilespmem:s24+$0xFFFFFF50]  }
0x5e: {  	v6 =	vld [tilespmem:s24+$0xFFFFFF60]  }
0x5f: {  	v13 =	vld [tilespmem:s24+$0xFFFFFF70]  }
0x60: {  	v7 =	vld [tilespmem:s24+$0xFFFFFF80]  }
0x61: {  	v14 =	vld [tilespmem:s24+$0xFFFFFF90]  }
0x62: {  	v16 =	vld [tilespmem:s24+$0xB0]  }
0x63: {  	v17 =	vld [tilespmem:s24+$0x40]  }
0x64: {  	v19 =	vld [tilespmem:s24+$0xA0]  }
0x65: {  	v20 =	vld [tilespmem:s24+$0x50]  }
0x66: {  	v21 =	vld [tilespmem:s24+$0x60]  }
0x67: {  	v7 =	vmax.f32 v7, v14;
	v22 =	vld [tilespmem:s24+$0xFFFFFFC0]  }
0x68: {  	v14 =	vld [tilespmem:s24+$0xFFFFFFD0]  }
0x69: {  	v13 =	vmax.f32 v6, v13;
	v23 =	vld [tilespmem:s24+$0xFFFFFFE0];
	v6 =	vmax.f32 v19, v16  }
0x6a: {  	v16 =	vld [tilespmem:s24+$0xFFFFFFF0];
	v17 =	vmax.f32 v17, v20  }
0x6b: {  	v8 =	vmax.f32 v8, v11;
	v19 =	vld [tilespmem:s24+$0xFFFFFF00];
	v11 =	vmax.f32 v21, v18  }
0x6c: {  	v13 =	vmax.f32 v8, v13;
	v18 =	vld [tilespmem:s24+$0x10];
	v8 =	vmax.f32 v17, v11  }
0x6d: {  	v17 =	vmax.f32 v9, v10;
	v20 =	vmax.f32 v22, v14;
	v9 =	vld [tilespmem:s24+$0x20]  }
.Ltmp3:
0x6e: {  	v11 =	vld [tilespmem:s24+$0x30];
	(pc) =	sbr.rel @p0 .LBB2_4-.Ltmp3, $4  }
0x6f: {  	v16 =	vmax.f32 v23, v16;
	v10 =	vld [tilespmem:s24+$0x90]  }
0x70: {  	v14 =	vld [tilespmem:s24+$0xFFFFFFA0];
	v19 =	vmax.f32 v19, v12;
	v12 =	vmax.f32 v20, v16  }
0x71: {  	v16 =	vld [tilespmem:s24+$0xFFFFFFB0];
	v17 =	vmax.f32 v19, v17;
	v15 =	vmax.f32 v15, v18  }
0x72: {  	v13 =	vmax.f32 v17, v13;
	v17 =	vld [tilespmem:s24+$0x80];
	s24 =	sadd.s32 $0x200, s24  }
0x73: {  	_ =	sdelay $0x2  }
0x74: {  	v9 =	vmax.f32 v9, v11;
	v14 =	vmax.f32 v14, v16  }
0x75: {  	v4 =	vmax.f32 v5, v4;
	v5 =	vmax.f32 v7, v14;
	v7 =	vmax.f32 v17, v10  }
0x76: {  	v9 =	vmax.f32 v15, v9;
	v5 =	vmax.f32 v5, v12;
	v6 =	vmax.f32 v7, v6  }
0x77: {  	v7 =	vmax.f32 v9, v8;
	v5 =	vmax.f32 v13, v5;
	v4 =	vmax.f32 v6, v4  }
0x78: {  	[tilespmem:s21+$0xFFFFFFF0] =	vst v5;
	v4 =	vmax.f32 v7, v4  }
0x79: {  	[tilespmem:s21+$0x0] =	vst v4  }
0x7a: {  	v9 =	vld [tilespmem:s20+$0xFFFFFF80]  }
0x7b: {  	v3 =	vmax.f32 v3, v5;
	v11 =	vld [tilespmem:s20+$0xFFFFFF90]  }
0x7c: {  	v3 =	vmax.f32 v3, v4;
	v4 =	vld [tilespmem:s20+$0xFFFFFFA0]  }
0x7d: {  	v5 =	vld [tilespmem:s20+$0xFFFFFFB0]  }
0x7e: {  	v6 =	vld [tilespmem:s20+$0xFFFFFFC0]  }
0x7f: {  	v7 =	vld [tilespmem:s20+$0xFFFFFFD0]  }
0x80: {  	v8 =	vld [tilespmem:s20+$0xFFFFFFE0]  }
0x81: {  	v10 =	vld [tilespmem:s20+$0xFFFFFFF0]  }
0x82: {  	v12 =	vld [tilespmem:s20+$0x0]  }
0x83: {  	v13 =	vld [tilespmem:s20+$0x10]  }
0x84: {  	v14 =	vld [tilespmem:s20+$0x20]  }
0x85: {  	v16 =	vld [tilespmem:s20+$0x30]  }
0x86: {  	v15 =	vld [tilespmem:s20+$0x40]  }
0x87: {  	v17 =	vld [tilespmem:s20+$0x50]  }
0x88: {  	v18 =	vld [tilespmem:s20+$0x60]  }
0x89: {  	s22 =	simm.s32 $0x0;
	s21 =	simm.s32 $0x40;
	v19 =	vld [tilespmem:s20+$0x70];
	s20 =	simm.s32 $0x18180  }
.LBB2_6:
0x8a: {  	v20 =	vld [tilespmem:s20+$0xFFFFFF80];
	p0 =	seq.s32 s21, $0x1C0  }
0x8b: {  	v21 =	vld [tilespmem:s20+$0xFFFFFF90]  }
0x8c: {  	v9 =	vmax.f32 v9, v11;
	v11 =	vmax.f32 v4, v5;
	v22 =	vmax.f32 v6, v7;
	v4 =	vld [tilespmem:s20+$0xFFFFFFA0]  }
0x8d: {  	v8 =	vmax.f32 v8, v10;
	v10 =	vmax.f32 v12, v13;
	v12 =	vmax.f32 v14, v16;
	v5 =	vld [tilespmem:s20+$0xFFFFFFB0]  }
0x8e: {  	v16 =	vmax.f32 v9, v11;
	v13 =	vmax.f32 v15, v17;
	v6 =	vld [tilespmem:s20+$0xFFFFFFC0];
	v14 =	vmax.f32 v18, v19  }
0x8f: {  	v10 =	vmax.f32 v10, v12;
	v15 =	vmax.f32 v22, v8;
	v7 =	vld [tilespmem:s20+$0xFFFFFFD0];
	v12 =	vmax.f32 v13, v14;
	v9 =	vmovc v20  }
0x90: {  	v13 =	vmax.f32 v16, v15;
	v8 =	vld [tilespmem:s20+$0xFFFFFFE0];
	v12 =	vmax.f32 v10, v12;
	v11 =	vmov v21  }
0x91: {  	s0 =	sshra.s32 s22, $0x2;
	s22 =	smov.u32 s21;
	v10 =	vld [tilespmem:s20+$0xFFFFFFF0];
	v13 =	vmax.f32 v13, v12  }
0x92: {  	v12 =	vld [tilespmem:s20+$0x0];
	[tilespmem:s0+$0x18800] =	vst v13  }
0x93: {  	v13 =	vld [tilespmem:s20+$0x10]  }
0x94: {  	v14 =	vld [tilespmem:s20+$0x20]  }
.Ltmp4:
0x95: {  	v16 =	vld [tilespmem:s20+$0x30];
	(pc) =	sbr.rel @!p0 .LBB2_6-.Ltmp4, $4  }
0x96: {  	v15 =	vld [tilespmem:s20+$0x40]  }
0x97: {  	v17 =	vld [tilespmem:s20+$0x50]  }
0x98: {  	v18 =	vld [tilespmem:s20+$0x60]  }
0x99: {  	s21 =	sadd.s32 $0x40, s21;
	v19 =	vld [tilespmem:s20+$0x70];
	s20 =	sadd.s32 $0x100, s20  }
0x9a: {  	_ = 	snop  }
0x9b: {  	(xrf0) =	vmax.scan.msk.f32 $0xffff, v3  }
0x9c: {  	v9 =	vmax.f32 v9, v11;
	v4 =	vmax.f32 v4, v5;
	v5 =	vmax.f32 v6, v7  }
0x9d: {  	v57 =	vmax.f32 v8, v10;
	v58 =	vmax.f32 v12, v13;
	v59 =	vmax.f32 v14, v16  }
0x9e: {  	v4 =	vmax.f32 v9, v4;
	v60 =	vmax.f32 v15, v17;
	v61 =	vmax.f32 v18, v19  }
0x9f: {  	v5 =	vmax.f32 v5, v57;
	v62 =	vmax.f32 v58, v59;
	v63 =	vmax.f32 v60, v61  }
0xa0: {  	v4 =	vmax.f32 v4, v5;
	v5 =	vmax.f32 v62, v63  }
0xa1: {  	s0 =	sshra.s32 s22, $0x2;
	v3, _, _ =	vpop (xrf0);
	v4 =	vmax.f32 v4, v5  }
0xa2: {  	[tilespmem:s0+$0x18800] =	vst v4;
	v4 =	vmul.f32 $1.442695020e+00, v3;
	_ =	sdelay $0x1  }
0xa3: {  	v4 =	vbroadcast v4, $0xF;
	_ =	sdelay $0x1  }
0xa4: {  	(erf) = vpow2.f32 v4;
	_ =	sdelay $0x8  }
0xa5: {  	v4 =	vpop (erf)  }
0xa6: {  	v5 =	vadd.f32 $-1.000000000e+00, v4;
	_ =	sdelay $0x1  }
0xa7: {  	(erf) = vrcp.f32 v5;
	_ =	sdelay $0x6  }
0xa8: {  	(v2sf) =	vpush v3, $0xF;
	_ =	sdelay $0x1  }
0xa9: {  	(v2sf) =	vpush v4, $0x0;
	v3 =	vpop (erf)  }
0xaa: {  	(v2sf) =	vpush v3, $0x0;
	_ =	sdelay $0xb  }
0xab: {  	s31 =	spop (v2sf)  }
0xac: {  	s2 =	sand.u32 $0x7FFFFFFF, s31  }
0xad: {  	s2 =	sadd.f32 $1.000000000e+00, s2;
	s22 =	spop (v2sf)  }
0xae: {  	s20 =	spop (v2sf)  }
0xaf: {  	s2 =	smul.f32 $-9.999999970e-07, s2;
	s0 =	ssub.f32 s31, s20  }
.Ltmp5:
0xb0: {  	_ = 	snop;
	(pc) =	sbr.rel .LBB2_8-.Ltmp5, $4  }
0xb1: {  	p0 =	sgt.f32 s22, $1.000000000e+00;
	s0 =	sadd.f32 s2, s0  }
0xb2: {  	_ = 	snop  }
0xb3: {  	s21 =	simm.s32 $0x0;
	s0 =	simm.s32 @!p0 $0xFF61B1E6  }
0xb4: {  	s23 =	simm.s32 $0x0;
	s24 =	simm.s32 $0x0;
	s20 =	simm.s32 $0x0;
	v3 =	vmov s0  }
.LBB2_14:
0xb5: {  	s24 =	sadd.s32 $0x1, s24  }
0xb6: {  	p0 =	sne.s32 s24, $0x8  }
.Ltmp6:
0xb7: {  	_ = 	snop;
	(pc) =	sbr.rel @!p0 .LBB2_15-.Ltmp6, $2  }
0xb8: {  	_ =	sdelay $0x2  }
0xb9: {  	s23 =	sadd.s32 $0x1000, s23;
	s21 =	sadd.s32 $0x1000, s21  }
.LBB2_8:
0xba: {  	s25 =	sshll.u32 s24, $0x4  }
0xbb: {  	v4 =	vld [tilespmem:s25+$0x18800];
	_ =	sdelay $0x4  }
0xbc: {  	vm0 =	vgt.f32 v4, v3  }
0xbd: {  	v4 =	vsel vm0, $0x3F800000, v0  }
0xbe: {  	(xrf0) =	vmax.scan.msk.f32 $0xffff, v4;
	_ =	sdelay $0x5  }
0xbf: {  	v4, _, _ =	vpop (xrf0)  }
0xc0: {  	(v2sf) =	vpush v4, $0xF;
	_ =	sdelay $0xe  }
0xc1: {  	s0 =	spop (v2sf)  }
0xc2: {  	p0 =	sgt.f32 s0, $0.0e+00  }
.Ltmp7:
0xc3: {  	_ = 	snop;
	(pc) =	sbr.rel @!p0 .LBB2_14-.Ltmp7, $4  }
.Ltmp8:
0xc4: {  	_ = 	snop;
	(pc) =	sbr.rel @p0 .LBB2_9-.Ltmp8, $4  }
0xc5: {  	_ = 	snop  }
0xc6: {  	_ = 	snop  }
0xc7: {  	s26 =	smov.u32 s21;
	s28 =	smov.u32 s23;
	s29 =	simm.s32 $0x0  }
0xc8: {  	_ = 	snop  }
.LBB2_12:
0xc9: {  	vm0 =	vgt.f32 v4, v3  }
0xca: {  	v5 =	vmpcnt.ones.xlane vm0;
	_ =	sdelay $0x1  }
0xcb: {  	(v2sf) =	vpush v5, $0x0  }
0xcc: {  	s0 =	sadd.s32 s20, s0  }
0xcd: {  	p0 =	sgt.s32 s0, $0x400  }
0xce: {  	v5 =	vmul.f32 @!p0 $1.442695020e+00, v4;
	_ =	sdelay $0x1  }
0xcf: {  	(erf) = vpow2.f32 @!p0 v5;
	_ =	sdelay $0x8  }
0xd0: {  	s2 =	sadd.s32 $0x10, s30;
	vm0 =	vgt.f32 @!p0 v4, v3;
	v5 =	vlaneseq.u32 @!p0;
	v4 =	vpop @!p0 (erf)  }
0xd1: {  	v5 =	vor.u32 @!p0 s2, v5;
	[tilespmem:s0+$0x18880] =	vst.msk @!p0 vm0, v4;
	s31 =	spop (v2sf)  }
0xd2: {  	[tilespmem:s0+$0x18D00] =	vst.msk @!p0 vm0, v5;
	s20 =	sadd.s32 s0, s31  }
.LBB2_13:
0xd3: {  	s29 =	sadd.s32 $0x1, s29  }
0xd4: {  	p0 =	sne.s32 s29, $0x10  }
.Ltmp9:
0xd5: {  	_ = 	snop;
	(pc) =	sbr.rel @!p0 .LBB2_14-.Ltmp9, $2  }
0xd6: {  	_ =	sdelay $0x2  }
0xd7: {  	s28 =	sadd.s32 $0x100, s28;
	s26 =	sadd.s32 $0x100, s26  }
.LBB2_9:
0xd8: {  	s0 =	sor.u32 s25, s29  }
0xd9: {  	s0 =	sshll.u32 s0, $0x4  }
0xda: {  	v4 =	vld [tilespmem:s0+$0x18000];
	_ =	sdelay $0x4  }
0xdb: {  	vm0 =	vgt.f32 v4, v3  }
0xdc: {  	v4 =	vsel vm0, $0x3F800000, v0  }
0xdd: {  	(xrf0) =	vmax.scan.msk.f32 $0xffff, v4;
	_ =	sdelay $0x5  }
0xde: {  	v4, _, _ =	vpop (xrf0)  }
0xdf: {  	(v2sf) =	vpush v4, $0xF;
	_ =	sdelay $0xe  }
0xe0: {  	s31 =	spop (v2sf)  }
0xe1: {  	p0 =	sgt.f32 s31, $0.0e+00  }
.Ltmp10:
0xe2: {  	_ = 	snop;
	(pc) =	sbr.rel @!p0 .LBB2_13-.Ltmp10, $1  }
0xe3: {  	_ =	sdelay $0x3  }
0xe4: {  	s0 =	sadd.s32 $0x0, s28  }
0xe5: {  	v4 =	vld [tilespmem:s0+$0x0];
	_ =	sdelay $0x4  }
0xe6: {  	vm0 =	vgt.f32 v4, v3  }
0xe7: {  	v5 =	vmpcnt.ones.xlane vm0  }
0xe8: {  	p0 =	sgt.s32 s20, $0x400  }
0xe9: {  	(v2sf) =	vpush v5, $0x0;
	v5 =	vmul.f32 @!p0 $1.442695020e+00, v4;
	_ =	sdelay $0x1  }
0xea: {  	(erf) = vpow2.f32 @!p0 v5;
	_ =	sdelay $0x8  }
0xeb: {  	vm0 =	vgt.f32 @!p0 v4, v3;
	v5 =	vlaneseq.u32 @!p0;
	v4 =	vpop @!p0 (erf)  }
0xec: {  	v5 =	vor.u32 @!p0 s26, v5;
	[tilespmem:s20+$0x18880] =	vst.msk @!p0 vm0, v4  }
0xed: {  	s2 =	sadd.s32 $0x10, s28;
	[tilespmem:s20+$0x18D00] =	vst.msk @!p0 vm0, v5  }
0xee: {  	v4 =	vld [tilespmem:s2+$0x0];
	_ =	sdelay $0x1  }
0xef: {  	s31 =	simm.s32 $0x80;
	s30 =	smov.u32 s26;
	s0 =	spop (v2sf)  }
.LBB2_11:
0xf0: {  	s20 =	sadd.s32 s20, s0  }
0xf1: {  	s30 =	sadd.s32 $0x10, s30;
	s0 =	smov.u32 s31;
	s31 =	sadd.s32 $0x40, s31  }
0xf2: {  	vm0 =	vgt.f32 v4, v3;
	p0 =	sne.s32 s31, $0x400;
	p1 =	sgt.s32 s20, $0x400  }
0xf3: {  	v7 =	vmpcnt.ones.xlane vm0;
	v5 =	vmul.f32 @!p1 $1.442695020e+00, v4;
	v6 =	vlaneseq.u32 @!p1  }
0xf4: {  	v6 =	vor.u32 @!p1 s30, v6  }
0xf5: {  	(erf) = vpow2.f32 @!p1 v5;
	(v2sf) =	vpush v7, $0x0;
	_ =	sdelay $0x8  }
0xf6: {  	vm0 =	vgt.f32 @!p1 v4, v3;
	v4 =	vpop @!p1 (erf)  }
0xf7: {  	s0 =	sshra.s32 s0, $0x2;
	[tilespmem:s20+$0x18880] =	vst.msk @!p1 vm0, v4  }
.Ltmp11:
0xf8: {  	s0 =	sadd.s32 s0, s28;
	[tilespmem:s20+$0x18D00] =	vst.msk @!p1 vm0, v6;
	(pc) =	sbr.rel @p0 .LBB2_11-.Ltmp11, $2  }
0xf9: {  	v4 =	vld [tilespmem:s0+$0x0];
	_ =	sdelay $0x2  }
0xfa: {  	s0 =	spop (v2sf)  }
.Ltmp12:
0xfb: {  	_ = 	snop;
	(pc) =	sbr.rel .LBB2_12-.Ltmp12, $1  }
0xfc: {  	_ =	sdelay $0x3  }
.LBB2_15:
0xfd: {  	p0 =	sgt.s32 s20, $0x400  }
.Ltmp13:
0xfe: {  	_ = 	snop;
	(pc) =	sbr.rel @p0 .LBB2_31-.Ltmp13, $3  }
0xff: {  	_ =	sdelay $0x1  }
0x100: {  	s0 =	sadd.s32 $0xF, s20  }
0x101: {  	s23 =	sadd.f32 $-1.000000000e+00, s22;
	s21 =	sshrl.u32 s0, $0x4  }
0x102: {  	p1 =	sgt.s32 s20, $0x10  }
.Ltmp14:
0x103: {  	_ = 	snop;
	(pc) =	sbr.rel @p1 .LBB2_22-.Ltmp14, $3  }
0x104: {  	_ =	sdelay $0x1  }
0x105: {  	v3 =	vmov s23  }
0x106: {  	s21 =	sshrl.u32 s0, $0x4;
	s24 =	simm.s32 $0x0;
	[tilespmem:s20+$0x18880] =	vst v3  }
0x107: {  	v3 =	vld [tilespmem:$0x18880];
	_ =	sdelay $0x2  }
0x108: {  	v4 =	vmov s20  }
0x109: {  	vm0 =	vgt.s32 v4, v1  }
0x10a: {  	v3 =	vnsel vm0, $0xFF61B1E6, v3  }
0x10b: {  	(xrf1) =	vsort.dscd.msk.f32 $0xffff, v3, v3;
	_ =	sdelay $0xd  }
0x10c: {  	v3, _, _ =	vpop (xrf1)  }
0x10d: {  	(xrf2) =	vadd.scan.msk.f32 $0xffff, v3;
	_ =	sdelay $0x6  }
0x10e: {  	v4 =	vmul.f32 v2, v3;
	_ =	sdelay $0x1  }
0x10f: {  	v4 =	vadd.f32 $1.000000000e+00, v4  }
0x110: {  	v5, _, _ =	vpop (xrf2)  }
0x111: {  	vm15 =	vgt.f32 v4, v5  }
0x112: {  	v3 =	vnsel vm15, $0x0, v3  }
0x113: {  	(xrf2) =	vadd.scan.msk.f32 $0xffff, v3  }
0x114: {  	v3 =	vmpcnt.ones.xlane vm15;
	_ =	sdelay $0x1  }
0x115: {  	v3 =	vcvt.s32.f32 v3;
	_ =	sdelay $0x1  }
0x116: {  	(erf) = vrcp.f32 v3;
	_ =	sdelay $0x4  }
0x117: {  	v3, _, _ =	vpop (xrf2)  }
.Ltmp15:
0x118: {  	v3 =	vadd.f32 $-1.000000000e+00, v3;
	(pc) =	sbr.rel .LBB2_18-.Ltmp15, $4  }
0x119: {  	_ = 	snop  }
0x11a: {  	v3 =	vbroadcast v3, $0xF  }
0x11b: {  	v4 =	vpop (erf)  }
0x11c: {  	v3 =	vmul.f32 v3, v4  }
.LBB2_23:
0x11d: {  	v3 =	vimm.f32 $0.0e+00  }
.LBB2_27:
0x11e: {  	(xrf2) =	vadd.scan.msk.f32 $0xffff, v3;
	_ =	sdelay $0x9  }
0x11f: {  	v3, _, _ =	vpop (xrf2)  }
0x120: {  	(v2sf) =	vpush v3, $0xF;
	_ =	sdelay $0xe  }
0x121: {  	s2 =	spop (v2sf)  }
0x122: {  	s2 =	sadd.f32 $-1.000000000e+00, s2;
	_ =	sdelay $0x1  }
0x123: {  	p2 =	sge.f32 s2, $0.0e+00  }
0x124: {  	s24 =	sadd.s32 $0x1, s24  }
0x125: {  	s23 =	smov.u32 @p2 s0;
	s0 =	smov.u32 @p2 s22;
	p2 =	seq.s32 s24, $0x1E  }
.Ltmp16:
0x126: {  	_ = 	snop;
	(pc) =	sbr.rel @p2 .LBB2_20-.Ltmp16, $2  }
0x127: {  	_ =	sdelay $0x2  }
0x128: {  	s22 =	smov.u32 s0  }
.LBB2_22:
0x129: {  	p1 =	seq.s32 s21, $0x0  }
.Ltmp17:
0x12a: {  	_ = 	snop;
	(pc) =	sbr.rel @p1 .LBB2_23-.Ltmp17, $3  }
0x12b: {  	_ = 	snop  }
0x12c: {  	s0 =	sadd.f32 s22, s23;
	_ =	sdelay $0x1  }
0x12d: {  	s0 =	smul.f32 $5.000000000e-01, s0  }
0x12e: {  	s2 =	simm.s32 $0x18880  }
0x12f: {  	p2 =	sne.s32 s21, $0x1;
	v5 =	vld [tilespmem:s2+$0x0]  }
.Ltmp18:
0x130: {  	_ = 	snop;
	(pc) =	sbr.rel @!p2 .LBB2_26-.Ltmp18, $3  }
0x131: {  	_ =	sdelay $0x1  }
0x132: {  	v4 =	vmov s0  }
0x133: {  	v3 =	vimm.f32 $0.0e+00;
	s25 =	sadd.s32 $0xFFFFFFFF, s21;
	s26 =	simm.s32 $0x18890;
	v5 =	vsub.f32 v5, v4  }
.LBB2_25:
0x134: {  	v6 =	vld [tilespmem:s26+$0x0];
	p2 =	sne.s32 s25, $0x1;
	s25 =	sadd.s32 $0xFFFFFFFF, s25  }
.Ltmp19:
0x135: {  	v5 =	vmax.f32 v5, $0.0e+00;
	(pc) =	sbr.rel @p2 .LBB2_25-.Ltmp19, $2  }
0x136: {  	v3 =	vadd.f32 v5, v3;
	_ =	sdelay $0x2  }
0x137: {  	s26 =	sadd.s32 $0x10, s26;
	v5 =	vsub.f32 v6, v4  }
.LBB2_26:
.Ltmp20:
0x138: {  	(pc) =	sbr.rel .LBB2_27-.Ltmp20, $3  }
0x139: {  	_ = 	snop  }
0x13a: {  	v4 =	vmax.f32 v5, $0.0e+00  }
0x13b: {  	v3 =	vadd.f32 v4, v3;
	_ =	sdelay $0x1  }
.LBB2_31:
0x13c: {  	s24 =	simm.s32 $0x20  }
0x13d: {  	v3 =	vld [tilespmem:s24+$0x0]  }
0x13e: {  	v4 =	vld [tilespmem:s24+$0xFFFFFFE0];
	_ =	sdelay $0x2  }
0x13f: {  	v5 =	vld [tilespmem:s24+$0xFFFFFFF0]  }
0x140: {  	s25 =	simm.s32 $0x60;
	v6 =	vld [tilespmem:s24+$0x10];
	v3 =	vmul.f32 $1.442695020e+00, v3  }
0x141: {  	v7 =	vld [tilespmem:s25+$0x0];
	v4 =	vmul.f32 $1.442695020e+00, v4  }
0x142: {  	(erf) = vpow2.f32 v3;
	v3 =	vld [tilespmem:s25+$0xFFFFFFE0]  }
0x143: {  	(erf) = vpow2.f32 v4;
	v4 =	vld [tilespmem:s25+$0xFFFFFFF0]  }
0x144: {  	v8 =	vld [tilespmem:s25+$0x10];
	v5 =	vmul.f32 $1.442695020e+00, v5  }
0x145: {  	v6 =	vmul.f32 $1.442695020e+00, v6  }
0x146: {  	(erf) = vpow2.f32 v5;
	v5 =	vmul.f32 $1.442695020e+00, v7  }
0x147: {  	s26 =	simm.s32 $0xA0;
	(erf) = vpow2.f32 v6;
	v6 =	vmul.f32 $1.442695020e+00, v3  }
0x148: {  	v7 =	vld [tilespmem:s26+$0x0];
	(erf) = vpow2.f32 v5;
	v9 =	vmul.f32 $1.442695020e+00, v4  }
0x149: {  	v8 =	vmul.f32 $1.442695020e+00, v8;
	(erf) = vpow2.f32 v6  }
0x14a: {  	v3 =	vld [tilespmem:s26+$0xFFFFFFE0];
	(erf) = vpow2.f32 v9  }
0x14b: {  	v4 =	vld [tilespmem:s26+$0xFFFFFFF0];
	v63 =	vpop (erf);
	(erf) = vpow2.f32 v8  }
0x14c: {  	v5 =	vld [tilespmem:s26+$0x10]  }
0x14d: {  	s28 =	simm.s32 $0x8;
	s0 =	simm.s32 $0xE0;
	v6 =	vmul.f32 $1.442695020e+00, v7;
	[tilespmem:s24+$0x0] =	vst v63;
	v7 =	vpop (erf)  }
.LBB2_32:
0x14e: {  	s28 =	sadd.s32 $0x4, s28  }
0x14f: {  	v8 =	vld [tilespmem:s0+$0x0];
	v9 =	vmul.f32 $1.442695020e+00, v3;
	[tilespmem:s24+$0xFFFFFFE0] =	vst v7;
	v7 =	vpop (erf);
	p1 =	slt.u32 s28, $0x7FC  }
.Ltmp21:
0x150: {  	v3 =	vld [tilespmem:s0+$0xFFFFFFE0];
	v10 =	vmul.f32 $1.442695020e+00, v4;
	(erf) = vpow2.f32 v6;
	[tilespmem:s24+$0xFFFFFFF0] =	vst v7;
	v6 =	vpop (erf);
	(pc) =	sbr.rel @p1 .LBB2_32-.Ltmp21, $4  }
0x151: {  	v4 =	vld [tilespmem:s0+$0xFFFFFFF0];
	v11 =	vmul.f32 $1.442695020e+00, v5;
	(erf) = vpow2.f32 v9;
	[tilespmem:s24+$0x10] =	vst v6;
	s24 =	smov.u32 s25;
	s25 =	smov.u32 s26;
	s26 =	smov.u32 s0  }
0x152: {  	v5 =	vld [tilespmem:s0+$0x10];
	(erf) = vpow2.f32 v10  }
0x153: {  	(erf) = vpow2.f32 v11;
	v7 =	vpop (erf)  }
0x154: {  	s0 =	sadd.s32 $0x40, s0;
	v6 =	vmul.f32 $1.442695020e+00, v8;
	[tilespmem:s24+$0x0] =	vst v7;
	v7 =	vpop (erf)  }
0x155: {  	v3 =	vmul.f32 $1.442695020e+00, v3  }
0x156: {  	v4 =	vmul.f32 $1.442695020e+00, v4;
	(erf) = vpow2.f32 v6  }
0x157: {  	v5 =	vmul.f32 $1.442695020e+00, v5;
	(erf) = vpow2.f32 v3  }
0x158: {  	(erf) = vpow2.f32 v4  }
0x159: {  	[tilespmem:s24+$0xFFFFFFE0] =	vst v7;
	v3 =	vpop (erf);
	(erf) = vpow2.f32 v5  }
0x15a: {  	v63 =	vpop (erf);
	[tilespmem:s24+$0xFFFFFFF0] =	vst v3  }
0x15b: {  	[tilespmem:s24+$0x10] =	vst v63;
	v3 =	vpop (erf)  }
0x15c: {  	[tilespmem:s25+$0x0] =	vst v3;
	v3 =	vpop (erf)  }
0x15d: {  	[tilespmem:s25+$0xFFFFFFE0] =	vst v3;
	v3 =	vpop (erf)  }
0x15e: {  	[tilespmem:s25+$0xFFFFFFF0] =	vst v3;
	v3 =	vpop (erf)  }
0x15f: {  	[tilespmem:s25+$0x10] =	vst v3;
	v3 =	vpop (erf)  }
0x160: {  	[tilespmem:s26+$0x0] =	vst v3;
	v3 =	vpop (erf)  }
0x161: {  	[tilespmem:s26+$0xFFFFFFE0] =	vst v3;
	v3 =	vpop (erf)  }
0x162: {  	[tilespmem:s26+$0xFFFFFFF0] =	vst v3;
	v3 =	vpop (erf)  }
0x163: {  	s0 =	simm.s32 $0x0;
	[tilespmem:s26+$0x10] =	vst v3  }
.LBB2_34:
0x164: {  	s2 =	sadd.f32 s22, s23;
	_ =	sdelay $0x1  }
0x165: {  	s24 =	smul.f32 $5.000000000e-01, s2  }
0x166: {  	s31 =	simm.s32 $0x0  }
0x167: {  	v3 =	vimm.f32 $0.0e+00;
	s25 =	simm.s32 $0x40;
	v5 =	vld [tilespmem:s31+$0x0];
	v4 =	vmov s24  }
.LBB2_35:
0x168: {  	_ =	sdelay $0x1  }
0x169: {  	p1 =	sne.s32 s25, $0x1FFC0  }
.Ltmp22:
0x16a: {  	_ = 	snop;
	(pc) =	sbr.rel @p1 .LBB2_35-.Ltmp22, $3  }
0x16b: {  	v6 =	vsub.f32 v5, v4;
	_ =	sdelay $0x1  }
0x16c: {  	s2 =	sshra.s32 s25, $0x2;
	v6 =	vmax.f32 v6, $0.0e+00  }
0x16d: {  	s25 =	sadd.s32 $0x40, s25;
	v5 =	vld [tilespmem:s2+$0x0];
	v3 =	vadd.f32 v6, v3  }
0x16e: {  	_ =	sdelay $0x3  }
0x16f: {  	v4 =	vsub.f32 v5, v4;
	_ =	sdelay $0x1  }
0x170: {  	v4 =	vmax.f32 v4, $0.0e+00  }
0x171: {  	v3 =	vadd.f32 v4, v3;
	_ =	sdelay $0x1  }
0x172: {  	(xrf2) =	vadd.scan.msk.f32 $0xffff, v3;
	_ =	sdelay $0x9  }
0x173: {  	v3, _, _ =	vpop (xrf2)  }
0x174: {  	(v2sf) =	vpush v3, $0xF;
	_ =	sdelay $0xe  }
0x175: {  	s2 =	spop (v2sf)  }
0x176: {  	s2 =	sadd.f32 $-1.000000000e+00, s2;
	_ =	sdelay $0x1  }
0x177: {  	p1 =	sge.f32 s2, $0.0e+00  }
0x178: {  	s0 =	sadd.s32 $0x1, s0  }
0x179: {  	s23 =	smov.u32 @p1 s24;
	s24 =	smov.u32 @p1 s22;
	p1 =	seq.s32 s0, $0x1E  }
.Ltmp23:
0x17a: {  	_ = 	snop;
	(pc) =	sbr.rel @!p1 .LBB2_34-.Ltmp23, $2  }
0x17b: {  	_ =	sdelay $0x2  }
0x17c: {  	s22 =	smov.u32 s24  }
0x17d: {  	s2 =	simm.s32 $0x0  }
0x17e: {  	v6 =	vld [tilespmem:s2+$0x0]  }
0x17f: {  	v4 =	vmov s23;
	v3 =	vimm.f32 $0.0e+00;
	s0 =	simm.s32 $0x40;
	v5 =	vimm.f32 $0.0e+00  }
.LBB2_38:
0x180: {  	p1 =	sne.s32 s0, $0x1FFC0  }
.Ltmp24:
0x181: {  	_ = 	snop;
	(pc) =	sbr.rel @p1 .LBB2_38-.Ltmp24, $4  }
0x182: {  	_ = 	snop  }
0x183: {  	s2 =	sshra.s32 s0, $0x2;
	s0 =	sadd.s32 $0x40, s0;
	vm0 =	vgt.f32 v6, v4  }
0x184: {  	v7 =	vnsel vm0, $0x0, v6;
	v6 =	vld [tilespmem:s2+$0x0];
	v8 =	vsel vm0, $0x3F800000, v0  }
0x185: {  	v3 =	vadd.f32 v7, v3;
	v5 =	vadd.f32 v8, v5  }
0x186: {  	_ = 	snop  }
.Ltmp25:
0x187: {  	_ = 	snop;
	(pc) =	sbr.rel .LBB2_40-.Ltmp25, $4  }
0x188: {  	_ = 	snop  }
0x189: {  	vm0 =	vgt.f32 v6, v4  }
0x18a: {  	v4 =	vnsel vm0, $0x0, v6;
	v6 =	vsel vm0, $0x3F800000, v0  }
0x18b: {  	v3 =	vadd.f32 v4, v3;
	v4 =	vadd.f32 v6, v5  }
.LBB2_20:
.Ltmp26:
0x18c: {  	(pc) =	sbr.rel @p1 .LBB2_21-.Ltmp26, $1  }
0x18d: {  	_ =	sdelay $0x3  }
0x18e: {  	s0 =	simm.s32 $0x18880  }
0x18f: {  	p1 =	seq.s32 s21, $0x1;
	v5 =	vld [tilespmem:s0+$0x0]  }
.Ltmp27:
0x190: {  	_ = 	snop;
	(pc) =	sbr.rel @p1 .LBB2_30-.Ltmp27, $3  }
0x191: {  	_ =	sdelay $0x1  }
0x192: {  	v4 =	vmov s23  }
0x193: {  	v3 =	vimm.f32 $0.0e+00;
	s22 =	simm.s32 $0x18890;
	v6 =	vimm.f32 $0.0e+00;
	s0 =	sadd.s32 $0xFFFFFFFF, s21;
	vm0 =	vgt.f32 v5, v4  }
.LBB2_29:
0x194: {  	p1 =	seq.s32 s0, $0x1;
	s0 =	sadd.s32 $0xFFFFFFFF, s0;
	v7 =	vnsel vm0, $0x0, v5;
	v5 =	vld [tilespmem:s22+$0x0];
	v8 =	vsel vm0, $0x3F800000, v0  }
.Ltmp28:
0x195: {  	v3 =	vadd.f32 v7, v3;
	v6 =	vadd.f32 v8, v6;
	(pc) =	sbr.rel @!p1 .LBB2_29-.Ltmp28, $2  }
0x196: {  	_ =	sdelay $0x2  }
0x197: {  	s22 =	sadd.s32 $0x10, s22;
	vm0 =	vgt.f32 v5, v4  }
.LBB2_30:
.Ltmp29:
0x198: {  	(pc) =	sbr.rel .LBB2_40-.Ltmp29, $3  }
0x199: {  	_ =	sdelay $0x1  }
0x19a: {  	v4 =	vnsel vm0, $0x0, v5;
	v5 =	vsel vm0, $0x3F800000, v0  }
0x19b: {  	v3 =	vadd.f32 v4, v3;
	v4 =	vadd.f32 v5, v6  }
.LBB2_21:
0x19c: {  	v3 =	vimm.f32 $0.0e+00;
	v4 =	vimm.f32 $0.0e+00  }
.LBB2_40:
0x19d: {  	_ = 	snop  }
0x19e: {  	(xrf2) =	vadd.scan.msk.f32 $0xffff, v3  }
0x19f: {  	(xrf2) =	vadd.scan.msk.f32 $0xffff, v4;
	_ =	sdelay $0x8  }
0x1a0: {  	v3, _, _ =	vpop (xrf2)  }
0x1a1: {  	v4, _, _ =	vpop (xrf2)  }
0x1a2: {  	v4 =	vbroadcast v4, $0xF;
	_ =	sdelay $0x1  }
0x1a3: {  	(erf) = vrcp.f32 v4;
	_ =	sdelay $0x5  }
0x1a4: {  	v3 =	vadd.f32 $-1.000000000e+00, v3  }
.Ltmp30:
0x1a5: {  	_ = 	snop;
	(pc) =	sbr.rel @p0 .LBB2_41-.Ltmp30, $3  }
0x1a6: {  	v3 =	vbroadcast v3, $0xF  }
0x1a7: {  	v4 =	vpop (erf)  }
0x1a8: {  	v3 =	vmul.f32 v4, v3;
	_ =	sdelay $0x1  }
.LBB2_18:
0x1a9: {  	p1 =	seq.s32 s21, $0x0  }
.Ltmp31:
0x1aa: {  	_ = 	snop;
	(pc) =	sbr.rel @p1 .LBB2_19-.Ltmp31, $1  }
0x1ab: {  	_ =	sdelay $0x3  }
0x1ac: {  	p1 =	seq.s32 s21, $0x1  }
.Ltmp32:
0x1ad: {  	_ = 	snop;
	(pc) =	sbr.rel @p1 .LBB2_46-.Ltmp32, $4  }
0x1ae: {  	_ = 	snop  }
0x1af: {  	s0 =	simm.s32 $0x18D00  }
0x1b0: {  	s22 =	simm.s32 $0x18880;
	v4 =	vld [tilespmem:s0+$0x0]  }
0x1b1: {  	v5 =	vmov s20;
	s23 =	simm.s32 $0x0;
	s24 =	sadd.s32 $0xFFFFFFFF, s21;
	v6 =	vld [tilespmem:s22+$0x0]  }
.LBB2_45:
0x1b2: {  	p1 =	seq.s32 s24, $0x1;
	v7 =	vor.u32 s23, v1  }
0x1b3: {  	vm0 =	vlt.s32 v7, v5;
	_ =	sdelay $0x2  }
0x1b4: {  	v6 =	vsub.f32 v6, v3  }
.Ltmp33:
0x1b5: {  	(pc) =	sbr.rel @!p1 .LBB2_45-.Ltmp33, $4  }
0x1b6: {  	v6 =	vmax.f32 v6, $0.0e+00  }
0x1b7: {  	s0 =	sadd.s32 $0x10, s0;
	[tilespmem:v4+s16+$0x0] =	vst.idx.msk vm0, v6  }
0x1b8: {  	s22 =	sadd.s32 $0x10, s22;
	v4 =	vld [tilespmem:s0+$0x0]  }
0x1b9: {  	s24 =	sadd.s32 $0xFFFFFFFF, s24;
	s23 =	sadd.s32 $0x10, s23;
	v6 =	vld [tilespmem:s22+$0x0]  }
.LBB2_46:
0x1ba: {  	v7 =	vor.u32 s23, v1  }
0x1bb: {  	vm0 =	vlt.s32 v7, v5;
	_ =	sdelay $0x1  }
.Ltmp34:
0x1bc: {  	_ = 	snop;
	(pc) =	sbr.rel .LBB2_47-.Ltmp34, $3  }
0x1bd: {  	v3 =	vsub.f32 v6, v3;
	_ =	sdelay $0x1  }
0x1be: {  	v3 =	vmax.f32 v3, $0.0e+00  }
0x1bf: {  	[tilespmem:v4+s16+$0x0] =	vst.idx.msk vm0, v3  }
.LBB2_41:
0x1c0: {  	s0 =	simm.s32 $0x40  }
0x1c1: {  	v5 =	vld [tilespmem:s0+$0x30]  }
0x1c2: {  	v7 =	vld [tilespmem:s0+$0xFFFFFFD0]  }
0x1c3: {  	v9 =	vld [tilespmem:s0+$0xFFFFFFE0]  }
0x1c4: {  	v8 =	vld [tilespmem:s0+$0xFFFFFFF0]  }
0x1c5: {  	v6 =	vld [tilespmem:s0+$0x0]  }
0x1c6: {  	v4 =	vld [tilespmem:s0+$0x10];
	v11 =	vsub.f32 v5, v3  }
0x1c7: {  	v5 =	vld [tilespmem:s0+$0x20];
	v10 =	vsub.f32 v7, v3  }
0x1c8: {  	s22 =	simm.s32 $0x10040;
	s23 =	simm.s32 $0x0;
	s24 =	simm.s32 $0xC0;
	v7 =	vld [tilespmem:s0+$0xFFFFFFC0];
	v9 =	vsub.f32 v9, v3;
	v11 =	vmax.f32 v11, $0.0e+00  }
.LBB2_42:
0x1c9: {  	v12 =	vld [tilespmem:s24+$0x30];
	s23 =	sadd.s32 $0x8, s23;
	v10 =	vmax.f32 v10, $0.0e+00;
	v8 =	vsub.f32 v8, v3;
	[tilespmem:s22+$0x30] =	vst v11  }
0x1ca: {  	v11 =	vld [tilespmem:s24+$0xFFFFFFD0];
	p1 =	slt.u32 s23, $0x7F8;
	[tilespmem:s22+$0xFFFFFFD0] =	vst v10;
	v9 =	vmax.f32 v9, $0.0e+00;
	v6 =	vsub.f32 v6, v3  }
0x1cb: {  	v13 =	vld [tilespmem:s24+$0xFFFFFFE0];
	[tilespmem:s22+$0xFFFFFFE0] =	vst v9;
	v9 =	vmax.f32 v8, $0.0e+00;
	v4 =	vsub.f32 v4, v3  }
.Ltmp35:
0x1cc: {  	v8 =	vld [tilespmem:s24+$0xFFFFFFF0];
	[tilespmem:s22+$0xFFFFFFF0] =	vst v9;
	v9 =	vmax.f32 v6, $0.0e+00;
	v5 =	vsub.f32 v5, v3;
	(pc) =	sbr.rel @p1 .LBB2_42-.Ltmp35, $4  }
0x1cd: {  	v6 =	vld [tilespmem:s24+$0x0];
	v7 =	vsub.f32 v7, v3;
	[tilespmem:s22+$0x0] =	vst v9;
	v9 =	vmax.f32 v4, $0.0e+00  }
0x1ce: {  	v4 =	vld [tilespmem:s24+$0x10];
	v12 =	vsub.f32 v12, v3;
	[tilespmem:s22+$0x10] =	vst v9;
	v9 =	vmax.f32 v5, $0.0e+00  }
0x1cf: {  	v10 =	vsub.f32 v11, v3;
	v5 =	vld [tilespmem:s24+$0x20];
	v14 =	vmax.f32 v7, $0.0e+00;
	[tilespmem:s22+$0x20] =	vst v9  }
0x1d0: {  	v7 =	vld [tilespmem:s24+$0xFFFFFFC0];
	v9 =	vsub.f32 v13, v3;
	v11 =	vmax.f32 v12, $0.0e+00;
	s24 =	sadd.s32 $0x80, s24;
	[tilespmem:s22+$0xFFFFFFC0] =	vst v14;
	s22 =	sadd.s32 $0x80, s22  }
0x1d1: {  	v10 =	vmax.f32 v10, $0.0e+00;
	v8 =	vsub.f32 v8, v3;
	[tilespmem:s22+$0x30] =	vst v11  }
0x1d2: {  	[tilespmem:s22+$0xFFFFFFD0] =	vst v10;
	v9 =	vmax.f32 v9, $0.0e+00;
	v6 =	vsub.f32 v6, v3  }
0x1d3: {  	[tilespmem:s22+$0xFFFFFFE0] =	vst v9;
	v8 =	vmax.f32 v8, $0.0e+00;
	v4 =	vsub.f32 v4, v3  }
.Ltmp36:
0x1d4: {  	[tilespmem:s22+$0xFFFFFFF0] =	vst v8;
	v6 =	vmax.f32 v6, $0.0e+00;
	v5 =	vsub.f32 v5, v3;
	(pc) =	sbr.rel .LBB2_47-.Ltmp36, $4  }
0x1d5: {  	v3 =	vsub.f32 v7, v3;
	[tilespmem:s22+$0x0] =	vst v6;
	v4 =	vmax.f32 v4, $0.0e+00  }
0x1d6: {  	[tilespmem:s22+$0x10] =	vst v4;
	v63 =	vmax.f32 v5, $0.0e+00  }
0x1d7: {  	v3 =	vmax.f32 v3, $0.0e+00;
	[tilespmem:s22+$0x20] =	vst v63  }
0x1d8: {  	[tilespmem:s22+$0xFFFFFFC0] =	vst v3  }
.LBB2_19:
0x1d9: {  	s21 =	simm.s32 $0x0  }
.LBB2_47:
0x1da: {  	[hbm4b:s5+s12] =	stream.strided.scatter [tilespmem:s16], [sflag:$0x3], $0x8000, s13, s12, $0x38;
	[tilespmem:$0x19600] =	vst v63  }
0x1db: {  	_ = 	snop  }
0x1dc: {  	[tilespmem:s1], [sflag:$0x1] =	stream.strided.gather [hbm4b:s6+s12], $0x8000, s13, s12, $0x38;
	[tilespmem:$0x19600] =	vst v63  }
0x1dd: {  	_ =	swait.ge [sflag:s17], $0x8000  }
0x1de: {  	[sflag:s17] =	ssyncset.done $0x0  }
0x1df: {  	s0 =	simm.s32 $0x8100;
	[sflag:s17] =	ssyncadd.s32 $0xFFFF8000  }
0x1e0: {  	v3 =	vld [tilespmem:s0+$0x70]  }
0x1e1: {  	v4 =	vld [tilespmem:s0+$0xF0]  }
0x1e2: {  	v5 =	vld [tilespmem:s0+$0xE0]  }
0x1e3: {  	v6 =	vld [tilespmem:s0+$0xD0]  }
0x1e4: {  	v7 =	vld [tilespmem:s0+$0xC0]  }
0x1e5: {  	v13 =	vld [tilespmem:s0+$0x0]  }
0x1e6: {  	v12 =	vld [tilespmem:s0+$0xFFFFFF10]  }
0x1e7: {  	v14 =	vld [tilespmem:s0+$0xFFFFFF20]  }
0x1e8: {  	v15 =	vld [tilespmem:s0+$0xFFFFFF30]  }
0x1e9: {  	v8 =	vld [tilespmem:s0+$0xFFFFFF40]  }
0x1ea: {  	v10 =	vld [tilespmem:s0+$0xFFFFFF50]  }
0x1eb: {  	v9 =	vld [tilespmem:s0+$0xFFFFFF60]  }
0x1ec: {  	v11 =	vld [tilespmem:s0+$0xFFFFFF70]  }
0x1ed: {  	v16 =	vld [tilespmem:s0+$0xFFFFFF80]  }
0x1ee: {  	v17 =	vld [tilespmem:s0+$0xFFFFFF90]  }
0x1ef: {  	v18 =	vld [tilespmem:s0+$0xB0]  }
0x1f0: {  	v19 =	vld [tilespmem:s0+$0x40]  }
0x1f1: {  	v20 =	vld [tilespmem:s0+$0xA0]  }
0x1f2: {  	v21 =	vld [tilespmem:s0+$0x50]  }
0x1f3: {  	v22 =	vld [tilespmem:s0+$0x60]  }
0x1f4: {  	v23 =	vld [tilespmem:s0+$0xFFFFFFC0]  }
0x1f5: {  	v24 =	vld [tilespmem:s0+$0xFFFFFFD0]  }
0x1f6: {  	v25 =	vld [tilespmem:s0+$0xFFFFFFE0]  }
0x1f7: {  	v26 =	vld [tilespmem:s0+$0xFFFFFFF0]  }
0x1f8: {  	v27 =	vld [tilespmem:s0+$0xFFFFFF00]  }
0x1f9: {  	v28 =	vld [tilespmem:s0+$0x10];
	v4 =	vmax.f32 v5, v4  }
0x1fa: {  	v5 =	vmax.f32 v7, v6;
	v7 =	vmax.f32 v16, v17;
	v16 =	vmax.f32 v9, v11;
	v9 =	vld [tilespmem:s0+$0x20]  }
0x1fb: {  	v6 =	vmax.f32 v20, v18;
	v17 =	vmax.f32 v19, v21;
	v8 =	vmax.f32 v8, v10;
	v11 =	vld [tilespmem:s0+$0x30]  }
0x1fc: {  	v18 =	vmax.f32 v22, v3;
	v3 =	vimm.f32 $-3.000000010e+38;
	v10 =	vld [tilespmem:s0+$0x90];
	v15 =	vmax.f32 v14, v15  }
0x1fd: {  	v14 =	vld [tilespmem:s0+$0xFFFFFFA0];
	v12 =	vmax.f32 v27, v12;
	v19 =	vmax.f32 v8, v16;
	v8 =	vmax.f32 v17, v18  }
0x1fe: {  	s23 =	simm.s32 $0x18010;
	v17 =	vmax.f32 v23, v24;
	v18 =	vmax.f32 v25, v26;
	v16 =	vld [tilespmem:s0+$0xFFFFFFB0];
	v63 =	vmax.f32 v12, v15  }
0x1ff: {  	s24 =	simm.s32 $0x0;
	s25 =	simm.s32 $0x8300;
	s22 =	simm.s32 $0x18010;
	v15 =	vmax.f32 v13, v28;
	v12 =	vmax.f32 v17, v18;
	v13 =	vmax.f32 v63, v19;
	v17 =	vld [tilespmem:s0+$0x80]  }
.LBB2_48:
0x200: {  	v18 =	vld [tilespmem:s25+$0x70];
	s24 =	sadd.s32 $0x2, s24;
	s23 =	sadd.s32 $0x20, s23  }
0x201: {  	v19 =	vld [tilespmem:s25+$0xF0];
	p1 =	slt.u32 s24, $0x7E  }
0x202: {  	v20 =	vld [tilespmem:s25+$0xE0]  }
0x203: {  	v9 =	vmax.f32 v9, v11;
	v4 =	vmax.f32 v5, v4;
	v21 =	vld [tilespmem:s25+$0xD0];
	v14 =	vmax.f32 v14, v16  }
0x204: {  	v9 =	vmax.f32 v15, v9;
	v5 =	vld [tilespmem:s25+$0xC0];
	v7 =	vmax.f32 v7, v14;
	v10 =	vmax.f32 v17, v10  }
0x205: {  	v8 =	vmax.f32 v9, v8;
	v15 =	vld [tilespmem:s25+$0x0];
	v7 =	vmax.f32 v7, v12;
	v6 =	vmax.f32 v10, v6  }
0x206: {  	v12 =	vld [tilespmem:s25+$0xFFFFFF10];
	v7 =	vmax.f32 v13, v7;
	v6 =	vmax.f32 v6, v4  }
0x207: {  	v9 =	vld [tilespmem:s25+$0xFFFFFF20];
	v4 =	vmax.f32 v20, v19;
	[tilespmem:s22+$0xFFFFFFF0] =	vst v7;
	v3 =	vmax.f32 v3, v7;
	v6 =	vmax.f32 v8, v6  }
0x208: {  	v10 =	vld [tilespmem:s25+$0xFFFFFF30];
	[tilespmem:s22+$0x0] =	vst v6;
	v3 =	vmax.f32 v3, v6;
	s22 =	smov.u32 s23  }
0x209: {  	v8 =	vld [tilespmem:s25+$0xFFFFFF40];
	v5 =	vmax.f32 v5, v21  }
0x20a: {  	v11 =	vld [tilespmem:s25+$0xFFFFFF50]  }
0x20b: {  	v6 =	vld [tilespmem:s25+$0xFFFFFF60]  }
0x20c: {  	v13 =	vld [tilespmem:s25+$0xFFFFFF70]  }
0x20d: {  	v7 =	vld [tilespmem:s25+$0xFFFFFF80]  }
0x20e: {  	v14 =	vld [tilespmem:s25+$0xFFFFFF90]  }
0x20f: {  	v16 =	vld [tilespmem:s25+$0xB0]  }
0x210: {  	v17 =	vld [tilespmem:s25+$0x40]  }
0x211: {  	v19 =	vld [tilespmem:s25+$0xA0]  }
0x212: {  	v20 =	vld [tilespmem:s25+$0x50]  }
0x213: {  	v21 =	vld [tilespmem:s25+$0x60]  }
0x214: {  	v7 =	vmax.f32 v7, v14;
	v22 =	vld [tilespmem:s25+$0xFFFFFFC0]  }
0x215: {  	v14 =	vld [tilespmem:s25+$0xFFFFFFD0]  }
0x216: {  	v13 =	vmax.f32 v6, v13;
	v23 =	vld [tilespmem:s25+$0xFFFFFFE0];
	v6 =	vmax.f32 v19, v16  }
0x217: {  	v16 =	vld [tilespmem:s25+$0xFFFFFFF0];
	v17 =	vmax.f32 v17, v20  }
0x218: {  	v8 =	vmax.f32 v8, v11;
	v19 =	vld [tilespmem:s25+$0xFFFFFF00];
	v11 =	vmax.f32 v21, v18  }
0x219: {  	v13 =	vmax.f32 v8, v13;
	v18 =	vld [tilespmem:s25+$0x10];
	v8 =	vmax.f32 v17, v11  }
0x21a: {  	v17 =	vmax.f32 v9, v10;
	v20 =	vmax.f32 v22, v14;
	v9 =	vld [tilespmem:s25+$0x20]  }
.Ltmp37:
0x21b: {  	v11 =	vld [tilespmem:s25+$0x30];
	(pc) =	sbr.rel @p1 .LBB2_48-.Ltmp37, $4  }
0x21c: {  	v16 =	vmax.f32 v23, v16;
	v10 =	vld [tilespmem:s25+$0x90]  }
0x21d: {  	v14 =	vld [tilespmem:s25+$0xFFFFFFA0];
	v19 =	vmax.f32 v19, v12;
	v12 =	vmax.f32 v20, v16  }
0x21e: {  	v16 =	vld [tilespmem:s25+$0xFFFFFFB0];
	v17 =	vmax.f32 v19, v17;
	v15 =	vmax.f32 v15, v18  }
0x21f: {  	s0 =	simm.s32 $0x18080;
	v13 =	vmax.f32 v17, v13;
	v17 =	vld [tilespmem:s25+$0x80];
	s25 =	sadd.s32 $0x200, s25  }
0x220: {  	_ =	sdelay $0x2  }
0x221: {  	v9 =	vmax.f32 v9, v11;
	v14 =	vmax.f32 v14, v16  }
0x222: {  	v4 =	vmax.f32 v5, v4;
	v5 =	vmax.f32 v7, v14;
	v7 =	vmax.f32 v17, v10  }
0x223: {  	v9 =	vmax.f32 v15, v9;
	v5 =	vmax.f32 v5, v12;
	v6 =	vmax.f32 v7, v6  }
0x224: {  	v7 =	vmax.f32 v9, v8;
	v18 =	vmax.f32 v13, v5;
	v4 =	vmax.f32 v6, v4  }
0x225: {  	[tilespmem:s22+$0xFFFFFFF0] =	vst v18;
	v19 =	vmax.f32 v7, v4  }
0x226: {  	[tilespmem:s22+$0x0] =	vst v19  }
0x227: {  	v9 =	vld [tilespmem:s0+$0xFFFFFF80]  }
0x228: {  	v11 =	vld [tilespmem:s0+$0xFFFFFF90]  }
0x229: {  	v4 =	vld [tilespmem:s0+$0xFFFFFFA0]  }
0x22a: {  	v5 =	vld [tilespmem:s0+$0xFFFFFFB0]  }
0x22b: {  	v6 =	vld [tilespmem:s0+$0xFFFFFFC0]  }
0x22c: {  	v7 =	vld [tilespmem:s0+$0xFFFFFFD0]  }
0x22d: {  	v8 =	vld [tilespmem:s0+$0xFFFFFFE0]  }
0x22e: {  	v10 =	vld [tilespmem:s0+$0xFFFFFFF0]  }
0x22f: {  	v12 =	vld [tilespmem:s0+$0x0]  }
0x230: {  	v13 =	vld [tilespmem:s0+$0x10]  }
0x231: {  	v14 =	vld [tilespmem:s0+$0x20]  }
0x232: {  	v16 =	vld [tilespmem:s0+$0x30]  }
0x233: {  	v15 =	vld [tilespmem:s0+$0x40]  }
0x234: {  	v17 =	vld [tilespmem:s0+$0x50]  }
0x235: {  	v3 =	vmax.f32 v3, v18;
	v18 =	vld [tilespmem:s0+$0x60]  }
0x236: {  	s23 =	simm.s32 $0x0;
	s24 =	simm.s32 $0x40;
	v3 =	vmax.f32 v3, v19;
	s22 =	simm.s32 $0x18180;
	v19 =	vld [tilespmem:s0+$0x70]  }
.LBB2_50:
0x237: {  	v20 =	vld [tilespmem:s22+$0xFFFFFF80];
	p1 =	sne.s32 s24, $0x1C0  }
0x238: {  	v21 =	vld [tilespmem:s22+$0xFFFFFF90]  }
0x239: {  	v9 =	vmax.f32 v9, v11;
	v11 =	vmax.f32 v4, v5;
	v22 =	vmax.f32 v6, v7;
	v4 =	vld [tilespmem:s22+$0xFFFFFFA0]  }
0x23a: {  	v8 =	vmax.f32 v8, v10;
	v10 =	vmax.f32 v12, v13;
	v12 =	vmax.f32 v14, v16;
	v5 =	vld [tilespmem:s22+$0xFFFFFFB0]  }
0x23b: {  	v16 =	vmax.f32 v9, v11;
	v13 =	vmax.f32 v15, v17;
	v6 =	vld [tilespmem:s22+$0xFFFFFFC0];
	v14 =	vmax.f32 v18, v19  }
0x23c: {  	v10 =	vmax.f32 v10, v12;
	v15 =	vmax.f32 v22, v8;
	v7 =	vld [tilespmem:s22+$0xFFFFFFD0];
	v12 =	vmax.f32 v13, v14;
	v9 =	vmovc v20  }
0x23d: {  	v13 =	vmax.f32 v16, v15;
	v8 =	vld [tilespmem:s22+$0xFFFFFFE0];
	v12 =	vmax.f32 v10, v12;
	v11 =	vmov v21  }
0x23e: {  	s0 =	sshra.s32 s23, $0x2;
	s23 =	smov.u32 s24;
	v10 =	vld [tilespmem:s22+$0xFFFFFFF0];
	v13 =	vmax.f32 v13, v12  }
0x23f: {  	v12 =	vld [tilespmem:s22+$0x0];
	[tilespmem:s0+$0x18800] =	vst v13  }
0x240: {  	v13 =	vld [tilespmem:s22+$0x10]  }
0x241: {  	v14 =	vld [tilespmem:s22+$0x20]  }
.Ltmp38:
0x242: {  	v16 =	vld [tilespmem:s22+$0x30];
	(pc) =	sbr.rel @p1 .LBB2_50-.Ltmp38, $4  }
0x243: {  	v15 =	vld [tilespmem:s22+$0x40]  }
0x244: {  	v17 =	vld [tilespmem:s22+$0x50]  }
0x245: {  	v18 =	vld [tilespmem:s22+$0x60]  }
0x246: {  	s24 =	sadd.s32 $0x40, s24;
	v19 =	vld [tilespmem:s22+$0x70];
	s22 =	sadd.s32 $0x100, s22  }
0x247: {  	(xrf0) =	vmax.scan.msk.f32 $0xffff, v3;
	_ =	sdelay $0x5  }
0x248: {  	v3, _, _ =	vpop (xrf0)  }
0x249: {  	v20 =	vmul.f32 $1.442695020e+00, v3;
	_ =	sdelay $0x1  }
0x24a: {  	v20 =	vbroadcast v20, $0xF;
	_ =	sdelay $0x1  }
0x24b: {  	(erf) = vpow2.f32 v20;
	_ =	sdelay $0x8  }
0x24c: {  	v20 =	vpop (erf)  }
0x24d: {  	v21 =	vadd.f32 $-1.000000000e+00, v20;
	_ =	sdelay $0x1  }
0x24e: {  	(erf) = vrcp.f32 v21;
	_ =	sdelay $0x7  }
0x24f: {  	(v2sf) =	vpush v3, $0xF  }
0x250: {  	(v2sf) =	vpush v20, $0x0;
	v3 =	vpop (erf)  }
0x251: {  	(v2sf) =	vpush v3, $0x0;
	_ =	sdelay $0x8  }
0x252: {  	v4 =	vmax.f32 v4, v5;
	v54 =	vmax.f32 v6, v7;
	v55 =	vmax.f32 v8, v10  }
0x253: {  	v56 =	vmax.f32 v12, v13;
	v57 =	vmax.f32 v14, v16;
	v60 =	vmax.f32 v54, v55  }
0x254: {  	v58 =	vmax.f32 v15, v17;
	v59 =	vmax.f32 v18, v19;
	v3 =	vmax.f32 v9, v11  }
0x255: {  	p1 =	seq.s32 @!p0 s21, $0x0;
	v61 =	vmax.f32 v56, v57;
	v62 =	vmax.f32 v58, v59;
	v3 =	vmax.f32 v3, v4  }
0x256: {  	p0 =	por p0, p1;
	v63 =	vmax.f32 v61, v62;
	s24 =	spop (v2sf);
	v3 =	vmax.f32 v3, v60  }
.Ltmp39:
0x257: {  	s0 =	sshra.s32 s23, $0x2;
	s22 =	spop (v2sf);
	v3 =	vmax.f32 v3, v63;
	(pc) =	sbr.rel @p0 .LBB2_55-.Ltmp39, $4  }
0x258: {  	[tilespmem:s0+$0x18800] =	vst v3;
	s23 =	spop (v2sf)  }
0x259: {  	_ =	swait.ge [sflag:s18], $0x8000  }
0x25a: {  	[sflag:s18] =	ssyncset.done $0x0  }
0x25b: {  	[sflag:s18] =	ssyncadd.s32 $0xFFFF8000  }
0x25c: {  	p0 =	seq.s32 s21, $0x1  }
.Ltmp40:
0x25d: {  	_ = 	snop;
	(pc) =	sbr.rel @p0 .LBB2_54-.Ltmp40, $3  }
0x25e: {  	_ =	sdelay $0x1  }
0x25f: {  	s0 =	simm.s32 $0x18D00  }
0x260: {  	v3 =	vmov s20;
	s20 =	simm.s32 $0x0;
	s21 =	sadd.s32 $0xFFFFFFFF, s21;
	v4 =	vld [tilespmem:s0+$0x0]  }
.LBB2_53:
0x261: {  	p0 =	seq.s32 s21, $0x1;
	v5 =	vor.u32 s20, v1  }
0x262: {  	vm0 =	vlt.s32 v5, v3;
	_ =	sdelay $0x2  }
.Ltmp41:
0x263: {  	(pc) =	sbr.rel @!p0 .LBB2_53-.Ltmp41, $3  }
0x264: {  	_ =	sdelay $0x1  }
0x265: {  	s0 =	sadd.s32 $0x10, s0;
	[tilespmem:v4+s16+$0x0] =	vst.idx.msk vm0, v0  }
0x266: {  	s21 =	sadd.s32 $0xFFFFFFFF, s21;
	s20 =	sadd.s32 $0x10, s20;
	v4 =	vld [tilespmem:s0+$0x0]  }
.LBB2_54:
0x267: {  	_ = 	snop  }
0x268: {  	v5 =	vor.u32 s20, v1  }
0x269: {  	vm0 =	vlt.s32 v5, v3;
	_ =	sdelay $0x5  }
0x26a: {  	[tilespmem:v4+s16+$0x0] =	vst.idx.msk vm0, v0  }
.LBB2_59:
0x26b: {  	s0 =	sand.u32 $0x7FFFFFFF, s24  }
0x26c: {  	s0 =	sadd.f32 $1.000000000e+00, s0;
	_ =	sdelay $0x1  }
0x26d: {  	s2 =	ssub.f32 s24, s23;
	s0 =	smul.f32 $-9.999999970e-07, s0  }
.Ltmp42:
0x26e: {  	_ = 	snop;
	(pc) =	sbr.rel .LBB2_60-.Ltmp42, $4  }
0x26f: {  	p0 =	sgt.f32 s22, $1.000000000e+00;
	s0 =	sadd.f32 s0, s2  }
0x270: {  	_ = 	snop  }
0x271: {  	s23 =	sadd.f32 $-1.000000000e+00, s22;
	s21 =	simm.s32 $0x8000;
	s0 =	simm.s32 @!p0 $0xFF61B1E6  }
0x272: {  	s24 =	simm.s32 $0x0;
	s20 =	simm.s32 $0x0;
	s25 =	simm.s32 $0x0;
	v3 =	vmov s0  }
.LBB2_66:
0x273: {  	s25 =	sadd.s32 $0x1, s25  }
0x274: {  	p0 =	sne.s32 s25, $0x8  }
.Ltmp43:
0x275: {  	_ = 	snop;
	(pc) =	sbr.rel @!p0 .LBB2_67-.Ltmp43, $2  }
0x276: {  	_ =	sdelay $0x2  }
0x277: {  	s21 =	sadd.s32 $0x1000, s21;
	s24 =	sadd.s32 $0x1000, s24  }
.LBB2_60:
0x278: {  	s26 =	sshll.u32 s25, $0x4  }
0x279: {  	v4 =	vld [tilespmem:s26+$0x18800];
	_ =	sdelay $0x4  }
0x27a: {  	vm0 =	vgt.f32 v4, v3  }
0x27b: {  	v4 =	vsel vm0, $0x3F800000, v0  }
0x27c: {  	(xrf0) =	vmax.scan.msk.f32 $0xffff, v4;
	_ =	sdelay $0x5  }
0x27d: {  	v4, _, _ =	vpop (xrf0)  }
0x27e: {  	(v2sf) =	vpush v4, $0xF;
	_ =	sdelay $0xe  }
0x27f: {  	s0 =	spop (v2sf)  }
0x280: {  	p0 =	sgt.f32 s0, $0.0e+00  }
.Ltmp44:
0x281: {  	_ = 	snop;
	(pc) =	sbr.rel @!p0 .LBB2_66-.Ltmp44, $4  }
.Ltmp45:
0x282: {  	_ = 	snop;
	(pc) =	sbr.rel @p0 .LBB2_61-.Ltmp45, $4  }
0x283: {  	_ = 	snop  }
0x284: {  	_ = 	snop  }
0x285: {  	s28 =	smov.u32 s24;
	s29 =	smov.u32 s21;
	s30 =	simm.s32 $0x0  }
0x286: {  	_ = 	snop  }
.LBB2_64:
0x287: {  	vm0 =	vgt.f32 v4, v3  }
0x288: {  	v5 =	vmpcnt.ones.xlane vm0;
	_ =	sdelay $0x1  }
0x289: {  	(v2sf) =	vpush v5, $0x0  }
0x28a: {  	s0 =	sadd.s32 s20, s2  }
0x28b: {  	p0 =	sgt.s32 s0, $0x400  }
0x28c: {  	v5 =	vmul.f32 @!p0 $1.442695020e+00, v4;
	_ =	sdelay $0x1  }
0x28d: {  	(erf) = vpow2.f32 @!p0 v5;
	_ =	sdelay $0x8  }
0x28e: {  	s2 =	sadd.s32 $0x10, s31;
	vm0 =	vgt.f32 @!p0 v4, v3;
	v5 =	vlaneseq.u32 @!p0;
	v4 =	vpop @!p0 (erf)  }
0x28f: {  	v5 =	vor.u32 @!p0 s2, v5;
	[tilespmem:s0+$0x18880] =	vst.msk @!p0 vm0, v4;
	s31 =	spop (v2sf)  }
0x290: {  	[tilespmem:s0+$0x19180] =	vst.msk @!p0 vm0, v5;
	s20 =	sadd.s32 s0, s31  }
.LBB2_65:
0x291: {  	s30 =	sadd.s32 $0x1, s30  }
0x292: {  	p0 =	sne.s32 s30, $0x10  }
.Ltmp46:
0x293: {  	_ = 	snop;
	(pc) =	sbr.rel @!p0 .LBB2_66-.Ltmp46, $2  }
0x294: {  	_ =	sdelay $0x2  }
0x295: {  	s29 =	sadd.s32 $0x100, s29;
	s28 =	sadd.s32 $0x100, s28  }
.LBB2_61:
0x296: {  	s0 =	sor.u32 s26, s30  }
0x297: {  	s0 =	sshll.u32 s0, $0x4  }
0x298: {  	v4 =	vld [tilespmem:s0+$0x18000];
	_ =	sdelay $0x4  }
0x299: {  	vm0 =	vgt.f32 v4, v3  }
0x29a: {  	v4 =	vsel vm0, $0x3F800000, v0  }
0x29b: {  	(xrf0) =	vmax.scan.msk.f32 $0xffff, v4;
	_ =	sdelay $0x5  }
0x29c: {  	v4, _, _ =	vpop (xrf0)  }
0x29d: {  	(v2sf) =	vpush v4, $0xF;
	_ =	sdelay $0xe  }
0x29e: {  	s31 =	spop (v2sf)  }
0x29f: {  	p0 =	sgt.f32 s31, $0.0e+00  }
.Ltmp47:
0x2a0: {  	_ = 	snop;
	(pc) =	sbr.rel @!p0 .LBB2_65-.Ltmp47, $1  }
0x2a1: {  	_ =	sdelay $0x3  }
0x2a2: {  	s0 =	sadd.s32 $0x0, s29  }
0x2a3: {  	v4 =	vld [tilespmem:s0+$0x0];
	_ =	sdelay $0x4  }
0x2a4: {  	vm0 =	vgt.f32 v4, v3  }
0x2a5: {  	v5 =	vmpcnt.ones.xlane vm0  }
0x2a6: {  	p0 =	sgt.s32 s20, $0x400  }
0x2a7: {  	(v2sf) =	vpush v5, $0x0;
	v5 =	vmul.f32 @!p0 $1.442695020e+00, v4;
	_ =	sdelay $0x1  }
0x2a8: {  	(erf) = vpow2.f32 @!p0 v5;
	_ =	sdelay $0x8  }
0x2a9: {  	vm0 =	vgt.f32 @!p0 v4, v3;
	v5 =	vlaneseq.u32 @!p0;
	v4 =	vpop @!p0 (erf)  }
0x2aa: {  	v5 =	vor.u32 @!p0 s28, v5;
	[tilespmem:s20+$0x18880] =	vst.msk @!p0 vm0, v4  }
0x2ab: {  	s2 =	sadd.s32 $0x10, s29;
	[tilespmem:s20+$0x19180] =	vst.msk @!p0 vm0, v5  }
0x2ac: {  	v4 =	vld [tilespmem:s2+$0x0];
	_ =	sdelay $0x1  }
0x2ad: {  	s31 =	smov.u32 s28;
	s0 =	simm.s32 $0x80;
	s2 =	spop (v2sf)  }
.LBB2_63:
0x2ae: {  	s20 =	sadd.s32 s20, s2  }
0x2af: {  	s31 =	sadd.s32 $0x10, s31;
	s2 =	smov.u32 s0;
	s0 =	sadd.s32 $0x40, s0  }
0x2b0: {  	vm0 =	vgt.f32 v4, v3;
	p0 =	sne.s32 s0, $0x400;
	p1 =	sgt.s32 s20, $0x400  }
0x2b1: {  	v7 =	vmpcnt.ones.xlane vm0;
	v5 =	vmul.f32 @!p1 $1.442695020e+00, v4;
	v6 =	vlaneseq.u32 @!p1  }
0x2b2: {  	v6 =	vor.u32 @!p1 s31, v6  }
0x2b3: {  	(erf) = vpow2.f32 @!p1 v5;
	(v2sf) =	vpush v7, $0x0;
	_ =	sdelay $0x8  }
0x2b4: {  	vm0 =	vgt.f32 @!p1 v4, v3;
	v4 =	vpop @!p1 (erf)  }
0x2b5: {  	s2 =	sshra.s32 s2, $0x2;
	[tilespmem:s20+$0x18880] =	vst.msk @!p1 vm0, v4  }
.Ltmp48:
0x2b6: {  	s2 =	sadd.s32 s2, s29;
	[tilespmem:s20+$0x19180] =	vst.msk @!p1 vm0, v6;
	(pc) =	sbr.rel @p0 .LBB2_63-.Ltmp48, $2  }
0x2b7: {  	v4 =	vld [tilespmem:s2+$0x0];
	_ =	sdelay $0x2  }
0x2b8: {  	s2 =	spop (v2sf)  }
.Ltmp49:
0x2b9: {  	_ = 	snop;
	(pc) =	sbr.rel .LBB2_64-.Ltmp49, $1  }
0x2ba: {  	_ =	sdelay $0x3  }
.LBB2_67:
0x2bb: {  	p0 =	sgt.s32 s20, $0x400  }
.Ltmp50:
0x2bc: {  	_ = 	snop;
	(pc) =	sbr.rel @p0 .LBB2_83-.Ltmp50, $3  }
0x2bd: {  	_ =	sdelay $0x1  }
0x2be: {  	s0 =	sadd.s32 $0xF, s20  }
0x2bf: {  	s21 =	sshrl.u32 s0, $0x4  }
0x2c0: {  	p1 =	sgt.s32 s20, $0x10  }
.Ltmp51:
0x2c1: {  	_ = 	snop;
	(pc) =	sbr.rel @p1 .LBB2_74-.Ltmp51, $3  }
0x2c2: {  	_ =	sdelay $0x1  }
0x2c3: {  	v3 =	vmov s23  }
0x2c4: {  	s21 =	sshrl.u32 s0, $0x4;
	s24 =	simm.s32 $0x0;
	[tilespmem:s20+$0x18880] =	vst v3  }
0x2c5: {  	v3 =	vld [tilespmem:$0x18880];
	_ =	sdelay $0x2  }
0x2c6: {  	v4 =	vmov s20  }
0x2c7: {  	vm0 =	vgt.s32 v4, v1  }
0x2c8: {  	v3 =	vnsel vm0, $0xFF61B1E6, v3  }
0x2c9: {  	(xrf1) =	vsort.dscd.msk.f32 $0xffff, v3, v3;
	_ =	sdelay $0xd  }
0x2ca: {  	v3, _, _ =	vpop (xrf1)  }
0x2cb: {  	(xrf2) =	vadd.scan.msk.f32 $0xffff, v3;
	_ =	sdelay $0x6  }
0x2cc: {  	v4 =	vmul.f32 v2, v3;
	_ =	sdelay $0x1  }
0x2cd: {  	v4 =	vadd.f32 $1.000000000e+00, v4  }
0x2ce: {  	v5, _, _ =	vpop (xrf2)  }
0x2cf: {  	vm15 =	vgt.f32 v4, v5  }
0x2d0: {  	v3 =	vnsel vm15, $0x0, v3  }
0x2d1: {  	(xrf2) =	vadd.scan.msk.f32 $0xffff, v3  }
0x2d2: {  	v3 =	vmpcnt.ones.xlane vm15;
	_ =	sdelay $0x1  }
0x2d3: {  	v3 =	vcvt.s32.f32 v3;
	_ =	sdelay $0x1  }
0x2d4: {  	(erf) = vrcp.f32 v3;
	_ =	sdelay $0x4  }
0x2d5: {  	v3, _, _ =	vpop (xrf2)  }
.Ltmp52:
0x2d6: {  	v3 =	vadd.f32 $-1.000000000e+00, v3;
	(pc) =	sbr.rel .LBB2_70-.Ltmp52, $4  }
0x2d7: {  	_ = 	snop  }
0x2d8: {  	v3 =	vbroadcast v3, $0xF  }
0x2d9: {  	v4 =	vpop (erf)  }
0x2da: {  	v3 =	vmul.f32 v3, v4  }
.LBB2_75:
0x2db: {  	v3 =	vimm.f32 $0.0e+00  }
.LBB2_79:
0x2dc: {  	(xrf2) =	vadd.scan.msk.f32 $0xffff, v3;
	_ =	sdelay $0x9  }
0x2dd: {  	v3, _, _ =	vpop (xrf2)  }
0x2de: {  	(v2sf) =	vpush v3, $0xF;
	_ =	sdelay $0xe  }
0x2df: {  	s2 =	spop (v2sf)  }
0x2e0: {  	s2 =	sadd.f32 $-1.000000000e+00, s2;
	_ =	sdelay $0x1  }
0x2e1: {  	p2 =	sge.f32 s2, $0.0e+00  }
0x2e2: {  	s24 =	sadd.s32 $0x1, s24  }
0x2e3: {  	s23 =	smov.u32 @p2 s0;
	s0 =	smov.u32 @p2 s22;
	p2 =	seq.s32 s24, $0x1E  }
.Ltmp53:
0x2e4: {  	_ = 	snop;
	(pc) =	sbr.rel @p2 .LBB2_72-.Ltmp53, $2  }
0x2e5: {  	_ =	sdelay $0x2  }
0x2e6: {  	s22 =	smov.u32 s0  }
.LBB2_74:
0x2e7: {  	p1 =	seq.s32 s21, $0x0  }
.Ltmp54:
0x2e8: {  	_ = 	snop;
	(pc) =	sbr.rel @p1 .LBB2_75-.Ltmp54, $3  }
0x2e9: {  	_ = 	snop  }
0x2ea: {  	s0 =	sadd.f32 s22, s23;
	_ =	sdelay $0x1  }
0x2eb: {  	s0 =	smul.f32 $5.000000000e-01, s0  }
0x2ec: {  	s2 =	simm.s32 $0x18880  }
0x2ed: {  	p2 =	sne.s32 s21, $0x1;
	v5 =	vld [tilespmem:s2+$0x0]  }
.Ltmp55:
0x2ee: {  	_ = 	snop;
	(pc) =	sbr.rel @!p2 .LBB2_78-.Ltmp55, $3  }
0x2ef: {  	_ =	sdelay $0x1  }
0x2f0: {  	v4 =	vmov s0  }
0x2f1: {  	v3 =	vimm.f32 $0.0e+00;
	s25 =	sadd.s32 $0xFFFFFFFF, s21;
	s26 =	simm.s32 $0x18890;
	v5 =	vsub.f32 v5, v4  }
.LBB2_77:
0x2f2: {  	v6 =	vld [tilespmem:s26+$0x0];
	p2 =	sne.s32 s25, $0x1;
	s25 =	sadd.s32 $0xFFFFFFFF, s25  }
.Ltmp56:
0x2f3: {  	v5 =	vmax.f32 v5, $0.0e+00;
	(pc) =	sbr.rel @p2 .LBB2_77-.Ltmp56, $2  }
0x2f4: {  	v3 =	vadd.f32 v5, v3;
	_ =	sdelay $0x2  }
0x2f5: {  	s26 =	sadd.s32 $0x10, s26;
	v5 =	vsub.f32 v6, v4  }
.LBB2_78:
.Ltmp57:
0x2f6: {  	(pc) =	sbr.rel .LBB2_79-.Ltmp57, $3  }
0x2f7: {  	_ = 	snop  }
0x2f8: {  	v4 =	vmax.f32 v5, $0.0e+00  }
0x2f9: {  	v3 =	vadd.f32 v4, v3;
	_ =	sdelay $0x1  }
.LBB2_83:
0x2fa: {  	s24 =	simm.s32 $0x8020  }
0x2fb: {  	v3 =	vld [tilespmem:s24+$0x0]  }
0x2fc: {  	v4 =	vld [tilespmem:s24+$0xFFFFFFE0];
	_ =	sdelay $0x2  }
0x2fd: {  	v5 =	vld [tilespmem:s24+$0xFFFFFFF0]  }
0x2fe: {  	s25 =	simm.s32 $0x8060;
	v6 =	vld [tilespmem:s24+$0x10];
	v3 =	vmul.f32 $1.442695020e+00, v3  }
0x2ff: {  	v7 =	vld [tilespmem:s25+$0x0];
	v4 =	vmul.f32 $1.442695020e+00, v4  }
0x300: {  	(erf) = vpow2.f32 v3;
	v3 =	vld [tilespmem:s25+$0xFFFFFFE0]  }
0x301: {  	(erf) = vpow2.f32 v4;
	v4 =	vld [tilespmem:s25+$0xFFFFFFF0]  }
0x302: {  	v8 =	vld [tilespmem:s25+$0x10];
	v5 =	vmul.f32 $1.442695020e+00, v5  }
0x303: {  	v6 =	vmul.f32 $1.442695020e+00, v6  }
0x304: {  	(erf) = vpow2.f32 v5;
	v5 =	vmul.f32 $1.442695020e+00, v7  }
0x305: {  	s26 =	simm.s32 $0x80A0;
	(erf) = vpow2.f32 v6;
	v6 =	vmul.f32 $1.442695020e+00, v3  }
0x306: {  	v7 =	vld [tilespmem:s26+$0x0];
	(erf) = vpow2.f32 v5;
	v9 =	vmul.f32 $1.442695020e+00, v4  }
0x307: {  	v8 =	vmul.f32 $1.442695020e+00, v8;
	(erf) = vpow2.f32 v6  }
0x308: {  	v3 =	vld [tilespmem:s26+$0xFFFFFFE0];
	(erf) = vpow2.f32 v9  }
0x309: {  	v4 =	vld [tilespmem:s26+$0xFFFFFFF0];
	v63 =	vpop (erf);
	(erf) = vpow2.f32 v8  }
0x30a: {  	v5 =	vld [tilespmem:s26+$0x10]  }
0x30b: {  	s0 =	simm.s32 $0x8;
	s28 =	simm.s32 $0x80E0;
	v6 =	vmul.f32 $1.442695020e+00, v7;
	[tilespmem:s24+$0x0] =	vst v63;
	v7 =	vpop (erf)  }
.LBB2_84:
0x30c: {  	s0 =	sadd.s32 $0x4, s0  }
0x30d: {  	v8 =	vld [tilespmem:s28+$0x0];
	v9 =	vmul.f32 $1.442695020e+00, v3;
	[tilespmem:s24+$0xFFFFFFE0] =	vst v7;
	v7 =	vpop (erf);
	p1 =	slt.u32 s0, $0x7FC  }
.Ltmp58:
0x30e: {  	v3 =	vld [tilespmem:s28+$0xFFFFFFE0];
	v10 =	vmul.f32 $1.442695020e+00, v4;
	(erf) = vpow2.f32 v6;
	[tilespmem:s24+$0xFFFFFFF0] =	vst v7;
	v6 =	vpop (erf);
	(pc) =	sbr.rel @p1 .LBB2_84-.Ltmp58, $4  }
0x30f: {  	v4 =	vld [tilespmem:s28+$0xFFFFFFF0];
	v11 =	vmul.f32 $1.442695020e+00, v5;
	(erf) = vpow2.f32 v9;
	[tilespmem:s24+$0x10] =	vst v6;
	s24 =	smov.u32 s25;
	s25 =	smov.u32 s26;
	s26 =	smov.u32 s28  }
0x310: {  	v5 =	vld [tilespmem:s28+$0x10];
	(erf) = vpow2.f32 v10  }
0x311: {  	(erf) = vpow2.f32 v11;
	v7 =	vpop (erf)  }
0x312: {  	s28 =	sadd.s32 $0x40, s28;
	v6 =	vmul.f32 $1.442695020e+00, v8;
	[tilespmem:s24+$0x0] =	vst v7;
	v7 =	vpop (erf)  }
0x313: {  	v3 =	vmul.f32 $1.442695020e+00, v3  }
0x314: {  	v4 =	vmul.f32 $1.442695020e+00, v4;
	(erf) = vpow2.f32 v6  }
0x315: {  	v5 =	vmul.f32 $1.442695020e+00, v5;
	(erf) = vpow2.f32 v3  }
0x316: {  	(erf) = vpow2.f32 v4  }
0x317: {  	[tilespmem:s24+$0xFFFFFFE0] =	vst v7;
	v3 =	vpop (erf);
	(erf) = vpow2.f32 v5  }
0x318: {  	v63 =	vpop (erf);
	[tilespmem:s24+$0xFFFFFFF0] =	vst v3  }
0x319: {  	[tilespmem:s24+$0x10] =	vst v63;
	v3 =	vpop (erf)  }
0x31a: {  	[tilespmem:s25+$0x0] =	vst v3;
	v3 =	vpop (erf)  }
0x31b: {  	[tilespmem:s25+$0xFFFFFFE0] =	vst v3;
	v3 =	vpop (erf)  }
0x31c: {  	[tilespmem:s25+$0xFFFFFFF0] =	vst v3;
	v3 =	vpop (erf)  }
0x31d: {  	[tilespmem:s25+$0x10] =	vst v3;
	v3 =	vpop (erf)  }
0x31e: {  	[tilespmem:s26+$0x0] =	vst v3;
	v3 =	vpop (erf)  }
0x31f: {  	[tilespmem:s26+$0xFFFFFFE0] =	vst v3;
	v3 =	vpop (erf)  }
0x320: {  	[tilespmem:s26+$0xFFFFFFF0] =	vst v3;
	v3 =	vpop (erf)  }
0x321: {  	s0 =	simm.s32 $0x0;
	[tilespmem:s26+$0x10] =	vst v3  }
.LBB2_86:
0x322: {  	s2 =	sadd.f32 s22, s23;
	_ =	sdelay $0x1  }
0x323: {  	s24 =	smul.f32 $5.000000000e-01, s2  }
0x324: {  	s31 =	simm.s32 $0x0  }
0x325: {  	v3 =	vimm.f32 $0.0e+00;
	s25 =	simm.s32 $0x40;
	v5 =	vld [tilespmem:s31+$0x8000];
	v4 =	vmov s24  }
.LBB2_87:
0x326: {  	_ =	sdelay $0x1  }
0x327: {  	p1 =	sne.s32 s25, $0x1FFC0  }
.Ltmp59:
0x328: {  	_ = 	snop;
	(pc) =	sbr.rel @p1 .LBB2_87-.Ltmp59, $3  }
0x329: {  	v6 =	vsub.f32 v5, v4;
	_ =	sdelay $0x1  }
0x32a: {  	s2 =	sshra.s32 s25, $0x2;
	v6 =	vmax.f32 v6, $0.0e+00  }
0x32b: {  	s25 =	sadd.s32 $0x40, s25;
	v5 =	vld [tilespmem:s2+$0x8000];
	v3 =	vadd.f32 v6, v3  }
0x32c: {  	_ =	sdelay $0x3  }
0x32d: {  	v4 =	vsub.f32 v5, v4;
	_ =	sdelay $0x1  }
0x32e: {  	v4 =	vmax.f32 v4, $0.0e+00  }
0x32f: {  	v3 =	vadd.f32 v4, v3;
	_ =	sdelay $0x1  }
0x330: {  	(xrf2) =	vadd.scan.msk.f32 $0xffff, v3;
	_ =	sdelay $0x9  }
0x331: {  	v3, _, _ =	vpop (xrf2)  }
0x332: {  	(v2sf) =	vpush v3, $0xF;
	_ =	sdelay $0xe  }
0x333: {  	s2 =	spop (v2sf)  }
0x334: {  	s2 =	sadd.f32 $-1.000000000e+00, s2;
	_ =	sdelay $0x1  }
0x335: {  	p1 =	sge.f32 s2, $0.0e+00  }
0x336: {  	s0 =	sadd.s32 $0x1, s0  }
0x337: {  	s23 =	smov.u32 @p1 s24;
	s24 =	smov.u32 @p1 s22;
	p1 =	seq.s32 s0, $0x1E  }
.Ltmp60:
0x338: {  	_ = 	snop;
	(pc) =	sbr.rel @!p1 .LBB2_86-.Ltmp60, $2  }
0x339: {  	_ =	sdelay $0x2  }
0x33a: {  	s22 =	smov.u32 s24  }
0x33b: {  	s2 =	simm.s32 $0x0  }
0x33c: {  	v6 =	vld [tilespmem:s2+$0x8000]  }
0x33d: {  	v4 =	vmov s23;
	v3 =	vimm.f32 $0.0e+00;
	s0 =	simm.s32 $0x40;
	v5 =	vimm.f32 $0.0e+00  }
.LBB2_90:
0x33e: {  	p1 =	sne.s32 s0, $0x1FFC0  }
.Ltmp61:
0x33f: {  	_ = 	snop;
	(pc) =	sbr.rel @p1 .LBB2_90-.Ltmp61, $4  }
0x340: {  	_ = 	snop  }
0x341: {  	s2 =	sshra.s32 s0, $0x2;
	s0 =	sadd.s32 $0x40, s0;
	vm0 =	vgt.f32 v6, v4  }
0x342: {  	v7 =	vnsel vm0, $0x0, v6;
	v6 =	vld [tilespmem:s2+$0x8000];
	v8 =	vsel vm0, $0x3F800000, v0  }
0x343: {  	v3 =	vadd.f32 v7, v3;
	v5 =	vadd.f32 v8, v5  }
0x344: {  	_ = 	snop  }
.Ltmp62:
0x345: {  	_ = 	snop;
	(pc) =	sbr.rel .LBB2_92-.Ltmp62, $4  }
0x346: {  	_ = 	snop  }
0x347: {  	vm0 =	vgt.f32 v6, v4  }
0x348: {  	v4 =	vnsel vm0, $0x0, v6;
	v6 =	vsel vm0, $0x3F800000, v0  }
0x349: {  	v3 =	vadd.f32 v4, v3;
	v4 =	vadd.f32 v6, v5  }
.LBB2_55:
0x34a: {  	p0 =	slt.s32 s20, $0x401  }
.Ltmp63:
0x34b: {  	_ = 	snop;
	(pc) =	sbr.rel @p0 .LBB2_59-.Ltmp63, $1  }
0x34c: {  	_ =	sdelay $0x3  }
0x34d: {  	s0 =	simm.s32 $0x10040  }
0x34e: {  	[tilespmem:s0+$0xFFFFFFC0] =	vst v0  }
0x34f: {  	[tilespmem:s0+$0x30] =	vst v0  }
0x350: {  	[tilespmem:s0+$0x20] =	vst v0  }
0x351: {  	[tilespmem:s0+$0x10] =	vst v0  }
0x352: {  	[tilespmem:s0+$0x0] =	vst v0  }
0x353: {  	[tilespmem:s0+$0xFFFFFFF0] =	vst v0  }
0x354: {  	s20 =	simm.s32 $0x0;
	[tilespmem:s0+$0xFFFFFFE0] =	vst v0  }
.LBB2_57:
0x355: {  	s20 =	sadd.s32 $0x8, s20;
	[tilespmem:s0+$0xFFFFFFD0] =	vst v0;
	s0 =	sadd.s32 $0x80, s0  }
0x356: {  	[tilespmem:s0+$0xFFFFFFC0] =	vst v0;
	p0 =	slt.u32 s20, $0x7F8  }
0x357: {  	[tilespmem:s0+$0x30] =	vst v0  }
.Ltmp64:
0x358: {  	[tilespmem:s0+$0x20] =	vst v0;
	(pc) =	sbr.rel @p0 .LBB2_57-.Ltmp64, $4  }
0x359: {  	[tilespmem:s0+$0x10] =	vst v0  }
0x35a: {  	[tilespmem:s0+$0x0] =	vst v0  }
0x35b: {  	[tilespmem:s0+$0xFFFFFFF0] =	vst v0  }
0x35c: {  	[tilespmem:s0+$0xFFFFFFE0] =	vst v0  }
.Ltmp65:
0x35d: {  	(pc) =	sbr.rel .LBB2_59-.Ltmp65, $2  }
0x35e: {  	_ =	sdelay $0x2  }
0x35f: {  	[tilespmem:s0+$0xFFFFFFD0] =	vst v0  }
.LBB2_72:
.Ltmp66:
0x360: {  	(pc) =	sbr.rel @p1 .LBB2_73-.Ltmp66, $1  }
0x361: {  	_ =	sdelay $0x3  }
0x362: {  	s0 =	simm.s32 $0x18880  }
0x363: {  	p1 =	seq.s32 s21, $0x1;
	v5 =	vld [tilespmem:s0+$0x0]  }
.Ltmp67:
0x364: {  	_ = 	snop;
	(pc) =	sbr.rel @p1 .LBB2_82-.Ltmp67, $3  }
0x365: {  	_ =	sdelay $0x1  }
0x366: {  	v4 =	vmov s23  }
0x367: {  	v3 =	vimm.f32 $0.0e+00;
	s22 =	simm.s32 $0x18890;
	v6 =	vimm.f32 $0.0e+00;
	s0 =	sadd.s32 $0xFFFFFFFF, s21;
	vm0 =	vgt.f32 v5, v4  }
.LBB2_81:
0x368: {  	p1 =	seq.s32 s0, $0x1;
	s0 =	sadd.s32 $0xFFFFFFFF, s0;
	v7 =	vnsel vm0, $0x0, v5;
	v5 =	vld [tilespmem:s22+$0x0];
	v8 =	vsel vm0, $0x3F800000, v0  }
.Ltmp68:
0x369: {  	v3 =	vadd.f32 v7, v3;
	v6 =	vadd.f32 v8, v6;
	(pc) =	sbr.rel @!p1 .LBB2_81-.Ltmp68, $2  }
0x36a: {  	_ =	sdelay $0x2  }
0x36b: {  	s22 =	sadd.s32 $0x10, s22;
	vm0 =	vgt.f32 v5, v4  }
.LBB2_82:
.Ltmp69:
0x36c: {  	(pc) =	sbr.rel .LBB2_92-.Ltmp69, $3  }
0x36d: {  	_ =	sdelay $0x1  }
0x36e: {  	v4 =	vnsel vm0, $0x0, v5;
	v5 =	vsel vm0, $0x3F800000, v0  }
0x36f: {  	v3 =	vadd.f32 v4, v3;
	v4 =	vadd.f32 v5, v6  }
.LBB2_73:
0x370: {  	v3 =	vimm.f32 $0.0e+00;
	v4 =	vimm.f32 $0.0e+00  }
.LBB2_92:
0x371: {  	_ = 	snop  }
0x372: {  	(xrf2) =	vadd.scan.msk.f32 $0xffff, v3  }
0x373: {  	(xrf2) =	vadd.scan.msk.f32 $0xffff, v4;
	_ =	sdelay $0x8  }
0x374: {  	v3, _, _ =	vpop (xrf2)  }
0x375: {  	v4, _, _ =	vpop (xrf2)  }
0x376: {  	v4 =	vbroadcast v4, $0xF;
	_ =	sdelay $0x1  }
0x377: {  	(erf) = vrcp.f32 v4;
	_ =	sdelay $0x5  }
0x378: {  	v3 =	vadd.f32 $-1.000000000e+00, v3  }
.Ltmp70:
0x379: {  	_ = 	snop;
	(pc) =	sbr.rel @p0 .LBB2_93-.Ltmp70, $3  }
0x37a: {  	v3 =	vbroadcast v3, $0xF  }
0x37b: {  	v4 =	vpop (erf)  }
0x37c: {  	v3 =	vmul.f32 v4, v3;
	_ =	sdelay $0x1  }
.LBB2_70:
0x37d: {  	p1 =	seq.s32 s21, $0x0  }
.Ltmp71:
0x37e: {  	_ = 	snop;
	(pc) =	sbr.rel @p1 .LBB2_71-.Ltmp71, $1  }
0x37f: {  	_ =	sdelay $0x3  }
0x380: {  	p1 =	seq.s32 s21, $0x1  }
.Ltmp72:
0x381: {  	_ = 	snop;
	(pc) =	sbr.rel @p1 .LBB2_98-.Ltmp72, $4  }
0x382: {  	_ = 	snop  }
0x383: {  	s0 =	simm.s32 $0x19180  }
0x384: {  	s22 =	simm.s32 $0x18880;
	v4 =	vld [tilespmem:s0+$0x0]  }
0x385: {  	v5 =	vmov s20;
	s23 =	simm.s32 $0x0;
	s24 =	sadd.s32 $0xFFFFFFFF, s21;
	v6 =	vld [tilespmem:s22+$0x0]  }
.LBB2_97:
0x386: {  	p1 =	seq.s32 s24, $0x1;
	v7 =	vor.u32 s23, v1  }
0x387: {  	vm0 =	vlt.s32 v7, v5;
	_ =	sdelay $0x2  }
0x388: {  	v6 =	vsub.f32 v6, v3  }
.Ltmp73:
0x389: {  	(pc) =	sbr.rel @!p1 .LBB2_97-.Ltmp73, $4  }
0x38a: {  	v6 =	vmax.f32 v6, $0.0e+00  }
0x38b: {  	s0 =	sadd.s32 $0x10, s0;
	[tilespmem:v4+s16+$0x0] =	vst.idx.msk vm0, v6  }
0x38c: {  	s22 =	sadd.s32 $0x10, s22;
	v4 =	vld [tilespmem:s0+$0x0]  }
0x38d: {  	s24 =	sadd.s32 $0xFFFFFFFF, s24;
	s23 =	sadd.s32 $0x10, s23;
	v6 =	vld [tilespmem:s22+$0x0]  }
.LBB2_98:
0x38e: {  	v7 =	vor.u32 s23, v1  }
0x38f: {  	vm0 =	vlt.s32 v7, v5;
	_ =	sdelay $0x1  }
.Ltmp74:
0x390: {  	_ = 	snop;
	(pc) =	sbr.rel .LBB2_99-.Ltmp74, $3  }
0x391: {  	v3 =	vsub.f32 v6, v3;
	_ =	sdelay $0x1  }
0x392: {  	v3 =	vmax.f32 v3, $0.0e+00  }
0x393: {  	[tilespmem:v4+s16+$0x0] =	vst.idx.msk vm0, v3  }
.LBB2_93:
0x394: {  	s0 =	simm.s32 $0x8040  }
0x395: {  	v5 =	vld [tilespmem:s0+$0x30]  }
0x396: {  	v7 =	vld [tilespmem:s0+$0xFFFFFFD0]  }
0x397: {  	v9 =	vld [tilespmem:s0+$0xFFFFFFE0]  }
0x398: {  	v8 =	vld [tilespmem:s0+$0xFFFFFFF0]  }
0x399: {  	v6 =	vld [tilespmem:s0+$0x0]  }
0x39a: {  	v4 =	vld [tilespmem:s0+$0x10];
	v11 =	vsub.f32 v5, v3  }
0x39b: {  	v5 =	vld [tilespmem:s0+$0x20];
	v10 =	vsub.f32 v7, v3  }
0x39c: {  	s22 =	simm.s32 $0x10040;
	s23 =	simm.s32 $0x0;
	v7 =	vld [tilespmem:s0+$0xFFFFFFC0];
	v9 =	vsub.f32 v9, v3;
	s0 =	simm.s32 $0x80C0;
	v11 =	vmax.f32 v11, $0.0e+00  }
.LBB2_94:
0x39d: {  	v12 =	vld [tilespmem:s0+$0x30];
	s23 =	sadd.s32 $0x8, s23;
	v10 =	vmax.f32 v10, $0.0e+00;
	v8 =	vsub.f32 v8, v3;
	[tilespmem:s22+$0x30] =	vst v11  }
0x39e: {  	v11 =	vld [tilespmem:s0+$0xFFFFFFD0];
	p1 =	slt.u32 s23, $0x7F8;
	[tilespmem:s22+$0xFFFFFFD0] =	vst v10;
	v9 =	vmax.f32 v9, $0.0e+00;
	v6 =	vsub.f32 v6, v3  }
0x39f: {  	v13 =	vld [tilespmem:s0+$0xFFFFFFE0];
	[tilespmem:s22+$0xFFFFFFE0] =	vst v9;
	v9 =	vmax.f32 v8, $0.0e+00;
	v4 =	vsub.f32 v4, v3  }
.Ltmp75:
0x3a0: {  	v8 =	vld [tilespmem:s0+$0xFFFFFFF0];
	[tilespmem:s22+$0xFFFFFFF0] =	vst v9;
	v9 =	vmax.f32 v6, $0.0e+00;
	v5 =	vsub.f32 v5, v3;
	(pc) =	sbr.rel @p1 .LBB2_94-.Ltmp75, $4  }
0x3a1: {  	v6 =	vld [tilespmem:s0+$0x0];
	v7 =	vsub.f32 v7, v3;
	[tilespmem:s22+$0x0] =	vst v9;
	v9 =	vmax.f32 v4, $0.0e+00  }
0x3a2: {  	v4 =	vld [tilespmem:s0+$0x10];
	v12 =	vsub.f32 v12, v3;
	[tilespmem:s22+$0x10] =	vst v9;
	v9 =	vmax.f32 v5, $0.0e+00  }
0x3a3: {  	v10 =	vsub.f32 v11, v3;
	v5 =	vld [tilespmem:s0+$0x20];
	v14 =	vmax.f32 v7, $0.0e+00;
	[tilespmem:s22+$0x20] =	vst v9  }
0x3a4: {  	v7 =	vld [tilespmem:s0+$0xFFFFFFC0];
	v9 =	vsub.f32 v13, v3;
	v11 =	vmax.f32 v12, $0.0e+00;
	s0 =	sadd.s32 $0x80, s0;
	[tilespmem:s22+$0xFFFFFFC0] =	vst v14;
	s22 =	sadd.s32 $0x80, s22  }
0x3a5: {  	v10 =	vmax.f32 v10, $0.0e+00;
	v8 =	vsub.f32 v8, v3;
	[tilespmem:s22+$0x30] =	vst v11  }
0x3a6: {  	[tilespmem:s22+$0xFFFFFFD0] =	vst v10;
	v9 =	vmax.f32 v9, $0.0e+00;
	v6 =	vsub.f32 v6, v3  }
0x3a7: {  	[tilespmem:s22+$0xFFFFFFE0] =	vst v9;
	v8 =	vmax.f32 v8, $0.0e+00;
	v4 =	vsub.f32 v4, v3  }
.Ltmp76:
0x3a8: {  	[tilespmem:s22+$0xFFFFFFF0] =	vst v8;
	v6 =	vmax.f32 v6, $0.0e+00;
	v5 =	vsub.f32 v5, v3;
	(pc) =	sbr.rel .LBB2_99-.Ltmp76, $4  }
0x3a9: {  	v3 =	vsub.f32 v7, v3;
	[tilespmem:s22+$0x0] =	vst v6;
	v4 =	vmax.f32 v4, $0.0e+00  }
0x3aa: {  	[tilespmem:s22+$0x10] =	vst v4;
	v63 =	vmax.f32 v5, $0.0e+00  }
0x3ab: {  	v3 =	vmax.f32 v3, $0.0e+00;
	[tilespmem:s22+$0x20] =	vst v63  }
0x3ac: {  	[tilespmem:s22+$0xFFFFFFC0] =	vst v3  }
.LBB2_71:
0x3ad: {  	s21 =	simm.s32 $0x0  }
.LBB2_99:
0x3ae: {  	[hbm4b:s7+s12] =	stream.strided.scatter [tilespmem:s16], [sflag:$0x3], $0x8000, s13, s12, $0x38;
	[tilespmem:$0x19600] =	vst v63  }
0x3af: {  	_ = 	snop  }
0x3b0: {  	[tilespmem:s14], [sflag:$0x2] =	stream.strided.gather [hbm4b:s8+s12], $0x8000, s13, s12, $0x38;
	[tilespmem:$0x19600] =	vst v63  }
0x3b1: {  	_ =	swait.ge [sflag:s15], $0x8000  }
0x3b2: {  	[sflag:s15] =	ssyncset.done $0x0  }
0x3b3: {  	s0 =	simm.s32 $0x100;
	[sflag:s15] =	ssyncadd.s32 $0xFFFF8000  }
0x3b4: {  	v3 =	vld [tilespmem:s0+$0x70]  }
0x3b5: {  	v4 =	vld [tilespmem:s0+$0xF0]  }
0x3b6: {  	v5 =	vld [tilespmem:s0+$0xE0]  }
0x3b7: {  	v6 =	vld [tilespmem:s0+$0xD0]  }
0x3b8: {  	v7 =	vld [tilespmem:s0+$0xC0]  }
0x3b9: {  	v13 =	vld [tilespmem:s0+$0x0]  }
0x3ba: {  	v12 =	vld [tilespmem:s0+$0xFFFFFF10]  }
0x3bb: {  	v14 =	vld [tilespmem:s0+$0xFFFFFF20]  }
0x3bc: {  	v15 =	vld [tilespmem:s0+$0xFFFFFF30]  }
0x3bd: {  	v8 =	vld [tilespmem:s0+$0xFFFFFF40]  }
0x3be: {  	v10 =	vld [tilespmem:s0+$0xFFFFFF50]  }
0x3bf: {  	v9 =	vld [tilespmem:s0+$0xFFFFFF60]  }
0x3c0: {  	v11 =	vld [tilespmem:s0+$0xFFFFFF70]  }
0x3c1: {  	v16 =	vld [tilespmem:s0+$0xFFFFFF80]  }
0x3c2: {  	v17 =	vld [tilespmem:s0+$0xFFFFFF90]  }
0x3c3: {  	v18 =	vld [tilespmem:s0+$0xB0]  }
0x3c4: {  	v19 =	vld [tilespmem:s0+$0x40]  }
0x3c5: {  	v20 =	vld [tilespmem:s0+$0xA0]  }
0x3c6: {  	v21 =	vld [tilespmem:s0+$0x50]  }
0x3c7: {  	v22 =	vld [tilespmem:s0+$0x60]  }
0x3c8: {  	v23 =	vld [tilespmem:s0+$0xFFFFFFC0]  }
0x3c9: {  	v24 =	vld [tilespmem:s0+$0xFFFFFFD0]  }
0x3ca: {  	v25 =	vld [tilespmem:s0+$0xFFFFFFE0]  }
0x3cb: {  	v26 =	vld [tilespmem:s0+$0xFFFFFFF0]  }
0x3cc: {  	v27 =	vld [tilespmem:s0+$0xFFFFFF00]  }
0x3cd: {  	v28 =	vld [tilespmem:s0+$0x10];
	v4 =	vmax.f32 v5, v4  }
0x3ce: {  	v5 =	vmax.f32 v7, v6;
	v7 =	vmax.f32 v16, v17;
	v16 =	vmax.f32 v9, v11;
	v9 =	vld [tilespmem:s0+$0x20]  }
0x3cf: {  	v6 =	vmax.f32 v20, v18;
	v17 =	vmax.f32 v19, v21;
	v8 =	vmax.f32 v8, v10;
	v11 =	vld [tilespmem:s0+$0x30]  }
0x3d0: {  	v18 =	vmax.f32 v22, v3;
	v3 =	vimm.f32 $-3.000000010e+38;
	v10 =	vld [tilespmem:s0+$0x90];
	v15 =	vmax.f32 v14, v15  }
0x3d1: {  	v14 =	vld [tilespmem:s0+$0xFFFFFFA0];
	v12 =	vmax.f32 v27, v12;
	v19 =	vmax.f32 v8, v16;
	v8 =	vmax.f32 v17, v18  }
0x3d2: {  	s23 =	simm.s32 $0x18010;
	v17 =	vmax.f32 v23, v24;
	v18 =	vmax.f32 v25, v26;
	v16 =	vld [tilespmem:s0+$0xFFFFFFB0];
	v63 =	vmax.f32 v12, v15  }
0x3d3: {  	s24 =	simm.s32 $0x0;
	s25 =	simm.s32 $0x300;
	s22 =	simm.s32 $0x18010;
	v15 =	vmax.f32 v13, v28;
	v12 =	vmax.f32 v17, v18;
	v13 =	vmax.f32 v63, v19;
	v17 =	vld [tilespmem:s0+$0x80]  }
.LBB2_100:
0x3d4: {  	v18 =	vld [tilespmem:s25+$0x70];
	s24 =	sadd.s32 $0x2, s24;
	s23 =	sadd.s32 $0x20, s23  }
0x3d5: {  	v19 =	vld [tilespmem:s25+$0xF0];
	p1 =	slt.u32 s24, $0x7E  }
0x3d6: {  	v20 =	vld [tilespmem:s25+$0xE0]  }
0x3d7: {  	v9 =	vmax.f32 v9, v11;
	v4 =	vmax.f32 v5, v4;
	v21 =	vld [tilespmem:s25+$0xD0];
	v14 =	vmax.f32 v14, v16  }
0x3d8: {  	v9 =	vmax.f32 v15, v9;
	v5 =	vld [tilespmem:s25+$0xC0];
	v7 =	vmax.f32 v7, v14;
	v10 =	vmax.f32 v17, v10  }
0x3d9: {  	v8 =	vmax.f32 v9, v8;
	v15 =	vld [tilespmem:s25+$0x0];
	v7 =	vmax.f32 v7, v12;
	v6 =	vmax.f32 v10, v6  }
0x3da: {  	v12 =	vld [tilespmem:s25+$0xFFFFFF10];
	v7 =	vmax.f32 v13, v7;
	v6 =	vmax.f32 v6, v4  }
0x3db: {  	v9 =	vld [tilespmem:s25+$0xFFFFFF20];
	v4 =	vmax.f32 v20, v19;
	[tilespmem:s22+$0xFFFFFFF0] =	vst v7;
	v3 =	vmax.f32 v3, v7;
	v6 =	vmax.f32 v8, v6  }
0x3dc: {  	v10 =	vld [tilespmem:s25+$0xFFFFFF30];
	[tilespmem:s22+$0x0] =	vst v6;
	v3 =	vmax.f32 v3, v6;
	s22 =	smov.u32 s23  }
0x3dd: {  	v8 =	vld [tilespmem:s25+$0xFFFFFF40];
	v5 =	vmax.f32 v5, v21  }
0x3de: {  	v11 =	vld [tilespmem:s25+$0xFFFFFF50]  }
0x3df: {  	v6 =	vld [tilespmem:s25+$0xFFFFFF60]  }
0x3e0: {  	v13 =	vld [tilespmem:s25+$0xFFFFFF70]  }
0x3e1: {  	v7 =	vld [tilespmem:s25+$0xFFFFFF80]  }
0x3e2: {  	v14 =	vld [tilespmem:s25+$0xFFFFFF90]  }
0x3e3: {  	v16 =	vld [tilespmem:s25+$0xB0]  }
0x3e4: {  	v17 =	vld [tilespmem:s25+$0x40]  }
0x3e5: {  	v19 =	vld [tilespmem:s25+$0xA0]  }
0x3e6: {  	v20 =	vld [tilespmem:s25+$0x50]  }
0x3e7: {  	v21 =	vld [tilespmem:s25+$0x60]  }
0x3e8: {  	v7 =	vmax.f32 v7, v14;
	v22 =	vld [tilespmem:s25+$0xFFFFFFC0]  }
0x3e9: {  	v14 =	vld [tilespmem:s25+$0xFFFFFFD0]  }
0x3ea: {  	v13 =	vmax.f32 v6, v13;
	v23 =	vld [tilespmem:s25+$0xFFFFFFE0];
	v6 =	vmax.f32 v19, v16  }
0x3eb: {  	v16 =	vld [tilespmem:s25+$0xFFFFFFF0];
	v17 =	vmax.f32 v17, v20  }
0x3ec: {  	v8 =	vmax.f32 v8, v11;
	v19 =	vld [tilespmem:s25+$0xFFFFFF00];
	v11 =	vmax.f32 v21, v18  }
0x3ed: {  	v13 =	vmax.f32 v8, v13;
	v18 =	vld [tilespmem:s25+$0x10];
	v8 =	vmax.f32 v17, v11  }
0x3ee: {  	v17 =	vmax.f32 v9, v10;
	v20 =	vmax.f32 v22, v14;
	v9 =	vld [tilespmem:s25+$0x20]  }
.Ltmp77:
0x3ef: {  	v11 =	vld [tilespmem:s25+$0x30];
	(pc) =	sbr.rel @p1 .LBB2_100-.Ltmp77, $4  }
0x3f0: {  	v16 =	vmax.f32 v23, v16;
	v10 =	vld [tilespmem:s25+$0x90]  }
0x3f1: {  	v14 =	vld [tilespmem:s25+$0xFFFFFFA0];
	v19 =	vmax.f32 v19, v12;
	v12 =	vmax.f32 v20, v16  }
0x3f2: {  	v16 =	vld [tilespmem:s25+$0xFFFFFFB0];
	v17 =	vmax.f32 v19, v17;
	v15 =	vmax.f32 v15, v18  }
0x3f3: {  	s0 =	simm.s32 $0x18080;
	v13 =	vmax.f32 v17, v13;
	v17 =	vld [tilespmem:s25+$0x80];
	s25 =	sadd.s32 $0x200, s25  }
0x3f4: {  	_ =	sdelay $0x2  }
0x3f5: {  	v9 =	vmax.f32 v9, v11;
	v14 =	vmax.f32 v14, v16  }
0x3f6: {  	v4 =	vmax.f32 v5, v4;
	v5 =	vmax.f32 v7, v14;
	v7 =	vmax.f32 v17, v10  }
0x3f7: {  	v9 =	vmax.f32 v15, v9;
	v5 =	vmax.f32 v5, v12;
	v6 =	vmax.f32 v7, v6  }
0x3f8: {  	v7 =	vmax.f32 v9, v8;
	v18 =	vmax.f32 v13, v5;
	v4 =	vmax.f32 v6, v4  }
0x3f9: {  	[tilespmem:s22+$0xFFFFFFF0] =	vst v18;
	v19 =	vmax.f32 v7, v4  }
0x3fa: {  	[tilespmem:s22+$0x0] =	vst v19  }
0x3fb: {  	v9 =	vld [tilespmem:s0+$0xFFFFFF80]  }
0x3fc: {  	v11 =	vld [tilespmem:s0+$0xFFFFFF90]  }
0x3fd: {  	v4 =	vld [tilespmem:s0+$0xFFFFFFA0]  }
0x3fe: {  	v5 =	vld [tilespmem:s0+$0xFFFFFFB0]  }
0x3ff: {  	v6 =	vld [tilespmem:s0+$0xFFFFFFC0]  }
0x400: {  	v7 =	vld [tilespmem:s0+$0xFFFFFFD0]  }
0x401: {  	v8 =	vld [tilespmem:s0+$0xFFFFFFE0]  }
0x402: {  	v10 =	vld [tilespmem:s0+$0xFFFFFFF0]  }
0x403: {  	v12 =	vld [tilespmem:s0+$0x0]  }
0x404: {  	v13 =	vld [tilespmem:s0+$0x10]  }
0x405: {  	v14 =	vld [tilespmem:s0+$0x20]  }
0x406: {  	v16 =	vld [tilespmem:s0+$0x30]  }
0x407: {  	v15 =	vld [tilespmem:s0+$0x40]  }
0x408: {  	v17 =	vld [tilespmem:s0+$0x50]  }
0x409: {  	v3 =	vmax.f32 v3, v18;
	v18 =	vld [tilespmem:s0+$0x60]  }
0x40a: {  	s23 =	simm.s32 $0x0;
	s24 =	simm.s32 $0x40;
	v3 =	vmax.f32 v3, v19;
	s22 =	simm.s32 $0x18180;
	v19 =	vld [tilespmem:s0+$0x70]  }
.LBB2_102:
0x40b: {  	v20 =	vld [tilespmem:s22+$0xFFFFFF80];
	p1 =	sne.s32 s24, $0x1C0  }
0x40c: {  	v21 =	vld [tilespmem:s22+$0xFFFFFF90]  }
0x40d: {  	v9 =	vmax.f32 v9, v11;
	v11 =	vmax.f32 v4, v5;
	v22 =	vmax.f32 v6, v7;
	v4 =	vld [tilespmem:s22+$0xFFFFFFA0]  }
0x40e: {  	v8 =	vmax.f32 v8, v10;
	v10 =	vmax.f32 v12, v13;
	v12 =	vmax.f32 v14, v16;
	v5 =	vld [tilespmem:s22+$0xFFFFFFB0]  }
0x40f: {  	v16 =	vmax.f32 v9, v11;
	v13 =	vmax.f32 v15, v17;
	v6 =	vld [tilespmem:s22+$0xFFFFFFC0];
	v14 =	vmax.f32 v18, v19  }
0x410: {  	v10 =	vmax.f32 v10, v12;
	v15 =	vmax.f32 v22, v8;
	v7 =	vld [tilespmem:s22+$0xFFFFFFD0];
	v12 =	vmax.f32 v13, v14;
	v9 =	vmovc v20  }
0x411: {  	v13 =	vmax.f32 v16, v15;
	v8 =	vld [tilespmem:s22+$0xFFFFFFE0];
	v12 =	vmax.f32 v10, v12;
	v11 =	vmov v21  }
0x412: {  	s0 =	sshra.s32 s23, $0x2;
	s23 =	smov.u32 s24;
	v10 =	vld [tilespmem:s22+$0xFFFFFFF0];
	v13 =	vmax.f32 v13, v12  }
0x413: {  	v12 =	vld [tilespmem:s22+$0x0];
	[tilespmem:s0+$0x18800] =	vst v13  }
0x414: {  	v13 =	vld [tilespmem:s22+$0x10]  }
0x415: {  	v14 =	vld [tilespmem:s22+$0x20]  }
.Ltmp78:
0x416: {  	v16 =	vld [tilespmem:s22+$0x30];
	(pc) =	sbr.rel @p1 .LBB2_102-.Ltmp78, $4  }
0x417: {  	v15 =	vld [tilespmem:s22+$0x40]  }
0x418: {  	v17 =	vld [tilespmem:s22+$0x50]  }
0x419: {  	v18 =	vld [tilespmem:s22+$0x60]  }
0x41a: {  	s24 =	sadd.s32 $0x40, s24;
	v19 =	vld [tilespmem:s22+$0x70];
	s22 =	sadd.s32 $0x100, s22  }
0x41b: {  	(xrf0) =	vmax.scan.msk.f32 $0xffff, v3;
	_ =	sdelay $0x5  }
0x41c: {  	v3, _, _ =	vpop (xrf0)  }
0x41d: {  	v20 =	vmul.f32 $1.442695020e+00, v3;
	_ =	sdelay $0x1  }
0x41e: {  	v20 =	vbroadcast v20, $0xF;
	_ =	sdelay $0x1  }
0x41f: {  	(erf) = vpow2.f32 v20;
	_ =	sdelay $0x8  }
0x420: {  	v20 =	vpop (erf)  }
0x421: {  	v21 =	vadd.f32 $-1.000000000e+00, v20;
	_ =	sdelay $0x1  }
0x422: {  	(erf) = vrcp.f32 v21;
	_ =	sdelay $0x7  }
0x423: {  	(v2sf) =	vpush v3, $0xF  }
0x424: {  	(v2sf) =	vpush v20, $0x0;
	v3 =	vpop (erf)  }
0x425: {  	(v2sf) =	vpush v3, $0x0;
	_ =	sdelay $0x8  }
0x426: {  	v4 =	vmax.f32 v4, v5;
	v54 =	vmax.f32 v6, v7;
	v55 =	vmax.f32 v8, v10  }
0x427: {  	v56 =	vmax.f32 v12, v13;
	v57 =	vmax.f32 v14, v16;
	v60 =	vmax.f32 v54, v55  }
0x428: {  	v58 =	vmax.f32 v15, v17;
	v59 =	vmax.f32 v18, v19;
	v3 =	vmax.f32 v9, v11  }
0x429: {  	p1 =	seq.s32 @!p0 s21, $0x0;
	v61 =	vmax.f32 v56, v57;
	v62 =	vmax.f32 v58, v59;
	v3 =	vmax.f32 v3, v4  }
0x42a: {  	p0 =	por p0, p1;
	v63 =	vmax.f32 v61, v62;
	s24 =	spop (v2sf);
	v3 =	vmax.f32 v3, v60  }
.Ltmp79:
0x42b: {  	s0 =	sshra.s32 s23, $0x2;
	s22 =	spop (v2sf);
	v3 =	vmax.f32 v3, v63;
	(pc) =	sbr.rel @p0 .LBB2_107-.Ltmp79, $4  }
0x42c: {  	[tilespmem:s0+$0x18800] =	vst v3;
	s23 =	spop (v2sf)  }
0x42d: {  	_ =	swait.ge [sflag:s18], $0x8000  }
0x42e: {  	[sflag:s18] =	ssyncset.done $0x0  }
0x42f: {  	[sflag:s18] =	ssyncadd.s32 $0xFFFF8000  }
0x430: {  	p0 =	seq.s32 s21, $0x1  }
.Ltmp80:
0x431: {  	_ = 	snop;
	(pc) =	sbr.rel @p0 .LBB2_106-.Ltmp80, $3  }
0x432: {  	_ =	sdelay $0x1  }
0x433: {  	s0 =	simm.s32 $0x19180  }
0x434: {  	v3 =	vmov s20;
	s20 =	simm.s32 $0x0;
	s21 =	sadd.s32 $0xFFFFFFFF, s21;
	v4 =	vld [tilespmem:s0+$0x0]  }
.LBB2_105:
0x435: {  	p0 =	seq.s32 s21, $0x1;
	v5 =	vor.u32 s20, v1  }
0x436: {  	vm0 =	vlt.s32 v5, v3;
	_ =	sdelay $0x2  }
.Ltmp81:
0x437: {  	(pc) =	sbr.rel @!p0 .LBB2_105-.Ltmp81, $3  }
0x438: {  	_ =	sdelay $0x1  }
0x439: {  	s0 =	sadd.s32 $0x10, s0;
	[tilespmem:v4+s16+$0x0] =	vst.idx.msk vm0, v0  }
0x43a: {  	s21 =	sadd.s32 $0xFFFFFFFF, s21;
	s20 =	sadd.s32 $0x10, s20;
	v4 =	vld [tilespmem:s0+$0x0]  }
.LBB2_106:
0x43b: {  	_ = 	snop  }
0x43c: {  	v5 =	vor.u32 s20, v1  }
0x43d: {  	vm0 =	vlt.s32 v5, v3;
	_ =	sdelay $0x5  }
0x43e: {  	[tilespmem:v4+s16+$0x0] =	vst.idx.msk vm0, v0  }
.LBB2_111:
0x43f: {  	s0 =	sand.u32 $0x7FFFFFFF, s24  }
0x440: {  	s0 =	sadd.f32 $1.000000000e+00, s0;
	_ =	sdelay $0x1  }
0x441: {  	s2 =	ssub.f32 s24, s23;
	s0 =	smul.f32 $-9.999999970e-07, s0  }
.Ltmp82:
0x442: {  	_ = 	snop;
	(pc) =	sbr.rel .LBB2_112-.Ltmp82, $4  }
0x443: {  	p0 =	sgt.f32 s22, $1.000000000e+00;
	s0 =	sadd.f32 s0, s2  }
0x444: {  	_ = 	snop  }
0x445: {  	s23 =	sadd.f32 $-1.000000000e+00, s22;
	s21 =	simm.s32 $0x0;
	s0 =	simm.s32 @!p0 $0xFF61B1E6  }
0x446: {  	s24 =	simm.s32 $0x0;
	s20 =	simm.s32 $0x0;
	s25 =	simm.s32 $0x0;
	v3 =	vmov s0  }
.LBB2_118:
0x447: {  	s25 =	sadd.s32 $0x1, s25  }
0x448: {  	p0 =	sne.s32 s25, $0x8  }
.Ltmp83:
0x449: {  	_ = 	snop;
	(pc) =	sbr.rel @!p0 .LBB2_119-.Ltmp83, $2  }
0x44a: {  	_ =	sdelay $0x2  }
0x44b: {  	s24 =	sadd.s32 $0x1000, s24;
	s21 =	sadd.s32 $0x1000, s21  }
.LBB2_112:
0x44c: {  	s26 =	sshll.u32 s25, $0x4  }
0x44d: {  	v4 =	vld [tilespmem:s26+$0x18800];
	_ =	sdelay $0x4  }
0x44e: {  	vm0 =	vgt.f32 v4, v3  }
0x44f: {  	v4 =	vsel vm0, $0x3F800000, v0  }
0x450: {  	(xrf0) =	vmax.scan.msk.f32 $0xffff, v4;
	_ =	sdelay $0x5  }
0x451: {  	v4, _, _ =	vpop (xrf0)  }
0x452: {  	(v2sf) =	vpush v4, $0xF;
	_ =	sdelay $0xe  }
0x453: {  	s0 =	spop (v2sf)  }
0x454: {  	p0 =	sgt.f32 s0, $0.0e+00  }
.Ltmp84:
0x455: {  	_ = 	snop;
	(pc) =	sbr.rel @!p0 .LBB2_118-.Ltmp84, $4  }
.Ltmp85:
0x456: {  	_ = 	snop;
	(pc) =	sbr.rel @p0 .LBB2_113-.Ltmp85, $4  }
0x457: {  	_ = 	snop  }
0x458: {  	_ = 	snop  }
0x459: {  	s28 =	smov.u32 s21;
	s29 =	smov.u32 s24;
	s30 =	simm.s32 $0x0  }
0x45a: {  	_ = 	snop  }
.LBB2_116:
0x45b: {  	vm0 =	vgt.f32 v4, v3  }
0x45c: {  	v5 =	vmpcnt.ones.xlane vm0;
	_ =	sdelay $0x1  }
0x45d: {  	(v2sf) =	vpush v5, $0x0  }
0x45e: {  	s0 =	sadd.s32 s20, s2  }
0x45f: {  	p0 =	sgt.s32 s0, $0x400  }
0x460: {  	v5 =	vmul.f32 @!p0 $1.442695020e+00, v4;
	_ =	sdelay $0x1  }
0x461: {  	(erf) = vpow2.f32 @!p0 v5;
	_ =	sdelay $0x8  }
0x462: {  	s2 =	sadd.s32 $0x10, s31;
	vm0 =	vgt.f32 @!p0 v4, v3;
	v5 =	vlaneseq.u32 @!p0;
	v4 =	vpop @!p0 (erf)  }
0x463: {  	v5 =	vor.u32 @!p0 s2, v5;
	[tilespmem:s0+$0x18880] =	vst.msk @!p0 vm0, v4;
	s31 =	spop (v2sf)  }
0x464: {  	[tilespmem:s0+$0x18D00] =	vst.msk @!p0 vm0, v5;
	s20 =	sadd.s32 s0, s31  }
.LBB2_117:
0x465: {  	s30 =	sadd.s32 $0x1, s30  }
0x466: {  	p0 =	sne.s32 s30, $0x10  }
.Ltmp86:
0x467: {  	_ = 	snop;
	(pc) =	sbr.rel @!p0 .LBB2_118-.Ltmp86, $2  }
0x468: {  	_ =	sdelay $0x2  }
0x469: {  	s29 =	sadd.s32 $0x100, s29;
	s28 =	sadd.s32 $0x100, s28  }
.LBB2_113:
0x46a: {  	s0 =	sor.u32 s26, s30  }
0x46b: {  	s0 =	sshll.u32 s0, $0x4  }
0x46c: {  	v4 =	vld [tilespmem:s0+$0x18000];
	_ =	sdelay $0x4  }
0x46d: {  	vm0 =	vgt.f32 v4, v3  }
0x46e: {  	v4 =	vsel vm0, $0x3F800000, v0  }
0x46f: {  	(xrf0) =	vmax.scan.msk.f32 $0xffff, v4;
	_ =	sdelay $0x5  }
0x470: {  	v4, _, _ =	vpop (xrf0)  }
0x471: {  	(v2sf) =	vpush v4, $0xF;
	_ =	sdelay $0xe  }
0x472: {  	s31 =	spop (v2sf)  }
0x473: {  	p0 =	sgt.f32 s31, $0.0e+00  }
.Ltmp87:
0x474: {  	_ = 	snop;
	(pc) =	sbr.rel @!p0 .LBB2_117-.Ltmp87, $1  }
0x475: {  	_ =	sdelay $0x3  }
0x476: {  	s0 =	sadd.s32 $0x0, s29  }
0x477: {  	v4 =	vld [tilespmem:s0+$0x0];
	_ =	sdelay $0x4  }
0x478: {  	vm0 =	vgt.f32 v4, v3  }
0x479: {  	v5 =	vmpcnt.ones.xlane vm0  }
0x47a: {  	p0 =	sgt.s32 s20, $0x400  }
0x47b: {  	(v2sf) =	vpush v5, $0x0;
	v5 =	vmul.f32 @!p0 $1.442695020e+00, v4;
	_ =	sdelay $0x1  }
0x47c: {  	(erf) = vpow2.f32 @!p0 v5;
	_ =	sdelay $0x8  }
0x47d: {  	vm0 =	vgt.f32 @!p0 v4, v3;
	v5 =	vlaneseq.u32 @!p0;
	v4 =	vpop @!p0 (erf)  }
0x47e: {  	v5 =	vor.u32 @!p0 s28, v5;
	[tilespmem:s20+$0x18880] =	vst.msk @!p0 vm0, v4  }
0x47f: {  	s2 =	sadd.s32 $0x10, s29;
	[tilespmem:s20+$0x18D00] =	vst.msk @!p0 vm0, v5  }
0x480: {  	v4 =	vld [tilespmem:s2+$0x0];
	_ =	sdelay $0x1  }
0x481: {  	s31 =	smov.u32 s28;
	s0 =	simm.s32 $0x80;
	s2 =	spop (v2sf)  }
.LBB2_115:
0x482: {  	s20 =	sadd.s32 s20, s2  }
0x483: {  	s31 =	sadd.s32 $0x10, s31;
	s2 =	smov.u32 s0;
	s0 =	sadd.s32 $0x40, s0  }
0x484: {  	vm0 =	vgt.f32 v4, v3;
	p0 =	sne.s32 s0, $0x400;
	p1 =	sgt.s32 s20, $0x400  }
0x485: {  	v7 =	vmpcnt.ones.xlane vm0;
	v5 =	vmul.f32 @!p1 $1.442695020e+00, v4;
	v6 =	vlaneseq.u32 @!p1  }
0x486: {  	v6 =	vor.u32 @!p1 s31, v6  }
0x487: {  	(erf) = vpow2.f32 @!p1 v5;
	(v2sf) =	vpush v7, $0x0;
	_ =	sdelay $0x8  }
0x488: {  	vm0 =	vgt.f32 @!p1 v4, v3;
	v4 =	vpop @!p1 (erf)  }
0x489: {  	s2 =	sshra.s32 s2, $0x2;
	[tilespmem:s20+$0x18880] =	vst.msk @!p1 vm0, v4  }
.Ltmp88:
0x48a: {  	s2 =	sadd.s32 s2, s29;
	[tilespmem:s20+$0x18D00] =	vst.msk @!p1 vm0, v6;
	(pc) =	sbr.rel @p0 .LBB2_115-.Ltmp88, $2  }
0x48b: {  	v4 =	vld [tilespmem:s2+$0x0];
	_ =	sdelay $0x2  }
0x48c: {  	s2 =	spop (v2sf)  }
.Ltmp89:
0x48d: {  	_ = 	snop;
	(pc) =	sbr.rel .LBB2_116-.Ltmp89, $1  }
0x48e: {  	_ =	sdelay $0x3  }
.LBB2_119:
0x48f: {  	p0 =	sgt.s32 s20, $0x400  }
.Ltmp90:
0x490: {  	_ = 	snop;
	(pc) =	sbr.rel @p0 .LBB2_135-.Ltmp90, $3  }
0x491: {  	_ =	sdelay $0x1  }
0x492: {  	s0 =	sadd.s32 $0xF, s20  }
0x493: {  	s21 =	sshrl.u32 s0, $0x4  }
0x494: {  	p1 =	sgt.s32 s20, $0x10  }
.Ltmp91:
0x495: {  	_ = 	snop;
	(pc) =	sbr.rel @p1 .LBB2_126-.Ltmp91, $3  }
0x496: {  	_ =	sdelay $0x1  }
0x497: {  	v3 =	vmov s23  }
0x498: {  	s21 =	sshrl.u32 s0, $0x4;
	s24 =	simm.s32 $0x0;
	[tilespmem:s20+$0x18880] =	vst v3  }
0x499: {  	v3 =	vld [tilespmem:$0x18880];
	_ =	sdelay $0x2  }
0x49a: {  	v4 =	vmov s20  }
0x49b: {  	vm0 =	vgt.s32 v4, v1  }
0x49c: {  	v3 =	vnsel vm0, $0xFF61B1E6, v3  }
0x49d: {  	(xrf1) =	vsort.dscd.msk.f32 $0xffff, v3, v3;
	_ =	sdelay $0xd  }
0x49e: {  	v3, _, _ =	vpop (xrf1)  }
0x49f: {  	(xrf2) =	vadd.scan.msk.f32 $0xffff, v3;
	_ =	sdelay $0x6  }
0x4a0: {  	v4 =	vmul.f32 v2, v3;
	_ =	sdelay $0x1  }
0x4a1: {  	v4 =	vadd.f32 $1.000000000e+00, v4  }
0x4a2: {  	v5, _, _ =	vpop (xrf2)  }
0x4a3: {  	vm15 =	vgt.f32 v4, v5  }
0x4a4: {  	v3 =	vnsel vm15, $0x0, v3  }
0x4a5: {  	(xrf2) =	vadd.scan.msk.f32 $0xffff, v3  }
0x4a6: {  	v3 =	vmpcnt.ones.xlane vm15;
	_ =	sdelay $0x1  }
0x4a7: {  	v3 =	vcvt.s32.f32 v3;
	_ =	sdelay $0x1  }
0x4a8: {  	(erf) = vrcp.f32 v3;
	_ =	sdelay $0x4  }
0x4a9: {  	v3, _, _ =	vpop (xrf2)  }
.Ltmp92:
0x4aa: {  	v3 =	vadd.f32 $-1.000000000e+00, v3;
	(pc) =	sbr.rel .LBB2_122-.Ltmp92, $4  }
0x4ab: {  	_ = 	snop  }
0x4ac: {  	v3 =	vbroadcast v3, $0xF  }
0x4ad: {  	v4 =	vpop (erf)  }
0x4ae: {  	v3 =	vmul.f32 v3, v4  }
.LBB2_127:
0x4af: {  	v3 =	vimm.f32 $0.0e+00  }
.LBB2_131:
0x4b0: {  	(xrf2) =	vadd.scan.msk.f32 $0xffff, v3;
	_ =	sdelay $0x9  }
0x4b1: {  	v3, _, _ =	vpop (xrf2)  }
0x4b2: {  	(v2sf) =	vpush v3, $0xF;
	_ =	sdelay $0xe  }
0x4b3: {  	s2 =	spop (v2sf)  }
0x4b4: {  	s2 =	sadd.f32 $-1.000000000e+00, s2;
	_ =	sdelay $0x1  }
0x4b5: {  	p2 =	sge.f32 s2, $0.0e+00  }
0x4b6: {  	s24 =	sadd.s32 $0x1, s24  }
0x4b7: {  	s23 =	smov.u32 @p2 s0;
	s0 =	smov.u32 @p2 s22;
	p2 =	seq.s32 s24, $0x1E  }
.Ltmp93:
0x4b8: {  	_ = 	snop;
	(pc) =	sbr.rel @p2 .LBB2_124-.Ltmp93, $2  }
0x4b9: {  	_ =	sdelay $0x2  }
0x4ba: {  	s22 =	smov.u32 s0  }
.LBB2_126:
0x4bb: {  	p1 =	seq.s32 s21, $0x0  }
.Ltmp94:
0x4bc: {  	_ = 	snop;
	(pc) =	sbr.rel @p1 .LBB2_127-.Ltmp94, $3  }
0x4bd: {  	_ = 	snop  }
0x4be: {  	s0 =	sadd.f32 s22, s23;
	_ =	sdelay $0x1  }
0x4bf: {  	s0 =	smul.f32 $5.000000000e-01, s0  }
0x4c0: {  	s2 =	simm.s32 $0x18880  }
0x4c1: {  	p2 =	sne.s32 s21, $0x1;
	v5 =	vld [tilespmem:s2+$0x0]  }
.Ltmp95:
0x4c2: {  	_ = 	snop;
	(pc) =	sbr.rel @!p2 .LBB2_130-.Ltmp95, $3  }
0x4c3: {  	_ =	sdelay $0x1  }
0x4c4: {  	v4 =	vmov s0  }
0x4c5: {  	v3 =	vimm.f32 $0.0e+00;
	s25 =	sadd.s32 $0xFFFFFFFF, s21;
	s26 =	simm.s32 $0x18890;
	v5 =	vsub.f32 v5, v4  }
.LBB2_129:
0x4c6: {  	v6 =	vld [tilespmem:s26+$0x0];
	p2 =	sne.s32 s25, $0x1;
	s25 =	sadd.s32 $0xFFFFFFFF, s25  }
.Ltmp96:
0x4c7: {  	v5 =	vmax.f32 v5, $0.0e+00;
	(pc) =	sbr.rel @p2 .LBB2_129-.Ltmp96, $2  }
0x4c8: {  	v3 =	vadd.f32 v5, v3;
	_ =	sdelay $0x2  }
0x4c9: {  	s26 =	sadd.s32 $0x10, s26;
	v5 =	vsub.f32 v6, v4  }
.LBB2_130:
.Ltmp97:
0x4ca: {  	(pc) =	sbr.rel .LBB2_131-.Ltmp97, $3  }
0x4cb: {  	_ = 	snop  }
0x4cc: {  	v4 =	vmax.f32 v5, $0.0e+00  }
0x4cd: {  	v3 =	vadd.f32 v4, v3;
	_ =	sdelay $0x1  }
.LBB2_135:
0x4ce: {  	s24 =	simm.s32 $0x20  }
0x4cf: {  	v3 =	vld [tilespmem:s24+$0x0]  }
0x4d0: {  	v4 =	vld [tilespmem:s24+$0xFFFFFFE0];
	_ =	sdelay $0x2  }
0x4d1: {  	v5 =	vld [tilespmem:s24+$0xFFFFFFF0]  }
0x4d2: {  	s25 =	simm.s32 $0x60;
	v6 =	vld [tilespmem:s24+$0x10];
	v3 =	vmul.f32 $1.442695020e+00, v3  }
0x4d3: {  	v7 =	vld [tilespmem:s25+$0x0];
	v4 =	vmul.f32 $1.442695020e+00, v4  }
0x4d4: {  	(erf) = vpow2.f32 v3;
	v3 =	vld [tilespmem:s25+$0xFFFFFFE0]  }
0x4d5: {  	(erf) = vpow2.f32 v4;
	v4 =	vld [tilespmem:s25+$0xFFFFFFF0]  }
0x4d6: {  	v8 =	vld [tilespmem:s25+$0x10];
	v5 =	vmul.f32 $1.442695020e+00, v5  }
0x4d7: {  	v6 =	vmul.f32 $1.442695020e+00, v6  }
0x4d8: {  	(erf) = vpow2.f32 v5;
	v5 =	vmul.f32 $1.442695020e+00, v7  }
0x4d9: {  	s26 =	simm.s32 $0xA0;
	(erf) = vpow2.f32 v6;
	v6 =	vmul.f32 $1.442695020e+00, v3  }
0x4da: {  	v7 =	vld [tilespmem:s26+$0x0];
	(erf) = vpow2.f32 v5;
	v9 =	vmul.f32 $1.442695020e+00, v4  }
0x4db: {  	v8 =	vmul.f32 $1.442695020e+00, v8;
	(erf) = vpow2.f32 v6  }
0x4dc: {  	v3 =	vld [tilespmem:s26+$0xFFFFFFE0];
	(erf) = vpow2.f32 v9  }
0x4dd: {  	v4 =	vld [tilespmem:s26+$0xFFFFFFF0];
	v63 =	vpop (erf);
	(erf) = vpow2.f32 v8  }
0x4de: {  	v5 =	vld [tilespmem:s26+$0x10]  }
0x4df: {  	s0 =	simm.s32 $0x8;
	s28 =	simm.s32 $0xE0;
	v6 =	vmul.f32 $1.442695020e+00, v7;
	[tilespmem:s24+$0x0] =	vst v63;
	v7 =	vpop (erf)  }
.LBB2_136:
0x4e0: {  	s0 =	sadd.s32 $0x4, s0  }
0x4e1: {  	v8 =	vld [tilespmem:s28+$0x0];
	v9 =	vmul.f32 $1.442695020e+00, v3;
	[tilespmem:s24+$0xFFFFFFE0] =	vst v7;
	v7 =	vpop (erf);
	p1 =	slt.u32 s0, $0x7FC  }
.Ltmp98:
0x4e2: {  	v3 =	vld [tilespmem:s28+$0xFFFFFFE0];
	v10 =	vmul.f32 $1.442695020e+00, v4;
	(erf) = vpow2.f32 v6;
	[tilespmem:s24+$0xFFFFFFF0] =	vst v7;
	v6 =	vpop (erf);
	(pc) =	sbr.rel @p1 .LBB2_136-.Ltmp98, $4  }
0x4e3: {  	v4 =	vld [tilespmem:s28+$0xFFFFFFF0];
	v11 =	vmul.f32 $1.442695020e+00, v5;
	(erf) = vpow2.f32 v9;
	[tilespmem:s24+$0x10] =	vst v6;
	s24 =	smov.u32 s25;
	s25 =	smov.u32 s26;
	s26 =	smov.u32 s28  }
0x4e4: {  	v5 =	vld [tilespmem:s28+$0x10];
	(erf) = vpow2.f32 v10  }
0x4e5: {  	(erf) = vpow2.f32 v11;
	v7 =	vpop (erf)  }
0x4e6: {  	s28 =	sadd.s32 $0x40, s28;
	v6 =	vmul.f32 $1.442695020e+00, v8;
	[tilespmem:s24+$0x0] =	vst v7;
	v7 =	vpop (erf)  }
0x4e7: {  	v3 =	vmul.f32 $1.442695020e+00, v3  }
0x4e8: {  	v4 =	vmul.f32 $1.442695020e+00, v4;
	(erf) = vpow2.f32 v6  }
0x4e9: {  	v5 =	vmul.f32 $1.442695020e+00, v5;
	(erf) = vpow2.f32 v3  }
0x4ea: {  	(erf) = vpow2.f32 v4  }
0x4eb: {  	[tilespmem:s24+$0xFFFFFFE0] =	vst v7;
	v3 =	vpop (erf);
	(erf) = vpow2.f32 v5  }
0x4ec: {  	v63 =	vpop (erf);
	[tilespmem:s24+$0xFFFFFFF0] =	vst v3  }
0x4ed: {  	[tilespmem:s24+$0x10] =	vst v63;
	v3 =	vpop (erf)  }
0x4ee: {  	[tilespmem:s25+$0x0] =	vst v3;
	v3 =	vpop (erf)  }
0x4ef: {  	[tilespmem:s25+$0xFFFFFFE0] =	vst v3;
	v3 =	vpop (erf)  }
0x4f0: {  	[tilespmem:s25+$0xFFFFFFF0] =	vst v3;
	v3 =	vpop (erf)  }
0x4f1: {  	[tilespmem:s25+$0x10] =	vst v3;
	v3 =	vpop (erf)  }
0x4f2: {  	[tilespmem:s26+$0x0] =	vst v3;
	v3 =	vpop (erf)  }
0x4f3: {  	[tilespmem:s26+$0xFFFFFFE0] =	vst v3;
	v3 =	vpop (erf)  }
0x4f4: {  	[tilespmem:s26+$0xFFFFFFF0] =	vst v3;
	v3 =	vpop (erf)  }
0x4f5: {  	s0 =	simm.s32 $0x0;
	[tilespmem:s26+$0x10] =	vst v3  }
.LBB2_138:
0x4f6: {  	s2 =	sadd.f32 s22, s23;
	_ =	sdelay $0x1  }
0x4f7: {  	s24 =	smul.f32 $5.000000000e-01, s2  }
0x4f8: {  	s31 =	simm.s32 $0x0  }
0x4f9: {  	v3 =	vimm.f32 $0.0e+00;
	s25 =	simm.s32 $0x40;
	v5 =	vld [tilespmem:s31+$0x0];
	v4 =	vmov s24  }
.LBB2_139:
0x4fa: {  	_ =	sdelay $0x1  }
0x4fb: {  	p1 =	sne.s32 s25, $0x1FFC0  }
.Ltmp99:
0x4fc: {  	_ = 	snop;
	(pc) =	sbr.rel @p1 .LBB2_139-.Ltmp99, $3  }
0x4fd: {  	v6 =	vsub.f32 v5, v4;
	_ =	sdelay $0x1  }
0x4fe: {  	s2 =	sshra.s32 s25, $0x2;
	v6 =	vmax.f32 v6, $0.0e+00  }
0x4ff: {  	s25 =	sadd.s32 $0x40, s25;
	v5 =	vld [tilespmem:s2+$0x0];
	v3 =	vadd.f32 v6, v3  }
0x500: {  	_ =	sdelay $0x3  }
0x501: {  	v4 =	vsub.f32 v5, v4;
	_ =	sdelay $0x1  }
0x502: {  	v4 =	vmax.f32 v4, $0.0e+00  }
0x503: {  	v3 =	vadd.f32 v4, v3;
	_ =	sdelay $0x1  }
0x504: {  	(xrf2) =	vadd.scan.msk.f32 $0xffff, v3;
	_ =	sdelay $0x9  }
0x505: {  	v3, _, _ =	vpop (xrf2)  }
0x506: {  	(v2sf) =	vpush v3, $0xF;
	_ =	sdelay $0xe  }
0x507: {  	s2 =	spop (v2sf)  }
0x508: {  	s2 =	sadd.f32 $-1.000000000e+00, s2;
	_ =	sdelay $0x1  }
0x509: {  	p1 =	sge.f32 s2, $0.0e+00  }
0x50a: {  	s0 =	sadd.s32 $0x1, s0  }
0x50b: {  	s23 =	smov.u32 @p1 s24;
	s24 =	smov.u32 @p1 s22;
	p1 =	seq.s32 s0, $0x1E  }
.Ltmp100:
0x50c: {  	_ = 	snop;
	(pc) =	sbr.rel @!p1 .LBB2_138-.Ltmp100, $2  }
0x50d: {  	_ =	sdelay $0x2  }
0x50e: {  	s22 =	smov.u32 s24  }
0x50f: {  	s2 =	simm.s32 $0x0  }
0x510: {  	v6 =	vld [tilespmem:s2+$0x0]  }
0x511: {  	v4 =	vmov s23;
	v3 =	vimm.f32 $0.0e+00;
	s0 =	simm.s32 $0x40;
	v5 =	vimm.f32 $0.0e+00  }
.LBB2_142:
0x512: {  	p1 =	sne.s32 s0, $0x1FFC0  }
.Ltmp101:
0x513: {  	_ = 	snop;
	(pc) =	sbr.rel @p1 .LBB2_142-.Ltmp101, $4  }
0x514: {  	_ = 	snop  }
0x515: {  	s2 =	sshra.s32 s0, $0x2;
	s0 =	sadd.s32 $0x40, s0;
	vm0 =	vgt.f32 v6, v4  }
0x516: {  	v7 =	vnsel vm0, $0x0, v6;
	v6 =	vld [tilespmem:s2+$0x0];
	v8 =	vsel vm0, $0x3F800000, v0  }
0x517: {  	v3 =	vadd.f32 v7, v3;
	v5 =	vadd.f32 v8, v5  }
0x518: {  	_ = 	snop  }
.Ltmp102:
0x519: {  	_ = 	snop;
	(pc) =	sbr.rel .LBB2_144-.Ltmp102, $4  }
0x51a: {  	_ = 	snop  }
0x51b: {  	vm0 =	vgt.f32 v6, v4  }
0x51c: {  	v4 =	vnsel vm0, $0x0, v6;
	v6 =	vsel vm0, $0x3F800000, v0  }
0x51d: {  	v3 =	vadd.f32 v4, v3;
	v4 =	vadd.f32 v6, v5  }
.LBB2_107:
0x51e: {  	p0 =	slt.s32 s20, $0x401  }
.Ltmp103:
0x51f: {  	_ = 	snop;
	(pc) =	sbr.rel @p0 .LBB2_111-.Ltmp103, $1  }
0x520: {  	_ =	sdelay $0x3  }
0x521: {  	s0 =	simm.s32 $0x10040  }
0x522: {  	[tilespmem:s0+$0xFFFFFFC0] =	vst v0  }
0x523: {  	[tilespmem:s0+$0x30] =	vst v0  }
0x524: {  	[tilespmem:s0+$0x20] =	vst v0  }
0x525: {  	[tilespmem:s0+$0x10] =	vst v0  }
0x526: {  	[tilespmem:s0+$0x0] =	vst v0  }
0x527: {  	[tilespmem:s0+$0xFFFFFFF0] =	vst v0  }
0x528: {  	s20 =	simm.s32 $0x0;
	[tilespmem:s0+$0xFFFFFFE0] =	vst v0  }
.LBB2_109:
0x529: {  	s20 =	sadd.s32 $0x8, s20;
	[tilespmem:s0+$0xFFFFFFD0] =	vst v0;
	s0 =	sadd.s32 $0x80, s0  }
0x52a: {  	[tilespmem:s0+$0xFFFFFFC0] =	vst v0;
	p0 =	slt.u32 s20, $0x7F8  }
0x52b: {  	[tilespmem:s0+$0x30] =	vst v0  }
.Ltmp104:
0x52c: {  	[tilespmem:s0+$0x20] =	vst v0;
	(pc) =	sbr.rel @p0 .LBB2_109-.Ltmp104, $4  }
0x52d: {  	[tilespmem:s0+$0x10] =	vst v0  }
0x52e: {  	[tilespmem:s0+$0x0] =	vst v0  }
0x52f: {  	[tilespmem:s0+$0xFFFFFFF0] =	vst v0  }
0x530: {  	[tilespmem:s0+$0xFFFFFFE0] =	vst v0  }
.Ltmp105:
0x531: {  	(pc) =	sbr.rel .LBB2_111-.Ltmp105, $2  }
0x532: {  	_ =	sdelay $0x2  }
0x533: {  	[tilespmem:s0+$0xFFFFFFD0] =	vst v0  }
.LBB2_124:
.Ltmp106:
0x534: {  	(pc) =	sbr.rel @p1 .LBB2_125-.Ltmp106, $1  }
0x535: {  	_ =	sdelay $0x3  }
0x536: {  	s0 =	simm.s32 $0x18880  }
0x537: {  	p1 =	seq.s32 s21, $0x1;
	v5 =	vld [tilespmem:s0+$0x0]  }
.Ltmp107:
0x538: {  	_ = 	snop;
	(pc) =	sbr.rel @p1 .LBB2_134-.Ltmp107, $3  }
0x539: {  	_ =	sdelay $0x1  }
0x53a: {  	v4 =	vmov s23  }
0x53b: {  	v3 =	vimm.f32 $0.0e+00;
	s22 =	simm.s32 $0x18890;
	v6 =	vimm.f32 $0.0e+00;
	s0 =	sadd.s32 $0xFFFFFFFF, s21;
	vm0 =	vgt.f32 v5, v4  }
.LBB2_133:
0x53c: {  	p1 =	seq.s32 s0, $0x1;
	s0 =	sadd.s32 $0xFFFFFFFF, s0;
	v7 =	vnsel vm0, $0x0, v5;
	v5 =	vld [tilespmem:s22+$0x0];
	v8 =	vsel vm0, $0x3F800000, v0  }
.Ltmp108:
0x53d: {  	v3 =	vadd.f32 v7, v3;
	v6 =	vadd.f32 v8, v6;
	(pc) =	sbr.rel @!p1 .LBB2_133-.Ltmp108, $2  }
0x53e: {  	_ =	sdelay $0x2  }
0x53f: {  	s22 =	sadd.s32 $0x10, s22;
	vm0 =	vgt.f32 v5, v4  }
.LBB2_134:
.Ltmp109:
0x540: {  	(pc) =	sbr.rel .LBB2_144-.Ltmp109, $3  }
0x541: {  	_ =	sdelay $0x1  }
0x542: {  	v4 =	vnsel vm0, $0x0, v5;
	v5 =	vsel vm0, $0x3F800000, v0  }
0x543: {  	v3 =	vadd.f32 v4, v3;
	v4 =	vadd.f32 v5, v6  }
.LBB2_125:
0x544: {  	v3 =	vimm.f32 $0.0e+00;
	v4 =	vimm.f32 $0.0e+00  }
.LBB2_144:
0x545: {  	_ = 	snop  }
0x546: {  	(xrf2) =	vadd.scan.msk.f32 $0xffff, v3  }
0x547: {  	(xrf2) =	vadd.scan.msk.f32 $0xffff, v4;
	_ =	sdelay $0x8  }
0x548: {  	v3, _, _ =	vpop (xrf2)  }
0x549: {  	v4, _, _ =	vpop (xrf2)  }
0x54a: {  	v4 =	vbroadcast v4, $0xF;
	_ =	sdelay $0x1  }
0x54b: {  	(erf) = vrcp.f32 v4;
	_ =	sdelay $0x5  }
0x54c: {  	v3 =	vadd.f32 $-1.000000000e+00, v3  }
.Ltmp110:
0x54d: {  	_ = 	snop;
	(pc) =	sbr.rel @p0 .LBB2_145-.Ltmp110, $3  }
0x54e: {  	v3 =	vbroadcast v3, $0xF  }
0x54f: {  	v4 =	vpop (erf)  }
0x550: {  	v3 =	vmul.f32 v4, v3;
	_ =	sdelay $0x1  }
.LBB2_122:
0x551: {  	p1 =	seq.s32 s21, $0x0  }
.Ltmp111:
0x552: {  	_ = 	snop;
	(pc) =	sbr.rel @p1 .LBB2_123-.Ltmp111, $1  }
0x553: {  	_ =	sdelay $0x3  }
0x554: {  	p1 =	seq.s32 s21, $0x1  }
.Ltmp112:
0x555: {  	_ = 	snop;
	(pc) =	sbr.rel @p1 .LBB2_150-.Ltmp112, $4  }
0x556: {  	_ = 	snop  }
0x557: {  	s0 =	simm.s32 $0x18D00  }
0x558: {  	s22 =	simm.s32 $0x18880;
	v4 =	vld [tilespmem:s0+$0x0]  }
0x559: {  	v5 =	vmov s20;
	s23 =	simm.s32 $0x0;
	s24 =	sadd.s32 $0xFFFFFFFF, s21;
	v6 =	vld [tilespmem:s22+$0x0]  }
.LBB2_149:
0x55a: {  	p1 =	seq.s32 s24, $0x1;
	v7 =	vor.u32 s23, v1  }
0x55b: {  	vm0 =	vlt.s32 v7, v5;
	_ =	sdelay $0x2  }
0x55c: {  	v6 =	vsub.f32 v6, v3  }
.Ltmp113:
0x55d: {  	(pc) =	sbr.rel @!p1 .LBB2_149-.Ltmp113, $4  }
0x55e: {  	v6 =	vmax.f32 v6, $0.0e+00  }
0x55f: {  	s0 =	sadd.s32 $0x10, s0;
	[tilespmem:v4+s16+$0x0] =	vst.idx.msk vm0, v6  }
0x560: {  	s22 =	sadd.s32 $0x10, s22;
	v4 =	vld [tilespmem:s0+$0x0]  }
0x561: {  	s24 =	sadd.s32 $0xFFFFFFFF, s24;
	s23 =	sadd.s32 $0x10, s23;
	v6 =	vld [tilespmem:s22+$0x0]  }
.LBB2_150:
0x562: {  	v7 =	vor.u32 s23, v1  }
0x563: {  	vm0 =	vlt.s32 v7, v5;
	_ =	sdelay $0x1  }
.Ltmp114:
0x564: {  	_ = 	snop;
	(pc) =	sbr.rel .LBB2_151-.Ltmp114, $3  }
0x565: {  	v3 =	vsub.f32 v6, v3;
	_ =	sdelay $0x1  }
0x566: {  	v3 =	vmax.f32 v3, $0.0e+00  }
0x567: {  	[tilespmem:v4+s16+$0x0] =	vst.idx.msk vm0, v3  }
.LBB2_145:
0x568: {  	s0 =	simm.s32 $0x40  }
0x569: {  	v5 =	vld [tilespmem:s0+$0x30]  }
0x56a: {  	v7 =	vld [tilespmem:s0+$0xFFFFFFD0]  }
0x56b: {  	v9 =	vld [tilespmem:s0+$0xFFFFFFE0]  }
0x56c: {  	v8 =	vld [tilespmem:s0+$0xFFFFFFF0]  }
0x56d: {  	v6 =	vld [tilespmem:s0+$0x0]  }
0x56e: {  	v4 =	vld [tilespmem:s0+$0x10];
	v11 =	vsub.f32 v5, v3  }
0x56f: {  	v5 =	vld [tilespmem:s0+$0x20];
	v10 =	vsub.f32 v7, v3  }
0x570: {  	s22 =	simm.s32 $0x10040;
	s23 =	simm.s32 $0x0;
	v7 =	vld [tilespmem:s0+$0xFFFFFFC0];
	v9 =	vsub.f32 v9, v3;
	s0 =	simm.s32 $0xC0;
	v11 =	vmax.f32 v11, $0.0e+00  }
.LBB2_146:
0x571: {  	v12 =	vld [tilespmem:s0+$0x30];
	s23 =	sadd.s32 $0x8, s23;
	v10 =	vmax.f32 v10, $0.0e+00;
	v8 =	vsub.f32 v8, v3;
	[tilespmem:s22+$0x30] =	vst v11  }
0x572: {  	v11 =	vld [tilespmem:s0+$0xFFFFFFD0];
	p1 =	slt.u32 s23, $0x7F8;
	[tilespmem:s22+$0xFFFFFFD0] =	vst v10;
	v9 =	vmax.f32 v9, $0.0e+00;
	v6 =	vsub.f32 v6, v3  }
0x573: {  	v13 =	vld [tilespmem:s0+$0xFFFFFFE0];
	[tilespmem:s22+$0xFFFFFFE0] =	vst v9;
	v9 =	vmax.f32 v8, $0.0e+00;
	v4 =	vsub.f32 v4, v3  }
.Ltmp115:
0x574: {  	v8 =	vld [tilespmem:s0+$0xFFFFFFF0];
	[tilespmem:s22+$0xFFFFFFF0] =	vst v9;
	v9 =	vmax.f32 v6, $0.0e+00;
	v5 =	vsub.f32 v5, v3;
	(pc) =	sbr.rel @p1 .LBB2_146-.Ltmp115, $4  }
0x575: {  	v6 =	vld [tilespmem:s0+$0x0];
	v7 =	vsub.f32 v7, v3;
	[tilespmem:s22+$0x0] =	vst v9;
	v9 =	vmax.f32 v4, $0.0e+00  }
0x576: {  	v4 =	vld [tilespmem:s0+$0x10];
	v12 =	vsub.f32 v12, v3;
	[tilespmem:s22+$0x10] =	vst v9;
	v9 =	vmax.f32 v5, $0.0e+00  }
0x577: {  	v10 =	vsub.f32 v11, v3;
	v5 =	vld [tilespmem:s0+$0x20];
	v14 =	vmax.f32 v7, $0.0e+00;
	[tilespmem:s22+$0x20] =	vst v9  }
0x578: {  	v7 =	vld [tilespmem:s0+$0xFFFFFFC0];
	v9 =	vsub.f32 v13, v3;
	v11 =	vmax.f32 v12, $0.0e+00;
	s0 =	sadd.s32 $0x80, s0;
	[tilespmem:s22+$0xFFFFFFC0] =	vst v14;
	s22 =	sadd.s32 $0x80, s22  }
0x579: {  	v10 =	vmax.f32 v10, $0.0e+00;
	v8 =	vsub.f32 v8, v3;
	[tilespmem:s22+$0x30] =	vst v11  }
0x57a: {  	[tilespmem:s22+$0xFFFFFFD0] =	vst v10;
	v9 =	vmax.f32 v9, $0.0e+00;
	v6 =	vsub.f32 v6, v3  }
0x57b: {  	[tilespmem:s22+$0xFFFFFFE0] =	vst v9;
	v8 =	vmax.f32 v8, $0.0e+00;
	v4 =	vsub.f32 v4, v3  }
.Ltmp116:
0x57c: {  	[tilespmem:s22+$0xFFFFFFF0] =	vst v8;
	v6 =	vmax.f32 v6, $0.0e+00;
	v5 =	vsub.f32 v5, v3;
	(pc) =	sbr.rel .LBB2_151-.Ltmp116, $4  }
0x57d: {  	v3 =	vsub.f32 v7, v3;
	[tilespmem:s22+$0x0] =	vst v6;
	v4 =	vmax.f32 v4, $0.0e+00  }
0x57e: {  	[tilespmem:s22+$0x10] =	vst v4;
	v63 =	vmax.f32 v5, $0.0e+00  }
0x57f: {  	v3 =	vmax.f32 v3, $0.0e+00;
	[tilespmem:s22+$0x20] =	vst v63  }
0x580: {  	[tilespmem:s22+$0xFFFFFFC0] =	vst v3  }
.LBB2_123:
0x581: {  	s21 =	simm.s32 $0x0  }
.LBB2_151:
0x582: {  	[hbm4b:s9+s12] =	stream.strided.scatter [tilespmem:s16], [sflag:$0x3], $0x8000, s13, s12, $0x38;
	[tilespmem:$0x19600] =	vst v63  }
0x583: {  	_ =	swait.ge [sflag:s17], $0x8000  }
0x584: {  	[sflag:s17] =	ssyncset.done $0x0  }
0x585: {  	s0 =	simm.s32 $0x8100;
	[sflag:s17] =	ssyncadd.s32 $0xFFFF8000  }
0x586: {  	v3 =	vld [tilespmem:s0+$0x70]  }
0x587: {  	v4 =	vld [tilespmem:s0+$0xF0]  }
0x588: {  	v5 =	vld [tilespmem:s0+$0xE0]  }
0x589: {  	v6 =	vld [tilespmem:s0+$0xD0]  }
0x58a: {  	v7 =	vld [tilespmem:s0+$0xC0]  }
0x58b: {  	v13 =	vld [tilespmem:s0+$0x0]  }
0x58c: {  	v12 =	vld [tilespmem:s0+$0xFFFFFF10]  }
0x58d: {  	v14 =	vld [tilespmem:s0+$0xFFFFFF20]  }
0x58e: {  	v15 =	vld [tilespmem:s0+$0xFFFFFF30]  }
0x58f: {  	v8 =	vld [tilespmem:s0+$0xFFFFFF40]  }
0x590: {  	v10 =	vld [tilespmem:s0+$0xFFFFFF50]  }
0x591: {  	v9 =	vld [tilespmem:s0+$0xFFFFFF60]  }
0x592: {  	v11 =	vld [tilespmem:s0+$0xFFFFFF70]  }
0x593: {  	v16 =	vld [tilespmem:s0+$0xFFFFFF80]  }
0x594: {  	v17 =	vld [tilespmem:s0+$0xFFFFFF90]  }
0x595: {  	v18 =	vld [tilespmem:s0+$0xB0]  }
0x596: {  	v19 =	vld [tilespmem:s0+$0x40]  }
0x597: {  	v20 =	vld [tilespmem:s0+$0xA0]  }
0x598: {  	v21 =	vld [tilespmem:s0+$0x50]  }
0x599: {  	v22 =	vld [tilespmem:s0+$0x60]  }
0x59a: {  	v23 =	vld [tilespmem:s0+$0xFFFFFFC0]  }
0x59b: {  	v24 =	vld [tilespmem:s0+$0xFFFFFFD0]  }
0x59c: {  	v25 =	vld [tilespmem:s0+$0xFFFFFFE0]  }
0x59d: {  	v26 =	vld [tilespmem:s0+$0xFFFFFFF0]  }
0x59e: {  	v27 =	vld [tilespmem:s0+$0xFFFFFF00]  }
0x59f: {  	v28 =	vld [tilespmem:s0+$0x10];
	v4 =	vmax.f32 v5, v4  }
0x5a0: {  	v5 =	vmax.f32 v7, v6;
	v7 =	vmax.f32 v16, v17;
	v16 =	vmax.f32 v9, v11;
	v9 =	vld [tilespmem:s0+$0x20]  }
0x5a1: {  	v6 =	vmax.f32 v20, v18;
	v17 =	vmax.f32 v19, v21;
	v8 =	vmax.f32 v8, v10;
	v11 =	vld [tilespmem:s0+$0x30]  }
0x5a2: {  	v18 =	vmax.f32 v22, v3;
	v3 =	vimm.f32 $-3.000000010e+38;
	v10 =	vld [tilespmem:s0+$0x90];
	v15 =	vmax.f32 v14, v15  }
0x5a3: {  	v14 =	vld [tilespmem:s0+$0xFFFFFFA0];
	v12 =	vmax.f32 v27, v12;
	v19 =	vmax.f32 v8, v16;
	v8 =	vmax.f32 v17, v18  }
0x5a4: {  	s23 =	simm.s32 $0x18010;
	v17 =	vmax.f32 v23, v24;
	v18 =	vmax.f32 v25, v26;
	v16 =	vld [tilespmem:s0+$0xFFFFFFB0];
	v63 =	vmax.f32 v12, v15  }
0x5a5: {  	s24 =	simm.s32 $0x0;
	s25 =	simm.s32 $0x8300;
	s22 =	simm.s32 $0x18010;
	v15 =	vmax.f32 v13, v28;
	v12 =	vmax.f32 v17, v18;
	v13 =	vmax.f32 v63, v19;
	v17 =	vld [tilespmem:s0+$0x80]  }
.LBB2_152:
0x5a6: {  	v18 =	vld [tilespmem:s25+$0x70];
	s24 =	sadd.s32 $0x2, s24;
	s23 =	sadd.s32 $0x20, s23  }
0x5a7: {  	v19 =	vld [tilespmem:s25+$0xF0];
	p1 =	slt.u32 s24, $0x7E  }
0x5a8: {  	v20 =	vld [tilespmem:s25+$0xE0]  }
0x5a9: {  	v9 =	vmax.f32 v9, v11;
	v4 =	vmax.f32 v5, v4;
	v21 =	vld [tilespmem:s25+$0xD0];
	v14 =	vmax.f32 v14, v16  }
0x5aa: {  	v9 =	vmax.f32 v15, v9;
	v5 =	vld [tilespmem:s25+$0xC0];
	v7 =	vmax.f32 v7, v14;
	v10 =	vmax.f32 v17, v10  }
0x5ab: {  	v8 =	vmax.f32 v9, v8;
	v15 =	vld [tilespmem:s25+$0x0];
	v7 =	vmax.f32 v7, v12;
	v6 =	vmax.f32 v10, v6  }
0x5ac: {  	v12 =	vld [tilespmem:s25+$0xFFFFFF10];
	v7 =	vmax.f32 v13, v7;
	v6 =	vmax.f32 v6, v4  }
0x5ad: {  	v9 =	vld [tilespmem:s25+$0xFFFFFF20];
	v4 =	vmax.f32 v20, v19;
	[tilespmem:s22+$0xFFFFFFF0] =	vst v7;
	v3 =	vmax.f32 v3, v7;
	v6 =	vmax.f32 v8, v6  }
0x5ae: {  	v10 =	vld [tilespmem:s25+$0xFFFFFF30];
	[tilespmem:s22+$0x0] =	vst v6;
	v3 =	vmax.f32 v3, v6;
	s22 =	smov.u32 s23  }
0x5af: {  	v8 =	vld [tilespmem:s25+$0xFFFFFF40];
	v5 =	vmax.f32 v5, v21  }
0x5b0: {  	v11 =	vld [tilespmem:s25+$0xFFFFFF50]  }
0x5b1: {  	v6 =	vld [tilespmem:s25+$0xFFFFFF60]  }
0x5b2: {  	v13 =	vld [tilespmem:s25+$0xFFFFFF70]  }
0x5b3: {  	v7 =	vld [tilespmem:s25+$0xFFFFFF80]  }
0x5b4: {  	v14 =	vld [tilespmem:s25+$0xFFFFFF90]  }
0x5b5: {  	v16 =	vld [tilespmem:s25+$0xB0]  }
0x5b6: {  	v17 =	vld [tilespmem:s25+$0x40]  }
0x5b7: {  	v19 =	vld [tilespmem:s25+$0xA0]  }
0x5b8: {  	v20 =	vld [tilespmem:s25+$0x50]  }
0x5b9: {  	v21 =	vld [tilespmem:s25+$0x60]  }
0x5ba: {  	v7 =	vmax.f32 v7, v14;
	v22 =	vld [tilespmem:s25+$0xFFFFFFC0]  }
0x5bb: {  	v14 =	vld [tilespmem:s25+$0xFFFFFFD0]  }
0x5bc: {  	v13 =	vmax.f32 v6, v13;
	v23 =	vld [tilespmem:s25+$0xFFFFFFE0];
	v6 =	vmax.f32 v19, v16  }
0x5bd: {  	v16 =	vld [tilespmem:s25+$0xFFFFFFF0];
	v17 =	vmax.f32 v17, v20  }
0x5be: {  	v8 =	vmax.f32 v8, v11;
	v19 =	vld [tilespmem:s25+$0xFFFFFF00];
	v11 =	vmax.f32 v21, v18  }
0x5bf: {  	v13 =	vmax.f32 v8, v13;
	v18 =	vld [tilespmem:s25+$0x10];
	v8 =	vmax.f32 v17, v11  }
0x5c0: {  	v17 =	vmax.f32 v9, v10;
	v20 =	vmax.f32 v22, v14;
	v9 =	vld [tilespmem:s25+$0x20]  }
.Ltmp117:
0x5c1: {  	v11 =	vld [tilespmem:s25+$0x30];
	(pc) =	sbr.rel @p1 .LBB2_152-.Ltmp117, $4  }
0x5c2: {  	v16 =	vmax.f32 v23, v16;
	v10 =	vld [tilespmem:s25+$0x90]  }
0x5c3: {  	v14 =	vld [tilespmem:s25+$0xFFFFFFA0];
	v19 =	vmax.f32 v19, v12;
	v12 =	vmax.f32 v20, v16  }
0x5c4: {  	v16 =	vld [tilespmem:s25+$0xFFFFFFB0];
	v17 =	vmax.f32 v19, v17;
	v15 =	vmax.f32 v15, v18  }
0x5c5: {  	s0 =	simm.s32 $0x18080;
	v13 =	vmax.f32 v17, v13;
	v17 =	vld [tilespmem:s25+$0x80];
	s25 =	sadd.s32 $0x200, s25  }
0x5c6: {  	_ =	sdelay $0x2  }
0x5c7: {  	v9 =	vmax.f32 v9, v11;
	v14 =	vmax.f32 v14, v16  }
0x5c8: {  	v4 =	vmax.f32 v5, v4;
	v5 =	vmax.f32 v7, v14;
	v7 =	vmax.f32 v17, v10  }
0x5c9: {  	v9 =	vmax.f32 v15, v9;
	v5 =	vmax.f32 v5, v12;
	v6 =	vmax.f32 v7, v6  }
0x5ca: {  	v7 =	vmax.f32 v9, v8;
	v18 =	vmax.f32 v13, v5;
	v4 =	vmax.f32 v6, v4  }
0x5cb: {  	[tilespmem:s22+$0xFFFFFFF0] =	vst v18;
	v19 =	vmax.f32 v7, v4  }
0x5cc: {  	[tilespmem:s22+$0x0] =	vst v19  }
0x5cd: {  	v9 =	vld [tilespmem:s0+$0xFFFFFF80]  }
0x5ce: {  	v11 =	vld [tilespmem:s0+$0xFFFFFF90]  }
0x5cf: {  	v4 =	vld [tilespmem:s0+$0xFFFFFFA0]  }
0x5d0: {  	v5 =	vld [tilespmem:s0+$0xFFFFFFB0]  }
0x5d1: {  	v6 =	vld [tilespmem:s0+$0xFFFFFFC0]  }
0x5d2: {  	v7 =	vld [tilespmem:s0+$0xFFFFFFD0]  }
0x5d3: {  	v8 =	vld [tilespmem:s0+$0xFFFFFFE0]  }
0x5d4: {  	v10 =	vld [tilespmem:s0+$0xFFFFFFF0]  }
0x5d5: {  	v12 =	vld [tilespmem:s0+$0x0]  }
0x5d6: {  	v13 =	vld [tilespmem:s0+$0x10]  }
0x5d7: {  	v14 =	vld [tilespmem:s0+$0x20]  }
0x5d8: {  	v16 =	vld [tilespmem:s0+$0x30]  }
0x5d9: {  	v15 =	vld [tilespmem:s0+$0x40]  }
0x5da: {  	v17 =	vld [tilespmem:s0+$0x50]  }
0x5db: {  	v3 =	vmax.f32 v3, v18;
	v18 =	vld [tilespmem:s0+$0x60]  }
0x5dc: {  	s23 =	simm.s32 $0x0;
	s24 =	simm.s32 $0x40;
	v3 =	vmax.f32 v3, v19;
	s22 =	simm.s32 $0x18180;
	v19 =	vld [tilespmem:s0+$0x70]  }
.LBB2_154:
0x5dd: {  	v20 =	vld [tilespmem:s22+$0xFFFFFF80];
	p1 =	sne.s32 s24, $0x1C0  }
0x5de: {  	v21 =	vld [tilespmem:s22+$0xFFFFFF90]  }
0x5df: {  	v9 =	vmax.f32 v9, v11;
	v11 =	vmax.f32 v4, v5;
	v22 =	vmax.f32 v6, v7;
	v4 =	vld [tilespmem:s22+$0xFFFFFFA0]  }
0x5e0: {  	v8 =	vmax.f32 v8, v10;
	v10 =	vmax.f32 v12, v13;
	v12 =	vmax.f32 v14, v16;
	v5 =	vld [tilespmem:s22+$0xFFFFFFB0]  }
0x5e1: {  	v16 =	vmax.f32 v9, v11;
	v13 =	vmax.f32 v15, v17;
	v6 =	vld [tilespmem:s22+$0xFFFFFFC0];
	v14 =	vmax.f32 v18, v19  }
0x5e2: {  	v10 =	vmax.f32 v10, v12;
	v15 =	vmax.f32 v22, v8;
	v7 =	vld [tilespmem:s22+$0xFFFFFFD0];
	v12 =	vmax.f32 v13, v14;
	v9 =	vmovc v20  }
0x5e3: {  	v13 =	vmax.f32 v16, v15;
	v8 =	vld [tilespmem:s22+$0xFFFFFFE0];
	v12 =	vmax.f32 v10, v12;
	v11 =	vmov v21  }
0x5e4: {  	s0 =	sshra.s32 s23, $0x2;
	s23 =	smov.u32 s24;
	v10 =	vld [tilespmem:s22+$0xFFFFFFF0];
	v13 =	vmax.f32 v13, v12  }
0x5e5: {  	v12 =	vld [tilespmem:s22+$0x0];
	[tilespmem:s0+$0x18800] =	vst v13  }
0x5e6: {  	v13 =	vld [tilespmem:s22+$0x10]  }
0x5e7: {  	v14 =	vld [tilespmem:s22+$0x20]  }
.Ltmp118:
0x5e8: {  	v16 =	vld [tilespmem:s22+$0x30];
	(pc) =	sbr.rel @p1 .LBB2_154-.Ltmp118, $4  }
0x5e9: {  	v15 =	vld [tilespmem:s22+$0x40]  }
0x5ea: {  	v17 =	vld [tilespmem:s22+$0x50]  }
0x5eb: {  	v18 =	vld [tilespmem:s22+$0x60]  }
0x5ec: {  	s24 =	sadd.s32 $0x40, s24;
	v19 =	vld [tilespmem:s22+$0x70];
	s22 =	sadd.s32 $0x100, s22  }
0x5ed: {  	(xrf0) =	vmax.scan.msk.f32 $0xffff, v3;
	_ =	sdelay $0x5  }
0x5ee: {  	v3, _, _ =	vpop (xrf0)  }
0x5ef: {  	v20 =	vmul.f32 $1.442695020e+00, v3;
	_ =	sdelay $0x1  }
0x5f0: {  	v20 =	vbroadcast v20, $0xF;
	_ =	sdelay $0x1  }
0x5f1: {  	(erf) = vpow2.f32 v20;
	_ =	sdelay $0x8  }
0x5f2: {  	v20 =	vpop (erf)  }
0x5f3: {  	v21 =	vadd.f32 $-1.000000000e+00, v20;
	_ =	sdelay $0x1  }
0x5f4: {  	(erf) = vrcp.f32 v21;
	_ =	sdelay $0x7  }
0x5f5: {  	(v2sf) =	vpush v3, $0xF  }
0x5f6: {  	(v2sf) =	vpush v20, $0x0;
	v3 =	vpop (erf)  }
0x5f7: {  	(v2sf) =	vpush v3, $0x0;
	_ =	sdelay $0x8  }
0x5f8: {  	v4 =	vmax.f32 v4, v5;
	v54 =	vmax.f32 v6, v7;
	v55 =	vmax.f32 v8, v10  }
0x5f9: {  	v56 =	vmax.f32 v12, v13;
	v57 =	vmax.f32 v14, v16;
	v60 =	vmax.f32 v54, v55  }
0x5fa: {  	v58 =	vmax.f32 v15, v17;
	v59 =	vmax.f32 v18, v19;
	v3 =	vmax.f32 v9, v11  }
0x5fb: {  	p1 =	seq.s32 @!p0 s21, $0x0;
	v61 =	vmax.f32 v56, v57;
	v62 =	vmax.f32 v58, v59;
	v3 =	vmax.f32 v3, v4  }
0x5fc: {  	p0 =	por p0, p1;
	v63 =	vmax.f32 v61, v62;
	s24 =	spop (v2sf);
	v3 =	vmax.f32 v3, v60  }
.Ltmp119:
0x5fd: {  	s0 =	sshra.s32 s23, $0x2;
	s22 =	spop (v2sf);
	v3 =	vmax.f32 v3, v63;
	(pc) =	sbr.rel @p0 .LBB2_159-.Ltmp119, $4  }
0x5fe: {  	[tilespmem:s0+$0x18800] =	vst v3;
	s23 =	spop (v2sf)  }
0x5ff: {  	_ =	swait.ge [sflag:s18], $0x8000  }
0x600: {  	[sflag:s18] =	ssyncset.done $0x0  }
0x601: {  	[sflag:s18] =	ssyncadd.s32 $0xFFFF8000  }
0x602: {  	p0 =	seq.s32 s21, $0x1  }
.Ltmp120:
0x603: {  	_ = 	snop;
	(pc) =	sbr.rel @p0 .LBB2_158-.Ltmp120, $3  }
0x604: {  	_ =	sdelay $0x1  }
0x605: {  	s0 =	simm.s32 $0x18D00  }
0x606: {  	v3 =	vmov s20;
	s20 =	simm.s32 $0x0;
	s21 =	sadd.s32 $0xFFFFFFFF, s21;
	v4 =	vld [tilespmem:s0+$0x0]  }
.LBB2_157:
0x607: {  	p0 =	seq.s32 s21, $0x1;
	v5 =	vor.u32 s20, v1  }
0x608: {  	vm0 =	vlt.s32 v5, v3;
	_ =	sdelay $0x2  }
.Ltmp121:
0x609: {  	(pc) =	sbr.rel @!p0 .LBB2_157-.Ltmp121, $3  }
0x60a: {  	_ =	sdelay $0x1  }
0x60b: {  	s0 =	sadd.s32 $0x10, s0;
	[tilespmem:v4+s16+$0x0] =	vst.idx.msk vm0, v0  }
0x60c: {  	s21 =	sadd.s32 $0xFFFFFFFF, s21;
	s20 =	sadd.s32 $0x10, s20;
	v4 =	vld [tilespmem:s0+$0x0]  }
.LBB2_158:
0x60d: {  	_ = 	snop  }
0x60e: {  	v5 =	vor.u32 s20, v1  }
0x60f: {  	vm0 =	vlt.s32 v5, v3;
	_ =	sdelay $0x5  }
0x610: {  	[tilespmem:v4+s16+$0x0] =	vst.idx.msk vm0, v0  }
.LBB2_163:
0x611: {  	s0 =	sand.u32 $0x7FFFFFFF, s24  }
0x612: {  	s0 =	sadd.f32 $1.000000000e+00, s0;
	_ =	sdelay $0x1  }
0x613: {  	s2 =	ssub.f32 s24, s23;
	s0 =	smul.f32 $-9.999999970e-07, s0  }
.Ltmp122:
0x614: {  	_ = 	snop;
	(pc) =	sbr.rel .LBB2_164-.Ltmp122, $4  }
0x615: {  	p0 =	sgt.f32 s22, $1.000000000e+00;
	s0 =	sadd.f32 s0, s2  }
0x616: {  	_ = 	snop  }
0x617: {  	s21 =	sadd.f32 $-1.000000000e+00, s22;
	s23 =	simm.s32 $0x8000;
	s0 =	simm.s32 @!p0 $0xFF61B1E6  }
0x618: {  	s24 =	simm.s32 $0x0;
	s20 =	simm.s32 $0x0;
	s25 =	simm.s32 $0x0;
	v3 =	vmov s0  }
.LBB2_170:
0x619: {  	s25 =	sadd.s32 $0x1, s25  }
0x61a: {  	p0 =	sne.s32 s25, $0x8  }
.Ltmp123:
0x61b: {  	_ = 	snop;
	(pc) =	sbr.rel @!p0 .LBB2_171-.Ltmp123, $2  }
0x61c: {  	_ =	sdelay $0x2  }
0x61d: {  	s23 =	sadd.s32 $0x1000, s23;
	s24 =	sadd.s32 $0x1000, s24  }
.LBB2_164:
0x61e: {  	s26 =	sshll.u32 s25, $0x4  }
0x61f: {  	v4 =	vld [tilespmem:s26+$0x18800];
	_ =	sdelay $0x4  }
0x620: {  	vm0 =	vgt.f32 v4, v3  }
0x621: {  	v4 =	vsel vm0, $0x3F800000, v0  }
0x622: {  	(xrf0) =	vmax.scan.msk.f32 $0xffff, v4;
	_ =	sdelay $0x5  }
0x623: {  	v4, _, _ =	vpop (xrf0)  }
0x624: {  	(v2sf) =	vpush v4, $0xF;
	_ =	sdelay $0xe  }
0x625: {  	s0 =	spop (v2sf)  }
0x626: {  	p0 =	sgt.f32 s0, $0.0e+00  }
.Ltmp124:
0x627: {  	_ = 	snop;
	(pc) =	sbr.rel @!p0 .LBB2_170-.Ltmp124, $4  }
.Ltmp125:
0x628: {  	_ = 	snop;
	(pc) =	sbr.rel @p0 .LBB2_165-.Ltmp125, $4  }
0x629: {  	_ = 	snop  }
0x62a: {  	_ = 	snop  }
0x62b: {  	s28 =	smov.u32 s24;
	s29 =	smov.u32 s23;
	s30 =	simm.s32 $0x0  }
0x62c: {  	_ = 	snop  }
.LBB2_168:
0x62d: {  	vm0 =	vgt.f32 v4, v3  }
0x62e: {  	v5 =	vmpcnt.ones.xlane vm0;
	_ =	sdelay $0x1  }
0x62f: {  	(v2sf) =	vpush v5, $0x0  }
0x630: {  	s0 =	sadd.s32 s20, s2  }
0x631: {  	p0 =	sgt.s32 s0, $0x400  }
0x632: {  	v5 =	vmul.f32 @!p0 $1.442695020e+00, v4;
	_ =	sdelay $0x1  }
0x633: {  	(erf) = vpow2.f32 @!p0 v5;
	_ =	sdelay $0x8  }
0x634: {  	s2 =	sadd.s32 $0x10, s31;
	vm0 =	vgt.f32 @!p0 v4, v3;
	v5 =	vlaneseq.u32 @!p0;
	v4 =	vpop @!p0 (erf)  }
0x635: {  	v5 =	vor.u32 @!p0 s2, v5;
	[tilespmem:s0+$0x18880] =	vst.msk @!p0 vm0, v4;
	s31 =	spop (v2sf)  }
0x636: {  	[tilespmem:s0+$0x19180] =	vst.msk @!p0 vm0, v5;
	s20 =	sadd.s32 s0, s31  }
.LBB2_169:
0x637: {  	s30 =	sadd.s32 $0x1, s30  }
0x638: {  	p0 =	sne.s32 s30, $0x10  }
.Ltmp126:
0x639: {  	_ = 	snop;
	(pc) =	sbr.rel @!p0 .LBB2_170-.Ltmp126, $2  }
0x63a: {  	_ =	sdelay $0x2  }
0x63b: {  	s29 =	sadd.s32 $0x100, s29;
	s28 =	sadd.s32 $0x100, s28  }
.LBB2_165:
0x63c: {  	s0 =	sor.u32 s26, s30  }
0x63d: {  	s0 =	sshll.u32 s0, $0x4  }
0x63e: {  	v4 =	vld [tilespmem:s0+$0x18000];
	_ =	sdelay $0x4  }
0x63f: {  	vm0 =	vgt.f32 v4, v3  }
0x640: {  	v4 =	vsel vm0, $0x3F800000, v0  }
0x641: {  	(xrf0) =	vmax.scan.msk.f32 $0xffff, v4;
	_ =	sdelay $0x5  }
0x642: {  	v4, _, _ =	vpop (xrf0)  }
0x643: {  	(v2sf) =	vpush v4, $0xF;
	_ =	sdelay $0xe  }
0x644: {  	s31 =	spop (v2sf)  }
0x645: {  	p0 =	sgt.f32 s31, $0.0e+00  }
.Ltmp127:
0x646: {  	_ = 	snop;
	(pc) =	sbr.rel @!p0 .LBB2_169-.Ltmp127, $1  }
0x647: {  	_ =	sdelay $0x3  }
0x648: {  	s0 =	sadd.s32 $0x0, s29  }
0x649: {  	v4 =	vld [tilespmem:s0+$0x0];
	_ =	sdelay $0x4  }
0x64a: {  	vm0 =	vgt.f32 v4, v3  }
0x64b: {  	v5 =	vmpcnt.ones.xlane vm0  }
0x64c: {  	p0 =	sgt.s32 s20, $0x400  }
0x64d: {  	(v2sf) =	vpush v5, $0x0;
	v5 =	vmul.f32 @!p0 $1.442695020e+00, v4;
	_ =	sdelay $0x1  }
0x64e: {  	(erf) = vpow2.f32 @!p0 v5;
	_ =	sdelay $0x8  }
0x64f: {  	vm0 =	vgt.f32 @!p0 v4, v3;
	v5 =	vlaneseq.u32 @!p0;
	v4 =	vpop @!p0 (erf)  }
0x650: {  	v5 =	vor.u32 @!p0 s28, v5;
	[tilespmem:s20+$0x18880] =	vst.msk @!p0 vm0, v4  }
0x651: {  	s2 =	sadd.s32 $0x10, s29;
	[tilespmem:s20+$0x19180] =	vst.msk @!p0 vm0, v5  }
0x652: {  	v4 =	vld [tilespmem:s2+$0x0];
	_ =	sdelay $0x1  }
0x653: {  	s31 =	smov.u32 s28;
	s0 =	simm.s32 $0x80;
	s2 =	spop (v2sf)  }
.LBB2_167:
0x654: {  	s20 =	sadd.s32 s20, s2  }
0x655: {  	s31 =	sadd.s32 $0x10, s31;
	s2 =	smov.u32 s0;
	s0 =	sadd.s32 $0x40, s0  }
0x656: {  	vm0 =	vgt.f32 v4, v3;
	p0 =	sne.s32 s0, $0x400;
	p1 =	sgt.s32 s20, $0x400  }
0x657: {  	v7 =	vmpcnt.ones.xlane vm0;
	v5 =	vmul.f32 @!p1 $1.442695020e+00, v4;
	v6 =	vlaneseq.u32 @!p1  }
0x658: {  	v6 =	vor.u32 @!p1 s31, v6  }
0x659: {  	(erf) = vpow2.f32 @!p1 v5;
	(v2sf) =	vpush v7, $0x0;
	_ =	sdelay $0x8  }
0x65a: {  	vm0 =	vgt.f32 @!p1 v4, v3;
	v4 =	vpop @!p1 (erf)  }
0x65b: {  	s2 =	sshra.s32 s2, $0x2;
	[tilespmem:s20+$0x18880] =	vst.msk @!p1 vm0, v4  }
.Ltmp128:
0x65c: {  	s2 =	sadd.s32 s2, s29;
	[tilespmem:s20+$0x19180] =	vst.msk @!p1 vm0, v6;
	(pc) =	sbr.rel @p0 .LBB2_167-.Ltmp128, $2  }
0x65d: {  	v4 =	vld [tilespmem:s2+$0x0];
	_ =	sdelay $0x2  }
0x65e: {  	s2 =	spop (v2sf)  }
.Ltmp129:
0x65f: {  	_ = 	snop;
	(pc) =	sbr.rel .LBB2_168-.Ltmp129, $1  }
0x660: {  	_ =	sdelay $0x3  }
.LBB2_171:
0x661: {  	p0 =	sgt.s32 s20, $0x400  }
.Ltmp130:
0x662: {  	_ = 	snop;
	(pc) =	sbr.rel @p0 .LBB2_189-.Ltmp130, $3  }
0x663: {  	_ =	sdelay $0x1  }
0x664: {  	s0 =	sadd.s32 $0xF, s20  }
0x665: {  	s23 =	sshrl.u32 s0, $0x4  }
0x666: {  	p1 =	sgt.s32 s20, $0x10  }
.Ltmp131:
0x667: {  	_ = 	snop;
	(pc) =	sbr.rel @p1 .LBB2_180-.Ltmp131, $3  }
0x668: {  	_ =	sdelay $0x1  }
0x669: {  	v3 =	vmov s21  }
0x66a: {  	s23 =	sshrl.u32 s0, $0x4;
	s24 =	simm.s32 $0x0;
	[tilespmem:s20+$0x18880] =	vst v3  }
0x66b: {  	v3 =	vld [tilespmem:$0x18880];
	_ =	sdelay $0x2  }
0x66c: {  	v4 =	vmov s20  }
0x66d: {  	vm0 =	vgt.s32 v4, v1  }
0x66e: {  	v3 =	vnsel vm0, $0xFF61B1E6, v3  }
0x66f: {  	(xrf1) =	vsort.dscd.msk.f32 $0xffff, v3, v3;
	_ =	sdelay $0xd  }
0x670: {  	v3, _, _ =	vpop (xrf1)  }
0x671: {  	(xrf2) =	vadd.scan.msk.f32 $0xffff, v3;
	_ =	sdelay $0x6  }
0x672: {  	v4 =	vmul.f32 v2, v3;
	_ =	sdelay $0x1  }
0x673: {  	v4 =	vadd.f32 $1.000000000e+00, v4  }
0x674: {  	v5, _, _ =	vpop (xrf2)  }
0x675: {  	vm15 =	vgt.f32 v4, v5  }
0x676: {  	v3 =	vnsel vm15, $0x0, v3  }
0x677: {  	(xrf2) =	vadd.scan.msk.f32 $0xffff, v3  }
0x678: {  	v3 =	vmpcnt.ones.xlane vm15;
	_ =	sdelay $0x1  }
0x679: {  	v3 =	vcvt.s32.f32 v3;
	_ =	sdelay $0x1  }
0x67a: {  	(erf) = vrcp.f32 v3;
	_ =	sdelay $0x4  }
0x67b: {  	v3, _, _ =	vpop (xrf2)  }
.Ltmp132:
0x67c: {  	v3 =	vadd.f32 $-1.000000000e+00, v3;
	(pc) =	sbr.rel .LBB2_174-.Ltmp132, $4  }
0x67d: {  	_ = 	snop  }
0x67e: {  	v3 =	vbroadcast v3, $0xF  }
0x67f: {  	v4 =	vpop (erf)  }
0x680: {  	v3 =	vmul.f32 v3, v4  }
.LBB2_181:
0x681: {  	v3 =	vimm.f32 $0.0e+00  }
.LBB2_185:
0x682: {  	(xrf2) =	vadd.scan.msk.f32 $0xffff, v3;
	_ =	sdelay $0x9  }
0x683: {  	v3, _, _ =	vpop (xrf2)  }
0x684: {  	(v2sf) =	vpush v3, $0xF;
	_ =	sdelay $0xe  }
0x685: {  	s2 =	spop (v2sf)  }
0x686: {  	s2 =	sadd.f32 $-1.000000000e+00, s2;
	_ =	sdelay $0x1  }
0x687: {  	p2 =	sge.f32 s2, $0.0e+00  }
0x688: {  	s24 =	sadd.s32 $0x1, s24  }
0x689: {  	s21 =	smov.u32 @p2 s0;
	s0 =	smov.u32 @p2 s22;
	p2 =	seq.s32 s24, $0x1E  }
.Ltmp133:
0x68a: {  	_ = 	snop;
	(pc) =	sbr.rel @p2 .LBB2_178-.Ltmp133, $2  }
0x68b: {  	_ =	sdelay $0x2  }
0x68c: {  	s22 =	smov.u32 s0  }
.LBB2_180:
0x68d: {  	p1 =	seq.s32 s23, $0x0  }
.Ltmp134:
0x68e: {  	_ = 	snop;
	(pc) =	sbr.rel @p1 .LBB2_181-.Ltmp134, $3  }
0x68f: {  	_ = 	snop  }
0x690: {  	s0 =	sadd.f32 s22, s21;
	_ =	sdelay $0x1  }
0x691: {  	s0 =	smul.f32 $5.000000000e-01, s0  }
0x692: {  	s2 =	simm.s32 $0x18880  }
0x693: {  	p2 =	sne.s32 s23, $0x1;
	v5 =	vld [tilespmem:s2+$0x0]  }
.Ltmp135:
0x694: {  	_ = 	snop;
	(pc) =	sbr.rel @!p2 .LBB2_184-.Ltmp135, $3  }
0x695: {  	_ =	sdelay $0x1  }
0x696: {  	v4 =	vmov s0  }
0x697: {  	v3 =	vimm.f32 $0.0e+00;
	s25 =	sadd.s32 $0xFFFFFFFF, s23;
	s26 =	simm.s32 $0x18890;
	v5 =	vsub.f32 v5, v4  }
.LBB2_183:
0x698: {  	v6 =	vld [tilespmem:s26+$0x0];
	p2 =	sne.s32 s25, $0x1;
	s25 =	sadd.s32 $0xFFFFFFFF, s25  }
.Ltmp136:
0x699: {  	v5 =	vmax.f32 v5, $0.0e+00;
	(pc) =	sbr.rel @p2 .LBB2_183-.Ltmp136, $2  }
0x69a: {  	v3 =	vadd.f32 v5, v3;
	_ =	sdelay $0x2  }
0x69b: {  	s26 =	sadd.s32 $0x10, s26;
	v5 =	vsub.f32 v6, v4  }
.LBB2_184:
.Ltmp137:
0x69c: {  	(pc) =	sbr.rel .LBB2_185-.Ltmp137, $3  }
0x69d: {  	_ = 	snop  }
0x69e: {  	v4 =	vmax.f32 v5, $0.0e+00  }
0x69f: {  	v3 =	vadd.f32 v4, v3;
	_ =	sdelay $0x1  }
.LBB2_189:
0x6a0: {  	s24 =	simm.s32 $0x8020  }
0x6a1: {  	v3 =	vld [tilespmem:s24+$0x0]  }
0x6a2: {  	v4 =	vld [tilespmem:s24+$0xFFFFFFE0];
	_ =	sdelay $0x2  }
0x6a3: {  	v5 =	vld [tilespmem:s24+$0xFFFFFFF0]  }
0x6a4: {  	s25 =	simm.s32 $0x8060;
	v6 =	vld [tilespmem:s24+$0x10];
	v3 =	vmul.f32 $1.442695020e+00, v3  }
0x6a5: {  	v7 =	vld [tilespmem:s25+$0x0];
	v4 =	vmul.f32 $1.442695020e+00, v4  }
0x6a6: {  	(erf) = vpow2.f32 v3;
	v3 =	vld [tilespmem:s25+$0xFFFFFFE0]  }
0x6a7: {  	(erf) = vpow2.f32 v4;
	v4 =	vld [tilespmem:s25+$0xFFFFFFF0]  }
0x6a8: {  	v8 =	vld [tilespmem:s25+$0x10];
	v5 =	vmul.f32 $1.442695020e+00, v5  }
0x6a9: {  	v6 =	vmul.f32 $1.442695020e+00, v6  }
0x6aa: {  	(erf) = vpow2.f32 v5;
	v5 =	vmul.f32 $1.442695020e+00, v7  }
0x6ab: {  	s26 =	simm.s32 $0x80A0;
	(erf) = vpow2.f32 v6;
	v6 =	vmul.f32 $1.442695020e+00, v3  }
0x6ac: {  	v7 =	vld [tilespmem:s26+$0x0];
	(erf) = vpow2.f32 v5;
	v9 =	vmul.f32 $1.442695020e+00, v4  }
0x6ad: {  	v8 =	vmul.f32 $1.442695020e+00, v8;
	(erf) = vpow2.f32 v6  }
0x6ae: {  	v3 =	vld [tilespmem:s26+$0xFFFFFFE0];
	(erf) = vpow2.f32 v9  }
0x6af: {  	v4 =	vld [tilespmem:s26+$0xFFFFFFF0];
	v63 =	vpop (erf);
	(erf) = vpow2.f32 v8  }
0x6b0: {  	v5 =	vld [tilespmem:s26+$0x10]  }
0x6b1: {  	s0 =	simm.s32 $0x8;
	s28 =	simm.s32 $0x80E0;
	v6 =	vmul.f32 $1.442695020e+00, v7;
	[tilespmem:s24+$0x0] =	vst v63;
	v7 =	vpop (erf)  }
.LBB2_190:
0x6b2: {  	s0 =	sadd.s32 $0x4, s0  }
0x6b3: {  	v8 =	vld [tilespmem:s28+$0x0];
	v9 =	vmul.f32 $1.442695020e+00, v3;
	[tilespmem:s24+$0xFFFFFFE0] =	vst v7;
	v7 =	vpop (erf);
	p1 =	slt.u32 s0, $0x7FC  }
.Ltmp138:
0x6b4: {  	v3 =	vld [tilespmem:s28+$0xFFFFFFE0];
	v10 =	vmul.f32 $1.442695020e+00, v4;
	(erf) = vpow2.f32 v6;
	[tilespmem:s24+$0xFFFFFFF0] =	vst v7;
	v6 =	vpop (erf);
	(pc) =	sbr.rel @p1 .LBB2_190-.Ltmp138, $4  }
0x6b5: {  	v4 =	vld [tilespmem:s28+$0xFFFFFFF0];
	v11 =	vmul.f32 $1.442695020e+00, v5;
	(erf) = vpow2.f32 v9;
	[tilespmem:s24+$0x10] =	vst v6;
	s24 =	smov.u32 s25;
	s25 =	smov.u32 s26;
	s26 =	smov.u32 s28  }
0x6b6: {  	v5 =	vld [tilespmem:s28+$0x10];
	(erf) = vpow2.f32 v10  }
0x6b7: {  	(erf) = vpow2.f32 v11;
	v7 =	vpop (erf)  }
0x6b8: {  	s28 =	sadd.s32 $0x40, s28;
	v6 =	vmul.f32 $1.442695020e+00, v8;
	[tilespmem:s24+$0x0] =	vst v7;
	v7 =	vpop (erf)  }
0x6b9: {  	v3 =	vmul.f32 $1.442695020e+00, v3  }
0x6ba: {  	v4 =	vmul.f32 $1.442695020e+00, v4;
	(erf) = vpow2.f32 v6  }
0x6bb: {  	v5 =	vmul.f32 $1.442695020e+00, v5;
	(erf) = vpow2.f32 v3  }
0x6bc: {  	(erf) = vpow2.f32 v4  }
0x6bd: {  	[tilespmem:s24+$0xFFFFFFE0] =	vst v7;
	v3 =	vpop (erf);
	(erf) = vpow2.f32 v5  }
0x6be: {  	v63 =	vpop (erf);
	[tilespmem:s24+$0xFFFFFFF0] =	vst v3  }
0x6bf: {  	[tilespmem:s24+$0x10] =	vst v63;
	v3 =	vpop (erf)  }
0x6c0: {  	[tilespmem:s25+$0x0] =	vst v3;
	v3 =	vpop (erf)  }
0x6c1: {  	[tilespmem:s25+$0xFFFFFFE0] =	vst v3;
	v3 =	vpop (erf)  }
0x6c2: {  	[tilespmem:s25+$0xFFFFFFF0] =	vst v3;
	v3 =	vpop (erf)  }
0x6c3: {  	[tilespmem:s25+$0x10] =	vst v3;
	v3 =	vpop (erf)  }
0x6c4: {  	[tilespmem:s26+$0x0] =	vst v3;
	v3 =	vpop (erf)  }
0x6c5: {  	[tilespmem:s26+$0xFFFFFFE0] =	vst v3;
	v3 =	vpop (erf)  }
0x6c6: {  	[tilespmem:s26+$0xFFFFFFF0] =	vst v3;
	v3 =	vpop (erf)  }
0x6c7: {  	s0 =	simm.s32 $0x0;
	[tilespmem:s26+$0x10] =	vst v3  }
.LBB2_192:
0x6c8: {  	s2 =	sadd.f32 s22, s21;
	_ =	sdelay $0x1  }
0x6c9: {  	s24 =	smul.f32 $5.000000000e-01, s2  }
0x6ca: {  	s31 =	simm.s32 $0x0  }
0x6cb: {  	v3 =	vimm.f32 $0.0e+00;
	s25 =	simm.s32 $0x40;
	v5 =	vld [tilespmem:s31+$0x8000];
	v4 =	vmov s24  }
.LBB2_193:
0x6cc: {  	_ =	sdelay $0x1  }
0x6cd: {  	p1 =	sne.s32 s25, $0x1FFC0  }
.Ltmp139:
0x6ce: {  	_ = 	snop;
	(pc) =	sbr.rel @p1 .LBB2_193-.Ltmp139, $3  }
0x6cf: {  	v6 =	vsub.f32 v5, v4;
	_ =	sdelay $0x1  }
0x6d0: {  	s2 =	sshra.s32 s25, $0x2;
	v6 =	vmax.f32 v6, $0.0e+00  }
0x6d1: {  	s25 =	sadd.s32 $0x40, s25;
	v5 =	vld [tilespmem:s2+$0x8000];
	v3 =	vadd.f32 v6, v3  }
0x6d2: {  	_ =	sdelay $0x3  }
0x6d3: {  	v4 =	vsub.f32 v5, v4;
	_ =	sdelay $0x1  }
0x6d4: {  	v4 =	vmax.f32 v4, $0.0e+00  }
0x6d5: {  	v3 =	vadd.f32 v4, v3;
	_ =	sdelay $0x1  }
0x6d6: {  	(xrf2) =	vadd.scan.msk.f32 $0xffff, v3;
	_ =	sdelay $0x9  }
0x6d7: {  	v3, _, _ =	vpop (xrf2)  }
0x6d8: {  	(v2sf) =	vpush v3, $0xF;
	_ =	sdelay $0xe  }
0x6d9: {  	s2 =	spop (v2sf)  }
0x6da: {  	s2 =	sadd.f32 $-1.000000000e+00, s2;
	_ =	sdelay $0x1  }
0x6db: {  	p1 =	sge.f32 s2, $0.0e+00  }
0x6dc: {  	s0 =	sadd.s32 $0x1, s0  }
0x6dd: {  	s21 =	smov.u32 @p1 s24;
	s24 =	smov.u32 @p1 s22;
	p1 =	seq.s32 s0, $0x1E  }
.Ltmp140:
0x6de: {  	_ = 	snop;
	(pc) =	sbr.rel @!p1 .LBB2_192-.Ltmp140, $2  }
0x6df: {  	_ =	sdelay $0x2  }
0x6e0: {  	s22 =	smov.u32 s24  }
0x6e1: {  	s2 =	simm.s32 $0x0  }
0x6e2: {  	v6 =	vld [tilespmem:s2+$0x8000]  }
0x6e3: {  	v4 =	vmov s21;
	v3 =	vimm.f32 $0.0e+00;
	s0 =	simm.s32 $0x40;
	v5 =	vimm.f32 $0.0e+00  }
.LBB2_196:
0x6e4: {  	p1 =	sne.s32 s0, $0x1FFC0  }
.Ltmp141:
0x6e5: {  	_ = 	snop;
	(pc) =	sbr.rel @p1 .LBB2_196-.Ltmp141, $4  }
0x6e6: {  	_ = 	snop  }
0x6e7: {  	s2 =	sshra.s32 s0, $0x2;
	s0 =	sadd.s32 $0x40, s0;
	vm0 =	vgt.f32 v6, v4  }
0x6e8: {  	v7 =	vnsel vm0, $0x0, v6;
	v6 =	vld [tilespmem:s2+$0x8000];
	v8 =	vsel vm0, $0x3F800000, v0  }
0x6e9: {  	v3 =	vadd.f32 v7, v3;
	v5 =	vadd.f32 v8, v5  }
0x6ea: {  	_ = 	snop  }
.Ltmp142:
0x6eb: {  	_ = 	snop;
	(pc) =	sbr.rel .LBB2_198-.Ltmp142, $4  }
0x6ec: {  	_ = 	snop  }
0x6ed: {  	vm0 =	vgt.f32 v6, v4  }
0x6ee: {  	v4 =	vnsel vm0, $0x0, v6;
	v6 =	vsel vm0, $0x3F800000, v0  }
0x6ef: {  	v3 =	vadd.f32 v4, v3;
	v4 =	vadd.f32 v6, v5  }
.LBB2_159:
0x6f0: {  	p0 =	slt.s32 s20, $0x401  }
.Ltmp143:
0x6f1: {  	_ = 	snop;
	(pc) =	sbr.rel @p0 .LBB2_163-.Ltmp143, $1  }
0x6f2: {  	_ =	sdelay $0x3  }
0x6f3: {  	s0 =	simm.s32 $0x10040  }
0x6f4: {  	[tilespmem:s0+$0xFFFFFFC0] =	vst v0  }
0x6f5: {  	[tilespmem:s0+$0x30] =	vst v0  }
0x6f6: {  	[tilespmem:s0+$0x20] =	vst v0  }
0x6f7: {  	[tilespmem:s0+$0x10] =	vst v0  }
0x6f8: {  	[tilespmem:s0+$0x0] =	vst v0  }
0x6f9: {  	[tilespmem:s0+$0xFFFFFFF0] =	vst v0  }
0x6fa: {  	s20 =	simm.s32 $0x0;
	[tilespmem:s0+$0xFFFFFFE0] =	vst v0  }
.LBB2_161:
0x6fb: {  	s20 =	sadd.s32 $0x8, s20;
	[tilespmem:s0+$0xFFFFFFD0] =	vst v0;
	s0 =	sadd.s32 $0x80, s0  }
0x6fc: {  	[tilespmem:s0+$0xFFFFFFC0] =	vst v0;
	p0 =	slt.u32 s20, $0x7F8  }
0x6fd: {  	[tilespmem:s0+$0x30] =	vst v0  }
.Ltmp144:
0x6fe: {  	[tilespmem:s0+$0x20] =	vst v0;
	(pc) =	sbr.rel @p0 .LBB2_161-.Ltmp144, $4  }
0x6ff: {  	[tilespmem:s0+$0x10] =	vst v0  }
0x700: {  	[tilespmem:s0+$0x0] =	vst v0  }
0x701: {  	[tilespmem:s0+$0xFFFFFFF0] =	vst v0  }
0x702: {  	[tilespmem:s0+$0xFFFFFFE0] =	vst v0  }
.Ltmp145:
0x703: {  	(pc) =	sbr.rel .LBB2_163-.Ltmp145, $2  }
0x704: {  	_ =	sdelay $0x2  }
0x705: {  	[tilespmem:s0+$0xFFFFFFD0] =	vst v0  }
.LBB2_178:
.Ltmp146:
0x706: {  	(pc) =	sbr.rel @p1 .LBB2_179-.Ltmp146, $1  }
0x707: {  	_ =	sdelay $0x3  }
0x708: {  	s0 =	simm.s32 $0x18880  }
0x709: {  	p1 =	seq.s32 s23, $0x1;
	v5 =	vld [tilespmem:s0+$0x0]  }
.Ltmp147:
0x70a: {  	_ = 	snop;
	(pc) =	sbr.rel @p1 .LBB2_188-.Ltmp147, $3  }
0x70b: {  	_ =	sdelay $0x1  }
0x70c: {  	v4 =	vmov s21  }
0x70d: {  	v3 =	vimm.f32 $0.0e+00;
	s21 =	simm.s32 $0x18890;
	v6 =	vimm.f32 $0.0e+00;
	s0 =	sadd.s32 $0xFFFFFFFF, s23;
	vm0 =	vgt.f32 v5, v4  }
.LBB2_187:
0x70e: {  	p1 =	seq.s32 s0, $0x1;
	s0 =	sadd.s32 $0xFFFFFFFF, s0;
	v7 =	vnsel vm0, $0x0, v5;
	v5 =	vld [tilespmem:s21+$0x0];
	v8 =	vsel vm0, $0x3F800000, v0  }
.Ltmp148:
0x70f: {  	v3 =	vadd.f32 v7, v3;
	v6 =	vadd.f32 v8, v6;
	(pc) =	sbr.rel @!p1 .LBB2_187-.Ltmp148, $2  }
0x710: {  	_ =	sdelay $0x2  }
0x711: {  	s21 =	sadd.s32 $0x10, s21;
	vm0 =	vgt.f32 v5, v4  }
.LBB2_188:
.Ltmp149:
0x712: {  	(pc) =	sbr.rel .LBB2_198-.Ltmp149, $3  }
0x713: {  	_ =	sdelay $0x1  }
0x714: {  	v4 =	vnsel vm0, $0x0, v5;
	v5 =	vsel vm0, $0x3F800000, v0  }
0x715: {  	v3 =	vadd.f32 v4, v3;
	v4 =	vadd.f32 v5, v6  }
.LBB2_179:
0x716: {  	v3 =	vimm.f32 $0.0e+00;
	v4 =	vimm.f32 $0.0e+00  }
.LBB2_198:
0x717: {  	_ = 	snop  }
0x718: {  	(xrf2) =	vadd.scan.msk.f32 $0xffff, v3  }
0x719: {  	(xrf2) =	vadd.scan.msk.f32 $0xffff, v4;
	_ =	sdelay $0x8  }
0x71a: {  	v3, _, _ =	vpop (xrf2)  }
0x71b: {  	v4, _, _ =	vpop (xrf2)  }
0x71c: {  	v4 =	vbroadcast v4, $0xF;
	_ =	sdelay $0x1  }
0x71d: {  	(erf) = vrcp.f32 v4;
	_ =	sdelay $0x5  }
0x71e: {  	v3 =	vadd.f32 $-1.000000000e+00, v3  }
.Ltmp150:
0x71f: {  	_ = 	snop;
	(pc) =	sbr.rel @p0 .LBB2_199-.Ltmp150, $3  }
0x720: {  	v3 =	vbroadcast v3, $0xF  }
0x721: {  	v4 =	vpop (erf)  }
0x722: {  	v3 =	vmul.f32 v4, v3;
	_ =	sdelay $0x1  }
.LBB2_174:
0x723: {  	p0 =	seq.s32 s23, $0x0  }
.Ltmp151:
0x724: {  	_ = 	snop;
	(pc) =	sbr.rel @p0 .LBB2_202-.Ltmp151, $1  }
0x725: {  	_ =	sdelay $0x3  }
0x726: {  	p0 =	seq.s32 s23, $0x1  }
.Ltmp152:
0x727: {  	_ = 	snop;
	(pc) =	sbr.rel @p0 .LBB2_177-.Ltmp152, $4  }
0x728: {  	_ = 	snop  }
0x729: {  	s0 =	simm.s32 $0x19180  }
0x72a: {  	s21 =	simm.s32 $0x18880;
	v4 =	vld [tilespmem:s0+$0x0]  }
0x72b: {  	v5 =	vmov s20;
	s20 =	simm.s32 $0x0;
	s22 =	sadd.s32 $0xFFFFFFFF, s23;
	v6 =	vld [tilespmem:s21+$0x0]  }
.LBB2_176:
0x72c: {  	p0 =	seq.s32 s22, $0x1;
	v7 =	vor.u32 s20, v1  }
0x72d: {  	vm0 =	vlt.s32 v7, v5;
	_ =	sdelay $0x2  }
0x72e: {  	v6 =	vsub.f32 v6, v3  }
.Ltmp153:
0x72f: {  	(pc) =	sbr.rel @!p0 .LBB2_176-.Ltmp153, $4  }
0x730: {  	v6 =	vmax.f32 v6, $0.0e+00  }
0x731: {  	s0 =	sadd.s32 $0x10, s0;
	[tilespmem:v4+s16+$0x0] =	vst.idx.msk vm0, v6  }
0x732: {  	s21 =	sadd.s32 $0x10, s21;
	v4 =	vld [tilespmem:s0+$0x0]  }
0x733: {  	s22 =	sadd.s32 $0xFFFFFFFF, s22;
	s20 =	sadd.s32 $0x10, s20;
	v6 =	vld [tilespmem:s21+$0x0]  }
.Ltmp154:
0x734: {  	_ = 	snop;
	(pc) =	sbr.rel .LBB2_177-.Ltmp154, $1  }
0x735: {  	_ =	sdelay $0x3  }
.LBB2_199:
0x736: {  	s0 =	simm.s32 $0x8040  }
0x737: {  	v5 =	vld [tilespmem:s0+$0x30]  }
0x738: {  	v7 =	vld [tilespmem:s0+$0xFFFFFFD0]  }
0x739: {  	v9 =	vld [tilespmem:s0+$0xFFFFFFE0]  }
0x73a: {  	v8 =	vld [tilespmem:s0+$0xFFFFFFF0]  }
0x73b: {  	v6 =	vld [tilespmem:s0+$0x0]  }
0x73c: {  	v4 =	vld [tilespmem:s0+$0x10];
	v11 =	vsub.f32 v5, v3  }
0x73d: {  	v5 =	vld [tilespmem:s0+$0x20];
	v10 =	vsub.f32 v7, v3  }
0x73e: {  	s20 =	simm.s32 $0x10040;
	s21 =	simm.s32 $0x0;
	v7 =	vld [tilespmem:s0+$0xFFFFFFC0];
	v9 =	vsub.f32 v9, v3;
	s0 =	simm.s32 $0x80C0;
	v11 =	vmax.f32 v11, $0.0e+00  }
.LBB2_200:
0x73f: {  	v12 =	vld [tilespmem:s0+$0x30];
	s21 =	sadd.s32 $0x8, s21;
	v10 =	vmax.f32 v10, $0.0e+00;
	v8 =	vsub.f32 v8, v3;
	[tilespmem:s20+$0x30] =	vst v11  }
0x740: {  	v11 =	vld [tilespmem:s0+$0xFFFFFFD0];
	p0 =	slt.u32 s21, $0x7F8;
	[tilespmem:s20+$0xFFFFFFD0] =	vst v10;
	v9 =	vmax.f32 v9, $0.0e+00;
	v6 =	vsub.f32 v6, v3  }
0x741: {  	v13 =	vld [tilespmem:s0+$0xFFFFFFE0];
	[tilespmem:s20+$0xFFFFFFE0] =	vst v9;
	v9 =	vmax.f32 v8, $0.0e+00;
	v4 =	vsub.f32 v4, v3  }
.Ltmp155:
0x742: {  	v8 =	vld [tilespmem:s0+$0xFFFFFFF0];
	[tilespmem:s20+$0xFFFFFFF0] =	vst v9;
	v9 =	vmax.f32 v6, $0.0e+00;
	v5 =	vsub.f32 v5, v3;
	(pc) =	sbr.rel @p0 .LBB2_200-.Ltmp155, $4  }
0x743: {  	v6 =	vld [tilespmem:s0+$0x0];
	v7 =	vsub.f32 v7, v3;
	[tilespmem:s20+$0x0] =	vst v9;
	v9 =	vmax.f32 v4, $0.0e+00  }
0x744: {  	v4 =	vld [tilespmem:s0+$0x10];
	v12 =	vsub.f32 v12, v3;
	[tilespmem:s20+$0x10] =	vst v9;
	v9 =	vmax.f32 v5, $0.0e+00  }
0x745: {  	v10 =	vsub.f32 v11, v3;
	v5 =	vld [tilespmem:s0+$0x20];
	v14 =	vmax.f32 v7, $0.0e+00;
	[tilespmem:s20+$0x20] =	vst v9  }
0x746: {  	v7 =	vld [tilespmem:s0+$0xFFFFFFC0];
	v9 =	vsub.f32 v13, v3;
	v11 =	vmax.f32 v12, $0.0e+00;
	s0 =	sadd.s32 $0x80, s0;
	[tilespmem:s20+$0xFFFFFFC0] =	vst v14;
	s20 =	sadd.s32 $0x80, s20  }
0x747: {  	v10 =	vmax.f32 v10, $0.0e+00;
	v8 =	vsub.f32 v8, v3;
	[tilespmem:s20+$0x30] =	vst v11  }
0x748: {  	[tilespmem:s20+$0xFFFFFFD0] =	vst v10;
	v9 =	vmax.f32 v9, $0.0e+00;
	v6 =	vsub.f32 v6, v3  }
0x749: {  	[tilespmem:s20+$0xFFFFFFE0] =	vst v9;
	v8 =	vmax.f32 v8, $0.0e+00;
	v4 =	vsub.f32 v4, v3  }
.Ltmp156:
0x74a: {  	[tilespmem:s20+$0xFFFFFFF0] =	vst v8;
	v6 =	vmax.f32 v6, $0.0e+00;
	v5 =	vsub.f32 v5, v3;
	(pc) =	sbr.rel .LBB2_202-.Ltmp156, $4  }
0x74b: {  	v3 =	vsub.f32 v7, v3;
	[tilespmem:s20+$0x0] =	vst v6;
	v4 =	vmax.f32 v4, $0.0e+00  }
0x74c: {  	[tilespmem:s20+$0x10] =	vst v4;
	v63 =	vmax.f32 v5, $0.0e+00  }
0x74d: {  	v3 =	vmax.f32 v3, $0.0e+00;
	[tilespmem:s20+$0x20] =	vst v63  }
0x74e: {  	[tilespmem:s20+$0xFFFFFFC0] =	vst v3  }
.LBB2_203:
0x74f: {  	_ =	sfence.sel $0x180000  }
0x750: {  	[bflag:$0x0] =	sbarrier.arrive $0xFFFF  }
0x751: {  	_ =	strace $0x90000047  }
0x752: {  	s0 =	stileid.u32;
	[bflag:$0x2] =	sbarrier.arrive $0xFFFF  }
0x753: {  	p0 =	sne.s32 s0, $0x0;
	s0 =	rddreg [dreg:$0x2]  }
0x754: {  	s0 =	sadd.s32 @!p0 $0x100000, s0  }
0x755: {  	[sflag:s0] =	ssyncadd.tile.s32 @!p0 $0x1;
	_ =	shalt  }
.Lfunc_end2:
_tile_overlayer_lowered:
.L_overlay_start_2:
0x756: {  	(tag) =	ssettag $0x2  }
0x757: {  	s0 =	rddreg [dreg:$0x0];
	s2 =	stileid.u32  }
0x758: {  	s1 =	rddreg [dreg:$0x1];
	p0 =	sne.s32 s2, $0x0  }
0x759: {  	s3 =	rddreg [dreg:$0x2];
	[bflag:$0x3] =	sbarrier.arrive $0xFFFF;
	s2 =	simm.s32 @!p0 $0x1C04  }
0x75a: {  	[timem:s3], [sflag:s2] =	dma.local @!p0 [hbm:s0], s1  }
0x75b: {  	s0 =	simm.s32 @!p0 $0x4  }
0x75c: {  	_ =	swait.ge @!p0 [sflag:s0], s1  }
0x75d: {  	s1 =	ssub.s32 @!p0 $0x0, s1;
	[sflag:s0] =	ssyncset.done @!p0 $0x0  }
0x75e: {  	[sflag:s0] =	ssyncadd.s32 @!p0 s1  }
0x75f: {  	[bflag:$0x3] =	sbarrier.arrive $0xFFFF  }
0x760: {  	_ =	shalt  }

</sc_bundles>
